<compile_context>
chip_gen: v7x
topology: tpu7x:2x2x1
jax: 0.10.2.dev20260603
libtpu: 0.0.44.dev20260713+nightly
codegen_flags: <defaults>
</compile_context>

<pallas_src>
import functools

import jax
import jax.numpy as jnp
from jax import lax
from jax.experimental import pallas as pl
from jax.experimental.pallas import tpu as pltpu
from jax.experimental.pallas import tpu_sc as plsc

_NC = 2
_NS = 16
_CHUNK = 128
_RB = 400


@functools.lru_cache(maxsize=None)
def _make_spmm(n_pad, n_rows, width, rpt0_frac=0.95):
    blk = 8
    rpt_pair = n_rows // _NS
    rpt0 = int(round(rpt_pair * rpt0_frac / blk)) * blk
    rpt1 = rpt_pair - rpt0
    npt = n_pad // _NS

    mesh = plsc.VectorSubcoreMesh(core_axis_name="c", subcore_axis_name="s")

    @functools.partial(
        pl.kernel,
        out_type=jax.ShapeDtypeStruct((_NC, n_pad, width), jnp.float32),
        mesh=mesh,
        scratch_types=[
            pltpu.VMEM((blk, _CHUNK), jnp.int32),
            pltpu.VMEM((blk, _CHUNK), jnp.int32),
            pltpu.VMEM((_CHUNK, width), jnp.float32),
            pltpu.VMEM((_CHUNK, width), jnp.float32),
            pltpu.VMEM_SHARED((n_pad, width), jnp.float32),
            pltpu.SemaphoreType.DMA,
            pltpu.SemaphoreType.DMA,
        ],
    )
    def spmm(table, src2d, dst2d, out, src_v, dst_v, r0, r1, acc, g0, g1):
        rows = (r0, r1)
        gsem = (g0, g1)
        c = lax.axis_index("c")
        s = lax.axis_index("s")

        def zfill(i, carry):
            for g in range(width // 16):
                r0[i, pl.ds(g * 16, 16)] = jnp.zeros((16,), jnp.float32)
            return carry

        lax.fori_loop(0, _CHUNK, zfill, 0)
        nfull = npt // _CHUNK
        rem = npt % _CHUNK
        for k in range(nfull):
            pltpu.sync_copy(r0, acc.at[pl.ds(s * npt + k * _CHUNK, _CHUNK)])
        if rem:
            pltpu.sync_copy(r0.at[pl.ds(0, rem)],
                            acc.at[pl.ds(s * npt + nfull * _CHUNK, rem)])
        plsc.subcore_barrier()

        def run_share(base, n):
            def block(ib, carry):
                pltpu.sync_copy(src2d.at[pl.ds(base + ib * blk, blk)], src_v)
                pltpu.sync_copy(dst2d.at[pl.ds(base + ib * blk, blk)], dst_v)
                pltpu.async_copy(table.at[src_v.at[0]], rows[0], gsem[0])
                for j in range(blk):
                    b = j % 2
                    if j + 1 < blk:
                        pltpu.async_copy(table.at[src_v.at[j + 1]],
                                         rows[1 - b], gsem[1 - b])
                    pltpu.make_async_copy(table.at[src_v.at[j]], rows[b],
                                          gsem[b]).wait()
                    pltpu.sync_copy(rows[b], acc.at[dst_v.at[j]], add=True)
                return carry

            lax.fori_loop(0, n // blk, block, 0)

        @pl.when(c == 0)
        def _():
            run_share(s * rpt0, rpt0)

        @pl.when(c == 1)
        def _():
            run_share(_NS * rpt0 + s * rpt1, rpt1)

        plsc.subcore_barrier()
        for k in range(nfull):
            off = s * npt + k * _CHUNK
            pltpu.sync_copy(acc.at[pl.ds(off, _CHUNK)], r0)
            pltpu.sync_copy(r0, out.at[c, pl.ds(off, _CHUNK)])
        if rem:
            off = s * npt + nfull * _CHUNK
            pltpu.sync_copy(acc.at[pl.ds(off, rem)], r0.at[pl.ds(0, rem)])
            pltpu.sync_copy(r0.at[pl.ds(0, rem)], out.at[c, pl.ds(off, rem)])

    return spmm


@functools.lru_cache(maxsize=None)
def _make_deg(n_pad, n_rows):
    n_workers = _NC * _NS
    rpt = n_rows // n_workers

    mesh = plsc.VectorSubcoreMesh(core_axis_name="c", subcore_axis_name="s")

    @functools.partial(
        pl.kernel,
        out_type=jax.ShapeDtypeStruct((n_workers, n_pad), jnp.float32),
        mesh=mesh,
        compiler_params=pltpu.CompilerParams(needs_layout_passes=False),
        scratch_types=[
            pltpu.VMEM((rpt, _CHUNK), jnp.int32),
            pltpu.VMEM((n_pad,), jnp.float32),
        ],
    )
    def deg(dst2d, zeros, out, dst_v, acc):
        c = lax.axis_index("c")
        s = lax.axis_index("s")
        w = s * _NC + c
        pltpu.sync_copy(zeros, acc)
        pltpu.sync_copy(dst2d.at[pl.ds(w * rpt, rpt)], dst_v)

        def body(j, carry):
            ones_v = jnp.ones((16,), jnp.float32)
            for g in range(_CHUNK // 16):
                idx = dst_v[j, pl.ds(g * 16, 16)]
                plsc.addupdate_scatter(acc, [idx], ones_v)
            return carry

        lax.fori_loop(0, rpt, body, 0)
        pltpu.sync_copy(acc, out.at[w])

    return deg


def _tc_prep(degt_ref, x_ref, dinv_ref, xt_ref):
    deg = 1.0 + jnp.sum(degt_ref[...], axis=1, keepdims=True)
    dinv = lax.rsqrt(deg)
    dinv_ref[...] = dinv
    xt_ref[...] = x_ref[...] * dinv


def _tc_l1(p_ref, xt_ref, dinv_ref, W1_ref, b1_ref, W12_ref, h2t_ref):
    dinv = dinv_ref[...]
    ax = (p_ref[0] + p_ref[1] + xt_ref[...]) * dinv
    y1 = jnp.dot(ax, W1_ref[...], preferred_element_type=jnp.float32) + b1_ref[0:1, :]
    h2 = jnp.dot(y1, W12_ref[...], preferred_element_type=jnp.float32)
    h2t_ref[...] = h2 * dinv


def _tc_l2(q_ref, h2t_ref, dinv_ref, b12_ref, y2t_ref):
    dinv = dinv_ref[...]
    y2 = (q_ref[0] + q_ref[1] + h2t_ref[...]) * dinv + b12_ref[0:1, :]
    y2t_ref[...] = jnp.maximum(y2, 0.0) * dinv


def _tc_fin(r_ref, y2t_ref, dinv_ref, W2_ref, b2_ref, out_ref):
    ay2 = (r_ref[0] + r_ref[1] + y2t_ref[...]) * dinv_ref[...]
    out_ref[...] = (jnp.dot(ay2, W2_ref[...], preferred_element_type=jnp.float32)
                    + b2_ref[0:1, :])


def _row_spec(width):
    return pl.BlockSpec((_RB, width), lambda i: (i, 0))


def _pair_spec(width):
    return pl.BlockSpec((_NC, _RB, width), lambda i: (0, i, 0))


def _full_spec(shape):
    nd = len(shape)
    return pl.BlockSpec(shape, lambda i: (0,) * nd)


def kernel(x, edge_index, W1, b1, W12, b12, W2, b2):
    n_nodes, d_in = x.shape
    n_edges = edge_index.shape[1]
    d_mid = W1.shape[1]
    d_mid2 = W12.shape[1]
    d_out = W2.shape[1]
    grid = (n_nodes // _RB,)

    edge_align = _NC * _NS * 8 * _CHUNK
    e_pad = -(-n_edges // edge_align) * edge_align
    n_pad = -(-(n_nodes + 1) // (_NS * 8)) * (_NS * 8)
    n_rows = e_pad // _CHUNK

    ei = edge_index.astype(jnp.int32)
    pad_src = jnp.zeros((e_pad - n_edges,), jnp.int32)
    n_trash = n_pad - n_nodes
    pad_dst = n_nodes + jnp.arange(e_pad - n_edges, dtype=jnp.int32) % n_trash
    src2d = jnp.concatenate([ei[0], pad_src]).reshape(n_rows, _CHUNK)
    dst2d = jnp.concatenate([ei[1], pad_dst]).reshape(n_rows, _CHUNK)
    z1 = jnp.zeros((n_pad,), jnp.float32)
    b1r = jnp.broadcast_to(b1[None, :], (8, d_mid))
    b12r = jnp.broadcast_to(b12[None, :], (8, d_mid2))
    b2r = jnp.broadcast_to(b2[None, :], (8, d_out))

    degp = _make_deg(n_pad, n_rows)(dst2d, z1)
    degt = degp.T

    dinv, xt = pl.pallas_call(
        _tc_prep,
        grid=grid,
        in_specs=[pl.BlockSpec((_RB, _NC * _NS), lambda i: (i, 0)),
                  _row_spec(d_in)],
        out_specs=[_row_spec(1), _row_spec(d_in)],
        out_shape=[
            jax.ShapeDtypeStruct((n_nodes, 1), jnp.float32),
            jax.ShapeDtypeStruct((n_nodes, d_in), jnp.float32),
        ],
    )(degt, x)

    p = _make_spmm(n_pad, n_rows, d_in)(xt, src2d, dst2d)

    h2t = pl.pallas_call(
        _tc_l1,
        grid=grid,
        in_specs=[_pair_spec(d_in), _row_spec(d_in), _row_spec(1),
                  _full_spec(W1.shape), _full_spec((8, d_mid)),
                  _full_spec(W12.shape)],
        out_specs=_row_spec(d_mid2),
        out_shape=jax.ShapeDtypeStruct((n_nodes, d_mid2), jnp.float32),
    )(p, xt, dinv, W1, b1r, W12)

    q = _make_spmm(n_pad, n_rows, d_mid2)(h2t, src2d, dst2d)

    y2t = pl.pallas_call(
        _tc_l2,
        grid=grid,
        in_specs=[_pair_spec(d_mid2), _row_spec(d_mid2), _row_spec(1),
                  _full_spec((8, d_mid2))],
        out_specs=_row_spec(d_mid2),
        out_shape=jax.ShapeDtypeStruct((n_nodes, d_mid2), jnp.float32),
    )(q, h2t, dinv, b12r)

    r = _make_spmm(n_pad, n_rows, d_mid2)(y2t, src2d, dst2d)

    out = pl.pallas_call(
        _tc_fin,
        grid=grid,
        in_specs=[_pair_spec(d_mid2), _row_spec(d_mid2), _row_spec(1),
                  _full_spec(W2.shape), _full_spec((8, d_out))],
        out_specs=_row_spec(d_out),
        out_shape=jax.ShapeDtypeStruct((n_nodes, d_out), jnp.float32),
    )(r, y2t, dinv, W2, b2r)

    return out

# --- scband reference (transcript-rebuilt; emitter-appended) ---
"""Pipeline reference for scband-gcnencoder-10608569221206 (READ-ONLY COPY).

The authoritative reference and input builder live on the scoring server;
editing this copy changes nothing except your own understanding.
"""

import jax, jax.numpy as jnp
import numpy as np


def _gcn_conv(x, edge_index, W, b):
    num_nodes = x.shape[0]
    loop = jnp.arange(num_nodes, dtype=edge_index.dtype)
    src = jnp.concatenate([edge_index[0], loop])
    dst = jnp.concatenate([edge_index[1], loop])
    deg = jnp.zeros((num_nodes,), dtype=x.dtype).at[dst].add(1.0)
    dinv = jnp.where(deg > 0, deg ** -0.5, 0.0)
    norm = dinv[src] * dinv[dst]
    h = x @ W
    msg = h[src] * norm[:, None]
    out = jnp.zeros((num_nodes, W.shape[1]), dtype=x.dtype).at[dst].add(msg)
    return out + b


def setup_inputs(seed: int = 0) -> dict:
    key = jax.random.key(seed)
    ks = jax.random.split(key, 8)
    n_nodes = 10000
    n_edges = 320000
    d_in = 128
    oc = 64
    x = jax.random.normal(ks[0], (n_nodes, d_in), dtype=jnp.float32)
    edge_index = jax.random.randint(ks[1], (2, n_edges), 0, n_nodes, dtype=jnp.int64)
    s1 = 1.0 / np.sqrt(d_in)
    s12 = 1.0 / np.sqrt(4 * oc)
    s2 = 1.0 / np.sqrt(2 * oc)
    W1 = jax.random.uniform(ks[2], (d_in, 4 * oc), dtype=jnp.float32, minval=-s1, maxval=s1)
    b1 = jnp.zeros((4 * oc,), dtype=jnp.float32)
    W12 = jax.random.uniform(ks[3], (4 * oc, 2 * oc), dtype=jnp.float32, minval=-s12, maxval=s12)
    b12 = jnp.zeros((2 * oc,), dtype=jnp.float32)
    W2 = jax.random.uniform(ks[4], (2 * oc, oc), dtype=jnp.float32, minval=-s2, maxval=s2)
    b2 = jnp.zeros((oc,), dtype=jnp.float32)
    return {"x": x, "edge_index": edge_index, "W1": W1, "b1": b1, "W12": W12, "b12": b12, "W2": W2, "b2": b2}


def reference(x, edge_index, W1, b1, W12, b12, W2, b2):
    h = _gcn_conv(x, edge_index, W1, b1)
    h = jax.nn.relu(_gcn_conv(h, edge_index, W12, b12))
    return _gcn_conv(h, edge_index, W2, b2)

if __name__ == "__main__":
    import jax
    _d = setup_inputs()
    print(jax.jit(kernel)(*tuple(_d.values())))

</pallas_src>

<mosaic_0001>
#map = affine_map<(d0, d1) -> (0, 0)>
#map1 = affine_map<(d0, d1) -> (0)>
module attributes {stable_mosaic.version = 14 : i64} {
  func.func @deg(%arg0: i32, %arg1: i32, %arg2: memref<2560x128xi32, #tpu.memory_space<hbm>>, %arg3: memref<10112xf32, #tpu.memory_space<hbm>>, %arg4: memref<32x10112xf32, #tpu.memory_space<hbm>>, %arg5: memref<80x128xi32, #tpu.memory_space<vmem>>, %arg6: memref<10112xf32, #tpu.memory_space<vmem>>) attributes {dimension_semantics = [#tpu.dimension_semantics<core_parallel>, #tpu.dimension_semantics<subcore_parallel>], iteration_bounds = array<i64: 2, 16>, scalar_prefetch = 0 : i64, scratch_operands = 2 : i64, tpu.core_type = #tpu.core_type<sc_vector_subcore>, window_params = [{transform_indices = #map}, {transform_indices = #map1}, {transform_indices = #map}]} {
    %mul3A = arith.constant 2 : i32
    %mul3A_0 = arith.muli %arg1, %mul3A : i32
    %add3A = arith.addi %mul3A_0, %arg0 : i32
    "tpu.region"() ({
      %run_scoped3A = tpu.sem_alloc : memref<!tpu.dma_semaphore, #tpu.memory_space<semaphore_mem>>
      tpu.enqueue_dma source(%arg3 : memref<10112xf32, #tpu.memory_space<hbm>>) target(%arg6 : memref<10112xf32, #tpu.memory_space<vmem>>) target_semaphore(%run_scoped3A : memref<!tpu.dma_semaphore, #tpu.memory_space<semaphore_mem>>)
      tpu.wait_dma2 semaphore(%run_scoped3A : memref<!tpu.dma_semaphore, #tpu.memory_space<semaphore_mem>>) src(%arg3 : memref<10112xf32, #tpu.memory_space<hbm>>) dst(%arg6 : memref<10112xf32, #tpu.memory_space<vmem>>)
      tpu.yield
    }) : () -> ()
    %mul3A_1 = arith.constant 80 : i32
    %mul3A_2 = arith.muli %add3A, %mul3A_1 : i32
    "tpu.region"() ({
      %run_scoped3A = tpu.sem_alloc : memref<!tpu.dma_semaphore, #tpu.memory_space<semaphore_mem>>
      %dma_start3A = arith.constant 0 : i32
      %dma_start3A_8 = tpu.memref_slice %arg2[%mul3A_2, %dma_start3A] : memref<2560x128xi32, #tpu.memory_space<hbm>> -> memref<80x128xi32, #tpu.memory_space<hbm>>
      %dma_start3A_9 = arith.constant 0 : i32
      %dma_start3A_10 = tpu.memref_slice %arg2[%mul3A_2, %dma_start3A_9] : memref<2560x128xi32, #tpu.memory_space<hbm>> -> memref<80x128xi32, #tpu.memory_space<hbm>>
      tpu.enqueue_dma source(%dma_start3A_10 : memref<80x128xi32, #tpu.memory_space<hbm>>) target(%arg5 : memref<80x128xi32, #tpu.memory_space<vmem>>) target_semaphore(%run_scoped3A : memref<!tpu.dma_semaphore, #tpu.memory_space<semaphore_mem>>)
      %dma_wait3A = arith.constant 0 : i32
      %dma_wait3A_11 = tpu.memref_slice %arg2[%mul3A_2, %dma_wait3A] : memref<2560x128xi32, #tpu.memory_space<hbm>> -> memref<80x128xi32, #tpu.memory_space<hbm>>
      %dma_wait3A_12 = arith.constant 0 : i32
      %dma_wait3A_13 = tpu.memref_slice %arg2[%mul3A_2, %dma_wait3A_12] : memref<2560x128xi32, #tpu.memory_space<hbm>> -> memref<80x128xi32, #tpu.memory_space<hbm>>
      tpu.wait_dma2 semaphore(%run_scoped3A : memref<!tpu.dma_semaphore, #tpu.memory_space<semaphore_mem>>) src(%dma_wait3A_13 : memref<80x128xi32, #tpu.memory_space<hbm>>) dst(%arg5 : memref<80x128xi32, #tpu.memory_space<vmem>>)
      tpu.yield
    }) : () -> ()
    %scan3A = arith.constant 0 : i32
    %scan3A_3 = arith.constant 0 : i32
    %scan3A_4 = arith.constant 80 : i32
    %scan3A_5 = arith.addi %scan3A_3, %scan3A_4 : i32
    %scan3A_6 = arith.constant 1 : i32
    scf.for %scan3A_8 = %scan3A_3 to %scan3A_5 step %scan3A_6  : i32 {
      %broadcast_in_dim3A = arith.constant 1.000000e+00 : f32
      %broadcast_in_dim3A_9 = vector.broadcast %broadcast_in_dim3A : f32 to vector<16xf32>
      %get3A = arith.index_cast %scan3A_8 : i32 to index
      %get3A_10 = arith.constant 0 : index
      %get3A_11 = tpu.vector_load %arg5[%get3A, %get3A_10] {strides = array<i32>} : memref<80x128xi32, #tpu.memory_space<vmem>>, vector<16xi32>,
      tpu.vector_store_idx %arg6[%get3A_11], %broadcast_in_dim3A_9 {add = true} : memref<10112xf32, #tpu.memory_space<vmem>>[vector<16xi32>], vector<16xf32>,
      %get3A_12 = arith.index_cast %scan3A_8 : i32 to index
      %get3A_13 = arith.constant 16 : index
      %get3A_14 = tpu.vector_load %arg5[%get3A_12, %get3A_13] {strides = array<i32>} : memref<80x128xi32, #tpu.memory_space<vmem>>, vector<16xi32>,
      tpu.vector_store_idx %arg6[%get3A_14], %broadcast_in_dim3A_9 {add = true} : memref<10112xf32, #tpu.memory_space<vmem>>[vector<16xi32>], vector<16xf32>,
      %get3A_15 = arith.index_cast %scan3A_8 : i32 to index
      %get3A_16 = arith.constant 32 : index
      %get3A_17 = tpu.vector_load %arg5[%get3A_15, %get3A_16] {strides = array<i32>} : memref<80x128xi32, #tpu.memory_space<vmem>>, vector<16xi32>,
      tpu.vector_store_idx %arg6[%get3A_17], %broadcast_in_dim3A_9 {add = true} : memref<10112xf32, #tpu.memory_space<vmem>>[vector<16xi32>], vector<16xf32>,
      %get3A_18 = arith.index_cast %scan3A_8 : i32 to index
      %get3A_19 = arith.constant 48 : index
      %get3A_20 = tpu.vector_load %arg5[%get3A_18, %get3A_19] {strides = array<i32>} : memref<80x128xi32, #tpu.memory_space<vmem>>, vector<16xi32>,
      tpu.vector_store_idx %arg6[%get3A_20], %broadcast_in_dim3A_9 {add = true} : memref<10112xf32, #tpu.memory_space<vmem>>[vector<16xi32>], vector<16xf32>,
      %get3A_21 = arith.index_cast %scan3A_8 : i32 to index
      %get3A_22 = arith.constant 64 : index
      %get3A_23 = tpu.vector_load %arg5[%get3A_21, %get3A_22] {strides = array<i32>} : memref<80x128xi32, #tpu.memory_space<vmem>>, vector<16xi32>,
      tpu.vector_store_idx %arg6[%get3A_23], %broadcast_in_dim3A_9 {add = true} : memref<10112xf32, #tpu.memory_space<vmem>>[vector<16xi32>], vector<16xf32>,
      %get3A_24 = arith.index_cast %scan3A_8 : i32 to index
      %get3A_25 = arith.constant 80 : index
      %get3A_26 = tpu.vector_load %arg5[%get3A_24, %get3A_25] {strides = array<i32>} : memref<80x128xi32, #tpu.memory_space<vmem>>, vector<16xi32>,
      tpu.vector_store_idx %arg6[%get3A_26], %broadcast_in_dim3A_9 {add = true} : memref<10112xf32, #tpu.memory_space<vmem>>[vector<16xi32>], vector<16xf32>,
      %get3A_27 = arith.index_cast %scan3A_8 : i32 to index
      %get3A_28 = arith.constant 96 : index
      %get3A_29 = tpu.vector_load %arg5[%get3A_27, %get3A_28] {strides = array<i32>} : memref<80x128xi32, #tpu.memory_space<vmem>>, vector<16xi32>,
      tpu.vector_store_idx %arg6[%get3A_29], %broadcast_in_dim3A_9 {add = true} : memref<10112xf32, #tpu.memory_space<vmem>>[vector<16xi32>], vector<16xf32>,
      %get3A_30 = arith.index_cast %scan3A_8 : i32 to index
      %get3A_31 = arith.constant 112 : index
      %get3A_32 = tpu.vector_load %arg5[%get3A_30, %get3A_31] {strides = array<i32>} : memref<80x128xi32, #tpu.memory_space<vmem>>, vector<16xi32>,
      tpu.vector_store_idx %arg6[%get3A_32], %broadcast_in_dim3A_9 {add = true} : memref<10112xf32, #tpu.memory_space<vmem>>[vector<16xi32>], vector<16xf32>,
    }
    %scan3A_7 = arith.constant 80 : i32
    "tpu.region"() ({
      %run_scoped3A = tpu.sem_alloc : memref<!tpu.dma_semaphore, #tpu.memory_space<semaphore_mem>>
      %dma_start3A = arith.constant 0 : i32
      %dma_start3A_8 = tpu.memref_slice %arg4[%add3A, %dma_start3A] : memref<32x10112xf32, #tpu.memory_space<hbm>> -> memref<1x10112xf32, #tpu.memory_space<hbm>>
      %dma_start3A_9 = tpu.memref_squeeze %dma_start3A_8 : memref<1x10112xf32, #tpu.memory_space<hbm>> -> memref<10112xf32, #tpu.memory_space<hbm>>
      %dma_start3A_10 = arith.constant 0 : i32
      %dma_start3A_11 = tpu.memref_slice %arg4[%add3A, %dma_start3A_10] : memref<32x10112xf32, #tpu.memory_space<hbm>> -> memref<1x10112xf32, #tpu.memory_space<hbm>>
      %dma_start3A_12 = tpu.memref_squeeze %dma_start3A_11 : memref<1x10112xf32, #tpu.memory_space<hbm>> -> memref<10112xf32, #tpu.memory_space<hbm>>
      tpu.enqueue_dma source(%arg6 : memref<10112xf32, #tpu.memory_space<vmem>>) target(%dma_start3A_12 : memref<10112xf32, #tpu.memory_space<hbm>>) target_semaphore(%run_scoped3A : memref<!tpu.dma_semaphore, #tpu.memory_space<semaphore_mem>>)
      %dma_wait3A = arith.constant 0 : i32
      %dma_wait3A_13 = tpu.memref_slice %arg4[%add3A, %dma_wait3A] : memref<32x10112xf32, #tpu.memory_space<hbm>> -> memref<1x10112xf32, #tpu.memory_space<hbm>>
      %dma_wait3A_14 = tpu.memref_squeeze %dma_wait3A_13 : memref<1x10112xf32, #tpu.memory_space<hbm>> -> memref<10112xf32, #tpu.memory_space<hbm>>
      %dma_wait3A_15 = arith.constant 0 : i32
      %dma_wait3A_16 = tpu.memref_slice %arg4[%add3A, %dma_wait3A_15] : memref<32x10112xf32, #tpu.memory_space<hbm>> -> memref<1x10112xf32, #tpu.memory_space<hbm>>
      %dma_wait3A_17 = tpu.memref_squeeze %dma_wait3A_16 : memref<1x10112xf32, #tpu.memory_space<hbm>> -> memref<10112xf32, #tpu.memory_space<hbm>>
      tpu.wait_dma2 semaphore(%run_scoped3A : memref<!tpu.dma_semaphore, #tpu.memory_space<semaphore_mem>>) src(%arg6 : memref<10112xf32, #tpu.memory_space<vmem>>) dst(%dma_wait3A_17 : memref<10112xf32, #tpu.memory_space<hbm>>)
      tpu.yield
    }) : () -> ()
    return
  }
}

#map = affine_map<(d0, d1) -> (0, 0)>
#map1 = affine_map<(d0, d1) -> (0, 0, 0)>
module attributes {stable_mosaic.version = 14 : i64} {
  func.func @spmm(%arg0: i32, %arg1: i32, %arg2: memref<10000x128xf32, #tpu.memory_space<hbm>>, %arg3: memref<2560x128xi32, #tpu.memory_space<hbm>>, %arg4: memref<2560x128xi32, #tpu.memory_space<hbm>>, %arg5: memref<2x10112x128xf32, #tpu.memory_space<hbm>>, %arg6: memref<8x128xi32, #tpu.memory_space<vmem>>, %arg7: memref<8x128xi32, #tpu.memory_space<vmem>>, %arg8: memref<128x128xf32, #tpu.memory_space<vmem>>, %arg9: memref<128x128xf32, #tpu.memory_space<vmem>>, %arg10: memref<10112x128xf32, #tpu.memory_space<vmem_shared>>, %arg11: memref<!tpu.dma_semaphore, #tpu.memory_space<semaphore_mem>>, %arg12: memref<!tpu.dma_semaphore, #tpu.memory_space<semaphore_mem>>) attributes {dimension_semantics = [#tpu.dimension_semantics<core_parallel>, #tpu.dimension_semantics<subcore_parallel>], iteration_bounds = array<i64: 2, 16>, scalar_prefetch = 0 : i64, scratch_operands = 7 : i64, tpu.core_type = #tpu.core_type<sc_vector_subcore>, window_params = [{transform_indices = #map}, {transform_indices = #map}, {transform_indices = #map}, {transform_indices = #map1}]} {
    %scan3A = arith.constant 0 : i32
    %scan3A_0 = arith.constant 0 : i32
    %scan3A_1 = arith.constant 128 : i32
    %scan3A_2 = arith.addi %scan3A_0, %scan3A_1 : i32
    %scan3A_3 = arith.constant 1 : i32
    scf.for %scan3A_51 = %scan3A_0 to %scan3A_2 step %scan3A_3  : i32 {
      %broadcast_in_dim3A = arith.constant 0.000000e+00 : f32
      %broadcast_in_dim3A_52 = vector.broadcast %broadcast_in_dim3A : f32 to vector<16xf32>
      %swap3A = arith.index_cast %scan3A_51 : i32 to index
      %swap3A_53 = arith.constant 0 : index
      %swap3A_54 = tpu.vector_load %arg8[%swap3A, %swap3A_53] {strides = array<i32>} : memref<128x128xf32, #tpu.memory_space<vmem>>, vector<1x16xf32>,
      %swap3A_55 = vector.shape_cast %swap3A_54 : vector<1x16xf32> to vector<16xf32>
      %swap3A_56 = vector.shape_cast %broadcast_in_dim3A_52 : vector<16xf32> to vector<1x16xf32>
      tpu.vector_store %arg8[%swap3A, %swap3A_53], %swap3A_56 {strides = array<i32>} : memref<128x128xf32, #tpu.memory_space<vmem>>, vector<1x16xf32>,
      %broadcast_in_dim3A_57 = arith.constant 0.000000e+00 : f32
      %broadcast_in_dim3A_58 = vector.broadcast %broadcast_in_dim3A_57 : f32 to vector<16xf32>
      %swap3A_59 = arith.index_cast %scan3A_51 : i32 to index
      %swap3A_60 = arith.constant 16 : index
      %swap3A_61 = tpu.vector_load %arg8[%swap3A_59, %swap3A_60] {strides = array<i32>} : memref<128x128xf32, #tpu.memory_space<vmem>>, vector<1x16xf32>,
      %swap3A_62 = vector.shape_cast %swap3A_61 : vector<1x16xf32> to vector<16xf32>
      %swap3A_63 = vector.shape_cast %broadcast_in_dim3A_58 : vector<16xf32> to vector<1x16xf32>
      tpu.vector_store %arg8[%swap3A_59, %swap3A_60], %swap3A_63 {strides = array<i32>} : memref<128x128xf32, #tpu.memory_space<vmem>>, vector<1x16xf32>,
      %broadcast_in_dim3A_64 = arith.constant 0.000000e+00 : f32
      %broadcast_in_dim3A_65 = vector.broadcast %broadcast_in_dim3A_64 : f32 to vector<16xf32>
      %swap3A_66 = arith.index_cast %scan3A_51 : i32 to index
      %swap3A_67 = arith.constant 32 : index
      %swap3A_68 = tpu.vector_load %arg8[%swap3A_66, %swap3A_67] {strides = array<i32>} : memref<128x128xf32, #tpu.memory_space<vmem>>, vector<1x16xf32>,
      %swap3A_69 = vector.shape_cast %swap3A_68 : vector<1x16xf32> to vector<16xf32>
      %swap3A_70 = vector.shape_cast %broadcast_in_dim3A_65 : vector<16xf32> to vector<1x16xf32>
      tpu.vector_store %arg8[%swap3A_66, %swap3A_67], %swap3A_70 {strides = array<i32>} : memref<128x128xf32, #tpu.memory_space<vmem>>, vector<1x16xf32>,
      %broadcast_in_dim3A_71 = arith.constant 0.000000e+00 : f32
      %broadcast_in_dim3A_72 = vector.broadcast %broadcast_in_dim3A_71 : f32 to vector<16xf32>
      %swap3A_73 = arith.index_cast %scan3A_51 : i32 to index
      %swap3A_74 = arith.constant 48 : index
      %swap3A_75 = tpu.vector_load %arg8[%swap3A_73, %swap3A_74] {strides = array<i32>} : memref<128x128xf32, #tpu.memory_space<vmem>>, vector<1x16xf32>,
      %swap3A_76 = vector.shape_cast %swap3A_75 : vector<1x16xf32> to vector<16xf32>
      %swap3A_77 = vector.shape_cast %broadcast_in_dim3A_72 : vector<16xf32> to vector<1x16xf32>
      tpu.vector_store %arg8[%swap3A_73, %swap3A_74], %swap3A_77 {strides = array<i32>} : memref<128x128xf32, #tpu.memory_space<vmem>>, vector<1x16xf32>,
      %broadcast_in_dim3A_78 = arith.constant 0.000000e+00 : f32
      %broadcast_in_dim3A_79 = vector.broadcast %broadcast_in_dim3A_78 : f32 to vector<16xf32>
      %swap3A_80 = arith.index_cast %scan3A_51 : i32 to index
      %swap3A_81 = arith.constant 64 : index
      %swap3A_82 = tpu.vector_load %arg8[%swap3A_80, %swap3A_81] {strides = array<i32>} : memref<128x128xf32, #tpu.memory_space<vmem>>, vector<1x16xf32>,
      %swap3A_83 = vector.shape_cast %swap3A_82 : vector<1x16xf32> to vector<16xf32>
      %swap3A_84 = vector.shape_cast %broadcast_in_dim3A_79 : vector<16xf32> to vector<1x16xf32>
      tpu.vector_store %arg8[%swap3A_80, %swap3A_81], %swap3A_84 {strides = array<i32>} : memref<128x128xf32, #tpu.memory_space<vmem>>, vector<1x16xf32>,
      %broadcast_in_dim3A_85 = arith.constant 0.000000e+00 : f32
      %broadcast_in_dim3A_86 = vector.broadcast %broadcast_in_dim3A_85 : f32 to vector<16xf32>
      %swap3A_87 = arith.index_cast %scan3A_51 : i32 to index
      %swap3A_88 = arith.constant 80 : index
      %swap3A_89 = tpu.vector_load %arg8[%swap3A_87, %swap3A_88] {strides = array<i32>} : memref<128x128xf32, #tpu.memory_space<vmem>>, vector<1x16xf32>,
      %swap3A_90 = vector.shape_cast %swap3A_89 : vector<1x16xf32> to vector<16xf32>
      %swap3A_91 = vector.shape_cast %broadcast_in_dim3A_86 : vector<16xf32> to vector<1x16xf32>
      tpu.vector_store %arg8[%swap3A_87, %swap3A_88], %swap3A_91 {strides = array<i32>} : memref<128x128xf32, #tpu.memory_space<vmem>>, vector<1x16xf32>,
      %broadcast_in_dim3A_92 = arith.constant 0.000000e+00 : f32
      %broadcast_in_dim3A_93 = vector.broadcast %broadcast_in_dim3A_92 : f32 to vector<16xf32>
      %swap3A_94 = arith.index_cast %scan3A_51 : i32 to index
      %swap3A_95 = arith.constant 96 : index
      %swap3A_96 = tpu.vector_load %arg8[%swap3A_94, %swap3A_95] {strides = array<i32>} : memref<128x128xf32, #tpu.memory_space<vmem>>, vector<1x16xf32>,
      %swap3A_97 = vector.shape_cast %swap3A_96 : vector<1x16xf32> to vector<16xf32>
      %swap3A_98 = vector.shape_cast %broadcast_in_dim3A_93 : vector<16xf32> to vector<1x16xf32>
      tpu.vector_store %arg8[%swap3A_94, %swap3A_95], %swap3A_98 {strides = array<i32>} : memref<128x128xf32, #tpu.memory_space<vmem>>, vector<1x16xf32>,
      %broadcast_in_dim3A_99 = arith.constant 0.000000e+00 : f32
      %broadcast_in_dim3A_100 = vector.broadcast %broadcast_in_dim3A_99 : f32 to vector<16xf32>
      %swap3A_101 = arith.index_cast %scan3A_51 : i32 to index
      %swap3A_102 = arith.constant 112 : index
      %swap3A_103 = tpu.vector_load %arg8[%swap3A_101, %swap3A_102] {strides = array<i32>} : memref<128x128xf32, #tpu.memory_space<vmem>>, vector<1x16xf32>,
      %swap3A_104 = vector.shape_cast %swap3A_103 : vector<1x16xf32> to vector<16xf32>
      %swap3A_105 = vector.shape_cast %broadcast_in_dim3A_100 : vector<16xf32> to vector<1x16xf32>
      tpu.vector_store %arg8[%swap3A_101, %swap3A_102], %swap3A_105 {strides = array<i32>} : memref<128x128xf32, #tpu.memory_space<vmem>>, vector<1x16xf32>,
    }
    %scan3A_4 = arith.constant 128 : i32
    %mul3A = arith.constant 632 : i32
    %mul3A_5 = arith.muli %arg1, %mul3A : i32
    %add3A = arith.constant 0 : i32
    %add3A_6 = arith.addi %mul3A_5, %add3A : i32
    "tpu.region"() ({
      %run_scoped3A = tpu.sem_alloc : memref<!tpu.dma_semaphore, #tpu.memory_space<semaphore_mem>>
      %dma_start3A = arith.constant 0 : i32
      %dma_start3A_51 = tpu.memref_slice %arg10[%add3A_6, %dma_start3A] : memref<10112x128xf32, #tpu.memory_space<vmem_shared>> -> memref<128x128xf32, #tpu.memory_space<vmem_shared>>
      %dma_start3A_52 = arith.constant 0 : i32
      %dma_start3A_53 = tpu.memref_slice %arg10[%add3A_6, %dma_start3A_52] : memref<10112x128xf32, #tpu.memory_space<vmem_shared>> -> memref<128x128xf32, #tpu.memory_space<vmem_shared>>
      tpu.enqueue_dma source(%arg8 : memref<128x128xf32, #tpu.memory_space<vmem>>) target(%dma_start3A_53 : memref<128x128xf32, #tpu.memory_space<vmem_shared>>) target_semaphore(%run_scoped3A : memref<!tpu.dma_semaphore, #tpu.memory_space<semaphore_mem>>)
      %dma_wait3A = arith.constant 0 : i32
      %dma_wait3A_54 = tpu.memref_slice %arg10[%add3A_6, %dma_wait3A] : memref<10112x128xf32, #tpu.memory_space<vmem_shared>> -> memref<128x128xf32, #tpu.memory_space<vmem_shared>>
      %dma_wait3A_55 = arith.constant 0 : i32
      %dma_wait3A_56 = tpu.memref_slice %arg10[%add3A_6, %dma_wait3A_55] : memref<10112x128xf32, #tpu.memory_space<vmem_shared>> -> memref<128x128xf32, #tpu.memory_space<vmem_shared>>
      tpu.wait_dma2 semaphore(%run_scoped3A : memref<!tpu.dma_semaphore, #tpu.memory_space<semaphore_mem>>) src(%arg8 : memref<128x128xf32, #tpu.memory_space<vmem>>) dst(%dma_wait3A_56 : memref<128x128xf32, #tpu.memory_space<vmem_shared>>)
      tpu.yield
    }) : () -> ()
    %mul3A_7 = arith.constant 632 : i32
    %mul3A_8 = arith.muli %arg1, %mul3A_7 : i32
    %add3A_9 = arith.constant 128 : i32
    %add3A_10 = arith.addi %mul3A_8, %add3A_9 : i32
    "tpu.region"() ({
      %run_scoped3A = tpu.sem_alloc : memref<!tpu.dma_semaphore, #tpu.memory_space<semaphore_mem>>
      %dma_start3A = arith.constant 0 : i32
      %dma_start3A_51 = tpu.memref_slice %arg10[%add3A_10, %dma_start3A] : memref<10112x128xf32, #tpu.memory_space<vmem_shared>> -> memref<128x128xf32, #tpu.memory_space<vmem_shared>>
      %dma_start3A_52 = arith.constant 0 : i32
      %dma_start3A_53 = tpu.memref_slice %arg10[%add3A_10, %dma_start3A_52] : memref<10112x128xf32, #tpu.memory_space<vmem_shared>> -> memref<128x128xf32, #tpu.memory_space<vmem_shared>>
      tpu.enqueue_dma source(%arg8 : memref<128x128xf32, #tpu.memory_space<vmem>>) target(%dma_start3A_53 : memref<128x128xf32, #tpu.memory_space<vmem_shared>>) target_semaphore(%run_scoped3A : memref<!tpu.dma_semaphore, #tpu.memory_space<semaphore_mem>>)
      %dma_wait3A = arith.constant 0 : i32
      %dma_wait3A_54 = tpu.memref_slice %arg10[%add3A_10, %dma_wait3A] : memref<10112x128xf32, #tpu.memory_space<vmem_shared>> -> memref<128x128xf32, #tpu.memory_space<vmem_shared>>
      %dma_wait3A_55 = arith.constant 0 : i32
      %dma_wait3A_56 = tpu.memref_slice %arg10[%add3A_10, %dma_wait3A_55] : memref<10112x128xf32, #tpu.memory_space<vmem_shared>> -> memref<128x128xf32, #tpu.memory_space<vmem_shared>>
      tpu.wait_dma2 semaphore(%run_scoped3A : memref<!tpu.dma_semaphore, #tpu.memory_space<semaphore_mem>>) src(%arg8 : memref<128x128xf32, #tpu.memory_space<vmem>>) dst(%dma_wait3A_56 : memref<128x128xf32, #tpu.memory_space<vmem_shared>>)
      tpu.yield
    }) : () -> ()
    %mul3A_11 = arith.constant 632 : i32
    %mul3A_12 = arith.muli %arg1, %mul3A_11 : i32
    %add3A_13 = arith.constant 256 : i32
    %add3A_14 = arith.addi %mul3A_12, %add3A_13 : i32
    "tpu.region"() ({
      %run_scoped3A = tpu.sem_alloc : memref<!tpu.dma_semaphore, #tpu.memory_space<semaphore_mem>>
      %dma_start3A = arith.constant 0 : i32
      %dma_start3A_51 = tpu.memref_slice %arg10[%add3A_14, %dma_start3A] : memref<10112x128xf32, #tpu.memory_space<vmem_shared>> -> memref<128x128xf32, #tpu.memory_space<vmem_shared>>
      %dma_start3A_52 = arith.constant 0 : i32
      %dma_start3A_53 = tpu.memref_slice %arg10[%add3A_14, %dma_start3A_52] : memref<10112x128xf32, #tpu.memory_space<vmem_shared>> -> memref<128x128xf32, #tpu.memory_space<vmem_shared>>
      tpu.enqueue_dma source(%arg8 : memref<128x128xf32, #tpu.memory_space<vmem>>) target(%dma_start3A_53 : memref<128x128xf32, #tpu.memory_space<vmem_shared>>) target_semaphore(%run_scoped3A : memref<!tpu.dma_semaphore, #tpu.memory_space<semaphore_mem>>)
      %dma_wait3A = arith.constant 0 : i32
      %dma_wait3A_54 = tpu.memref_slice %arg10[%add3A_14, %dma_wait3A] : memref<10112x128xf32, #tpu.memory_space<vmem_shared>> -> memref<128x128xf32, #tpu.memory_space<vmem_shared>>
      %dma_wait3A_55 = arith.constant 0 : i32
      %dma_wait3A_56 = tpu.memref_slice %arg10[%add3A_14, %dma_wait3A_55] : memref<10112x128xf32, #tpu.memory_space<vmem_shared>> -> memref<128x128xf32, #tpu.memory_space<vmem_shared>>
      tpu.wait_dma2 semaphore(%run_scoped3A : memref<!tpu.dma_semaphore, #tpu.memory_space<semaphore_mem>>) src(%arg8 : memref<128x128xf32, #tpu.memory_space<vmem>>) dst(%dma_wait3A_56 : memref<128x128xf32, #tpu.memory_space<vmem_shared>>)
      tpu.yield
    }) : () -> ()
    %mul3A_15 = arith.constant 632 : i32
    %mul3A_16 = arith.muli %arg1, %mul3A_15 : i32
    %add3A_17 = arith.constant 384 : i32
    %add3A_18 = arith.addi %mul3A_16, %add3A_17 : i32
    "tpu.region"() ({
      %run_scoped3A = tpu.sem_alloc : memref<!tpu.dma_semaphore, #tpu.memory_space<semaphore_mem>>
      %dma_start3A = arith.constant 0 : i32
      %dma_start3A_51 = tpu.memref_slice %arg10[%add3A_18, %dma_start3A] : memref<10112x128xf32, #tpu.memory_space<vmem_shared>> -> memref<128x128xf32, #tpu.memory_space<vmem_shared>>
      %dma_start3A_52 = arith.constant 0 : i32
      %dma_start3A_53 = tpu.memref_slice %arg10[%add3A_18, %dma_start3A_52] : memref<10112x128xf32, #tpu.memory_space<vmem_shared>> -> memref<128x128xf32, #tpu.memory_space<vmem_shared>>
      tpu.enqueue_dma source(%arg8 : memref<128x128xf32, #tpu.memory_space<vmem>>) target(%dma_start3A_53 : memref<128x128xf32, #tpu.memory_space<vmem_shared>>) target_semaphore(%run_scoped3A : memref<!tpu.dma_semaphore, #tpu.memory_space<semaphore_mem>>)
      %dma_wait3A = arith.constant 0 : i32
      %dma_wait3A_54 = tpu.memref_slice %arg10[%add3A_18, %dma_wait3A] : memref<10112x128xf32, #tpu.memory_space<vmem_shared>> -> memref<128x128xf32, #tpu.memory_space<vmem_shared>>
      %dma_wait3A_55 = arith.constant 0 : i32
      %dma_wait3A_56 = tpu.memref_slice %arg10[%add3A_18, %dma_wait3A_55] : memref<10112x128xf32, #tpu.memory_space<vmem_shared>> -> memref<128x128xf32, #tpu.memory_space<vmem_shared>>
      tpu.wait_dma2 semaphore(%run_scoped3A : memref<!tpu.dma_semaphore, #tpu.memory_space<semaphore_mem>>) src(%arg8 : memref<128x128xf32, #tpu.memory_space<vmem>>) dst(%dma_wait3A_56 : memref<128x128xf32, #tpu.memory_space<vmem_shared>>)
      tpu.yield
    }) : () -> ()
    %mul3A_19 = arith.constant 632 : i32
    %mul3A_20 = arith.muli %arg1, %mul3A_19 : i32
    %add3A_21 = arith.constant 512 : i32
    %add3A_22 = arith.addi %mul3A_20, %add3A_21 : i32
    "tpu.region"() ({
      %run_scoped3A = tpu.sem_alloc : memref<!tpu.dma_semaphore, #tpu.memory_space<semaphore_mem>>
      %dma_start3A = arith.constant 0 : i32
      %dma_start3A_51 = arith.constant 0 : i32
      %dma_start3A_52 = tpu.memref_slice %arg8[%dma_start3A, %dma_start3A_51] : memref<128x128xf32, #tpu.memory_space<vmem>> -> memref<120x128xf32, #tpu.memory_space<vmem>>
      %dma_start3A_53 = arith.constant 0 : i32
      %dma_start3A_54 = tpu.memref_slice %arg10[%add3A_22, %dma_start3A_53] : memref<10112x128xf32, #tpu.memory_space<vmem_shared>> -> memref<120x128xf32, #tpu.memory_space<vmem_shared>>
      %dma_start3A_55 = arith.constant 0 : i32
      %dma_start3A_56 = tpu.memref_slice %arg10[%add3A_22, %dma_start3A_55] : memref<10112x128xf32, #tpu.memory_space<vmem_shared>> -> memref<120x128xf32, #tpu.memory_space<vmem_shared>>
      %dma_start3A_57 = arith.constant 0 : i32
      %dma_start3A_58 = arith.constant 0 : i32
      %dma_start3A_59 = tpu.memref_slice %arg8[%dma_start3A_57, %dma_start3A_58] : memref<128x128xf32, #tpu.memory_space<vmem>> -> memref<120x128xf32, #tpu.memory_space<vmem>>
      tpu.enqueue_dma source(%dma_start3A_59 : memref<120x128xf32, #tpu.memory_space<vmem>>) target(%dma_start3A_56 : memref<120x128xf32, #tpu.memory_space<vmem_shared>>) target_semaphore(%run_scoped3A : memref<!tpu.dma_semaphore, #tpu.memory_space<semaphore_mem>>)
      %dma_wait3A = arith.constant 0 : i32
      %dma_wait3A_60 = arith.constant 0 : i32
      %dma_wait3A_61 = tpu.memref_slice %arg8[%dma_wait3A, %dma_wait3A_60] : memref<128x128xf32, #tpu.memory_space<vmem>> -> memref<120x128xf32, #tpu.memory_space<vmem>>
      %dma_wait3A_62 = arith.constant 0 : i32
      %dma_wait3A_63 = tpu.memref_slice %arg10[%add3A_22, %dma_wait3A_62] : memref<10112x128xf32, #tpu.memory_space<vmem_shared>> -> memref<120x128xf32, #tpu.memory_space<vmem_shared>>
      %dma_wait3A_64 = arith.constant 0 : i32
      %dma_wait3A_65 = tpu.memref_slice %arg10[%add3A_22, %dma_wait3A_64] : memref<10112x128xf32, #tpu.memory_space<vmem_shared>> -> memref<120x128xf32, #tpu.memory_space<vmem_shared>>
      %dma_wait3A_66 = arith.constant 0 : i32
      %dma_wait3A_67 = arith.constant 0 : i32
      %dma_wait3A_68 = tpu.memref_slice %arg8[%dma_wait3A_66, %dma_wait3A_67] : memref<128x128xf32, #tpu.memory_space<vmem>> -> memref<120x128xf32, #tpu.memory_space<vmem>>
      tpu.wait_dma2 semaphore(%run_scoped3A : memref<!tpu.dma_semaphore, #tpu.memory_space<semaphore_mem>>) src(%dma_wait3A_68 : memref<120x128xf32, #tpu.memory_space<vmem>>) dst(%dma_wait3A_65 : memref<120x128xf32, #tpu.memory_space<vmem_shared>>)
      tpu.yield
    }) : () -> ()
    %barrier3A = arith.constant 0 : index
    tpu.barrier barrier_id(%barrier3A)
    %eq3A = arith.constant 0 : i32
    %eq3A_23 = arith.cmpi eq, %arg0, %eq3A : i32
    %convert_element_type3A = arith.extui %eq3A_23 : i1 to i32
    %cond3A = arith.constant 0 : i32
    %cond3A_24 = arith.cmpi ne, %convert_element_type3A, %cond3A : i32
    scf.if %cond3A_24 {
      %mul3A_51 = arith.constant 152 : i32
      %mul3A_52 = arith.muli %arg1, %mul3A_51 : i32
      %scan3A_53 = arith.constant 0 : i32
      %scan3A_54 = arith.constant 0 : i32
      %scan3A_55 = arith.constant 19 : i32
      %scan3A_56 = arith.addi %scan3A_54, %scan3A_55 : i32
      %scan3A_57 = arith.constant 1 : i32
      scf.for %scan3A_59 = %scan3A_54 to %scan3A_56 step %scan3A_57  : i32 {
        %mul3A_60 = arith.constant 8 : i32
        %mul3A_61 = arith.muli %scan3A_59, %mul3A_60 : i32
        %add3A_62 = arith.addi %mul3A_52, %mul3A_61 : i32
        "tpu.region"() ({
          %run_scoped3A_183 = tpu.sem_alloc : memref<!tpu.dma_semaphore, #tpu.memory_space<semaphore_mem>>
          %dma_start3A_184 = arith.constant 0 : i32
          %dma_start3A_185 = tpu.memref_slice %arg3[%add3A_62, %dma_start3A_184] : memref<2560x128xi32, #tpu.memory_space<hbm>> -> memref<8x128xi32, #tpu.memory_space<hbm>>
          %dma_start3A_186 = arith.constant 0 : i32
          %dma_start3A_187 = tpu.memref_slice %arg3[%add3A_62, %dma_start3A_186] : memref<2560x128xi32, #tpu.memory_space<hbm>> -> memref<8x128xi32, #tpu.memory_space<hbm>>
          tpu.enqueue_dma source(%dma_start3A_187 : memref<8x128xi32, #tpu.memory_space<hbm>>) target(%arg6 : memref<8x128xi32, #tpu.memory_space<vmem>>) target_semaphore(%run_scoped3A_183 : memref<!tpu.dma_semaphore, #tpu.memory_space<semaphore_mem>>)
          %dma_wait3A_188 = arith.constant 0 : i32
          %dma_wait3A_189 = tpu.memref_slice %arg3[%add3A_62, %dma_wait3A_188] : memref<2560x128xi32, #tpu.memory_space<hbm>> -> memref<8x128xi32, #tpu.memory_space<hbm>>
          %dma_wait3A_190 = arith.constant 0 : i32
          %dma_wait3A_191 = tpu.memref_slice %arg3[%add3A_62, %dma_wait3A_190] : memref<2560x128xi32, #tpu.memory_space<hbm>> -> memref<8x128xi32, #tpu.memory_space<hbm>>
          tpu.wait_dma2 semaphore(%run_scoped3A_183 : memref<!tpu.dma_semaphore, #tpu.memory_space<semaphore_mem>>) src(%dma_wait3A_191 : memref<8x128xi32, #tpu.memory_space<hbm>>) dst(%arg6 : memref<8x128xi32, #tpu.memory_space<vmem>>)
          tpu.yield
        }) : () -> ()
        %mul3A_63 = arith.constant 8 : i32
        %mul3A_64 = arith.muli %scan3A_59, %mul3A_63 : i32
        %add3A_65 = arith.addi %mul3A_52, %mul3A_64 : i32
        "tpu.region"() ({
          %run_scoped3A_183 = tpu.sem_alloc : memref<!tpu.dma_semaphore, #tpu.memory_space<semaphore_mem>>
          %dma_start3A_184 = arith.constant 0 : i32
          %dma_start3A_185 = tpu.memref_slice %arg4[%add3A_65, %dma_start3A_184] : memref<2560x128xi32, #tpu.memory_space<hbm>> -> memref<8x128xi32, #tpu.memory_space<hbm>>
          %dma_start3A_186 = arith.constant 0 : i32
          %dma_start3A_187 = tpu.memref_slice %arg4[%add3A_65, %dma_start3A_186] : memref<2560x128xi32, #tpu.memory_space<hbm>> -> memref<8x128xi32, #tpu.memory_space<hbm>>
          tpu.enqueue_dma source(%dma_start3A_187 : memref<8x128xi32, #tpu.memory_space<hbm>>) target(%arg7 : memref<8x128xi32, #tpu.memory_space<vmem>>) target_semaphore(%run_scoped3A_183 : memref<!tpu.dma_semaphore, #tpu.memory_space<semaphore_mem>>)
          %dma_wait3A_188 = arith.constant 0 : i32
          %dma_wait3A_189 = tpu.memref_slice %arg4[%add3A_65, %dma_wait3A_188] : memref<2560x128xi32, #tpu.memory_space<hbm>> -> memref<8x128xi32, #tpu.memory_space<hbm>>
          %dma_wait3A_190 = arith.constant 0 : i32
          %dma_wait3A_191 = tpu.memref_slice %arg4[%add3A_65, %dma_wait3A_190] : memref<2560x128xi32, #tpu.memory_space<hbm>> -> memref<8x128xi32, #tpu.memory_space<hbm>>
          tpu.wait_dma2 semaphore(%run_scoped3A_183 : memref<!tpu.dma_semaphore, #tpu.memory_space<semaphore_mem>>) src(%dma_wait3A_191 : memref<8x128xi32, #tpu.memory_space<hbm>>) dst(%arg7 : memref<8x128xi32, #tpu.memory_space<vmem>>)
          tpu.yield
        }) : () -> ()
        %dma_start3A = arith.constant 0 : i32
        %dma_start3A_66 = arith.constant 0 : i32
        %dma_start3A_67 = tpu.memref_slice %arg6[%dma_start3A, %dma_start3A_66] : memref<8x128xi32, #tpu.memory_space<vmem>> -> memref<1x128xi32, #tpu.memory_space<vmem>>
        %dma_start3A_68 = tpu.memref_squeeze %dma_start3A_67 : memref<1x128xi32, #tpu.memory_space<vmem>> -> memref<128xi32, #tpu.memory_space<vmem>>
        %dma_start3A_69 = arith.constant 0 : i32
        %dma_start3A_70 = arith.constant 0 : i32
        %dma_start3A_71 = tpu.memref_slice %arg2[%dma_start3A_69, %dma_start3A_70] : memref<10000x128xf32, #tpu.memory_space<hbm>> -> memref<10000x128xf32, #tpu.memory_space<hbm>>
        tpu.enqueue_indirect_dma source(%dma_start3A_71 : memref<10000x128xf32, #tpu.memory_space<hbm>>) target(%arg8 : memref<128x128xf32, #tpu.memory_space<vmem>>) offsets(%dma_start3A_68 : memref<128xi32, #tpu.memory_space<vmem>>) semaphore(%arg11 : memref<!tpu.dma_semaphore, #tpu.memory_space<semaphore_mem>>)
        %dma_start3A_72 = arith.constant 1 : i32
        %dma_start3A_73 = arith.constant 0 : i32
        %dma_start3A_74 = tpu.memref_slice %arg6[%dma_start3A_72, %dma_start3A_73] : memref<8x128xi32, #tpu.memory_space<vmem>> -> memref<1x128xi32, #tpu.memory_space<vmem>>
        %dma_start3A_75 = tpu.memref_squeeze %dma_start3A_74 : memref<1x128xi32, #tpu.memory_space<vmem>> -> memref<128xi32, #tpu.memory_space<vmem>>
        %dma_start3A_76 = arith.constant 0 : i32
        %dma_start3A_77 = arith.constant 0 : i32
        %dma_start3A_78 = tpu.memref_slice %arg2[%dma_start3A_76, %dma_start3A_77] : memref<10000x128xf32, #tpu.memory_space<hbm>> -> memref<10000x128xf32, #tpu.memory_space<hbm>>
        tpu.enqueue_indirect_dma source(%dma_start3A_78 : memref<10000x128xf32, #tpu.memory_space<hbm>>) target(%arg9 : memref<128x128xf32, #tpu.memory_space<vmem>>) offsets(%dma_start3A_75 : memref<128xi32, #tpu.memory_space<vmem>>) semaphore(%arg12 : memref<!tpu.dma_semaphore, #tpu.memory_space<semaphore_mem>>)
        %dma_wait3A = arith.constant 0 : i32
        %dma_wait3A_79 = arith.constant 0 : i32
        %dma_wait3A_80 = tpu.memref_slice %arg6[%dma_wait3A, %dma_wait3A_79] : memref<8x128xi32, #tpu.memory_space<vmem>> -> memref<1x128xi32, #tpu.memory_space<vmem>>
        %dma_wait3A_81 = tpu.memref_squeeze %dma_wait3A_80 : memref<1x128xi32, #tpu.memory_space<vmem>> -> memref<128xi32, #tpu.memory_space<vmem>>
        %dma_wait3A_82 = arith.constant 0 : i32
        %dma_wait3A_83 = arith.constant 0 : i32
        %dma_wait3A_84 = tpu.memref_slice %arg2[%dma_wait3A_82, %dma_wait3A_83] : memref<10000x128xf32, #tpu.memory_space<hbm>> -> memref<10000x128xf32, #tpu.memory_space<hbm>>
        tpu.wait_indirect_dma semaphore(%arg11 : memref<!tpu.dma_semaphore, #tpu.memory_space<semaphore_mem>>) src(%dma_wait3A_84 : memref<10000x128xf32, #tpu.memory_space<hbm>>) dst(%arg8 : memref<128x128xf32, #tpu.memory_space<vmem>>)
        %run_scoped3A = arith.constant 0 : i32
        "tpu.region"() ({
          %run_scoped3A_183 = tpu.sem_alloc : memref<!tpu.dma_semaphore, #tpu.memory_space<semaphore_mem>>
          %dma_start3A_184 = arith.constant 0 : i32
          %dma_start3A_185 = tpu.memref_slice %arg7[%run_scoped3A, %dma_start3A_184] : memref<8x128xi32, #tpu.memory_space<vmem>> -> memref<1x128xi32, #tpu.memory_space<vmem>>
          %dma_start3A_186 = tpu.memref_squeeze %dma_start3A_185 : memref<1x128xi32, #tpu.memory_space<vmem>> -> memref<128xi32, #tpu.memory_space<vmem>>
          %dma_start3A_187 = arith.constant 0 : i32
          %dma_start3A_188 = arith.constant 0 : i32
          %dma_start3A_189 = tpu.memref_slice %arg10[%dma_start3A_187, %dma_start3A_188] : memref<10112x128xf32, #tpu.memory_space<vmem_shared>> -> memref<10112x128xf32, #tpu.memory_space<vmem_shared>>
          tpu.enqueue_indirect_dma source(%arg8 : memref<128x128xf32, #tpu.memory_space<vmem>>) target(%dma_start3A_189 : memref<10112x128xf32, #tpu.memory_space<vmem_shared>>) offsets(%dma_start3A_186 : memref<128xi32, #tpu.memory_space<vmem>>) semaphore(%run_scoped3A_183 : memref<!tpu.dma_semaphore, #tpu.memory_space<semaphore_mem>>) {add = true}
          %dma_wait3A_190 = arith.constant 0 : i32
          %dma_wait3A_191 = tpu.memref_slice %arg7[%run_scoped3A, %dma_wait3A_190] : memref<8x128xi32, #tpu.memory_space<vmem>> -> memref<1x128xi32, #tpu.memory_space<vmem>>
          %dma_wait3A_192 = tpu.memref_squeeze %dma_wait3A_191 : memref<1x128xi32, #tpu.memory_space<vmem>> -> memref<128xi32, #tpu.memory_space<vmem>>
          %dma_wait3A_193 = arith.constant 0 : i32
          %dma_wait3A_194 = arith.constant 0 : i32
          %dma_wait3A_195 = tpu.memref_slice %arg10[%dma_wait3A_193, %dma_wait3A_194] : memref<10112x128xf32, #tpu.memory_space<vmem_shared>> -> memref<10112x128xf32, #tpu.memory_space<vmem_shared>>
          tpu.wait_indirect_dma semaphore(%run_scoped3A_183 : memref<!tpu.dma_semaphore, #tpu.memory_space<semaphore_mem>>) src(%arg8 : memref<128x128xf32, #tpu.memory_space<vmem>>) dst(%dma_wait3A_195 : memref<10112x128xf32, #tpu.memory_space<vmem_shared>>)
          tpu.yield
        }) : () -> ()
        %dma_start3A_85 = arith.constant 2 : i32
        %dma_start3A_86 = arith.constant 0 : i32
        %dma_start3A_87 = tpu.memref_slice %arg6[%dma_start3A_85, %dma_start3A_86] : memref<8x128xi32, #tpu.memory_space<vmem>> -> memref<1x128xi32, #tpu.memory_space<vmem>>
        %dma_start3A_88 = tpu.memref_squeeze %dma_start3A_87 : memref<1x128xi32, #tpu.memory_space<vmem>> -> memref<128xi32, #tpu.memory_space<vmem>>
        %dma_start3A_89 = arith.constant 0 : i32
        %dma_start3A_90 = arith.constant 0 : i32
        %dma_start3A_91 = tpu.memref_slice %arg2[%dma_start3A_89, %dma_start3A_90] : memref<10000x128xf32, #tpu.memory_space<hbm>> -> memref<10000x128xf32, #tpu.memory_space<hbm>>
        tpu.enqueue_indirect_dma source(%dma_start3A_91 : memref<10000x128xf32, #tpu.memory_space<hbm>>) target(%arg8 : memref<128x128xf32, #tpu.memory_space<vmem>>) offsets(%dma_start3A_88 : memref<128xi32, #tpu.memory_space<vmem>>) semaphore(%arg11 : memref<!tpu.dma_semaphore, #tpu.memory_space<semaphore_mem>>)
        %dma_wait3A_92 = arith.constant 1 : i32
        %dma_wait3A_93 = arith.constant 0 : i32
        %dma_wait3A_94 = tpu.memref_slice %arg6[%dma_wait3A_92, %dma_wait3A_93] : memref<8x128xi32, #tpu.memory_space<vmem>> -> memref<1x128xi32, #tpu.memory_space<vmem>>
        %dma_wait3A_95 = tpu.memref_squeeze %dma_wait3A_94 : memref<1x128xi32, #tpu.memory_space<vmem>> -> memref<128xi32, #tpu.memory_space<vmem>>
        %dma_wait3A_96 = arith.constant 0 : i32
        %dma_wait3A_97 = arith.constant 0 : i32
        %dma_wait3A_98 = tpu.memref_slice %arg2[%dma_wait3A_96, %dma_wait3A_97] : memref<10000x128xf32, #tpu.memory_space<hbm>> -> memref<10000x128xf32, #tpu.memory_space<hbm>>
        tpu.wait_indirect_dma semaphore(%arg12 : memref<!tpu.dma_semaphore, #tpu.memory_space<semaphore_mem>>) src(%dma_wait3A_98 : memref<10000x128xf32, #tpu.memory_space<hbm>>) dst(%arg9 : memref<128x128xf32, #tpu.memory_space<vmem>>)
        %run_scoped3A_99 = arith.constant 1 : i32
        "tpu.region"() ({
          %run_scoped3A_183 = tpu.sem_alloc : memref<!tpu.dma_semaphore, #tpu.memory_space<semaphore_mem>>
          %dma_start3A_184 = arith.constant 0 : i32
          %dma_start3A_185 = tpu.memref_slice %arg7[%run_scoped3A_99, %dma_start3A_184] : memref<8x128xi32, #tpu.memory_space<vmem>> -> memref<1x128xi32, #tpu.memory_space<vmem>>
          %dma_start3A_186 = tpu.memref_squeeze %dma_start3A_185 : memref<1x128xi32, #tpu.memory_space<vmem>> -> memref<128xi32, #tpu.memory_space<vmem>>
          %dma_start3A_187 = arith.constant 0 : i32
          %dma_start3A_188 = arith.constant 0 : i32
          %dma_start3A_189 = tpu.memref_slice %arg10[%dma_start3A_187, %dma_start3A_188] : memref<10112x128xf32, #tpu.memory_space<vmem_shared>> -> memref<10112x128xf32, #tpu.memory_space<vmem_shared>>
          tpu.enqueue_indirect_dma source(%arg9 : memref<128x128xf32, #tpu.memory_space<vmem>>) target(%dma_start3A_189 : memref<10112x128xf32, #tpu.memory_space<vmem_shared>>) offsets(%dma_start3A_186 : memref<128xi32, #tpu.memory_space<vmem>>) semaphore(%run_scoped3A_183 : memref<!tpu.dma_semaphore, #tpu.memory_space<semaphore_mem>>) {add = true}
          %dma_wait3A_190 = arith.constant 0 : i32
          %dma_wait3A_191 = tpu.memref_slice %arg7[%run_scoped3A_99, %dma_wait3A_190] : memref<8x128xi32, #tpu.memory_space<vmem>> -> memref<1x128xi32, #tpu.memory_space<vmem>>
          %dma_wait3A_192 = tpu.memref_squeeze %dma_wait3A_191 : memref<1x128xi32, #tpu.memory_space<vmem>> -> memref<128xi32, #tpu.memory_space<vmem>>
          %dma_wait3A_193 = arith.constant 0 : i32
          %dma_wait3A_194 = arith.constant 0 : i32
          %dma_wait3A_195 = tpu.memref_slice %arg10[%dma_wait3A_193, %dma_wait3A_194] : memref<10112x128xf32, #tpu.memory_space<vmem_shared>> -> memref<10112x128xf32, #tpu.memory_space<vmem_shared>>
          tpu.wait_indirect_dma semaphore(%run_scoped3A_183 : memref<!tpu.dma_semaphore, #tpu.memory_space<semaphore_mem>>) src(%arg9 : memref<128x128xf32, #tpu.memory_space<vmem>>) dst(%dma_wait3A_195 : memref<10112x128xf32, #tpu.memory_space<vmem_shared>>)
          tpu.yield
        }) : () -> ()
        %dma_start3A_100 = arith.constant 3 : i32
        %dma_start3A_101 = arith.constant 0 : i32
        %dma_start3A_102 = tpu.memref_slice %arg6[%dma_start3A_100, %dma_start3A_101] : memref<8x128xi32, #tpu.memory_space<vmem>> -> memref<1x128xi32, #tpu.memory_space<vmem>>
        %dma_start3A_103 = tpu.memref_squeeze %dma_start3A_102 : memref<1x128xi32, #tpu.memory_space<vmem>> -> memref<128xi32, #tpu.memory_space<vmem>>
        %dma_start3A_104 = arith.constant 0 : i32
        %dma_start3A_105 = arith.constant 0 : i32
        %dma_start3A_106 = tpu.memref_slice %arg2[%dma_start3A_104, %dma_start3A_105] : memref<10000x128xf32, #tpu.memory_space<hbm>> -> memref<10000x128xf32, #tpu.memory_space<hbm>>
        tpu.enqueue_indirect_dma source(%dma_start3A_106 : memref<10000x128xf32, #tpu.memory_space<hbm>>) target(%arg9 : memref<128x128xf32, #tpu.memory_space<vmem>>) offsets(%dma_start3A_103 : memref<128xi32, #tpu.memory_space<vmem>>) semaphore(%arg12 : memref<!tpu.dma_semaphore, #tpu.memory_space<semaphore_mem>>)
        %dma_wait3A_107 = arith.constant 2 : i32
        %dma_wait3A_108 = arith.constant 0 : i32
        %dma_wait3A_109 = tpu.memref_slice %arg6[%dma_wait3A_107, %dma_wait3A_108] : memref<8x128xi32, #tpu.memory_space<vmem>> -> memref<1x128xi32, #tpu.memory_space<vmem>>
        %dma_wait3A_110 = tpu.memref_squeeze %dma_wait3A_109 : memref<1x128xi32, #tpu.memory_space<vmem>> -> memref<128xi32, #tpu.memory_space<vmem>>
        %dma_wait3A_111 = arith.constant 0 : i32
        %dma_wait3A_112 = arith.constant 0 : i32
        %dma_wait3A_113 = tpu.memref_slice %arg2[%dma_wait3A_111, %dma_wait3A_112] : memref<10000x128xf32, #tpu.memory_space<hbm>> -> memref<10000x128xf32, #tpu.memory_space<hbm>>
        tpu.wait_indirect_dma semaphore(%arg11 : memref<!tpu.dma_semaphore, #tpu.memory_space<semaphore_mem>>) src(%dma_wait3A_113 : memref<10000x128xf32, #tpu.memory_space<hbm>>) dst(%arg8 : memref<128x128xf32, #tpu.memory_space<vmem>>)
        %run_scoped3A_114 = arith.constant 2 : i32
        "tpu.region"() ({
          %run_scoped3A_183 = tpu.sem_alloc : memref<!tpu.dma_semaphore, #tpu.memory_space<semaphore_mem>>
          %dma_start3A_184 = arith.constant 0 : i32
          %dma_start3A_185 = tpu.memref_slice %arg7[%run_scoped3A_114, %dma_start3A_184] : memref<8x128xi32, #tpu.memory_space<vmem>> -> memref<1x128xi32, #tpu.memory_space<vmem>>
          %dma_start3A_186 = tpu.memref_squeeze %dma_start3A_185 : memref<1x128xi32, #tpu.memory_space<vmem>> -> memref<128xi32, #tpu.memory_space<vmem>>
          %dma_start3A_187 = arith.constant 0 : i32
          %dma_start3A_188 = arith.constant 0 : i32
          %dma_start3A_189 = tpu.memref_slice %arg10[%dma_start3A_187, %dma_start3A_188] : memref<10112x128xf32, #tpu.memory_space<vmem_shared>> -> memref<10112x128xf32, #tpu.memory_space<vmem_shared>>
          tpu.enqueue_indirect_dma source(%arg8 : memref<128x128xf32, #tpu.memory_space<vmem>>) target(%dma_start3A_189 : memref<10112x128xf32, #tpu.memory_space<vmem_shared>>) offsets(%dma_start3A_186 : memref<128xi32, #tpu.memory_space<vmem>>) semaphore(%run_scoped3A_183 : memref<!tpu.dma_semaphore, #tpu.memory_space<semaphore_mem>>) {add = true}
          %dma_wait3A_190 = arith.constant 0 : i32
          %dma_wait3A_191 = tpu.memref_slice %arg7[%run_scoped3A_114, %dma_wait3A_190] : memref<8x128xi32, #tpu.memory_space<vmem>> -> memref<1x128xi32, #tpu.memory_space<vmem>>
          %dma_wait3A_192 = tpu.memref_squeeze %dma_wait3A_191 : memref<1x128xi32, #tpu.memory_space<vmem>> -> memref<128xi32, #tpu.memory_space<vmem>>
          %dma_wait3A_193 = arith.constant 0 : i32
          %dma_wait3A_194 = arith.constant 0 : i32
          %dma_wait3A_195 = tpu.memref_slice %arg10[%dma_wait3A_193, %dma_wait3A_194] : memref<10112x128xf32, #tpu.memory_space<vmem_shared>> -> memref<10112x128xf32, #tpu.memory_space<vmem_shared>>
          tpu.wait_indirect_dma semaphore(%run_scoped3A_183 : memref<!tpu.dma_semaphore, #tpu.memory_space<semaphore_mem>>) src(%arg8 : memref<128x128xf32, #tpu.memory_space<vmem>>) dst(%dma_wait3A_195 : memref<10112x128xf32, #tpu.memory_space<vmem_shared>>)
          tpu.yield
        }) : () -> ()
        %dma_start3A_115 = arith.constant 4 : i32
        %dma_start3A_116 = arith.constant 0 : i32
        %dma_start3A_117 = tpu.memref_slice %arg6[%dma_start3A_115, %dma_start3A_116] : memref<8x128xi32, #tpu.memory_space<vmem>> -> memref<1x128xi32, #tpu.memory_space<vmem>>
        %dma_start3A_118 = tpu.memref_squeeze %dma_start3A_117 : memref<1x128xi32, #tpu.memory_space<vmem>> -> memref<128xi32, #tpu.memory_space<vmem>>
        %dma_start3A_119 = arith.constant 0 : i32
        %dma_start3A_120 = arith.constant 0 : i32
        %dma_start3A_121 = tpu.memref_slice %arg2[%dma_start3A_119, %dma_start3A_120] : memref<10000x128xf32, #tpu.memory_space<hbm>> -> memref<10000x128xf32, #tpu.memory_space<hbm>>
        tpu.enqueue_indirect_dma source(%dma_start3A_121 : memref<10000x128xf32, #tpu.memory_space<hbm>>) target(%arg8 : memref<128x128xf32, #tpu.memory_space<vmem>>) offsets(%dma_start3A_118 : memref<128xi32, #tpu.memory_space<vmem>>) semaphore(%arg11 : memref<!tpu.dma_semaphore, #tpu.memory_space<semaphore_mem>>)
        %dma_wait3A_122 = arith.constant 3 : i32
        %dma_wait3A_123 = arith.constant 0 : i32
        %dma_wait3A_124 = tpu.memref_slice %arg6[%dma_wait3A_122, %dma_wait3A_123] : memref<8x128xi32, #tpu.memory_space<vmem>> -> memref<1x128xi32, #tpu.memory_space<vmem>>
        %dma_wait3A_125 = tpu.memref_squeeze %dma_wait3A_124 : memref<1x128xi32, #tpu.memory_space<vmem>> -> memref<128xi32, #tpu.memory_space<vmem>>
        %dma_wait3A_126 = arith.constant 0 : i32
        %dma_wait3A_127 = arith.constant 0 : i32
        %dma_wait3A_128 = tpu.memref_slice %arg2[%dma_wait3A_126, %dma_wait3A_127] : memref<10000x128xf32, #tpu.memory_space<hbm>> -> memref<10000x128xf32, #tpu.memory_space<hbm>>
        tpu.wait_indirect_dma semaphore(%arg12 : memref<!tpu.dma_semaphore, #tpu.memory_space<semaphore_mem>>) src(%dma_wait3A_128 : memref<10000x128xf32, #tpu.memory_space<hbm>>) dst(%arg9 : memref<128x128xf32, #tpu.memory_space<vmem>>)
        %run_scoped3A_129 = arith.constant 3 : i32
        "tpu.region"() ({
          %run_scoped3A_183 = tpu.sem_alloc : memref<!tpu.dma_semaphore, #tpu.memory_space<semaphore_mem>>
          %dma_start3A_184 = arith.constant 0 : i32
          %dma_start3A_185 = tpu.memref_slice %arg7[%run_scoped3A_129, %dma_start3A_184] : memref<8x128xi32, #tpu.memory_space<vmem>> -> memref<1x128xi32, #tpu.memory_space<vmem>>
          %dma_start3A_186 = tpu.memref_squeeze %dma_start3A_185 : memref<1x128xi32, #tpu.memory_space<vmem>> -> memref<128xi32, #tpu.memory_space<vmem>>
          %dma_start3A_187 = arith.constant 0 : i32
          %dma_start3A_188 = arith.constant 0 : i32
          %dma_start3A_189 = tpu.memref_slice %arg10[%dma_start3A_187, %dma_start3A_188] : memref<10112x128xf32, #tpu.memory_space<vmem_shared>> -> memref<10112x128xf32, #tpu.memory_space<vmem_shared>>
          tpu.enqueue_indirect_dma source(%arg9 : memref<128x128xf32, #tpu.memory_space<vmem>>) target(%dma_start3A_189 : memref<10112x128xf32, #tpu.memory_space<vmem_shared>>) offsets(%dma_start3A_186 : memref<128xi32, #tpu.memory_space<vmem>>) semaphore(%run_scoped3A_183 : memref<!tpu.dma_semaphore, #tpu.memory_space<semaphore_mem>>) {add = true}
          %dma_wait3A_190 = arith.constant 0 : i32
          %dma_wait3A_191 = tpu.memref_slice %arg7[%run_scoped3A_129, %dma_wait3A_190] : memref<8x128xi32, #tpu.memory_space<vmem>> -> memref<1x128xi32, #tpu.memory_space<vmem>>
          %dma_wait3A_192 = tpu.memref_squeeze %dma_wait3A_191 : memref<1x128xi32, #tpu.memory_space<vmem>> -> memref<128xi32, #tpu.memory_space<vmem>>
          %dma_wait3A_193 = arith.constant 0 : i32
          %dma_wait3A_194 = arith.constant 0 : i32
          %dma_wait3A_195 = tpu.memref_slice %arg10[%dma_wait3A_193, %dma_wait3A_194] : memref<10112x128xf32, #tpu.memory_space<vmem_shared>> -> memref<10112x128xf32, #tpu.memory_space<vmem_shared>>
          tpu.wait_indirect_dma semaphore(%run_scoped3A_183 : memref<!tpu.dma_semaphore, #tpu.memory_space<semaphore_mem>>) src(%arg9 : memref<128x128xf32, #tpu.memory_space<vmem>>) dst(%dma_wait3A_195 : memref<10112x128xf32, #tpu.memory_space<vmem_shared>>)
          tpu.yield
        }) : () -> ()
        %dma_start3A_130 = arith.constant 5 : i32
        %dma_start3A_131 = arith.constant 0 : i32
        %dma_start3A_132 = tpu.memref_slice %arg6[%dma_start3A_130, %dma_start3A_131] : memref<8x128xi32, #tpu.memory_space<vmem>> -> memref<1x128xi32, #tpu.memory_space<vmem>>
        %dma_start3A_133 = tpu.memref_squeeze %dma_start3A_132 : memref<1x128xi32, #tpu.memory_space<vmem>> -> memref<128xi32, #tpu.memory_space<vmem>>
        %dma_start3A_134 = arith.constant 0 : i32
        %dma_start3A_135 = arith.constant 0 : i32
        %dma_start3A_136 = tpu.memref_slice %arg2[%dma_start3A_134, %dma_start3A_135] : memref<10000x128xf32, #tpu.memory_space<hbm>> -> memref<10000x128xf32, #tpu.memory_space<hbm>>
        tpu.enqueue_indirect_dma source(%dma_start3A_136 : memref<10000x128xf32, #tpu.memory_space<hbm>>) target(%arg9 : memref<128x128xf32, #tpu.memory_space<vmem>>) offsets(%dma_start3A_133 : memref<128xi32, #tpu.memory_space<vmem>>) semaphore(%arg12 : memref<!tpu.dma_semaphore, #tpu.memory_space<semaphore_mem>>)
        %dma_wait3A_137 = arith.constant 4 : i32
        %dma_wait3A_138 = arith.constant 0 : i32
        %dma_wait3A_139 = tpu.memref_slice %arg6[%dma_wait3A_137, %dma_wait3A_138] : memref<8x128xi32, #tpu.memory_space<vmem>> -> memref<1x128xi32, #tpu.memory_space<vmem>>
        %dma_wait3A_140 = tpu.memref_squeeze %dma_wait3A_139 : memref<1x128xi32, #tpu.memory_space<vmem>> -> memref<128xi32, #tpu.memory_space<vmem>>
        %dma_wait3A_141 = arith.constant 0 : i32
        %dma_wait3A_142 = arith.constant 0 : i32
        %dma_wait3A_143 = tpu.memref_slice %arg2[%dma_wait3A_141, %dma_wait3A_142] : memref<10000x128xf32, #tpu.memory_space<hbm>> -> memref<10000x128xf32, #tpu.memory_space<hbm>>
        tpu.wait_indirect_dma semaphore(%arg11 : memref<!tpu.dma_semaphore, #tpu.memory_space<semaphore_mem>>) src(%dma_wait3A_143 : memref<10000x128xf32, #tpu.memory_space<hbm>>) dst(%arg8 : memref<128x128xf32, #tpu.memory_space<vmem>>)
        %run_scoped3A_144 = arith.constant 4 : i32
        "tpu.region"() ({
          %run_scoped3A_183 = tpu.sem_alloc : memref<!tpu.dma_semaphore, #tpu.memory_space<semaphore_mem>>
          %dma_start3A_184 = arith.constant 0 : i32
          %dma_start3A_185 = tpu.memref_slice %arg7[%run_scoped3A_144, %dma_start3A_184] : memref<8x128xi32, #tpu.memory_space<vmem>> -> memref<1x128xi32, #tpu.memory_space<vmem>>
          %dma_start3A_186 = tpu.memref_squeeze %dma_start3A_185 : memref<1x128xi32, #tpu.memory_space<vmem>> -> memref<128xi32, #tpu.memory_space<vmem>>
          %dma_start3A_187 = arith.constant 0 : i32
          %dma_start3A_188 = arith.constant 0 : i32
          %dma_start3A_189 = tpu.memref_slice %arg10[%dma_start3A_187, %dma_start3A_188] : memref<10112x128xf32, #tpu.memory_space<vmem_shared>> -> memref<10112x128xf32, #tpu.memory_space<vmem_shared>>
          tpu.enqueue_indirect_dma source(%arg8 : memref<128x128xf32, #tpu.memory_space<vmem>>) target(%dma_start3A_189 : memref<10112x128xf32, #tpu.memory_space<vmem_shared>>) offsets(%dma_start3A_186 : memref<128xi32, #tpu.memory_space<vmem>>) semaphore(%run_scoped3A_183 : memref<!tpu.dma_semaphore, #tpu.memory_space<semaphore_mem>>) {add = true}
          %dma_wait3A_190 = arith.constant 0 : i32
          %dma_wait3A_191 = tpu.memref_slice %arg7[%run_scoped3A_144, %dma_wait3A_190] : memref<8x128xi32, #tpu.memory_space<vmem>> -> memref<1x128xi32, #tpu.memory_space<vmem>>
          %dma_wait3A_192 = tpu.memref_squeeze %dma_wait3A_191 : memref<1x128xi32, #tpu.memory_space<vmem>> -> memref<128xi32, #tpu.memory_space<vmem>>
          %dma_wait3A_193 = arith.constant 0 : i32
          %dma_wait3A_194 = arith.constant 0 : i32
          %dma_wait3A_195 = tpu.memref_slice %arg10[%dma_wait3A_193, %dma_wait3A_194] : memref<10112x128xf32, #tpu.memory_space<vmem_shared>> -> memref<10112x128xf32, #tpu.memory_space<vmem_shared>>
          tpu.wait_indirect_dma semaphore(%run_scoped3A_183 : memref<!tpu.dma_semaphore, #tpu.memory_space<semaphore_mem>>) src(%arg8 : memref<128x128xf32, #tpu.memory_space<vmem>>) dst(%dma_wait3A_195 : memref<10112x128xf32, #tpu.memory_space<vmem_shared>>)
          tpu.yield
        }) : () -> ()
        %dma_start3A_145 = arith.constant 6 : i32
        %dma_start3A_146 = arith.constant 0 : i32
        %dma_start3A_147 = tpu.memref_slice %arg6[%dma_start3A_145, %dma_start3A_146] : memref<8x128xi32, #tpu.memory_space<vmem>> -> memref<1x128xi32, #tpu.memory_space<vmem>>
        %dma_start3A_148 = tpu.memref_squeeze %dma_start3A_147 : memref<1x128xi32, #tpu.memory_space<vmem>> -> memref<128xi32, #tpu.memory_space<vmem>>
        %dma_start3A_149 = arith.constant 0 : i32
        %dma_start3A_150 = arith.constant 0 : i32
        %dma_start3A_151 = tpu.memref_slice %arg2[%dma_start3A_149, %dma_start3A_150] : memref<10000x128xf32, #tpu.memory_space<hbm>> -> memref<10000x128xf32, #tpu.memory_space<hbm>>
        tpu.enqueue_indirect_dma source(%dma_start3A_151 : memref<10000x128xf32, #tpu.memory_space<hbm>>) target(%arg8 : memref<128x128xf32, #tpu.memory_space<vmem>>) offsets(%dma_start3A_148 : memref<128xi32, #tpu.memory_space<vmem>>) semaphore(%arg11 : memref<!tpu.dma_semaphore, #tpu.memory_space<semaphore_mem>>)
        %dma_wait3A_152 = arith.constant 5 : i32
        %dma_wait3A_153 = arith.constant 0 : i32
        %dma_wait3A_154 = tpu.memref_slice %arg6[%dma_wait3A_152, %dma_wait3A_153] : memref<8x128xi32, #tpu.memory_space<vmem>> -> memref<1x128xi32, #tpu.memory_space<vmem>>
        %dma_wait3A_155 = tpu.memref_squeeze %dma_wait3A_154 : memref<1x128xi32, #tpu.memory_space<vmem>> -> memref<128xi32, #tpu.memory_space<vmem>>
        %dma_wait3A_156 = arith.constant 0 : i32
        %dma_wait3A_157 = arith.constant 0 : i32
        %dma_wait3A_158 = tpu.memref_slice %arg2[%dma_wait3A_156, %dma_wait3A_157] : memref<10000x128xf32, #tpu.memory_space<hbm>> -> memref<10000x128xf32, #tpu.memory_space<hbm>>
        tpu.wait_indirect_dma semaphore(%arg12 : memref<!tpu.dma_semaphore, #tpu.memory_space<semaphore_mem>>) src(%dma_wait3A_158 : memref<10000x128xf32, #tpu.memory_space<hbm>>) dst(%arg9 : memref<128x128xf32, #tpu.memory_space<vmem>>)
        %run_scoped3A_159 = arith.constant 5 : i32
        "tpu.region"() ({
          %run_scoped3A_183 = tpu.sem_alloc : memref<!tpu.dma_semaphore, #tpu.memory_space<semaphore_mem>>
          %dma_start3A_184 = arith.constant 0 : i32
          %dma_start3A_185 = tpu.memref_slice %arg7[%run_scoped3A_159, %dma_start3A_184] : memref<8x128xi32, #tpu.memory_space<vmem>> -> memref<1x128xi32, #tpu.memory_space<vmem>>
          %dma_start3A_186 = tpu.memref_squeeze %dma_start3A_185 : memref<1x128xi32, #tpu.memory_space<vmem>> -> memref<128xi32, #tpu.memory_space<vmem>>
          %dma_start3A_187 = arith.constant 0 : i32
          %dma_start3A_188 = arith.constant 0 : i32
          %dma_start3A_189 = tpu.memref_slice %arg10[%dma_start3A_187, %dma_start3A_188] : memref<10112x128xf32, #tpu.memory_space<vmem_shared>> -> memref<10112x128xf32, #tpu.memory_space<vmem_shared>>
          tpu.enqueue_indirect_dma source(%arg9 : memref<128x128xf32, #tpu.memory_space<vmem>>) target(%dma_start3A_189 : memref<10112x128xf32, #tpu.memory_space<vmem_shared>>) offsets(%dma_start3A_186 : memref<128xi32, #tpu.memory_space<vmem>>) semaphore(%run_scoped3A_183 : memref<!tpu.dma_semaphore, #tpu.memory_space<semaphore_mem>>) {add = true}
          %dma_wait3A_190 = arith.constant 0 : i32
          %dma_wait3A_191 = tpu.memref_slice %arg7[%run_scoped3A_159, %dma_wait3A_190] : memref<8x128xi32, #tpu.memory_space<vmem>> -> memref<1x128xi32, #tpu.memory_space<vmem>>
          %dma_wait3A_192 = tpu.memref_squeeze %dma_wait3A_191 : memref<1x128xi32, #tpu.memory_space<vmem>> -> memref<128xi32, #tpu.memory_space<vmem>>
          %dma_wait3A_193 = arith.constant 0 : i32
          %dma_wait3A_194 = arith.constant 0 : i32
          %dma_wait3A_195 = tpu.memref_slice %arg10[%dma_wait3A_193, %dma_wait3A_194] : memref<10112x128xf32, #tpu.memory_space<vmem_shared>> -> memref<10112x128xf32, #tpu.memory_space<vmem_shared>>
          tpu.wait_indirect_dma semaphore(%run_scoped3A_183 : memref<!tpu.dma_semaphore, #tpu.memory_space<semaphore_mem>>) src(%arg9 : memref<128x128xf32, #tpu.memory_space<vmem>>) dst(%dma_wait3A_195 : memref<10112x128xf32, #tpu.memory_space<vmem_shared>>)
          tpu.yield
        }) : () -> ()
        %dma_start3A_160 = arith.constant 7 : i32
        %dma_start3A_161 = arith.constant 0 : i32
        %dma_start3A_162 = tpu.memref_slice %arg6[%dma_start3A_160, %dma_start3A_161] : memref<8x128xi32, #tpu.memory_space<vmem>> -> memref<1x128xi32, #tpu.memory_space<vmem>>
        %dma_start3A_163 = tpu.memref_squeeze %dma_start3A_162 : memref<1x128xi32, #tpu.memory_space<vmem>> -> memref<128xi32, #tpu.memory_space<vmem>>
        %dma_start3A_164 = arith.constant 0 : i32
        %dma_start3A_165 = arith.constant 0 : i32
        %dma_start3A_166 = tpu.memref_slice %arg2[%dma_start3A_164, %dma_start3A_165] : memref<10000x128xf32, #tpu.memory_space<hbm>> -> memref<10000x128xf32, #tpu.memory_space<hbm>>
        tpu.enqueue_indirect_dma source(%dma_start3A_166 : memref<10000x128xf32, #tpu.memory_space<hbm>>) target(%arg9 : memref<128x128xf32, #tpu.memory_space<vmem>>) offsets(%dma_start3A_163 : memref<128xi32, #tpu.memory_space<vmem>>) semaphore(%arg12 : memref<!tpu.dma_semaphore, #tpu.memory_space<semaphore_mem>>)
        %dma_wait3A_167 = arith.constant 6 : i32
        %dma_wait3A_168 = arith.constant 0 : i32
        %dma_wait3A_169 = tpu.memref_slice %arg6[%dma_wait3A_167, %dma_wait3A_168] : memref<8x128xi32, #tpu.memory_space<vmem>> -> memref<1x128xi32, #tpu.memory_space<vmem>>
        %dma_wait3A_170 = tpu.memref_squeeze %dma_wait3A_169 : memref<1x128xi32, #tpu.memory_space<vmem>> -> memref<128xi32, #tpu.memory_space<vmem>>
        %dma_wait3A_171 = arith.constant 0 : i32
        %dma_wait3A_172 = arith.constant 0 : i32
        %dma_wait3A_173 = tpu.memref_slice %arg2[%dma_wait3A_171, %dma_wait3A_172] : memref<10000x128xf32, #tpu.memory_space<hbm>> -> memref<10000x128xf32, #tpu.memory_space<hbm>>
        tpu.wait_indirect_dma semaphore(%arg11 : memref<!tpu.dma_semaphore, #tpu.memory_space<semaphore_mem>>) src(%dma_wait3A_173 : memref<10000x128xf32, #tpu.memory_space<hbm>>) dst(%arg8 : memref<128x128xf32, #tpu.memory_space<vmem>>)
        %run_scoped3A_174 = arith.constant 6 : i32
        "tpu.region"() ({
          %run_scoped3A_183 = tpu.sem_alloc : memref<!tpu.dma_semaphore, #tpu.memory_space<semaphore_mem>>
          %dma_start3A_184 = arith.constant 0 : i32
          %dma_start3A_185 = tpu.memref_slice %arg7[%run_scoped3A_174, %dma_start3A_184] : memref<8x128xi32, #tpu.memory_space<vmem>> -> memref<1x128xi32, #tpu.memory_space<vmem>>
          %dma_start3A_186 = tpu.memref_squeeze %dma_start3A_185 : memref<1x128xi32, #tpu.memory_space<vmem>> -> memref<128xi32, #tpu.memory_space<vmem>>
          %dma_start3A_187 = arith.constant 0 : i32
          %dma_start3A_188 = arith.constant 0 : i32
          %dma_start3A_189 = tpu.memref_slice %arg10[%dma_start3A_187, %dma_start3A_188] : memref<10112x128xf32, #tpu.memory_space<vmem_shared>> -> memref<10112x128xf32, #tpu.memory_space<vmem_shared>>
          tpu.enqueue_indirect_dma source(%arg8 : memref<128x128xf32, #tpu.memory_space<vmem>>) target(%dma_start3A_189 : memref<10112x128xf32, #tpu.memory_space<vmem_shared>>) offsets(%dma_start3A_186 : memref<128xi32, #tpu.memory_space<vmem>>) semaphore(%run_scoped3A_183 : memref<!tpu.dma_semaphore, #tpu.memory_space<semaphore_mem>>) {add = true}
          %dma_wait3A_190 = arith.constant 0 : i32
          %dma_wait3A_191 = tpu.memref_slice %arg7[%run_scoped3A_174, %dma_wait3A_190] : memref<8x128xi32, #tpu.memory_space<vmem>> -> memref<1x128xi32, #tpu.memory_space<vmem>>
          %dma_wait3A_192 = tpu.memref_squeeze %dma_wait3A_191 : memref<1x128xi32, #tpu.memory_space<vmem>> -> memref<128xi32, #tpu.memory_space<vmem>>
          %dma_wait3A_193 = arith.constant 0 : i32
          %dma_wait3A_194 = arith.constant 0 : i32
          %dma_wait3A_195 = tpu.memref_slice %arg10[%dma_wait3A_193, %dma_wait3A_194] : memref<10112x128xf32, #tpu.memory_space<vmem_shared>> -> memref<10112x128xf32, #tpu.memory_space<vmem_shared>>
          tpu.wait_indirect_dma semaphore(%run_scoped3A_183 : memref<!tpu.dma_semaphore, #tpu.memory_space<semaphore_mem>>) src(%arg8 : memref<128x128xf32, #tpu.memory_space<vmem>>) dst(%dma_wait3A_195 : memref<10112x128xf32, #tpu.memory_space<vmem_shared>>)
          tpu.yield
        }) : () -> ()
        %dma_wait3A_175 = arith.constant 7 : i32
        %dma_wait3A_176 = arith.constant 0 : i32
        %dma_wait3A_177 = tpu.memref_slice %arg6[%dma_wait3A_175, %dma_wait3A_176] : memref<8x128xi32, #tpu.memory_space<vmem>> -> memref<1x128xi32, #tpu.memory_space<vmem>>
        %dma_wait3A_178 = tpu.memref_squeeze %dma_wait3A_177 : memref<1x128xi32, #tpu.memory_space<vmem>> -> memref<128xi32, #tpu.memory_space<vmem>>
        %dma_wait3A_179 = arith.constant 0 : i32
        %dma_wait3A_180 = arith.constant 0 : i32
        %dma_wait3A_181 = tpu.memref_slice %arg2[%dma_wait3A_179, %dma_wait3A_180] : memref<10000x128xf32, #tpu.memory_space<hbm>> -> memref<10000x128xf32, #tpu.memory_space<hbm>>
        tpu.wait_indirect_dma semaphore(%arg12 : memref<!tpu.dma_semaphore, #tpu.memory_space<semaphore_mem>>) src(%dma_wait3A_181 : memref<10000x128xf32, #tpu.memory_space<hbm>>) dst(%arg9 : memref<128x128xf32, #tpu.memory_space<vmem>>)
        %run_scoped3A_182 = arith.constant 7 : i32
        "tpu.region"() ({
          %run_scoped3A_183 = tpu.sem_alloc : memref<!tpu.dma_semaphore, #tpu.memory_space<semaphore_mem>>
          %dma_start3A_184 = arith.constant 0 : i32
          %dma_start3A_185 = tpu.memref_slice %arg7[%run_scoped3A_182, %dma_start3A_184] : memref<8x128xi32, #tpu.memory_space<vmem>> -> memref<1x128xi32, #tpu.memory_space<vmem>>
          %dma_start3A_186 = tpu.memref_squeeze %dma_start3A_185 : memref<1x128xi32, #tpu.memory_space<vmem>> -> memref<128xi32, #tpu.memory_space<vmem>>
          %dma_start3A_187 = arith.constant 0 : i32
          %dma_start3A_188 = arith.constant 0 : i32
          %dma_start3A_189 = tpu.memref_slice %arg10[%dma_start3A_187, %dma_start3A_188] : memref<10112x128xf32, #tpu.memory_space<vmem_shared>> -> memref<10112x128xf32, #tpu.memory_space<vmem_shared>>
          tpu.enqueue_indirect_dma source(%arg9 : memref<128x128xf32, #tpu.memory_space<vmem>>) target(%dma_start3A_189 : memref<10112x128xf32, #tpu.memory_space<vmem_shared>>) offsets(%dma_start3A_186 : memref<128xi32, #tpu.memory_space<vmem>>) semaphore(%run_scoped3A_183 : memref<!tpu.dma_semaphore, #tpu.memory_space<semaphore_mem>>) {add = true}
          %dma_wait3A_190 = arith.constant 0 : i32
          %dma_wait3A_191 = tpu.memref_slice %arg7[%run_scoped3A_182, %dma_wait3A_190] : memref<8x128xi32, #tpu.memory_space<vmem>> -> memref<1x128xi32, #tpu.memory_space<vmem>>
          %dma_wait3A_192 = tpu.memref_squeeze %dma_wait3A_191 : memref<1x128xi32, #tpu.memory_space<vmem>> -> memref<128xi32, #tpu.memory_space<vmem>>
          %dma_wait3A_193 = arith.constant 0 : i32
          %dma_wait3A_194 = arith.constant 0 : i32
          %dma_wait3A_195 = tpu.memref_slice %arg10[%dma_wait3A_193, %dma_wait3A_194] : memref<10112x128xf32, #tpu.memory_space<vmem_shared>> -> memref<10112x128xf32, #tpu.memory_space<vmem_shared>>
          tpu.wait_indirect_dma semaphore(%run_scoped3A_183 : memref<!tpu.dma_semaphore, #tpu.memory_space<semaphore_mem>>) src(%arg9 : memref<128x128xf32, #tpu.memory_space<vmem>>) dst(%dma_wait3A_195 : memref<10112x128xf32, #tpu.memory_space<vmem_shared>>)
          tpu.yield
        }) : () -> ()
      }
      %scan3A_58 = arith.constant 19 : i32
    } else {
    }
    %eq3A_25 = arith.constant 1 : i32
    %eq3A_26 = arith.cmpi eq, %arg0, %eq3A_25 : i32
    %convert_element_type3A_27 = arith.extui %eq3A_26 : i1 to i32
    %cond3A_28 = arith.constant 0 : i32
    %cond3A_29 = arith.cmpi ne, %convert_element_type3A_27, %cond3A_28 : i32
    scf.if %cond3A_29 {
      %mul3A_51 = arith.constant 8 : i32
      %mul3A_52 = arith.muli %arg1, %mul3A_51 : i32
      %add3A_53 = arith.constant 2432 : i32
      %add3A_54 = arith.addi %add3A_53, %mul3A_52 : i32
      %scan3A_55 = arith.constant 0 : i32
      %scan3A_56 = arith.constant 0 : i32
      %mul3A_57 = arith.constant 8 : i32
      %mul3A_58 = arith.muli %scan3A_56, %mul3A_57 : i32
      %add3A_59 = arith.addi %add3A_54, %mul3A_58 : i32
      "tpu.region"() ({
        %run_scoped3A_181 = tpu.sem_alloc : memref<!tpu.dma_semaphore, #tpu.memory_space<semaphore_mem>>
        %dma_start3A_182 = arith.constant 0 : i32
        %dma_start3A_183 = tpu.memref_slice %arg3[%add3A_59, %dma_start3A_182] : memref<2560x128xi32, #tpu.memory_space<hbm>> -> memref<8x128xi32, #tpu.memory_space<hbm>>
        %dma_start3A_184 = arith.constant 0 : i32
        %dma_start3A_185 = tpu.memref_slice %arg3[%add3A_59, %dma_start3A_184] : memref<2560x128xi32, #tpu.memory_space<hbm>> -> memref<8x128xi32, #tpu.memory_space<hbm>>
        tpu.enqueue_dma source(%dma_start3A_185 : memref<8x128xi32, #tpu.memory_space<hbm>>) target(%arg6 : memref<8x128xi32, #tpu.memory_space<vmem>>) target_semaphore(%run_scoped3A_181 : memref<!tpu.dma_semaphore, #tpu.memory_space<semaphore_mem>>)
        %dma_wait3A_186 = arith.constant 0 : i32
        %dma_wait3A_187 = tpu.memref_slice %arg3[%add3A_59, %dma_wait3A_186] : memref<2560x128xi32, #tpu.memory_space<hbm>> -> memref<8x128xi32, #tpu.memory_space<hbm>>
        %dma_wait3A_188 = arith.constant 0 : i32
        %dma_wait3A_189 = tpu.memref_slice %arg3[%add3A_59, %dma_wait3A_188] : memref<2560x128xi32, #tpu.memory_space<hbm>> -> memref<8x128xi32, #tpu.memory_space<hbm>>
        tpu.wait_dma2 semaphore(%run_scoped3A_181 : memref<!tpu.dma_semaphore, #tpu.memory_space<semaphore_mem>>) src(%dma_wait3A_189 : memref<8x128xi32, #tpu.memory_space<hbm>>) dst(%arg6 : memref<8x128xi32, #tpu.memory_space<vmem>>)
        tpu.yield
      }) : () -> ()
      %mul3A_60 = arith.constant 8 : i32
      %mul3A_61 = arith.muli %scan3A_56, %mul3A_60 : i32
      %add3A_62 = arith.addi %add3A_54, %mul3A_61 : i32
      "tpu.region"() ({
        %run_scoped3A_181 = tpu.sem_alloc : memref<!tpu.dma_semaphore, #tpu.memory_space<semaphore_mem>>
        %dma_start3A_182 = arith.constant 0 : i32
        %dma_start3A_183 = tpu.memref_slice %arg4[%add3A_62, %dma_start3A_182] : memref<2560x128xi32, #tpu.memory_space<hbm>> -> memref<8x128xi32, #tpu.memory_space<hbm>>
        %dma_start3A_184 = arith.constant 0 : i32
        %dma_start3A_185 = tpu.memref_slice %arg4[%add3A_62, %dma_start3A_184] : memref<2560x128xi32, #tpu.memory_space<hbm>> -> memref<8x128xi32, #tpu.memory_space<hbm>>
        tpu.enqueue_dma source(%dma_start3A_185 : memref<8x128xi32, #tpu.memory_space<hbm>>) target(%arg7 : memref<8x128xi32, #tpu.memory_space<vmem>>) target_semaphore(%run_scoped3A_181 : memref<!tpu.dma_semaphore, #tpu.memory_space<semaphore_mem>>)
        %dma_wait3A_186 = arith.constant 0 : i32
        %dma_wait3A_187 = tpu.memref_slice %arg4[%add3A_62, %dma_wait3A_186] : memref<2560x128xi32, #tpu.memory_space<hbm>> -> memref<8x128xi32, #tpu.memory_space<hbm>>
        %dma_wait3A_188 = arith.constant 0 : i32
        %dma_wait3A_189 = tpu.memref_slice %arg4[%add3A_62, %dma_wait3A_188] : memref<2560x128xi32, #tpu.memory_space<hbm>> -> memref<8x128xi32, #tpu.memory_space<hbm>>
        tpu.wait_dma2 semaphore(%run_scoped3A_181 : memref<!tpu.dma_semaphore, #tpu.memory_space<semaphore_mem>>) src(%dma_wait3A_189 : memref<8x128xi32, #tpu.memory_space<hbm>>) dst(%arg7 : memref<8x128xi32, #tpu.memory_space<vmem>>)
        tpu.yield
      }) : () -> ()
      %dma_start3A = arith.constant 0 : i32
      %dma_start3A_63 = arith.constant 0 : i32
      %dma_start3A_64 = tpu.memref_slice %arg6[%dma_start3A, %dma_start3A_63] : memref<8x128xi32, #tpu.memory_space<vmem>> -> memref<1x128xi32, #tpu.memory_space<vmem>>
      %dma_start3A_65 = tpu.memref_squeeze %dma_start3A_64 : memref<1x128xi32, #tpu.memory_space<vmem>> -> memref<128xi32, #tpu.memory_space<vmem>>
      %dma_start3A_66 = arith.constant 0 : i32
      %dma_start3A_67 = arith.constant 0 : i32
      %dma_start3A_68 = tpu.memref_slice %arg2[%dma_start3A_66, %dma_start3A_67] : memref<10000x128xf32, #tpu.memory_space<hbm>> -> memref<10000x128xf32, #tpu.memory_space<hbm>>
      tpu.enqueue_indirect_dma source(%dma_start3A_68 : memref<10000x128xf32, #tpu.memory_space<hbm>>) target(%arg8 : memref<128x128xf32, #tpu.memory_space<vmem>>) offsets(%dma_start3A_65 : memref<128xi32, #tpu.memory_space<vmem>>) semaphore(%arg11 : memref<!tpu.dma_semaphore, #tpu.memory_space<semaphore_mem>>)
      %dma_start3A_69 = arith.constant 1 : i32
      %dma_start3A_70 = arith.constant 0 : i32
      %dma_start3A_71 = tpu.memref_slice %arg6[%dma_start3A_69, %dma_start3A_70] : memref<8x128xi32, #tpu.memory_space<vmem>> -> memref<1x128xi32, #tpu.memory_space<vmem>>
      %dma_start3A_72 = tpu.memref_squeeze %dma_start3A_71 : memref<1x128xi32, #tpu.memory_space<vmem>> -> memref<128xi32, #tpu.memory_space<vmem>>
      %dma_start3A_73 = arith.constant 0 : i32
      %dma_start3A_74 = arith.constant 0 : i32
      %dma_start3A_75 = tpu.memref_slice %arg2[%dma_start3A_73, %dma_start3A_74] : memref<10000x128xf32, #tpu.memory_space<hbm>> -> memref<10000x128xf32, #tpu.memory_space<hbm>>
      tpu.enqueue_indirect_dma source(%dma_start3A_75 : memref<10000x128xf32, #tpu.memory_space<hbm>>) target(%arg9 : memref<128x128xf32, #tpu.memory_space<vmem>>) offsets(%dma_start3A_72 : memref<128xi32, #tpu.memory_space<vmem>>) semaphore(%arg12 : memref<!tpu.dma_semaphore, #tpu.memory_space<semaphore_mem>>)
      %dma_wait3A = arith.constant 0 : i32
      %dma_wait3A_76 = arith.constant 0 : i32
      %dma_wait3A_77 = tpu.memref_slice %arg6[%dma_wait3A, %dma_wait3A_76] : memref<8x128xi32, #tpu.memory_space<vmem>> -> memref<1x128xi32, #tpu.memory_space<vmem>>
      %dma_wait3A_78 = tpu.memref_squeeze %dma_wait3A_77 : memref<1x128xi32, #tpu.memory_space<vmem>> -> memref<128xi32, #tpu.memory_space<vmem>>
      %dma_wait3A_79 = arith.constant 0 : i32
      %dma_wait3A_80 = arith.constant 0 : i32
      %dma_wait3A_81 = tpu.memref_slice %arg2[%dma_wait3A_79, %dma_wait3A_80] : memref<10000x128xf32, #tpu.memory_space<hbm>> -> memref<10000x128xf32, #tpu.memory_space<hbm>>
      tpu.wait_indirect_dma semaphore(%arg11 : memref<!tpu.dma_semaphore, #tpu.memory_space<semaphore_mem>>) src(%dma_wait3A_81 : memref<10000x128xf32, #tpu.memory_space<hbm>>) dst(%arg8 : memref<128x128xf32, #tpu.memory_space<vmem>>)
      %run_scoped3A = arith.constant 0 : i32
      "tpu.region"() ({
        %run_scoped3A_181 = tpu.sem_alloc : memref<!tpu.dma_semaphore, #tpu.memory_space<semaphore_mem>>
        %dma_start3A_182 = arith.constant 0 : i32
        %dma_start3A_183 = tpu.memref_slice %arg7[%run_scoped3A, %dma_start3A_182] : memref<8x128xi32, #tpu.memory_space<vmem>> -> memref<1x128xi32, #tpu.memory_space<vmem>>
        %dma_start3A_184 = tpu.memref_squeeze %dma_start3A_183 : memref<1x128xi32, #tpu.memory_space<vmem>> -> memref<128xi32, #tpu.memory_space<vmem>>
        %dma_start3A_185 = arith.constant 0 : i32
        %dma_start3A_186 = arith.constant 0 : i32
        %dma_start3A_187 = tpu.memref_slice %arg10[%dma_start3A_185, %dma_start3A_186] : memref<10112x128xf32, #tpu.memory_space<vmem_shared>> -> memref<10112x128xf32, #tpu.memory_space<vmem_shared>>
        tpu.enqueue_indirect_dma source(%arg8 : memref<128x128xf32, #tpu.memory_space<vmem>>) target(%dma_start3A_187 : memref<10112x128xf32, #tpu.memory_space<vmem_shared>>) offsets(%dma_start3A_184 : memref<128xi32, #tpu.memory_space<vmem>>) semaphore(%run_scoped3A_181 : memref<!tpu.dma_semaphore, #tpu.memory_space<semaphore_mem>>) {add = true}
        %dma_wait3A_188 = arith.constant 0 : i32
        %dma_wait3A_189 = tpu.memref_slice %arg7[%run_scoped3A, %dma_wait3A_188] : memref<8x128xi32, #tpu.memory_space<vmem>> -> memref<1x128xi32, #tpu.memory_space<vmem>>
        %dma_wait3A_190 = tpu.memref_squeeze %dma_wait3A_189 : memref<1x128xi32, #tpu.memory_space<vmem>> -> memref<128xi32, #tpu.memory_space<vmem>>
        %dma_wait3A_191 = arith.constant 0 : i32
        %dma_wait3A_192 = arith.constant 0 : i32
        %dma_wait3A_193 = tpu.memref_slice %arg10[%dma_wait3A_191, %dma_wait3A_192] : memref<10112x128xf32, #tpu.memory_space<vmem_shared>> -> memref<10112x128xf32, #tpu.memory_space<vmem_shared>>
        tpu.wait_indirect_dma semaphore(%run_scoped3A_181 : memref<!tpu.dma_semaphore, #tpu.memory_space<semaphore_mem>>) src(%arg8 : memref<128x128xf32, #tpu.memory_space<vmem>>) dst(%dma_wait3A_193 : memref<10112x128xf32, #tpu.memory_space<vmem_shared>>)
        tpu.yield
      }) : () -> ()
      %dma_start3A_82 = arith.constant 2 : i32
      %dma_start3A_83 = arith.constant 0 : i32
      %dma_start3A_84 = tpu.memref_slice %arg6[%dma_start3A_82, %dma_start3A_83] : memref<8x128xi32, #tpu.memory_space<vmem>> -> memref<1x128xi32, #tpu.memory_space<vmem>>
      %dma_start3A_85 = tpu.memref_squeeze %dma_start3A_84 : memref<1x128xi32, #tpu.memory_space<vmem>> -> memref<128xi32, #tpu.memory_space<vmem>>
      %dma_start3A_86 = arith.constant 0 : i32
      %dma_start3A_87 = arith.constant 0 : i32
      %dma_start3A_88 = tpu.memref_slice %arg2[%dma_start3A_86, %dma_start3A_87] : memref<10000x128xf32, #tpu.memory_space<hbm>> -> memref<10000x128xf32, #tpu.memory_space<hbm>>
      tpu.enqueue_indirect_dma source(%dma_start3A_88 : memref<10000x128xf32, #tpu.memory_space<hbm>>) target(%arg8 : memref<128x128xf32, #tpu.memory_space<vmem>>) offsets(%dma_start3A_85 : memref<128xi32, #tpu.memory_space<vmem>>) semaphore(%arg11 : memref<!tpu.dma_semaphore, #tpu.memory_space<semaphore_mem>>)
      %dma_wait3A_89 = arith.constant 1 : i32
      %dma_wait3A_90 = arith.constant 0 : i32
      %dma_wait3A_91 = tpu.memref_slice %arg6[%dma_wait3A_89, %dma_wait3A_90] : memref<8x128xi32, #tpu.memory_space<vmem>> -> memref<1x128xi32, #tpu.memory_space<vmem>>
      %dma_wait3A_92 = tpu.memref_squeeze %dma_wait3A_91 : memref<1x128xi32, #tpu.memory_space<vmem>> -> memref<128xi32, #tpu.memory_space<vmem>>
      %dma_wait3A_93 = arith.constant 0 : i32
      %dma_wait3A_94 = arith.constant 0 : i32
      %dma_wait3A_95 = tpu.memref_slice %arg2[%dma_wait3A_93, %dma_wait3A_94] : memref<10000x128xf32, #tpu.memory_space<hbm>> -> memref<10000x128xf32, #tpu.memory_space<hbm>>
      tpu.wait_indirect_dma semaphore(%arg12 : memref<!tpu.dma_semaphore, #tpu.memory_space<semaphore_mem>>) src(%dma_wait3A_95 : memref<10000x128xf32, #tpu.memory_space<hbm>>) dst(%arg9 : memref<128x128xf32, #tpu.memory_space<vmem>>)
      %run_scoped3A_96 = arith.constant 1 : i32
      "tpu.region"() ({
        %run_scoped3A_181 = tpu.sem_alloc : memref<!tpu.dma_semaphore, #tpu.memory_space<semaphore_mem>>
        %dma_start3A_182 = arith.constant 0 : i32
        %dma_start3A_183 = tpu.memref_slice %arg7[%run_scoped3A_96, %dma_start3A_182] : memref<8x128xi32, #tpu.memory_space<vmem>> -> memref<1x128xi32, #tpu.memory_space<vmem>>
        %dma_start3A_184 = tpu.memref_squeeze %dma_start3A_183 : memref<1x128xi32, #tpu.memory_space<vmem>> -> memref<128xi32, #tpu.memory_space<vmem>>
        %dma_start3A_185 = arith.constant 0 : i32
        %dma_start3A_186 = arith.constant 0 : i32
        %dma_start3A_187 = tpu.memref_slice %arg10[%dma_start3A_185, %dma_start3A_186] : memref<10112x128xf32, #tpu.memory_space<vmem_shared>> -> memref<10112x128xf32, #tpu.memory_space<vmem_shared>>
        tpu.enqueue_indirect_dma source(%arg9 : memref<128x128xf32, #tpu.memory_space<vmem>>) target(%dma_start3A_187 : memref<10112x128xf32, #tpu.memory_space<vmem_shared>>) offsets(%dma_start3A_184 : memref<128xi32, #tpu.memory_space<vmem>>) semaphore(%run_scoped3A_181 : memref<!tpu.dma_semaphore, #tpu.memory_space<semaphore_mem>>) {add = true}
        %dma_wait3A_188 = arith.constant 0 : i32
        %dma_wait3A_189 = tpu.memref_slice %arg7[%run_scoped3A_96, %dma_wait3A_188] : memref<8x128xi32, #tpu.memory_space<vmem>> -> memref<1x128xi32, #tpu.memory_space<vmem>>
        %dma_wait3A_190 = tpu.memref_squeeze %dma_wait3A_189 : memref<1x128xi32, #tpu.memory_space<vmem>> -> memref<128xi32, #tpu.memory_space<vmem>>
        %dma_wait3A_191 = arith.constant 0 : i32
        %dma_wait3A_192 = arith.constant 0 : i32
        %dma_wait3A_193 = tpu.memref_slice %arg10[%dma_wait3A_191, %dma_wait3A_192] : memref<10112x128xf32, #tpu.memory_space<vmem_shared>> -> memref<10112x128xf32, #tpu.memory_space<vmem_shared>>
        tpu.wait_indirect_dma semaphore(%run_scoped3A_181 : memref<!tpu.dma_semaphore, #tpu.memory_space<semaphore_mem>>) src(%arg9 : memref<128x128xf32, #tpu.memory_space<vmem>>) dst(%dma_wait3A_193 : memref<10112x128xf32, #tpu.memory_space<vmem_shared>>)
        tpu.yield
      }) : () -> ()
      %dma_start3A_97 = arith.constant 3 : i32
      %dma_start3A_98 = arith.constant 0 : i32
      %dma_start3A_99 = tpu.memref_slice %arg6[%dma_start3A_97, %dma_start3A_98] : memref<8x128xi32, #tpu.memory_space<vmem>> -> memref<1x128xi32, #tpu.memory_space<vmem>>
      %dma_start3A_100 = tpu.memref_squeeze %dma_start3A_99 : memref<1x128xi32, #tpu.memory_space<vmem>> -> memref<128xi32, #tpu.memory_space<vmem>>
      %dma_start3A_101 = arith.constant 0 : i32
      %dma_start3A_102 = arith.constant 0 : i32
      %dma_start3A_103 = tpu.memref_slice %arg2[%dma_start3A_101, %dma_start3A_102] : memref<10000x128xf32, #tpu.memory_space<hbm>> -> memref<10000x128xf32, #tpu.memory_space<hbm>>
      tpu.enqueue_indirect_dma source(%dma_start3A_103 : memref<10000x128xf32, #tpu.memory_space<hbm>>) target(%arg9 : memref<128x128xf32, #tpu.memory_space<vmem>>) offsets(%dma_start3A_100 : memref<128xi32, #tpu.memory_space<vmem>>) semaphore(%arg12 : memref<!tpu.dma_semaphore, #tpu.memory_space<semaphore_mem>>)
      %dma_wait3A_104 = arith.constant 2 : i32
      %dma_wait3A_105 = arith.constant 0 : i32
      %dma_wait3A_106 = tpu.memref_slice %arg6[%dma_wait3A_104, %dma_wait3A_105] : memref<8x128xi32, #tpu.memory_space<vmem>> -> memref<1x128xi32, #tpu.memory_space<vmem>>
      %dma_wait3A_107 = tpu.memref_squeeze %dma_wait3A_106 : memref<1x128xi32, #tpu.memory_space<vmem>> -> memref<128xi32, #tpu.memory_space<vmem>>
      %dma_wait3A_108 = arith.constant 0 : i32
      %dma_wait3A_109 = arith.constant 0 : i32
      %dma_wait3A_110 = tpu.memref_slice %arg2[%dma_wait3A_108, %dma_wait3A_109] : memref<10000x128xf32, #tpu.memory_space<hbm>> -> memref<10000x128xf32, #tpu.memory_space<hbm>>
      tpu.wait_indirect_dma semaphore(%arg11 : memref<!tpu.dma_semaphore, #tpu.memory_space<semaphore_mem>>) src(%dma_wait3A_110 : memref<10000x128xf32, #tpu.memory_space<hbm>>) dst(%arg8 : memref<128x128xf32, #tpu.memory_space<vmem>>)
      %run_scoped3A_111 = arith.constant 2 : i32
      "tpu.region"() ({
        %run_scoped3A_181 = tpu.sem_alloc : memref<!tpu.dma_semaphore, #tpu.memory_space<semaphore_mem>>
        %dma_start3A_182 = arith.constant 0 : i32
        %dma_start3A_183 = tpu.memref_slice %arg7[%run_scoped3A_111, %dma_start3A_182] : memref<8x128xi32, #tpu.memory_space<vmem>> -> memref<1x128xi32, #tpu.memory_space<vmem>>
        %dma_start3A_184 = tpu.memref_squeeze %dma_start3A_183 : memref<1x128xi32, #tpu.memory_space<vmem>> -> memref<128xi32, #tpu.memory_space<vmem>>
        %dma_start3A_185 = arith.constant 0 : i32
        %dma_start3A_186 = arith.constant 0 : i32
        %dma_start3A_187 = tpu.memref_slice %arg10[%dma_start3A_185, %dma_start3A_186] : memref<10112x128xf32, #tpu.memory_space<vmem_shared>> -> memref<10112x128xf32, #tpu.memory_space<vmem_shared>>
        tpu.enqueue_indirect_dma source(%arg8 : memref<128x128xf32, #tpu.memory_space<vmem>>) target(%dma_start3A_187 : memref<10112x128xf32, #tpu.memory_space<vmem_shared>>) offsets(%dma_start3A_184 : memref<128xi32, #tpu.memory_space<vmem>>) semaphore(%run_scoped3A_181 : memref<!tpu.dma_semaphore, #tpu.memory_space<semaphore_mem>>) {add = true}
        %dma_wait3A_188 = arith.constant 0 : i32
        %dma_wait3A_189 = tpu.memref_slice %arg7[%run_scoped3A_111, %dma_wait3A_188] : memref<8x128xi32, #tpu.memory_space<vmem>> -> memref<1x128xi32, #tpu.memory_space<vmem>>
        %dma_wait3A_190 = tpu.memref_squeeze %dma_wait3A_189 : memref<1x128xi32, #tpu.memory_space<vmem>> -> memref<128xi32, #tpu.memory_space<vmem>>
        %dma_wait3A_191 = arith.constant 0 : i32
        %dma_wait3A_192 = arith.constant 0 : i32
        %dma_wait3A_193 = tpu.memref_slice %arg10[%dma_wait3A_191, %dma_wait3A_192] : memref<10112x128xf32, #tpu.memory_space<vmem_shared>> -> memref<10112x128xf32, #tpu.memory_space<vmem_shared>>
        tpu.wait_indirect_dma semaphore(%run_scoped3A_181 : memref<!tpu.dma_semaphore, #tpu.memory_space<semaphore_mem>>) src(%arg8 : memref<128x128xf32, #tpu.memory_space<vmem>>) dst(%dma_wait3A_193 : memref<10112x128xf32, #tpu.memory_space<vmem_shared>>)
        tpu.yield
      }) : () -> ()
      %dma_start3A_112 = arith.constant 4 : i32
      %dma_start3A_113 = arith.constant 0 : i32
      %dma_start3A_114 = tpu.memref_slice %arg6[%dma_start3A_112, %dma_start3A_113] : memref<8x128xi32, #tpu.memory_space<vmem>> -> memref<1x128xi32, #tpu.memory_space<vmem>>
      %dma_start3A_115 = tpu.memref_squeeze %dma_start3A_114 : memref<1x128xi32, #tpu.memory_space<vmem>> -> memref<128xi32, #tpu.memory_space<vmem>>
      %dma_start3A_116 = arith.constant 0 : i32
      %dma_start3A_117 = arith.constant 0 : i32
      %dma_start3A_118 = tpu.memref_slice %arg2[%dma_start3A_116, %dma_start3A_117] : memref<10000x128xf32, #tpu.memory_space<hbm>> -> memref<10000x128xf32, #tpu.memory_space<hbm>>
      tpu.enqueue_indirect_dma source(%dma_start3A_118 : memref<10000x128xf32, #tpu.memory_space<hbm>>) target(%arg8 : memref<128x128xf32, #tpu.memory_space<vmem>>) offsets(%dma_start3A_115 : memref<128xi32, #tpu.memory_space<vmem>>) semaphore(%arg11 : memref<!tpu.dma_semaphore, #tpu.memory_space<semaphore_mem>>)
      %dma_wait3A_119 = arith.constant 3 : i32
      %dma_wait3A_120 = arith.constant 0 : i32
      %dma_wait3A_121 = tpu.memref_slice %arg6[%dma_wait3A_119, %dma_wait3A_120] : memref<8x128xi32, #tpu.memory_space<vmem>> -> memref<1x128xi32, #tpu.memory_space<vmem>>
      %dma_wait3A_122 = tpu.memref_squeeze %dma_wait3A_121 : memref<1x128xi32, #tpu.memory_space<vmem>> -> memref<128xi32, #tpu.memory_space<vmem>>
      %dma_wait3A_123 = arith.constant 0 : i32
      %dma_wait3A_124 = arith.constant 0 : i32
      %dma_wait3A_125 = tpu.memref_slice %arg2[%dma_wait3A_123, %dma_wait3A_124] : memref<10000x128xf32, #tpu.memory_space<hbm>> -> memref<10000x128xf32, #tpu.memory_space<hbm>>
      tpu.wait_indirect_dma semaphore(%arg12 : memref<!tpu.dma_semaphore, #tpu.memory_space<semaphore_mem>>) src(%dma_wait3A_125 : memref<10000x128xf32, #tpu.memory_space<hbm>>) dst(%arg9 : memref<128x128xf32, #tpu.memory_space<vmem>>)
      %run_scoped3A_126 = arith.constant 3 : i32
      "tpu.region"() ({
        %run_scoped3A_181 = tpu.sem_alloc : memref<!tpu.dma_semaphore, #tpu.memory_space<semaphore_mem>>
        %dma_start3A_182 = arith.constant 0 : i32
        %dma_start3A_183 = tpu.memref_slice %arg7[%run_scoped3A_126, %dma_start3A_182] : memref<8x128xi32, #tpu.memory_space<vmem>> -> memref<1x128xi32, #tpu.memory_space<vmem>>
        %dma_start3A_184 = tpu.memref_squeeze %dma_start3A_183 : memref<1x128xi32, #tpu.memory_space<vmem>> -> memref<128xi32, #tpu.memory_space<vmem>>
        %dma_start3A_185 = arith.constant 0 : i32
        %dma_start3A_186 = arith.constant 0 : i32
        %dma_start3A_187 = tpu.memref_slice %arg10[%dma_start3A_185, %dma_start3A_186] : memref<10112x128xf32, #tpu.memory_space<vmem_shared>> -> memref<10112x128xf32, #tpu.memory_space<vmem_shared>>
        tpu.enqueue_indirect_dma source(%arg9 : memref<128x128xf32, #tpu.memory_space<vmem>>) target(%dma_start3A_187 : memref<10112x128xf32, #tpu.memory_space<vmem_shared>>) offsets(%dma_start3A_184 : memref<128xi32, #tpu.memory_space<vmem>>) semaphore(%run_scoped3A_181 : memref<!tpu.dma_semaphore, #tpu.memory_space<semaphore_mem>>) {add = true}
        %dma_wait3A_188 = arith.constant 0 : i32
        %dma_wait3A_189 = tpu.memref_slice %arg7[%run_scoped3A_126, %dma_wait3A_188] : memref<8x128xi32, #tpu.memory_space<vmem>> -> memref<1x128xi32, #tpu.memory_space<vmem>>
        %dma_wait3A_190 = tpu.memref_squeeze %dma_wait3A_189 : memref<1x128xi32, #tpu.memory_space<vmem>> -> memref<128xi32, #tpu.memory_space<vmem>>
        %dma_wait3A_191 = arith.constant 0 : i32
        %dma_wait3A_192 = arith.constant 0 : i32
        %dma_wait3A_193 = tpu.memref_slice %arg10[%dma_wait3A_191, %dma_wait3A_192] : memref<10112x128xf32, #tpu.memory_space<vmem_shared>> -> memref<10112x128xf32, #tpu.memory_space<vmem_shared>>
        tpu.wait_indirect_dma semaphore(%run_scoped3A_181 : memref<!tpu.dma_semaphore, #tpu.memory_space<semaphore_mem>>) src(%arg9 : memref<128x128xf32, #tpu.memory_space<vmem>>) dst(%dma_wait3A_193 : memref<10112x128xf32, #tpu.memory_space<vmem_shared>>)
        tpu.yield
      }) : () -> ()
      %dma_start3A_127 = arith.constant 5 : i32
      %dma_start3A_128 = arith.constant 0 : i32
      %dma_start3A_129 = tpu.memref_slice %arg6[%dma_start3A_127, %dma_start3A_128] : memref<8x128xi32, #tpu.memory_space<vmem>> -> memref<1x128xi32, #tpu.memory_space<vmem>>
      %dma_start3A_130 = tpu.memref_squeeze %dma_start3A_129 : memref<1x128xi32, #tpu.memory_space<vmem>> -> memref<128xi32, #tpu.memory_space<vmem>>
      %dma_start3A_131 = arith.constant 0 : i32
      %dma_start3A_132 = arith.constant 0 : i32
      %dma_start3A_133 = tpu.memref_slice %arg2[%dma_start3A_131, %dma_start3A_132] : memref<10000x128xf32, #tpu.memory_space<hbm>> -> memref<10000x128xf32, #tpu.memory_space<hbm>>
      tpu.enqueue_indirect_dma source(%dma_start3A_133 : memref<10000x128xf32, #tpu.memory_space<hbm>>) target(%arg9 : memref<128x128xf32, #tpu.memory_space<vmem>>) offsets(%dma_start3A_130 : memref<128xi32, #tpu.memory_space<vmem>>) semaphore(%arg12 : memref<!tpu.dma_semaphore, #tpu.memory_space<semaphore_mem>>)
      %dma_wait3A_134 = arith.constant 4 : i32
      %dma_wait3A_135 = arith.constant 0 : i32
      %dma_wait3A_136 = tpu.memref_slice %arg6[%dma_wait3A_134, %dma_wait3A_135] : memref<8x128xi32, #tpu.memory_space<vmem>> -> memref<1x128xi32, #tpu.memory_space<vmem>>
      %dma_wait3A_137 = tpu.memref_squeeze %dma_wait3A_136 : memref<1x128xi32, #tpu.memory_space<vmem>> -> memref<128xi32, #tpu.memory_space<vmem>>
      %dma_wait3A_138 = arith.constant 0 : i32
      %dma_wait3A_139 = arith.constant 0 : i32
      %dma_wait3A_140 = tpu.memref_slice %arg2[%dma_wait3A_138, %dma_wait3A_139] : memref<10000x128xf32, #tpu.memory_space<hbm>> -> memref<10000x128xf32, #tpu.memory_space<hbm>>
      tpu.wait_indirect_dma semaphore(%arg11 : memref<!tpu.dma_semaphore, #tpu.memory_space<semaphore_mem>>) src(%dma_wait3A_140 : memref<10000x128xf32, #tpu.memory_space<hbm>>) dst(%arg8 : memref<128x128xf32, #tpu.memory_space<vmem>>)
      %run_scoped3A_141 = arith.constant 4 : i32
      "tpu.region"() ({
        %run_scoped3A_181 = tpu.sem_alloc : memref<!tpu.dma_semaphore, #tpu.memory_space<semaphore_mem>>
        %dma_start3A_182 = arith.constant 0 : i32
        %dma_start3A_183 = tpu.memref_slice %arg7[%run_scoped3A_141, %dma_start3A_182] : memref<8x128xi32, #tpu.memory_space<vmem>> -> memref<1x128xi32, #tpu.memory_space<vmem>>
        %dma_start3A_184 = tpu.memref_squeeze %dma_start3A_183 : memref<1x128xi32, #tpu.memory_space<vmem>> -> memref<128xi32, #tpu.memory_space<vmem>>
        %dma_start3A_185 = arith.constant 0 : i32
        %dma_start3A_186 = arith.constant 0 : i32
        %dma_start3A_187 = tpu.memref_slice %arg10[%dma_start3A_185, %dma_start3A_186] : memref<10112x128xf32, #tpu.memory_space<vmem_shared>> -> memref<10112x128xf32, #tpu.memory_space<vmem_shared>>
        tpu.enqueue_indirect_dma source(%arg8 : memref<128x128xf32, #tpu.memory_space<vmem>>) target(%dma_start3A_187 : memref<10112x128xf32, #tpu.memory_space<vmem_shared>>) offsets(%dma_start3A_184 : memref<128xi32, #tpu.memory_space<vmem>>) semaphore(%run_scoped3A_181 : memref<!tpu.dma_semaphore, #tpu.memory_space<semaphore_mem>>) {add = true}
        %dma_wait3A_188 = arith.constant 0 : i32
        %dma_wait3A_189 = tpu.memref_slice %arg7[%run_scoped3A_141, %dma_wait3A_188] : memref<8x128xi32, #tpu.memory_space<vmem>> -> memref<1x128xi32, #tpu.memory_space<vmem>>
        %dma_wait3A_190 = tpu.memref_squeeze %dma_wait3A_189 : memref<1x128xi32, #tpu.memory_space<vmem>> -> memref<128xi32, #tpu.memory_space<vmem>>
        %dma_wait3A_191 = arith.constant 0 : i32
        %dma_wait3A_192 = arith.constant 0 : i32
        %dma_wait3A_193 = tpu.memref_slice %arg10[%dma_wait3A_191, %dma_wait3A_192] : memref<10112x128xf32, #tpu.memory_space<vmem_shared>> -> memref<10112x128xf32, #tpu.memory_space<vmem_shared>>
        tpu.wait_indirect_dma semaphore(%run_scoped3A_181 : memref<!tpu.dma_semaphore, #tpu.memory_space<semaphore_mem>>) src(%arg8 : memref<128x128xf32, #tpu.memory_space<vmem>>) dst(%dma_wait3A_193 : memref<10112x128xf32, #tpu.memory_space<vmem_shared>>)
        tpu.yield
      }) : () -> ()
      %dma_start3A_142 = arith.constant 6 : i32
      %dma_start3A_143 = arith.constant 0 : i32
      %dma_start3A_144 = tpu.memref_slice %arg6[%dma_start3A_142, %dma_start3A_143] : memref<8x128xi32, #tpu.memory_space<vmem>> -> memref<1x128xi32, #tpu.memory_space<vmem>>
      %dma_start3A_145 = tpu.memref_squeeze %dma_start3A_144 : memref<1x128xi32, #tpu.memory_space<vmem>> -> memref<128xi32, #tpu.memory_space<vmem>>
      %dma_start3A_146 = arith.constant 0 : i32
      %dma_start3A_147 = arith.constant 0 : i32
      %dma_start3A_148 = tpu.memref_slice %arg2[%dma_start3A_146, %dma_start3A_147] : memref<10000x128xf32, #tpu.memory_space<hbm>> -> memref<10000x128xf32, #tpu.memory_space<hbm>>
      tpu.enqueue_indirect_dma source(%dma_start3A_148 : memref<10000x128xf32, #tpu.memory_space<hbm>>) target(%arg8 : memref<128x128xf32, #tpu.memory_space<vmem>>) offsets(%dma_start3A_145 : memref<128xi32, #tpu.memory_space<vmem>>) semaphore(%arg11 : memref<!tpu.dma_semaphore, #tpu.memory_space<semaphore_mem>>)
      %dma_wait3A_149 = arith.constant 5 : i32
      %dma_wait3A_150 = arith.constant 0 : i32
      %dma_wait3A_151 = tpu.memref_slice %arg6[%dma_wait3A_149, %dma_wait3A_150] : memref<8x128xi32, #tpu.memory_space<vmem>> -> memref<1x128xi32, #tpu.memory_space<vmem>>
      %dma_wait3A_152 = tpu.memref_squeeze %dma_wait3A_151 : memref<1x128xi32, #tpu.memory_space<vmem>> -> memref<128xi32, #tpu.memory_space<vmem>>
      %dma_wait3A_153 = arith.constant 0 : i32
      %dma_wait3A_154 = arith.constant 0 : i32
      %dma_wait3A_155 = tpu.memref_slice %arg2[%dma_wait3A_153, %dma_wait3A_154] : memref<10000x128xf32, #tpu.memory_space<hbm>> -> memref<10000x128xf32, #tpu.memory_space<hbm>>
      tpu.wait_indirect_dma semaphore(%arg12 : memref<!tpu.dma_semaphore, #tpu.memory_space<semaphore_mem>>) src(%dma_wait3A_155 : memref<10000x128xf32, #tpu.memory_space<hbm>>) dst(%arg9 : memref<128x128xf32, #tpu.memory_space<vmem>>)
      %run_scoped3A_156 = arith.constant 5 : i32
      "tpu.region"() ({
        %run_scoped3A_181 = tpu.sem_alloc : memref<!tpu.dma_semaphore, #tpu.memory_space<semaphore_mem>>
        %dma_start3A_182 = arith.constant 0 : i32
        %dma_start3A_183 = tpu.memref_slice %arg7[%run_scoped3A_156, %dma_start3A_182] : memref<8x128xi32, #tpu.memory_space<vmem>> -> memref<1x128xi32, #tpu.memory_space<vmem>>
        %dma_start3A_184 = tpu.memref_squeeze %dma_start3A_183 : memref<1x128xi32, #tpu.memory_space<vmem>> -> memref<128xi32, #tpu.memory_space<vmem>>
        %dma_start3A_185 = arith.constant 0 : i32
        %dma_start3A_186 = arith.constant 0 : i32
        %dma_start3A_187 = tpu.memref_slice %arg10[%dma_start3A_185, %dma_start3A_186] : memref<10112x128xf32, #tpu.memory_space<vmem_shared>> -> memref<10112x128xf32, #tpu.memory_space<vmem_shared>>
        tpu.enqueue_indirect_dma source(%arg9 : memref<128x128xf32, #tpu.memory_space<vmem>>) target(%dma_start3A_187 : memref<10112x128xf32, #tpu.memory_space<vmem_shared>>) offsets(%dma_start3A_184 : memref<128xi32, #tpu.memory_space<vmem>>) semaphore(%run_scoped3A_181 : memref<!tpu.dma_semaphore, #tpu.memory_space<semaphore_mem>>) {add = true}
        %dma_wait3A_188 = arith.constant 0 : i32
        %dma_wait3A_189 = tpu.memref_slice %arg7[%run_scoped3A_156, %dma_wait3A_188] : memref<8x128xi32, #tpu.memory_space<vmem>> -> memref<1x128xi32, #tpu.memory_space<vmem>>
        %dma_wait3A_190 = tpu.memref_squeeze %dma_wait3A_189 : memref<1x128xi32, #tpu.memory_space<vmem>> -> memref<128xi32, #tpu.memory_space<vmem>>
        %dma_wait3A_191 = arith.constant 0 : i32
        %dma_wait3A_192 = arith.constant 0 : i32
        %dma_wait3A_193 = tpu.memref_slice %arg10[%dma_wait3A_191, %dma_wait3A_192] : memref<10112x128xf32, #tpu.memory_space<vmem_shared>> -> memref<10112x128xf32, #tpu.memory_space<vmem_shared>>
        tpu.wait_indirect_dma semaphore(%run_scoped3A_181 : memref<!tpu.dma_semaphore, #tpu.memory_space<semaphore_mem>>) src(%arg9 : memref<128x128xf32, #tpu.memory_space<vmem>>) dst(%dma_wait3A_193 : memref<10112x128xf32, #tpu.memory_space<vmem_shared>>)
        tpu.yield
      }) : () -> ()
      %dma_start3A_157 = arith.constant 7 : i32
      %dma_start3A_158 = arith.constant 0 : i32
      %dma_start3A_159 = tpu.memref_slice %arg6[%dma_start3A_157, %dma_start3A_158] : memref<8x128xi32, #tpu.memory_space<vmem>> -> memref<1x128xi32, #tpu.memory_space<vmem>>
      %dma_start3A_160 = tpu.memref_squeeze %dma_start3A_159 : memref<1x128xi32, #tpu.memory_space<vmem>> -> memref<128xi32, #tpu.memory_space<vmem>>
      %dma_start3A_161 = arith.constant 0 : i32
      %dma_start3A_162 = arith.constant 0 : i32
      %dma_start3A_163 = tpu.memref_slice %arg2[%dma_start3A_161, %dma_start3A_162] : memref<10000x128xf32, #tpu.memory_space<hbm>> -> memref<10000x128xf32, #tpu.memory_space<hbm>>
      tpu.enqueue_indirect_dma source(%dma_start3A_163 : memref<10000x128xf32, #tpu.memory_space<hbm>>) target(%arg9 : memref<128x128xf32, #tpu.memory_space<vmem>>) offsets(%dma_start3A_160 : memref<128xi32, #tpu.memory_space<vmem>>) semaphore(%arg12 : memref<!tpu.dma_semaphore, #tpu.memory_space<semaphore_mem>>)
      %dma_wait3A_164 = arith.constant 6 : i32
      %dma_wait3A_165 = arith.constant 0 : i32
      %dma_wait3A_166 = tpu.memref_slice %arg6[%dma_wait3A_164, %dma_wait3A_165] : memref<8x128xi32, #tpu.memory_space<vmem>> -> memref<1x128xi32, #tpu.memory_space<vmem>>
      %dma_wait3A_167 = tpu.memref_squeeze %dma_wait3A_166 : memref<1x128xi32, #tpu.memory_space<vmem>> -> memref<128xi32, #tpu.memory_space<vmem>>
      %dma_wait3A_168 = arith.constant 0 : i32
      %dma_wait3A_169 = arith.constant 0 : i32
      %dma_wait3A_170 = tpu.memref_slice %arg2[%dma_wait3A_168, %dma_wait3A_169] : memref<10000x128xf32, #tpu.memory_space<hbm>> -> memref<10000x128xf32, #tpu.memory_space<hbm>>
      tpu.wait_indirect_dma semaphore(%arg11 : memref<!tpu.dma_semaphore, #tpu.memory_space<semaphore_mem>>) src(%dma_wait3A_170 : memref<10000x128xf32, #tpu.memory_space<hbm>>) dst(%arg8 : memref<128x128xf32, #tpu.memory_space<vmem>>)
      %run_scoped3A_171 = arith.constant 6 : i32
      "tpu.region"() ({
        %run_scoped3A_181 = tpu.sem_alloc : memref<!tpu.dma_semaphore, #tpu.memory_space<semaphore_mem>>
        %dma_start3A_182 = arith.constant 0 : i32
        %dma_start3A_183 = tpu.memref_slice %arg7[%run_scoped3A_171, %dma_start3A_182] : memref<8x128xi32, #tpu.memory_space<vmem>> -> memref<1x128xi32, #tpu.memory_space<vmem>>
        %dma_start3A_184 = tpu.memref_squeeze %dma_start3A_183 : memref<1x128xi32, #tpu.memory_space<vmem>> -> memref<128xi32, #tpu.memory_space<vmem>>
        %dma_start3A_185 = arith.constant 0 : i32
        %dma_start3A_186 = arith.constant 0 : i32
        %dma_start3A_187 = tpu.memref_slice %arg10[%dma_start3A_185, %dma_start3A_186] : memref<10112x128xf32, #tpu.memory_space<vmem_shared>> -> memref<10112x128xf32, #tpu.memory_space<vmem_shared>>
        tpu.enqueue_indirect_dma source(%arg8 : memref<128x128xf32, #tpu.memory_space<vmem>>) target(%dma_start3A_187 : memref<10112x128xf32, #tpu.memory_space<vmem_shared>>) offsets(%dma_start3A_184 : memref<128xi32, #tpu.memory_space<vmem>>) semaphore(%run_scoped3A_181 : memref<!tpu.dma_semaphore, #tpu.memory_space<semaphore_mem>>) {add = true}
        %dma_wait3A_188 = arith.constant 0 : i32
        %dma_wait3A_189 = tpu.memref_slice %arg7[%run_scoped3A_171, %dma_wait3A_188] : memref<8x128xi32, #tpu.memory_space<vmem>> -> memref<1x128xi32, #tpu.memory_space<vmem>>
        %dma_wait3A_190 = tpu.memref_squeeze %dma_wait3A_189 : memref<1x128xi32, #tpu.memory_space<vmem>> -> memref<128xi32, #tpu.memory_space<vmem>>
        %dma_wait3A_191 = arith.constant 0 : i32
        %dma_wait3A_192 = arith.constant 0 : i32
        %dma_wait3A_193 = tpu.memref_slice %arg10[%dma_wait3A_191, %dma_wait3A_192] : memref<10112x128xf32, #tpu.memory_space<vmem_shared>> -> memref<10112x128xf32, #tpu.memory_space<vmem_shared>>
        tpu.wait_indirect_dma semaphore(%run_scoped3A_181 : memref<!tpu.dma_semaphore, #tpu.memory_space<semaphore_mem>>) src(%arg8 : memref<128x128xf32, #tpu.memory_space<vmem>>) dst(%dma_wait3A_193 : memref<10112x128xf32, #tpu.memory_space<vmem_shared>>)
        tpu.yield
      }) : () -> ()
      %dma_wait3A_172 = arith.constant 7 : i32
      %dma_wait3A_173 = arith.constant 0 : i32
      %dma_wait3A_174 = tpu.memref_slice %arg6[%dma_wait3A_172, %dma_wait3A_173] : memref<8x128xi32, #tpu.memory_space<vmem>> -> memref<1x128xi32, #tpu.memory_space<vmem>>
      %dma_wait3A_175 = tpu.memref_squeeze %dma_wait3A_174 : memref<1x128xi32, #tpu.memory_space<vmem>> -> memref<128xi32, #tpu.memory_space<vmem>>
      %dma_wait3A_176 = arith.constant 0 : i32
      %dma_wait3A_177 = arith.constant 0 : i32
      %dma_wait3A_178 = tpu.memref_slice %arg2[%dma_wait3A_176, %dma_wait3A_177] : memref<10000x128xf32, #tpu.memory_space<hbm>> -> memref<10000x128xf32, #tpu.memory_space<hbm>>
      tpu.wait_indirect_dma semaphore(%arg12 : memref<!tpu.dma_semaphore, #tpu.memory_space<semaphore_mem>>) src(%dma_wait3A_178 : memref<10000x128xf32, #tpu.memory_space<hbm>>) dst(%arg9 : memref<128x128xf32, #tpu.memory_space<vmem>>)
      %run_scoped3A_179 = arith.constant 7 : i32
      "tpu.region"() ({
        %run_scoped3A_181 = tpu.sem_alloc : memref<!tpu.dma_semaphore, #tpu.memory_space<semaphore_mem>>
        %dma_start3A_182 = arith.constant 0 : i32
        %dma_start3A_183 = tpu.memref_slice %arg7[%run_scoped3A_179, %dma_start3A_182] : memref<8x128xi32, #tpu.memory_space<vmem>> -> memref<1x128xi32, #tpu.memory_space<vmem>>
        %dma_start3A_184 = tpu.memref_squeeze %dma_start3A_183 : memref<1x128xi32, #tpu.memory_space<vmem>> -> memref<128xi32, #tpu.memory_space<vmem>>
        %dma_start3A_185 = arith.constant 0 : i32
        %dma_start3A_186 = arith.constant 0 : i32
        %dma_start3A_187 = tpu.memref_slice %arg10[%dma_start3A_185, %dma_start3A_186] : memref<10112x128xf32, #tpu.memory_space<vmem_shared>> -> memref<10112x128xf32, #tpu.memory_space<vmem_shared>>
        tpu.enqueue_indirect_dma source(%arg9 : memref<128x128xf32, #tpu.memory_space<vmem>>) target(%dma_start3A_187 : memref<10112x128xf32, #tpu.memory_space<vmem_shared>>) offsets(%dma_start3A_184 : memref<128xi32, #tpu.memory_space<vmem>>) semaphore(%run_scoped3A_181 : memref<!tpu.dma_semaphore, #tpu.memory_space<semaphore_mem>>) {add = true}
        %dma_wait3A_188 = arith.constant 0 : i32
        %dma_wait3A_189 = tpu.memref_slice %arg7[%run_scoped3A_179, %dma_wait3A_188] : memref<8x128xi32, #tpu.memory_space<vmem>> -> memref<1x128xi32, #tpu.memory_space<vmem>>
        %dma_wait3A_190 = tpu.memref_squeeze %dma_wait3A_189 : memref<1x128xi32, #tpu.memory_space<vmem>> -> memref<128xi32, #tpu.memory_space<vmem>>
        %dma_wait3A_191 = arith.constant 0 : i32
        %dma_wait3A_192 = arith.constant 0 : i32
        %dma_wait3A_193 = tpu.memref_slice %arg10[%dma_wait3A_191, %dma_wait3A_192] : memref<10112x128xf32, #tpu.memory_space<vmem_shared>> -> memref<10112x128xf32, #tpu.memory_space<vmem_shared>>
        tpu.wait_indirect_dma semaphore(%run_scoped3A_181 : memref<!tpu.dma_semaphore, #tpu.memory_space<semaphore_mem>>) src(%arg9 : memref<128x128xf32, #tpu.memory_space<vmem>>) dst(%dma_wait3A_193 : memref<10112x128xf32, #tpu.memory_space<vmem_shared>>)
        tpu.yield
      }) : () -> ()
      %scan3A_180 = arith.constant 1 : i32
    } else {
    }
    %barrier3A_30 = arith.constant 0 : index
    tpu.barrier barrier_id(%barrier3A_30)
    %mul3A_31 = arith.constant 632 : i32
    %mul3A_32 = arith.muli %arg1, %mul3A_31 : i32
    %add3A_33 = arith.constant 0 : i32
    %add3A_34 = arith.addi %mul3A_32, %add3A_33 : i32
    "tpu.region"() ({
      %run_scoped3A = tpu.sem_alloc : memref<!tpu.dma_semaphore, #tpu.memory_space<semaphore_mem>>
      %dma_start3A = arith.constant 0 : i32
      %dma_start3A_51 = tpu.memref_slice %arg10[%add3A_34, %dma_start3A] : memref<10112x128xf32, #tpu.memory_space<vmem_shared>> -> memref<128x128xf32, #tpu.memory_space<vmem_shared>>
      %dma_start3A_52 = arith.constant 0 : i32
      %dma_start3A_53 = tpu.memref_slice %arg10[%add3A_34, %dma_start3A_52] : memref<10112x128xf32, #tpu.memory_space<vmem_shared>> -> memref<128x128xf32, #tpu.memory_space<vmem_shared>>
      tpu.enqueue_dma source(%dma_start3A_53 : memref<128x128xf32, #tpu.memory_space<vmem_shared>>) target(%arg8 : memref<128x128xf32, #tpu.memory_space<vmem>>) target_semaphore(%run_scoped3A : memref<!tpu.dma_semaphore, #tpu.memory_space<semaphore_mem>>)
      %dma_wait3A = arith.constant 0 : i32
      %dma_wait3A_54 = tpu.memref_slice %arg10[%add3A_34, %dma_wait3A] : memref<10112x128xf32, #tpu.memory_space<vmem_shared>> -> memref<128x128xf32, #tpu.memory_space<vmem_shared>>
      %dma_wait3A_55 = arith.constant 0 : i32
      %dma_wait3A_56 = tpu.memref_slice %arg10[%add3A_34, %dma_wait3A_55] : memref<10112x128xf32, #tpu.memory_space<vmem_shared>> -> memref<128x128xf32, #tpu.memory_space<vmem_shared>>
      tpu.wait_dma2 semaphore(%run_scoped3A : memref<!tpu.dma_semaphore, #tpu.memory_space<semaphore_mem>>) src(%dma_wait3A_56 : memref<128x128xf32, #tpu.memory_space<vmem_shared>>) dst(%arg8 : memref<128x128xf32, #tpu.memory_space<vmem>>)
      tpu.yield
    }) : () -> ()
    "tpu.region"() ({
      %run_scoped3A = tpu.sem_alloc : memref<!tpu.dma_semaphore, #tpu.memory_space<semaphore_mem>>
      %dma_start3A = arith.constant 0 : i32
      %dma_start3A_51 = tpu.memref_slice %arg5[%arg0, %add3A_34, %dma_start3A] : memref<2x10112x128xf32, #tpu.memory_space<hbm>> -> memref<1x128x128xf32, #tpu.memory_space<hbm>>
      %dma_start3A_52 = tpu.memref_squeeze %dma_start3A_51 : memref<1x128x128xf32, #tpu.memory_space<hbm>> -> memref<128x128xf32, #tpu.memory_space<hbm>>
      %dma_start3A_53 = arith.constant 0 : i32
      %dma_start3A_54 = tpu.memref_slice %arg5[%arg0, %add3A_34, %dma_start3A_53] : memref<2x10112x128xf32, #tpu.memory_space<hbm>> -> memref<1x128x128xf32, #tpu.memory_space<hbm>>
      %dma_start3A_55 = tpu.memref_squeeze %dma_start3A_54 : memref<1x128x128xf32, #tpu.memory_space<hbm>> -> memref<128x128xf32, #tpu.memory_space<hbm>>
      tpu.enqueue_dma source(%arg8 : memref<128x128xf32, #tpu.memory_space<vmem>>) target(%dma_start3A_55 : memref<128x128xf32, #tpu.memory_space<hbm>>) target_semaphore(%run_scoped3A : memref<!tpu.dma_semaphore, #tpu.memory_space<semaphore_mem>>)
      %dma_wait3A = arith.constant 0 : i32
      %dma_wait3A_56 = tpu.memref_slice %arg5[%arg0, %add3A_34, %dma_wait3A] : memref<2x10112x128xf32, #tpu.memory_space<hbm>> -> memref<1x128x128xf32, #tpu.memory_space<hbm>>
      %dma_wait3A_57 = tpu.memref_squeeze %dma_wait3A_56 : memref<1x128x128xf32, #tpu.memory_space<hbm>> -> memref<128x128xf32, #tpu.memory_space<hbm>>
      %dma_wait3A_58 = arith.constant 0 : i32
      %dma_wait3A_59 = tpu.memref_slice %arg5[%arg0, %add3A_34, %dma_wait3A_58] : memref<2x10112x128xf32, #tpu.memory_space<hbm>> -> memref<1x128x128xf32, #tpu.memory_space<hbm>>
      %dma_wait3A_60 = tpu.memref_squeeze %dma_wait3A_59 : memref<1x128x128xf32, #tpu.memory_space<hbm>> -> memref<128x128xf32, #tpu.memory_space<hbm>>
      tpu.wait_dma2 semaphore(%run_scoped3A : memref<!tpu.dma_semaphore, #tpu.memory_space<semaphore_mem>>) src(%arg8 : memref<128x128xf32, #tpu.memory_space<vmem>>) dst(%dma_wait3A_60 : memref<128x128xf32, #tpu.memory_space<hbm>>)
      tpu.yield
    }) : () -> ()
    %mul3A_35 = arith.constant 632 : i32
    %mul3A_36 = arith.muli %arg1, %mul3A_35 : i32
    %add3A_37 = arith.constant 128 : i32
    %add3A_38 = arith.addi %mul3A_36, %add3A_37 : i32
    "tpu.region"() ({
      %run_scoped3A = tpu.sem_alloc : memref<!tpu.dma_semaphore, #tpu.memory_space<semaphore_mem>>
      %dma_start3A = arith.constant 0 : i32
      %dma_start3A_51 = tpu.memref_slice %arg10[%add3A_38, %dma_start3A] : memref<10112x128xf32, #tpu.memory_space<vmem_shared>> -> memref<128x128xf32, #tpu.memory_space<vmem_shared>>
      %dma_start3A_52 = arith.constant 0 : i32
      %dma_start3A_53 = tpu.memref_slice %arg10[%add3A_38, %dma_start3A_52] : memref<10112x128xf32, #tpu.memory_space<vmem_shared>> -> memref<128x128xf32, #tpu.memory_space<vmem_shared>>
      tpu.enqueue_dma source(%dma_start3A_53 : memref<128x128xf32, #tpu.memory_space<vmem_shared>>) target(%arg8 : memref<128x128xf32, #tpu.memory_space<vmem>>) target_semaphore(%run_scoped3A : memref<!tpu.dma_semaphore, #tpu.memory_space<semaphore_mem>>)
      %dma_wait3A = arith.constant 0 : i32
      %dma_wait3A_54 = tpu.memref_slice %arg10[%add3A_38, %dma_wait3A] : memref<10112x128xf32, #tpu.memory_space<vmem_shared>> -> memref<128x128xf32, #tpu.memory_space<vmem_shared>>
      %dma_wait3A_55 = arith.constant 0 : i32
      %dma_wait3A_56 = tpu.memref_slice %arg10[%add3A_38, %dma_wait3A_55] : memref<10112x128xf32, #tpu.memory_space<vmem_shared>> -> memref<128x128xf32, #tpu.memory_space<vmem_shared>>
      tpu.wait_dma2 semaphore(%run_scoped3A : memref<!tpu.dma_semaphore, #tpu.memory_space<semaphore_mem>>) src(%dma_wait3A_56 : memref<128x128xf32, #tpu.memory_space<vmem_shared>>) dst(%arg8 : memref<128x128xf32, #tpu.memory_space<vmem>>)
      tpu.yield
    }) : () -> ()
    "tpu.region"() ({
      %run_scoped3A = tpu.sem_alloc : memref<!tpu.dma_semaphore, #tpu.memory_space<semaphore_mem>>
      %dma_start3A = arith.constant 0 : i32
      %dma_start3A_51 = tpu.memref_slice %arg5[%arg0, %add3A_38, %dma_start3A] : memref<2x10112x128xf32, #tpu.memory_space<hbm>> -> memref<1x128x128xf32, #tpu.memory_space<hbm>>
      %dma_start3A_52 = tpu.memref_squeeze %dma_start3A_51 : memref<1x128x128xf32, #tpu.memory_space<hbm>> -> memref<128x128xf32, #tpu.memory_space<hbm>>
      %dma_start3A_53 = arith.constant 0 : i32
      %dma_start3A_54 = tpu.memref_slice %arg5[%arg0, %add3A_38, %dma_start3A_53] : memref<2x10112x128xf32, #tpu.memory_space<hbm>> -> memref<1x128x128xf32, #tpu.memory_space<hbm>>
      %dma_start3A_55 = tpu.memref_squeeze %dma_start3A_54 : memref<1x128x128xf32, #tpu.memory_space<hbm>> -> memref<128x128xf32, #tpu.memory_space<hbm>>
      tpu.enqueue_dma source(%arg8 : memref<128x128xf32, #tpu.memory_space<vmem>>) target(%dma_start3A_55 : memref<128x128xf32, #tpu.memory_space<hbm>>) target_semaphore(%run_scoped3A : memref<!tpu.dma_semaphore, #tpu.memory_space<semaphore_mem>>)
      %dma_wait3A = arith.constant 0 : i32
      %dma_wait3A_56 = tpu.memref_slice %arg5[%arg0, %add3A_38, %dma_wait3A] : memref<2x10112x128xf32, #tpu.memory_space<hbm>> -> memref<1x128x128xf32, #tpu.memory_space<hbm>>
      %dma_wait3A_57 = tpu.memref_squeeze %dma_wait3A_56 : memref<1x128x128xf32, #tpu.memory_space<hbm>> -> memref<128x128xf32, #tpu.memory_space<hbm>>
      %dma_wait3A_58 = arith.constant 0 : i32
      %dma_wait3A_59 = tpu.memref_slice %arg5[%arg0, %add3A_38, %dma_wait3A_58] : memref<2x10112x128xf32, #tpu.memory_space<hbm>> -> memref<1x128x128xf32, #tpu.memory_space<hbm>>
      %dma_wait3A_60 = tpu.memref_squeeze %dma_wait3A_59 : memref<1x128x128xf32, #tpu.memory_space<hbm>> -> memref<128x128xf32, #tpu.memory_space<hbm>>
      tpu.wait_dma2 semaphore(%run_scoped3A : memref<!tpu.dma_semaphore, #tpu.memory_space<semaphore_mem>>) src(%arg8 : memref<128x128xf32, #tpu.memory_space<vmem>>) dst(%dma_wait3A_60 : memref<128x128xf32, #tpu.memory_space<hbm>>)
      tpu.yield
    }) : () -> ()
    %mul3A_39 = arith.constant 632 : i32
    %mul3A_40 = arith.muli %arg1, %mul3A_39 : i32
    %add3A_41 = arith.constant 256 : i32
    %add3A_42 = arith.addi %mul3A_40, %add3A_41 : i32
    "tpu.region"() ({
      %run_scoped3A = tpu.sem_alloc : memref<!tpu.dma_semaphore, #tpu.memory_space<semaphore_mem>>
      %dma_start3A = arith.constant 0 : i32
      %dma_start3A_51 = tpu.memref_slice %arg10[%add3A_42, %dma_start3A] : memref<10112x128xf32, #tpu.memory_space<vmem_shared>> -> memref<128x128xf32, #tpu.memory_space<vmem_shared>>
      %dma_start3A_52 = arith.constant 0 : i32
      %dma_start3A_53 = tpu.memref_slice %arg10[%add3A_42, %dma_start3A_52] : memref<10112x128xf32, #tpu.memory_space<vmem_shared>> -> memref<128x128xf32, #tpu.memory_space<vmem_shared>>
      tpu.enqueue_dma source(%dma_start3A_53 : memref<128x128xf32, #tpu.memory_space<vmem_shared>>) target(%arg8 : memref<128x128xf32, #tpu.memory_space<vmem>>) target_semaphore(%run_scoped3A : memref<!tpu.dma_semaphore, #tpu.memory_space<semaphore_mem>>)
      %dma_wait3A = arith.constant 0 : i32
      %dma_wait3A_54 = tpu.memref_slice %arg10[%add3A_42, %dma_wait3A] : memref<10112x128xf32, #tpu.memory_space<vmem_shared>> -> memref<128x128xf32, #tpu.memory_space<vmem_shared>>
      %dma_wait3A_55 = arith.constant 0 : i32
      %dma_wait3A_56 = tpu.memref_slice %arg10[%add3A_42, %dma_wait3A_55] : memref<10112x128xf32, #tpu.memory_space<vmem_shared>> -> memref<128x128xf32, #tpu.memory_space<vmem_shared>>
      tpu.wait_dma2 semaphore(%run_scoped3A : memref<!tpu.dma_semaphore, #tpu.memory_space<semaphore_mem>>) src(%dma_wait3A_56 : memref<128x128xf32, #tpu.memory_space<vmem_shared>>) dst(%arg8 : memref<128x128xf32, #tpu.memory_space<vmem>>)
      tpu.yield
    }) : () -> ()
    "tpu.region"() ({
      %run_scoped3A = tpu.sem_alloc : memref<!tpu.dma_semaphore, #tpu.memory_space<semaphore_mem>>
      %dma_start3A = arith.constant 0 : i32
      %dma_start3A_51 = tpu.memref_slice %arg5[%arg0, %add3A_42, %dma_start3A] : memref<2x10112x128xf32, #tpu.memory_space<hbm>> -> memref<1x128x128xf32, #tpu.memory_space<hbm>>
      %dma_start3A_52 = tpu.memref_squeeze %dma_start3A_51 : memref<1x128x128xf32, #tpu.memory_space<hbm>> -> memref<128x128xf32, #tpu.memory_space<hbm>>
      %dma_start3A_53 = arith.constant 0 : i32
      %dma_start3A_54 = tpu.memref_slice %arg5[%arg0, %add3A_42, %dma_start3A_53] : memref<2x10112x128xf32, #tpu.memory_space<hbm>> -> memref<1x128x128xf32, #tpu.memory_space<hbm>>
      %dma_start3A_55 = tpu.memref_squeeze %dma_start3A_54 : memref<1x128x128xf32, #tpu.memory_space<hbm>> -> memref<128x128xf32, #tpu.memory_space<hbm>>
      tpu.enqueue_dma source(%arg8 : memref<128x128xf32, #tpu.memory_space<vmem>>) target(%dma_start3A_55 : memref<128x128xf32, #tpu.memory_space<hbm>>) target_semaphore(%run_scoped3A : memref<!tpu.dma_semaphore, #tpu.memory_space<semaphore_mem>>)
      %dma_wait3A = arith.constant 0 : i32
      %dma_wait3A_56 = tpu.memref_slice %arg5[%arg0, %add3A_42, %dma_wait3A] : memref<2x10112x128xf32, #tpu.memory_space<hbm>> -> memref<1x128x128xf32, #tpu.memory_space<hbm>>
      %dma_wait3A_57 = tpu.memref_squeeze %dma_wait3A_56 : memref<1x128x128xf32, #tpu.memory_space<hbm>> -> memref<128x128xf32, #tpu.memory_space<hbm>>
      %dma_wait3A_58 = arith.constant 0 : i32
      %dma_wait3A_59 = tpu.memref_slice %arg5[%arg0, %add3A_42, %dma_wait3A_58] : memref<2x10112x128xf32, #tpu.memory_space<hbm>> -> memref<1x128x128xf32, #tpu.memory_space<hbm>>
      %dma_wait3A_60 = tpu.memref_squeeze %dma_wait3A_59 : memref<1x128x128xf32, #tpu.memory_space<hbm>> -> memref<128x128xf32, #tpu.memory_space<hbm>>
      tpu.wait_dma2 semaphore(%run_scoped3A : memref<!tpu.dma_semaphore, #tpu.memory_space<semaphore_mem>>) src(%arg8 : memref<128x128xf32, #tpu.memory_space<vmem>>) dst(%dma_wait3A_60 : memref<128x128xf32, #tpu.memory_space<hbm>>)
      tpu.yield
    }) : () -> ()
    %mul3A_43 = arith.constant 632 : i32
    %mul3A_44 = arith.muli %arg1, %mul3A_43 : i32
    %add3A_45 = arith.constant 384 : i32
    %add3A_46 = arith.addi %mul3A_44, %add3A_45 : i32
    "tpu.region"() ({
      %run_scoped3A = tpu.sem_alloc : memref<!tpu.dma_semaphore, #tpu.memory_space<semaphore_mem>>
      %dma_start3A = arith.constant 0 : i32
      %dma_start3A_51 = tpu.memref_slice %arg10[%add3A_46, %dma_start3A] : memref<10112x128xf32, #tpu.memory_space<vmem_shared>> -> memref<128x128xf32, #tpu.memory_space<vmem_shared>>
      %dma_start3A_52 = arith.constant 0 : i32
      %dma_start3A_53 = tpu.memref_slice %arg10[%add3A_46, %dma_start3A_52] : memref<10112x128xf32, #tpu.memory_space<vmem_shared>> -> memref<128x128xf32, #tpu.memory_space<vmem_shared>>
      tpu.enqueue_dma source(%dma_start3A_53 : memref<128x128xf32, #tpu.memory_space<vmem_shared>>) target(%arg8 : memref<128x128xf32, #tpu.memory_space<vmem>>) target_semaphore(%run_scoped3A : memref<!tpu.dma_semaphore, #tpu.memory_space<semaphore_mem>>)
      %dma_wait3A = arith.constant 0 : i32
      %dma_wait3A_54 = tpu.memref_slice %arg10[%add3A_46, %dma_wait3A] : memref<10112x128xf32, #tpu.memory_space<vmem_shared>> -> memref<128x128xf32, #tpu.memory_space<vmem_shared>>
      %dma_wait3A_55 = arith.constant 0 : i32
      %dma_wait3A_56 = tpu.memref_slice %arg10[%add3A_46, %dma_wait3A_55] : memref<10112x128xf32, #tpu.memory_space<vmem_shared>> -> memref<128x128xf32, #tpu.memory_space<vmem_shared>>
      tpu.wait_dma2 semaphore(%run_scoped3A : memref<!tpu.dma_semaphore, #tpu.memory_space<semaphore_mem>>) src(%dma_wait3A_56 : memref<128x128xf32, #tpu.memory_space<vmem_shared>>) dst(%arg8 : memref<128x128xf32, #tpu.memory_space<vmem>>)
      tpu.yield
    }) : () -> ()
    "tpu.region"() ({
      %run_scoped3A = tpu.sem_alloc : memref<!tpu.dma_semaphore, #tpu.memory_space<semaphore_mem>>
      %dma_start3A = arith.constant 0 : i32
      %dma_start3A_51 = tpu.memref_slice %arg5[%arg0, %add3A_46, %dma_start3A] : memref<2x10112x128xf32, #tpu.memory_space<hbm>> -> memref<1x128x128xf32, #tpu.memory_space<hbm>>
      %dma_start3A_52 = tpu.memref_squeeze %dma_start3A_51 : memref<1x128x128xf32, #tpu.memory_space<hbm>> -> memref<128x128xf32, #tpu.memory_space<hbm>>
      %dma_start3A_53 = arith.constant 0 : i32
      %dma_start3A_54 = tpu.memref_slice %arg5[%arg0, %add3A_46, %dma_start3A_53] : memref<2x10112x128xf32, #tpu.memory_space<hbm>> -> memref<1x128x128xf32, #tpu.memory_space<hbm>>
      %dma_start3A_55 = tpu.memref_squeeze %dma_start3A_54 : memref<1x128x128xf32, #tpu.memory_space<hbm>> -> memref<128x128xf32, #tpu.memory_space<hbm>>
      tpu.enqueue_dma source(%arg8 : memref<128x128xf32, #tpu.memory_space<vmem>>) target(%dma_start3A_55 : memref<128x128xf32, #tpu.memory_space<hbm>>) target_semaphore(%run_scoped3A : memref<!tpu.dma_semaphore, #tpu.memory_space<semaphore_mem>>)
      %dma_wait3A = arith.constant 0 : i32
      %dma_wait3A_56 = tpu.memref_slice %arg5[%arg0, %add3A_46, %dma_wait3A] : memref<2x10112x128xf32, #tpu.memory_space<hbm>> -> memref<1x128x128xf32, #tpu.memory_space<hbm>>
      %dma_wait3A_57 = tpu.memref_squeeze %dma_wait3A_56 : memref<1x128x128xf32, #tpu.memory_space<hbm>> -> memref<128x128xf32, #tpu.memory_space<hbm>>
      %dma_wait3A_58 = arith.constant 0 : i32
      %dma_wait3A_59 = tpu.memref_slice %arg5[%arg0, %add3A_46, %dma_wait3A_58] : memref<2x10112x128xf32, #tpu.memory_space<hbm>> -> memref<1x128x128xf32, #tpu.memory_space<hbm>>
      %dma_wait3A_60 = tpu.memref_squeeze %dma_wait3A_59 : memref<1x128x128xf32, #tpu.memory_space<hbm>> -> memref<128x128xf32, #tpu.memory_space<hbm>>
      tpu.wait_dma2 semaphore(%run_scoped3A : memref<!tpu.dma_semaphore, #tpu.memory_space<semaphore_mem>>) src(%arg8 : memref<128x128xf32, #tpu.memory_space<vmem>>) dst(%dma_wait3A_60 : memref<128x128xf32, #tpu.memory_space<hbm>>)
      tpu.yield
    }) : () -> ()
    %mul3A_47 = arith.constant 632 : i32
    %mul3A_48 = arith.muli %arg1, %mul3A_47 : i32
    %add3A_49 = arith.constant 512 : i32
    %add3A_50 = arith.addi %mul3A_48, %add3A_49 : i32
    "tpu.region"() ({
      %run_scoped3A = tpu.sem_alloc : memref<!tpu.dma_semaphore, #tpu.memory_space<semaphore_mem>>
      %dma_start3A = arith.constant 0 : i32
      %dma_start3A_51 = arith.constant 0 : i32
      %dma_start3A_52 = tpu.memref_slice %arg8[%dma_start3A, %dma_start3A_51] : memref<128x128xf32, #tpu.memory_space<vmem>> -> memref<120x128xf32, #tpu.memory_space<vmem>>
      %dma_start3A_53 = arith.constant 0 : i32
      %dma_start3A_54 = tpu.memref_slice %arg10[%add3A_50, %dma_start3A_53] : memref<10112x128xf32, #tpu.memory_space<vmem_shared>> -> memref<120x128xf32, #tpu.memory_space<vmem_shared>>
      %dma_start3A_55 = arith.constant 0 : i32
      %dma_start3A_56 = arith.constant 0 : i32
      %dma_start3A_57 = tpu.memref_slice %arg8[%dma_start3A_55, %dma_start3A_56] : memref<128x128xf32, #tpu.memory_space<vmem>> -> memref<120x128xf32, #tpu.memory_space<vmem>>
      %dma_start3A_58 = arith.constant 0 : i32
      %dma_start3A_59 = tpu.memref_slice %arg10[%add3A_50, %dma_start3A_58] : memref<10112x128xf32, #tpu.memory_space<vmem_shared>> -> memref<120x128xf32, #tpu.memory_space<vmem_shared>>
      tpu.enqueue_dma source(%dma_start3A_59 : memref<120x128xf32, #tpu.memory_space<vmem_shared>>) target(%dma_start3A_57 : memref<120x128xf32, #tpu.memory_space<vmem>>) target_semaphore(%run_scoped3A : memref<!tpu.dma_semaphore, #tpu.memory_space<semaphore_mem>>)
      %dma_wait3A = arith.constant 0 : i32
      %dma_wait3A_60 = arith.constant 0 : i32
      %dma_wait3A_61 = tpu.memref_slice %arg8[%dma_wait3A, %dma_wait3A_60] : memref<128x128xf32, #tpu.memory_space<vmem>> -> memref<120x128xf32, #tpu.memory_space<vmem>>
      %dma_wait3A_62 = arith.constant 0 : i32
      %dma_wait3A_63 = tpu.memref_slice %arg10[%add3A_50, %dma_wait3A_62] : memref<10112x128xf32, #tpu.memory_space<vmem_shared>> -> memref<120x128xf32, #tpu.memory_space<vmem_shared>>
      %dma_wait3A_64 = arith.constant 0 : i32
      %dma_wait3A_65 = arith.constant 0 : i32
      %dma_wait3A_66 = tpu.memref_slice %arg8[%dma_wait3A_64, %dma_wait3A_65] : memref<128x128xf32, #tpu.memory_space<vmem>> -> memref<120x128xf32, #tpu.memory_space<vmem>>
      %dma_wait3A_67 = arith.constant 0 : i32
      %dma_wait3A_68 = tpu.memref_slice %arg10[%add3A_50, %dma_wait3A_67] : memref<10112x128xf32, #tpu.memory_space<vmem_shared>> -> memref<120x128xf32, #tpu.memory_space<vmem_shared>>
      tpu.wait_dma2 semaphore(%run_scoped3A : memref<!tpu.dma_semaphore, #tpu.memory_space<semaphore_mem>>) src(%dma_wait3A_68 : memref<120x128xf32, #tpu.memory_space<vmem_shared>>) dst(%dma_wait3A_66 : memref<120x128xf32, #tpu.memory_space<vmem>>)
      tpu.yield
    }) : () -> ()
    "tpu.region"() ({
      %run_scoped3A = tpu.sem_alloc : memref<!tpu.dma_semaphore, #tpu.memory_space<semaphore_mem>>
      %dma_start3A = arith.constant 0 : i32
      %dma_start3A_51 = arith.constant 0 : i32
      %dma_start3A_52 = tpu.memref_slice %arg8[%dma_start3A, %dma_start3A_51] : memref<128x128xf32, #tpu.memory_space<vmem>> -> memref<120x128xf32, #tpu.memory_space<vmem>>
      %dma_start3A_53 = arith.constant 0 : i32
      %dma_start3A_54 = tpu.memref_slice %arg5[%arg0, %add3A_50, %dma_start3A_53] : memref<2x10112x128xf32, #tpu.memory_space<hbm>> -> memref<1x120x128xf32, #tpu.memory_space<hbm>>
      %dma_start3A_55 = tpu.memref_squeeze %dma_start3A_54 : memref<1x120x128xf32, #tpu.memory_space<hbm>> -> memref<120x128xf32, #tpu.memory_space<hbm>>
      %dma_start3A_56 = arith.constant 0 : i32
      %dma_start3A_57 = tpu.memref_slice %arg5[%arg0, %add3A_50, %dma_start3A_56] : memref<2x10112x128xf32, #tpu.memory_space<hbm>> -> memref<1x120x128xf32, #tpu.memory_space<hbm>>
      %dma_start3A_58 = tpu.memref_squeeze %dma_start3A_57 : memref<1x120x128xf32, #tpu.memory_space<hbm>> -> memref<120x128xf32, #tpu.memory_space<hbm>>
      %dma_start3A_59 = arith.constant 0 : i32
      %dma_start3A_60 = arith.constant 0 : i32
      %dma_start3A_61 = tpu.memref_slice %arg8[%dma_start3A_59, %dma_start3A_60] : memref<128x128xf32, #tpu.memory_space<vmem>> -> memref<120x128xf32, #tpu.memory_space<vmem>>
      tpu.enqueue_dma source(%dma_start3A_61 : memref<120x128xf32, #tpu.memory_space<vmem>>) target(%dma_start3A_58 : memref<120x128xf32, #tpu.memory_space<hbm>>) target_semaphore(%run_scoped3A : memref<!tpu.dma_semaphore, #tpu.memory_space<semaphore_mem>>)
      %dma_wait3A = arith.constant 0 : i32
      %dma_wait3A_62 = arith.constant 0 : i32
      %dma_wait3A_63 = tpu.memref_slice %arg8[%dma_wait3A, %dma_wait3A_62] : memref<128x128xf32, #tpu.memory_space<vmem>> -> memref<120x128xf32, #tpu.memory_space<vmem>>
      %dma_wait3A_64 = arith.constant 0 : i32
      %dma_wait3A_65 = tpu.memref_slice %arg5[%arg0, %add3A_50, %dma_wait3A_64] : memref<2x10112x128xf32, #tpu.memory_space<hbm>> -> memref<1x120x128xf32, #tpu.memory_space<hbm>>
      %dma_wait3A_66 = tpu.memref_squeeze %dma_wait3A_65 : memref<1x120x128xf32, #tpu.memory_space<hbm>> -> memref<120x128xf32, #tpu.memory_space<hbm>>
      %dma_wait3A_67 = arith.constant 0 : i32
      %dma_wait3A_68 = tpu.memref_slice %arg5[%arg0, %add3A_50, %dma_wait3A_67] : memref<2x10112x128xf32, #tpu.memory_space<hbm>> -> memref<1x120x128xf32, #tpu.memory_space<hbm>>
      %dma_wait3A_69 = tpu.memref_squeeze %dma_wait3A_68 : memref<1x120x128xf32, #tpu.memory_space<hbm>> -> memref<120x128xf32, #tpu.memory_space<hbm>>
      %dma_wait3A_70 = arith.constant 0 : i32
      %dma_wait3A_71 = arith.constant 0 : i32
      %dma_wait3A_72 = tpu.memref_slice %arg8[%dma_wait3A_70, %dma_wait3A_71] : memref<128x128xf32, #tpu.memory_space<vmem>> -> memref<120x128xf32, #tpu.memory_space<vmem>>
      tpu.wait_dma2 semaphore(%run_scoped3A : memref<!tpu.dma_semaphore, #tpu.memory_space<semaphore_mem>>) src(%dma_wait3A_72 : memref<120x128xf32, #tpu.memory_space<vmem>>) dst(%dma_wait3A_69 : memref<120x128xf32, #tpu.memory_space<hbm>>)
      tpu.yield
    }) : () -> ()
    return
  }
}

#map = affine_map<(d0, d1) -> (0, 0)>
#map1 = affine_map<(d0, d1) -> (0, 0, 0)>
module attributes {stable_mosaic.version = 14 : i64} {
  func.func @spmm(%arg0: i32, %arg1: i32, %arg2: memref<10000x128xf32, #tpu.memory_space<hbm>>, %arg3: memref<2560x128xi32, #tpu.memory_space<hbm>>, %arg4: memref<2560x128xi32, #tpu.memory_space<hbm>>, %arg5: memref<2x10112x128xf32, #tpu.memory_space<hbm>>, %arg6: memref<8x128xi32, #tpu.memory_space<vmem>>, %arg7: memref<8x128xi32, #tpu.memory_space<vmem>>, %arg8: memref<128x128xf32, #tpu.memory_space<vmem>>, %arg9: memref<128x128xf32, #tpu.memory_space<vmem>>, %arg10: memref<10112x128xf32, #tpu.memory_space<vmem_shared>>, %arg11: memref<!tpu.dma_semaphore, #tpu.memory_space<semaphore_mem>>, %arg12: memref<!tpu.dma_semaphore, #tpu.memory_space<semaphore_mem>>) attributes {dimension_semantics = [#tpu.dimension_semantics<core_parallel>, #tpu.dimension_semantics<subcore_parallel>], iteration_bounds = array<i64: 2, 16>, scalar_prefetch = 0 : i64, scratch_operands = 7 : i64, tpu.core_type = #tpu.core_type<sc_vector_subcore>, window_params = [{transform_indices = #map}, {transform_indices = #map}, {transform_indices = #map}, {transform_indices = #map1}]} {
    %scan3A = arith.constant 0 : i32
    %scan3A_0 = arith.constant 0 : i32
    %scan3A_1 = arith.constant 128 : i32
    %scan3A_2 = arith.addi %scan3A_0, %scan3A_1 : i32
    %scan3A_3 = arith.constant 1 : i32
    scf.for %scan3A_51 = %scan3A_0 to %scan3A_2 step %scan3A_3  : i32 {
      %broadcast_in_dim3A = arith.constant 0.000000e+00 : f32
      %broadcast_in_dim3A_52 = vector.broadcast %broadcast_in_dim3A : f32 to vector<16xf32>
      %swap3A = arith.index_cast %scan3A_51 : i32 to index
      %swap3A_53 = arith.constant 0 : index
      %swap3A_54 = tpu.vector_load %arg8[%swap3A, %swap3A_53] {strides = array<i32>} : memref<128x128xf32, #tpu.memory_space<vmem>>, vector<1x16xf32>,
      %swap3A_55 = vector.shape_cast %swap3A_54 : vector<1x16xf32> to vector<16xf32>
      %swap3A_56 = vector.shape_cast %broadcast_in_dim3A_52 : vector<16xf32> to vector<1x16xf32>
      tpu.vector_store %arg8[%swap3A, %swap3A_53], %swap3A_56 {strides = array<i32>} : memref<128x128xf32, #tpu.memory_space<vmem>>, vector<1x16xf32>,
      %broadcast_in_dim3A_57 = arith.constant 0.000000e+00 : f32
      %broadcast_in_dim3A_58 = vector.broadcast %broadcast_in_dim3A_57 : f32 to vector<16xf32>
      %swap3A_59 = arith.index_cast %scan3A_51 : i32 to index
      %swap3A_60 = arith.constant 16 : index
      %swap3A_61 = tpu.vector_load %arg8[%swap3A_59, %swap3A_60] {strides = array<i32>} : memref<128x128xf32, #tpu.memory_space<vmem>>, vector<1x16xf32>,
      %swap3A_62 = vector.shape_cast %swap3A_61 : vector<1x16xf32> to vector<16xf32>
      %swap3A_63 = vector.shape_cast %broadcast_in_dim3A_58 : vector<16xf32> to vector<1x16xf32>
      tpu.vector_store %arg8[%swap3A_59, %swap3A_60], %swap3A_63 {strides = array<i32>} : memref<128x128xf32, #tpu.memory_space<vmem>>, vector<1x16xf32>,
      %broadcast_in_dim3A_64 = arith.constant 0.000000e+00 : f32
      %broadcast_in_dim3A_65 = vector.broadcast %broadcast_in_dim3A_64 : f32 to vector<16xf32>
      %swap3A_66 = arith.index_cast %scan3A_51 : i32 to index
      %swap3A_67 = arith.constant 32 : index
      %swap3A_68 = tpu.vector_load %arg8[%swap3A_66, %swap3A_67] {strides = array<i32>} : memref<128x128xf32, #tpu.memory_space<vmem>>, vector<1x16xf32>,
      %swap3A_69 = vector.shape_cast %swap3A_68 : vector<1x16xf32> to vector<16xf32>
      %swap3A_70 = vector.shape_cast %broadcast_in_dim3A_65 : vector<16xf32> to vector<1x16xf32>
      tpu.vector_store %arg8[%swap3A_66, %swap3A_67], %swap3A_70 {strides = array<i32>} : memref<128x128xf32, #tpu.memory_space<vmem>>, vector<1x16xf32>,
      %broadcast_in_dim3A_71 = arith.constant 0.000000e+00 : f32
      %broadcast_in_dim3A_72 = vector.broadcast %broadcast_in_dim3A_71 : f32 to vector<16xf32>
      %swap3A_73 = arith.index_cast %scan3A_51 : i32 to index
      %swap3A_74 = arith.constant 48 : index
      %swap3A_75 = tpu.vector_load %arg8[%swap3A_73, %swap3A_74] {strides = array<i32>} : memref<128x128xf32, #tpu.memory_space<vmem>>, vector<1x16xf32>,
      %swap3A_76 = vector.shape_cast %swap3A_75 : vector<1x16xf32> to vector<16xf32>
      %swap3A_77 = vector.shape_cast %broadcast_in_dim3A_72 : vector<16xf32> to vector<1x16xf32>
      tpu.vector_store %arg8[%swap3A_73, %swap3A_74], %swap3A_77 {strides = array<i32>} : memref<128x128xf32, #tpu.memory_space<vmem>>, vector<1x16xf32>,
      %broadcast_in_dim3A_78 = arith.constant 0.000000e+00 : f32
      %broadcast_in_dim3A_79 = vector.broadcast %broadcast_in_dim3A_78 : f32 to vector<16xf32>
      %swap3A_80 = arith.index_cast %scan3A_51 : i32 to index
      %swap3A_81 = arith.constant 64 : index
      %swap3A_82 = tpu.vector_load %arg8[%swap3A_80, %swap3A_81] {strides = array<i32>} : memref<128x128xf32, #tpu.memory_space<vmem>>, vector<1x16xf32>,
      %swap3A_83 = vector.shape_cast %swap3A_82 : vector<1x16xf32> to vector<16xf32>
      %swap3A_84 = vector.shape_cast %broadcast_in_dim3A_79 : vector<16xf32> to vector<1x16xf32>
      tpu.vector_store %arg8[%swap3A_80, %swap3A_81], %swap3A_84 {strides = array<i32>} : memref<128x128xf32, #tpu.memory_space<vmem>>, vector<1x16xf32>,
      %broadcast_in_dim3A_85 = arith.constant 0.000000e+00 : f32
      %broadcast_in_dim3A_86 = vector.broadcast %broadcast_in_dim3A_85 : f32 to vector<16xf32>
      %swap3A_87 = arith.index_cast %scan3A_51 : i32 to index
      %swap3A_88 = arith.constant 80 : index
      %swap3A_89 = tpu.vector_load %arg8[%swap3A_87, %swap3A_88] {strides = array<i32>} : memref<128x128xf32, #tpu.memory_space<vmem>>, vector<1x16xf32>,
      %swap3A_90 = vector.shape_cast %swap3A_89 : vector<1x16xf32> to vector<16xf32>
      %swap3A_91 = vector.shape_cast %broadcast_in_dim3A_86 : vector<16xf32> to vector<1x16xf32>
      tpu.vector_store %arg8[%swap3A_87, %swap3A_88], %swap3A_91 {strides = array<i32>} : memref<128x128xf32, #tpu.memory_space<vmem>>, vector<1x16xf32>,
      %broadcast_in_dim3A_92 = arith.constant 0.000000e+00 : f32
      %broadcast_in_dim3A_93 = vector.broadcast %broadcast_in_dim3A_92 : f32 to vector<16xf32>
      %swap3A_94 = arith.index_cast %scan3A_51 : i32 to index
      %swap3A_95 = arith.constant 96 : index
      %swap3A_96 = tpu.vector_load %arg8[%swap3A_94, %swap3A_95] {strides = array<i32>} : memref<128x128xf32, #tpu.memory_space<vmem>>, vector<1x16xf32>,
      %swap3A_97 = vector.shape_cast %swap3A_96 : vector<1x16xf32> to vector<16xf32>
      %swap3A_98 = vector.shape_cast %broadcast_in_dim3A_93 : vector<16xf32> to vector<1x16xf32>
      tpu.vector_store %arg8[%swap3A_94, %swap3A_95], %swap3A_98 {strides = array<i32>} : memref<128x128xf32, #tpu.memory_space<vmem>>, vector<1x16xf32>,
      %broadcast_in_dim3A_99 = arith.constant 0.000000e+00 : f32
      %broadcast_in_dim3A_100 = vector.broadcast %broadcast_in_dim3A_99 : f32 to vector<16xf32>
      %swap3A_101 = arith.index_cast %scan3A_51 : i32 to index
      %swap3A_102 = arith.constant 112 : index
      %swap3A_103 = tpu.vector_load %arg8[%swap3A_101, %swap3A_102] {strides = array<i32>} : memref<128x128xf32, #tpu.memory_space<vmem>>, vector<1x16xf32>,
      %swap3A_104 = vector.shape_cast %swap3A_103 : vector<1x16xf32> to vector<16xf32>
      %swap3A_105 = vector.shape_cast %broadcast_in_dim3A_100 : vector<16xf32> to vector<1x16xf32>
      tpu.vector_store %arg8[%swap3A_101, %swap3A_102], %swap3A_105 {strides = array<i32>} : memref<128x128xf32, #tpu.memory_space<vmem>>, vector<1x16xf32>,
    }
    %scan3A_4 = arith.constant 128 : i32
    %mul3A = arith.constant 632 : i32
    %mul3A_5 = arith.muli %arg1, %mul3A : i32
    %add3A = arith.constant 0 : i32
    %add3A_6 = arith.addi %mul3A_5, %add3A : i32
    "tpu.region"() ({
      %run_scoped3A = tpu.sem_alloc : memref<!tpu.dma_semaphore, #tpu.memory_space<semaphore_mem>>
      %dma_start3A = arith.constant 0 : i32
      %dma_start3A_51 = tpu.memref_slice %arg10[%add3A_6, %dma_start3A] : memref<10112x128xf32, #tpu.memory_space<vmem_shared>> -> memref<128x128xf32, #tpu.memory_space<vmem_shared>>
      %dma_start3A_52 = arith.constant 0 : i32
      %dma_start3A_53 = tpu.memref_slice %arg10[%add3A_6, %dma_start3A_52] : memref<10112x128xf32, #tpu.memory_space<vmem_shared>> -> memref<128x128xf32, #tpu.memory_space<vmem_shared>>
      tpu.enqueue_dma source(%arg8 : memref<128x128xf32, #tpu.memory_space<vmem>>) target(%dma_start3A_53 : memref<128x128xf32, #tpu.memory_space<vmem_shared>>) target_semaphore(%run_scoped3A : memref<!tpu.dma_semaphore, #tpu.memory_space<semaphore_mem>>)
      %dma_wait3A = arith.constant 0 : i32
      %dma_wait3A_54 = tpu.memref_slice %arg10[%add3A_6, %dma_wait3A] : memref<10112x128xf32, #tpu.memory_space<vmem_shared>> -> memref<128x128xf32, #tpu.memory_space<vmem_shared>>
      %dma_wait3A_55 = arith.constant 0 : i32
      %dma_wait3A_56 = tpu.memref_slice %arg10[%add3A_6, %dma_wait3A_55] : memref<10112x128xf32, #tpu.memory_space<vmem_shared>> -> memref<128x128xf32, #tpu.memory_space<vmem_shared>>
      tpu.wait_dma2 semaphore(%run_scoped3A : memref<!tpu.dma_semaphore, #tpu.memory_space<semaphore_mem>>) src(%arg8 : memref<128x128xf32, #tpu.memory_space<vmem>>) dst(%dma_wait3A_56 : memref<128x128xf32, #tpu.memory_space<vmem_shared>>)
      tpu.yield
    }) : () -> ()
    %mul3A_7 = arith.constant 632 : i32
    %mul3A_8 = arith.muli %arg1, %mul3A_7 : i32
    %add3A_9 = arith.constant 128 : i32
    %add3A_10 = arith.addi %mul3A_8, %add3A_9 : i32
    "tpu.region"() ({
      %run_scoped3A = tpu.sem_alloc : memref<!tpu.dma_semaphore, #tpu.memory_space<semaphore_mem>>
      %dma_start3A = arith.constant 0 : i32
      %dma_start3A_51 = tpu.memref_slice %arg10[%add3A_10, %dma_start3A] : memref<10112x128xf32, #tpu.memory_space<vmem_shared>> -> memref<128x128xf32, #tpu.memory_space<vmem_shared>>
      %dma_start3A_52 = arith.constant 0 : i32
      %dma_start3A_53 = tpu.memref_slice %arg10[%add3A_10, %dma_start3A_52] : memref<10112x128xf32, #tpu.memory_space<vmem_shared>> -> memref<128x128xf32, #tpu.memory_space<vmem_shared>>
      tpu.enqueue_dma source(%arg8 : memref<128x128xf32, #tpu.memory_space<vmem>>) target(%dma_start3A_53 : memref<128x128xf32, #tpu.memory_space<vmem_shared>>) target_semaphore(%run_scoped3A : memref<!tpu.dma_semaphore, #tpu.memory_space<semaphore_mem>>)
      %dma_wait3A = arith.constant 0 : i32
      %dma_wait3A_54 = tpu.memref_slice %arg10[%add3A_10, %dma_wait3A] : memref<10112x128xf32, #tpu.memory_space<vmem_shared>> -> memref<128x128xf32, #tpu.memory_space<vmem_shared>>
      %dma_wait3A_55 = arith.constant 0 : i32
      %dma_wait3A_56 = tpu.memref_slice %arg10[%add3A_10, %dma_wait3A_55] : memref<10112x128xf32, #tpu.memory_space<vmem_shared>> -> memref<128x128xf32, #tpu.memory_space<vmem_shared>>
      tpu.wait_dma2 semaphore(%run_scoped3A : memref<!tpu.dma_semaphore, #tpu.memory_space<semaphore_mem>>) src(%arg8 : memref<128x128xf32, #tpu.memory_space<vmem>>) dst(%dma_wait3A_56 : memref<128x128xf32, #tpu.memory_space<vmem_shared>>)
      tpu.yield
    }) : () -> ()
    %mul3A_11 = arith.constant 632 : i32
    %mul3A_12 = arith.muli %arg1, %mul3A_11 : i32
    %add3A_13 = arith.constant 256 : i32
    %add3A_14 = arith.addi %mul3A_12, %add3A_13 : i32
    "tpu.region"() ({
      %run_scoped3A = tpu.sem_alloc : memref<!tpu.dma_semaphore, #tpu.memory_space<semaphore_mem>>
      %dma_start3A = arith.constant 0 : i32
      %dma_start3A_51 = tpu.memref_slice %arg10[%add3A_14, %dma_start3A] : memref<10112x128xf32, #tpu.memory_space<vmem_shared>> -> memref<128x128xf32, #tpu.memory_space<vmem_shared>>
      %dma_start3A_52 = arith.constant 0 : i32
      %dma_start3A_53 = tpu.memref_slice %arg10[%add3A_14, %dma_start3A_52] : memref<10112x128xf32, #tpu.memory_space<vmem_shared>> -> memref<128x128xf32, #tpu.memory_space<vmem_shared>>
      tpu.enqueue_dma source(%arg8 : memref<128x128xf32, #tpu.memory_space<vmem>>) target(%dma_start3A_53 : memref<128x128xf32, #tpu.memory_space<vmem_shared>>) target_semaphore(%run_scoped3A : memref<!tpu.dma_semaphore, #tpu.memory_space<semaphore_mem>>)
      %dma_wait3A = arith.constant 0 : i32
      %dma_wait3A_54 = tpu.memref_slice %arg10[%add3A_14, %dma_wait3A] : memref<10112x128xf32, #tpu.memory_space<vmem_shared>> -> memref<128x128xf32, #tpu.memory_space<vmem_shared>>
      %dma_wait3A_55 = arith.constant 0 : i32
      %dma_wait3A_56 = tpu.memref_slice %arg10[%add3A_14, %dma_wait3A_55] : memref<10112x128xf32, #tpu.memory_space<vmem_shared>> -> memref<128x128xf32, #tpu.memory_space<vmem_shared>>
      tpu.wait_dma2 semaphore(%run_scoped3A : memref<!tpu.dma_semaphore, #tpu.memory_space<semaphore_mem>>) src(%arg8 : memref<128x128xf32, #tpu.memory_space<vmem>>) dst(%dma_wait3A_56 : memref<128x128xf32, #tpu.memory_space<vmem_shared>>)
      tpu.yield
    }) : () -> ()
    %mul3A_15 = arith.constant 632 : i32
    %mul3A_16 = arith.muli %arg1, %mul3A_15 : i32
    %add3A_17 = arith.constant 384 : i32
    %add3A_18 = arith.addi %mul3A_16, %add3A_17 : i32
    "tpu.region"() ({
      %run_scoped3A = tpu.sem_alloc : memref<!tpu.dma_semaphore, #tpu.memory_space<semaphore_mem>>
      %dma_start3A = arith.constant 0 : i32
      %dma_start3A_51 = tpu.memref_slice %arg10[%add3A_18, %dma_start3A] : memref<10112x128xf32, #tpu.memory_space<vmem_shared>> -> memref<128x128xf32, #tpu.memory_space<vmem_shared>>
      %dma_start3A_52 = arith.constant 0 : i32
      %dma_start3A_53 = tpu.memref_slice %arg10[%add3A_18, %dma_start3A_52] : memref<10112x128xf32, #tpu.memory_space<vmem_shared>> -> memref<128x128xf32, #tpu.memory_space<vmem_shared>>
      tpu.enqueue_dma source(%arg8 : memref<128x128xf32, #tpu.memory_space<vmem>>) target(%dma_start3A_53 : memref<128x128xf32, #tpu.memory_space<vmem_shared>>) target_semaphore(%run_scoped3A : memref<!tpu.dma_semaphore, #tpu.memory_space<semaphore_mem>>)
      %dma_wait3A = arith.constant 0 : i32
      %dma_wait3A_54 = tpu.memref_slice %arg10[%add3A_18, %dma_wait3A] : memref<10112x128xf32, #tpu.memory_space<vmem_shared>> -> memref<128x128xf32, #tpu.memory_space<vmem_shared>>
      %dma_wait3A_55 = arith.constant 0 : i32
      %dma_wait3A_56 = tpu.memref_slice %arg10[%add3A_18, %dma_wait3A_55] : memref<10112x128xf32, #tpu.memory_space<vmem_shared>> -> memref<128x128xf32, #tpu.memory_space<vmem_shared>>
      tpu.wait_dma2 semaphore(%run_scoped3A : memref<!tpu.dma_semaphore, #tpu.memory_space<semaphore_mem>>) src(%arg8 : memref<128x128xf32, #tpu.memory_space<vmem>>) dst(%dma_wait3A_56 : memref<128x128xf32, #tpu.memory_space<vmem_shared>>)
      tpu.yield
    }) : () -> ()
    %mul3A_19 = arith.constant 632 : i32
    %mul3A_20 = arith.muli %arg1, %mul3A_19 : i32
    %add3A_21 = arith.constant 512 : i32
    %add3A_22 = arith.addi %mul3A_20, %add3A_21 : i32
    "tpu.region"() ({
      %run_scoped3A = tpu.sem_alloc : memref<!tpu.dma_semaphore, #tpu.memory_space<semaphore_mem>>
      %dma_start3A = arith.constant 0 : i32
      %dma_start3A_51 = arith.constant 0 : i32
      %dma_start3A_52 = tpu.memref_slice %arg8[%dma_start3A, %dma_start3A_51] : memref<128x128xf32, #tpu.memory_space<vmem>> -> memref<120x128xf32, #tpu.memory_space<vmem>>
      %dma_start3A_53 = arith.constant 0 : i32
      %dma_start3A_54 = tpu.memref_slice %arg10[%add3A_22, %dma_start3A_53] : memref<10112x128xf32, #tpu.memory_space<vmem_shared>> -> memref<120x128xf32, #tpu.memory_space<vmem_shared>>
      %dma_start3A_55 = arith.constant 0 : i32
      %dma_start3A_56 = tpu.memref_slice %arg10[%add3A_22, %dma_start3A_55] : memref<10112x128xf32, #tpu.memory_space<vmem_shared>> -> memref<120x128xf32, #tpu.memory_space<vmem_shared>>
      %dma_start3A_57 = arith.constant 0 : i32
      %dma_start3A_58 = arith.constant 0 : i32
      %dma_start3A_59 = tpu.memref_slice %arg8[%dma_start3A_57, %dma_start3A_58] : memref<128x128xf32, #tpu.memory_space<vmem>> -> memref<120x128xf32, #tpu.memory_space<vmem>>
      tpu.enqueue_dma source(%dma_start3A_59 : memref<120x128xf32, #tpu.memory_space<vmem>>) target(%dma_start3A_56 : memref<120x128xf32, #tpu.memory_space<vmem_shared>>) target_semaphore(%run_scoped3A : memref<!tpu.dma_semaphore, #tpu.memory_space<semaphore_mem>>)
      %dma_wait3A = arith.constant 0 : i32
      %dma_wait3A_60 = arith.constant 0 : i32
      %dma_wait3A_61 = tpu.memref_slice %arg8[%dma_wait3A, %dma_wait3A_60] : memref<128x128xf32, #tpu.memory_space<vmem>> -> memref<120x128xf32, #tpu.memory_space<vmem>>
      %dma_wait3A_62 = arith.constant 0 : i32
      %dma_wait3A_63 = tpu.memref_slice %arg10[%add3A_22, %dma_wait3A_62] : memref<10112x128xf32, #tpu.memory_space<vmem_shared>> -> memref<120x128xf32, #tpu.memory_space<vmem_shared>>
      %dma_wait3A_64 = arith.constant 0 : i32
      %dma_wait3A_65 = tpu.memref_slice %arg10[%add3A_22, %dma_wait3A_64] : memref<10112x128xf32, #tpu.memory_space<vmem_shared>> -> memref<120x128xf32, #tpu.memory_space<vmem_shared>>
      %dma_wait3A_66 = arith.constant 0 : i32
      %dma_wait3A_67 = arith.constant 0 : i32
      %dma_wait3A_68 = tpu.memref_slice %arg8[%dma_wait3A_66, %dma_wait3A_67] : memref<128x128xf32, #tpu.memory_space<vmem>> -> memref<120x128xf32, #tpu.memory_space<vmem>>
      tpu.wait_dma2 semaphore(%run_scoped3A : memref<!tpu.dma_semaphore, #tpu.memory_space<semaphore_mem>>) src(%dma_wait3A_68 : memref<120x128xf32, #tpu.memory_space<vmem>>) dst(%dma_wait3A_65 : memref<120x128xf32, #tpu.memory_space<vmem_shared>>)
      tpu.yield
    }) : () -> ()
    %barrier3A = arith.constant 0 : index
    tpu.barrier barrier_id(%barrier3A)
    %eq3A = arith.constant 0 : i32
    %eq3A_23 = arith.cmpi eq, %arg0, %eq3A : i32
    %convert_element_type3A = arith.extui %eq3A_23 : i1 to i32
    %cond3A = arith.constant 0 : i32
    %cond3A_24 = arith.cmpi ne, %convert_element_type3A, %cond3A : i32
    scf.if %cond3A_24 {
      %mul3A_51 = arith.constant 152 : i32
      %mul3A_52 = arith.muli %arg1, %mul3A_51 : i32
      %scan3A_53 = arith.constant 0 : i32
      %scan3A_54 = arith.constant 0 : i32
      %scan3A_55 = arith.constant 19 : i32
      %scan3A_56 = arith.addi %scan3A_54, %scan3A_55 : i32
      %scan3A_57 = arith.constant 1 : i32
      scf.for %scan3A_59 = %scan3A_54 to %scan3A_56 step %scan3A_57  : i32 {
        %mul3A_60 = arith.constant 8 : i32
        %mul3A_61 = arith.muli %scan3A_59, %mul3A_60 : i32
        %add3A_62 = arith.addi %mul3A_52, %mul3A_61 : i32
        "tpu.region"() ({
          %run_scoped3A_183 = tpu.sem_alloc : memref<!tpu.dma_semaphore, #tpu.memory_space<semaphore_mem>>
          %dma_start3A_184 = arith.constant 0 : i32
          %dma_start3A_185 = tpu.memref_slice %arg3[%add3A_62, %dma_start3A_184] : memref<2560x128xi32, #tpu.memory_space<hbm>> -> memref<8x128xi32, #tpu.memory_space<hbm>>
          %dma_start3A_186 = arith.constant 0 : i32
          %dma_start3A_187 = tpu.memref_slice %arg3[%add3A_62, %dma_start3A_186] : memref<2560x128xi32, #tpu.memory_space<hbm>> -> memref<8x128xi32, #tpu.memory_space<hbm>>
          tpu.enqueue_dma source(%dma_start3A_187 : memref<8x128xi32, #tpu.memory_space<hbm>>) target(%arg6 : memref<8x128xi32, #tpu.memory_space<vmem>>) target_semaphore(%run_scoped3A_183 : memref<!tpu.dma_semaphore, #tpu.memory_space<semaphore_mem>>)
          %dma_wait3A_188 = arith.constant 0 : i32
          %dma_wait3A_189 = tpu.memref_slice %arg3[%add3A_62, %dma_wait3A_188] : memref<2560x128xi32, #tpu.memory_space<hbm>> -> memref<8x128xi32, #tpu.memory_space<hbm>>
          %dma_wait3A_190 = arith.constant 0 : i32
          %dma_wait3A_191 = tpu.memref_slice %arg3[%add3A_62, %dma_wait3A_190] : memref<2560x128xi32, #tpu.memory_space<hbm>> -> memref<8x128xi32, #tpu.memory_space<hbm>>
          tpu.wait_dma2 semaphore(%run_scoped3A_183 : memref<!tpu.dma_semaphore, #tpu.memory_space<semaphore_mem>>) src(%dma_wait3A_191 : memref<8x128xi32, #tpu.memory_space<hbm>>) dst(%arg6 : memref<8x128xi32, #tpu.memory_space<vmem>>)
          tpu.yield
        }) : () -> ()
        %mul3A_63 = arith.constant 8 : i32
        %mul3A_64 = arith.muli %scan3A_59, %mul3A_63 : i32
        %add3A_65 = arith.addi %mul3A_52, %mul3A_64 : i32
        "tpu.region"() ({
          %run_scoped3A_183 = tpu.sem_alloc : memref<!tpu.dma_semaphore, #tpu.memory_space<semaphore_mem>>
          %dma_start3A_184 = arith.constant 0 : i32
          %dma_start3A_185 = tpu.memref_slice %arg4[%add3A_65, %dma_start3A_184] : memref<2560x128xi32, #tpu.memory_space<hbm>> -> memref<8x128xi32, #tpu.memory_space<hbm>>
          %dma_start3A_186 = arith.constant 0 : i32
          %dma_start3A_187 = tpu.memref_slice %arg4[%add3A_65, %dma_start3A_186] : memref<2560x128xi32, #tpu.memory_space<hbm>> -> memref<8x128xi32, #tpu.memory_space<hbm>>
          tpu.enqueue_dma source(%dma_start3A_187 : memref<8x128xi32, #tpu.memory_space<hbm>>) target(%arg7 : memref<8x128xi32, #tpu.memory_space<vmem>>) target_semaphore(%run_scoped3A_183 : memref<!tpu.dma_semaphore, #tpu.memory_space<semaphore_mem>>)
          %dma_wait3A_188 = arith.constant 0 : i32
          %dma_wait3A_189 = tpu.memref_slice %arg4[%add3A_65, %dma_wait3A_188] : memref<2560x128xi32, #tpu.memory_space<hbm>> -> memref<8x128xi32, #tpu.memory_space<hbm>>
          %dma_wait3A_190 = arith.constant 0 : i32
          %dma_wait3A_191 = tpu.memref_slice %arg4[%add3A_65, %dma_wait3A_190] : memref<2560x128xi32, #tpu.memory_space<hbm>> -> memref<8x128xi32, #tpu.memory_space<hbm>>
          tpu.wait_dma2 semaphore(%run_scoped3A_183 : memref<!tpu.dma_semaphore, #tpu.memory_space<semaphore_mem>>) src(%dma_wait3A_191 : memref<8x128xi32, #tpu.memory_space<hbm>>) dst(%arg7 : memref<8x128xi32, #tpu.memory_space<vmem>>)
          tpu.yield
        }) : () -> ()
        %dma_start3A = arith.constant 0 : i32
        %dma_start3A_66 = arith.constant 0 : i32
        %dma_start3A_67 = tpu.memref_slice %arg6[%dma_start3A, %dma_start3A_66] : memref<8x128xi32, #tpu.memory_space<vmem>> -> memref<1x128xi32, #tpu.memory_space<vmem>>
        %dma_start3A_68 = tpu.memref_squeeze %dma_start3A_67 : memref<1x128xi32, #tpu.memory_space<vmem>> -> memref<128xi32, #tpu.memory_space<vmem>>
        %dma_start3A_69 = arith.constant 0 : i32
        %dma_start3A_70 = arith.constant 0 : i32
        %dma_start3A_71 = tpu.memref_slice %arg2[%dma_start3A_69, %dma_start3A_70] : memref<10000x128xf32, #tpu.memory_space<hbm>> -> memref<10000x128xf32, #tpu.memory_space<hbm>>
        tpu.enqueue_indirect_dma source(%dma_start3A_71 : memref<10000x128xf32, #tpu.memory_space<hbm>>) target(%arg8 : memref<128x128xf32, #tpu.memory_space<vmem>>) offsets(%dma_start3A_68 : memref<128xi32, #tpu.memory_space<vmem>>) semaphore(%arg11 : memref<!tpu.dma_semaphore, #tpu.memory_space<semaphore_mem>>)
        %dma_start3A_72 = arith.constant 1 : i32
        %dma_start3A_73 = arith.constant 0 : i32
        %dma_start3A_74 = tpu.memref_slice %arg6[%dma_start3A_72, %dma_start3A_73] : memref<8x128xi32, #tpu.memory_space<vmem>> -> memref<1x128xi32, #tpu.memory_space<vmem>>
        %dma_start3A_75 = tpu.memref_squeeze %dma_start3A_74 : memref<1x128xi32, #tpu.memory_space<vmem>> -> memref<128xi32, #tpu.memory_space<vmem>>
        %dma_start3A_76 = arith.constant 0 : i32
        %dma_start3A_77 = arith.constant 0 : i32
        %dma_start3A_78 = tpu.memref_slice %arg2[%dma_start3A_76, %dma_start3A_77] : memref<10000x128xf32, #tpu.memory_space<hbm>> -> memref<10000x128xf32, #tpu.memory_space<hbm>>
        tpu.enqueue_indirect_dma source(%dma_start3A_78 : memref<10000x128xf32, #tpu.memory_space<hbm>>) target(%arg9 : memref<128x128xf32, #tpu.memory_space<vmem>>) offsets(%dma_start3A_75 : memref<128xi32, #tpu.memory_space<vmem>>) semaphore(%arg12 : memref<!tpu.dma_semaphore, #tpu.memory_space<semaphore_mem>>)
        %dma_wait3A = arith.constant 0 : i32
        %dma_wait3A_79 = arith.constant 0 : i32
        %dma_wait3A_80 = tpu.memref_slice %arg6[%dma_wait3A, %dma_wait3A_79] : memref<8x128xi32, #tpu.memory_space<vmem>> -> memref<1x128xi32, #tpu.memory_space<vmem>>
        %dma_wait3A_81 = tpu.memref_squeeze %dma_wait3A_80 : memref<1x128xi32, #tpu.memory_space<vmem>> -> memref<128xi32, #tpu.memory_space<vmem>>
        %dma_wait3A_82 = arith.constant 0 : i32
        %dma_wait3A_83 = arith.constant 0 : i32
        %dma_wait3A_84 = tpu.memref_slice %arg2[%dma_wait3A_82, %dma_wait3A_83] : memref<10000x128xf32, #tpu.memory_space<hbm>> -> memref<10000x128xf32, #tpu.memory_space<hbm>>
        tpu.wait_indirect_dma semaphore(%arg11 : memref<!tpu.dma_semaphore, #tpu.memory_space<semaphore_mem>>) src(%dma_wait3A_84 : memref<10000x128xf32, #tpu.memory_space<hbm>>) dst(%arg8 : memref<128x128xf32, #tpu.memory_space<vmem>>)
        %run_scoped3A = arith.constant 0 : i32
        "tpu.region"() ({
          %run_scoped3A_183 = tpu.sem_alloc : memref<!tpu.dma_semaphore, #tpu.memory_space<semaphore_mem>>
          %dma_start3A_184 = arith.constant 0 : i32
          %dma_start3A_185 = tpu.memref_slice %arg7[%run_scoped3A, %dma_start3A_184] : memref<8x128xi32, #tpu.memory_space<vmem>> -> memref<1x128xi32, #tpu.memory_space<vmem>>
          %dma_start3A_186 = tpu.memref_squeeze %dma_start3A_185 : memref<1x128xi32, #tpu.memory_space<vmem>> -> memref<128xi32, #tpu.memory_space<vmem>>
          %dma_start3A_187 = arith.constant 0 : i32
          %dma_start3A_188 = arith.constant 0 : i32
          %dma_start3A_189 = tpu.memref_slice %arg10[%dma_start3A_187, %dma_start3A_188] : memref<10112x128xf32, #tpu.memory_space<vmem_shared>> -> memref<10112x128xf32, #tpu.memory_space<vmem_shared>>
          tpu.enqueue_indirect_dma source(%arg8 : memref<128x128xf32, #tpu.memory_space<vmem>>) target(%dma_start3A_189 : memref<10112x128xf32, #tpu.memory_space<vmem_shared>>) offsets(%dma_start3A_186 : memref<128xi32, #tpu.memory_space<vmem>>) semaphore(%run_scoped3A_183 : memref<!tpu.dma_semaphore, #tpu.memory_space<semaphore_mem>>) {add = true}
          %dma_wait3A_190 = arith.constant 0 : i32
          %dma_wait3A_191 = tpu.memref_slice %arg7[%run_scoped3A, %dma_wait3A_190] : memref<8x128xi32, #tpu.memory_space<vmem>> -> memref<1x128xi32, #tpu.memory_space<vmem>>
          %dma_wait3A_192 = tpu.memref_squeeze %dma_wait3A_191 : memref<1x128xi32, #tpu.memory_space<vmem>> -> memref<128xi32, #tpu.memory_space<vmem>>
          %dma_wait3A_193 = arith.constant 0 : i32
          %dma_wait3A_194 = arith.constant 0 : i32
          %dma_wait3A_195 = tpu.memref_slice %arg10[%dma_wait3A_193, %dma_wait3A_194] : memref<10112x128xf32, #tpu.memory_space<vmem_shared>> -> memref<10112x128xf32, #tpu.memory_space<vmem_shared>>
          tpu.wait_indirect_dma semaphore(%run_scoped3A_183 : memref<!tpu.dma_semaphore, #tpu.memory_space<semaphore_mem>>) src(%arg8 : memref<128x128xf32, #tpu.memory_space<vmem>>) dst(%dma_wait3A_195 : memref<10112x128xf32, #tpu.memory_space<vmem_shared>>)
          tpu.yield
        }) : () -> ()
        %dma_start3A_85 = arith.constant 2 : i32
        %dma_start3A_86 = arith.constant 0 : i32
        %dma_start3A_87 = tpu.memref_slice %arg6[%dma_start3A_85, %dma_start3A_86] : memref<8x128xi32, #tpu.memory_space<vmem>> -> memref<1x128xi32, #tpu.memory_space<vmem>>
        %dma_start3A_88 = tpu.memref_squeeze %dma_start3A_87 : memref<1x128xi32, #tpu.memory_space<vmem>> -> memref<128xi32, #tpu.memory_space<vmem>>
        %dma_start3A_89 = arith.constant 0 : i32
        %dma_start3A_90 = arith.constant 0 : i32
        %dma_start3A_91 = tpu.memref_slice %arg2[%dma_start3A_89, %dma_start3A_90] : memref<10000x128xf32, #tpu.memory_space<hbm>> -> memref<10000x128xf32, #tpu.memory_space<hbm>>
        tpu.enqueue_indirect_dma source(%dma_start3A_91 : memref<10000x128xf32, #tpu.memory_space<hbm>>) target(%arg8 : memref<128x128xf32, #tpu.memory_space<vmem>>) offsets(%dma_start3A_88 : memref<128xi32, #tpu.memory_space<vmem>>) semaphore(%arg11 : memref<!tpu.dma_semaphore, #tpu.memory_space<semaphore_mem>>)
        %dma_wait3A_92 = arith.constant 1 : i32
        %dma_wait3A_93 = arith.constant 0 : i32
        %dma_wait3A_94 = tpu.memref_slice %arg6[%dma_wait3A_92, %dma_wait3A_93] : memref<8x128xi32, #tpu.memory_space<vmem>> -> memref<1x128xi32, #tpu.memory_space<vmem>>
        %dma_wait3A_95 = tpu.memref_squeeze %dma_wait3A_94 : memref<1x128xi32, #tpu.memory_space<vmem>> -> memref<128xi32, #tpu.memory_space<vmem>>
        %dma_wait3A_96 = arith.constant 0 : i32
        %dma_wait3A_97 = arith.constant 0 : i32
        %dma_wait3A_98 = tpu.memref_slice %arg2[%dma_wait3A_96, %dma_wait3A_97] : memref<10000x128xf32, #tpu.memory_space<hbm>> -> memref<10000x128xf32, #tpu.memory_space<hbm>>
        tpu.wait_indirect_dma semaphore(%arg12 : memref<!tpu.dma_semaphore, #tpu.memory_space<semaphore_mem>>) src(%dma_wait3A_98 : memref<10000x128xf32, #tpu.memory_space<hbm>>) dst(%arg9 : memref<128x128xf32, #tpu.memory_space<vmem>>)
        %run_scoped3A_99 = arith.constant 1 : i32
        "tpu.region"() ({
          %run_scoped3A_183 = tpu.sem_alloc : memref<!tpu.dma_semaphore, #tpu.memory_space<semaphore_mem>>
          %dma_start3A_184 = arith.constant 0 : i32
          %dma_start3A_185 = tpu.memref_slice %arg7[%run_scoped3A_99, %dma_start3A_184] : memref<8x128xi32, #tpu.memory_space<vmem>> -> memref<1x128xi32, #tpu.memory_space<vmem>>
          %dma_start3A_186 = tpu.memref_squeeze %dma_start3A_185 : memref<1x128xi32, #tpu.memory_space<vmem>> -> memref<128xi32, #tpu.memory_space<vmem>>
          %dma_start3A_187 = arith.constant 0 : i32
          %dma_start3A_188 = arith.constant 0 : i32
          %dma_start3A_189 = tpu.memref_slice %arg10[%dma_start3A_187, %dma_start3A_188] : memref<10112x128xf32, #tpu.memory_space<vmem_shared>> -> memref<10112x128xf32, #tpu.memory_space<vmem_shared>>
          tpu.enqueue_indirect_dma source(%arg9 : memref<128x128xf32, #tpu.memory_space<vmem>>) target(%dma_start3A_189 : memref<10112x128xf32, #tpu.memory_space<vmem_shared>>) offsets(%dma_start3A_186 : memref<128xi32, #tpu.memory_space<vmem>>) semaphore(%run_scoped3A_183 : memref<!tpu.dma_semaphore, #tpu.memory_space<semaphore_mem>>) {add = true}
          %dma_wait3A_190 = arith.constant 0 : i32
          %dma_wait3A_191 = tpu.memref_slice %arg7[%run_scoped3A_99, %dma_wait3A_190] : memref<8x128xi32, #tpu.memory_space<vmem>> -> memref<1x128xi32, #tpu.memory_space<vmem>>
          %dma_wait3A_192 = tpu.memref_squeeze %dma_wait3A_191 : memref<1x128xi32, #tpu.memory_space<vmem>> -> memref<128xi32, #tpu.memory_space<vmem>>
          %dma_wait3A_193 = arith.constant 0 : i32
          %dma_wait3A_194 = arith.constant 0 : i32
          %dma_wait3A_195 = tpu.memref_slice %arg10[%dma_wait3A_193, %dma_wait3A_194] : memref<10112x128xf32, #tpu.memory_space<vmem_shared>> -> memref<10112x128xf32, #tpu.memory_space<vmem_shared>>
          tpu.wait_indirect_dma semaphore(%run_scoped3A_183 : memref<!tpu.dma_semaphore, #tpu.memory_space<semaphore_mem>>) src(%arg9 : memref<128x128xf32, #tpu.memory_space<vmem>>) dst(%dma_wait3A_195 : memref<10112x128xf32, #tpu.memory_space<vmem_shared>>)
          tpu.yield
        }) : () -> ()
        %dma_start3A_100 = arith.constant 3 : i32
        %dma_start3A_101 = arith.constant 0 : i32
        %dma_start3A_102 = tpu.memref_slice %arg6[%dma_start3A_100, %dma_start3A_101] : memref<8x128xi32, #tpu.memory_space<vmem>> -> memref<1x128xi32, #tpu.memory_space<vmem>>
        %dma_start3A_103 = tpu.memref_squeeze %dma_start3A_102 : memref<1x128xi32, #tpu.memory_space<vmem>> -> memref<128xi32, #tpu.memory_space<vmem>>
        %dma_start3A_104 = arith.constant 0 : i32
        %dma_start3A_105 = arith.constant 0 : i32
        %dma_start3A_106 = tpu.memref_slice %arg2[%dma_start3A_104, %dma_start3A_105] : memref<10000x128xf32, #tpu.memory_space<hbm>> -> memref<10000x128xf32, #tpu.memory_space<hbm>>
        tpu.enqueue_indirect_dma source(%dma_start3A_106 : memref<10000x128xf32, #tpu.memory_space<hbm>>) target(%arg9 : memref<128x128xf32, #tpu.memory_space<vmem>>) offsets(%dma_start3A_103 : memref<128xi32, #tpu.memory_space<vmem>>) semaphore(%arg12 : memref<!tpu.dma_semaphore, #tpu.memory_space<semaphore_mem>>)
        %dma_wait3A_107 = arith.constant 2 : i32
        %dma_wait3A_108 = arith.constant 0 : i32
        %dma_wait3A_109 = tpu.memref_slice %arg6[%dma_wait3A_107, %dma_wait3A_108] : memref<8x128xi32, #tpu.memory_space<vmem>> -> memref<1x128xi32, #tpu.memory_space<vmem>>
        %dma_wait3A_110 = tpu.memref_squeeze %dma_wait3A_109 : memref<1x128xi32, #tpu.memory_space<vmem>> -> memref<128xi32, #tpu.memory_space<vmem>>
        %dma_wait3A_111 = arith.constant 0 : i32
        %dma_wait3A_112 = arith.constant 0 : i32
        %dma_wait3A_113 = tpu.memref_slice %arg2[%dma_wait3A_111, %dma_wait3A_112] : memref<10000x128xf32, #tpu.memory_space<hbm>> -> memref<10000x128xf32, #tpu.memory_space<hbm>>
        tpu.wait_indirect_dma semaphore(%arg11 : memref<!tpu.dma_semaphore, #tpu.memory_space<semaphore_mem>>) src(%dma_wait3A_113 : memref<10000x128xf32, #tpu.memory_space<hbm>>) dst(%arg8 : memref<128x128xf32, #tpu.memory_space<vmem>>)
        %run_scoped3A_114 = arith.constant 2 : i32
        "tpu.region"() ({
          %run_scoped3A_183 = tpu.sem_alloc : memref<!tpu.dma_semaphore, #tpu.memory_space<semaphore_mem>>
          %dma_start3A_184 = arith.constant 0 : i32
          %dma_start3A_185 = tpu.memref_slice %arg7[%run_scoped3A_114, %dma_start3A_184] : memref<8x128xi32, #tpu.memory_space<vmem>> -> memref<1x128xi32, #tpu.memory_space<vmem>>
          %dma_start3A_186 = tpu.memref_squeeze %dma_start3A_185 : memref<1x128xi32, #tpu.memory_space<vmem>> -> memref<128xi32, #tpu.memory_space<vmem>>
          %dma_start3A_187 = arith.constant 0 : i32
          %dma_start3A_188 = arith.constant 0 : i32
          %dma_start3A_189 = tpu.memref_slice %arg10[%dma_start3A_187, %dma_start3A_188] : memref<10112x128xf32, #tpu.memory_space<vmem_shared>> -> memref<10112x128xf32, #tpu.memory_space<vmem_shared>>
          tpu.enqueue_indirect_dma source(%arg8 : memref<128x128xf32, #tpu.memory_space<vmem>>) target(%dma_start3A_189 : memref<10112x128xf32, #tpu.memory_space<vmem_shared>>) offsets(%dma_start3A_186 : memref<128xi32, #tpu.memory_space<vmem>>) semaphore(%run_scoped3A_183 : memref<!tpu.dma_semaphore, #tpu.memory_space<semaphore_mem>>) {add = true}
          %dma_wait3A_190 = arith.constant 0 : i32
          %dma_wait3A_191 = tpu.memref_slice %arg7[%run_scoped3A_114, %dma_wait3A_190] : memref<8x128xi32, #tpu.memory_space<vmem>> -> memref<1x128xi32, #tpu.memory_space<vmem>>
          %dma_wait3A_192 = tpu.memref_squeeze %dma_wait3A_191 : memref<1x128xi32, #tpu.memory_space<vmem>> -> memref<128xi32, #tpu.memory_space<vmem>>
          %dma_wait3A_193 = arith.constant 0 : i32
          %dma_wait3A_194 = arith.constant 0 : i32
          %dma_wait3A_195 = tpu.memref_slice %arg10[%dma_wait3A_193, %dma_wait3A_194] : memref<10112x128xf32, #tpu.memory_space<vmem_shared>> -> memref<10112x128xf32, #tpu.memory_space<vmem_shared>>
          tpu.wait_indirect_dma semaphore(%run_scoped3A_183 : memref<!tpu.dma_semaphore, #tpu.memory_space<semaphore_mem>>) src(%arg8 : memref<128x128xf32, #tpu.memory_space<vmem>>) dst(%dma_wait3A_195 : memref<10112x128xf32, #tpu.memory_space<vmem_shared>>)
          tpu.yield
        }) : () -> ()
        %dma_start3A_115 = arith.constant 4 : i32
        %dma_start3A_116 = arith.constant 0 : i32
        %dma_start3A_117 = tpu.memref_slice %arg6[%dma_start3A_115, %dma_start3A_116] : memref<8x128xi32, #tpu.memory_space<vmem>> -> memref<1x128xi32, #tpu.memory_space<vmem>>
        %dma_start3A_118 = tpu.memref_squeeze %dma_start3A_117 : memref<1x128xi32, #tpu.memory_space<vmem>> -> memref<128xi32, #tpu.memory_space<vmem>>
        %dma_start3A_119 = arith.constant 0 : i32
        %dma_start3A_120 = arith.constant 0 : i32
        %dma_start3A_121 = tpu.memref_slice %arg2[%dma_start3A_119, %dma_start3A_120] : memref<10000x128xf32, #tpu.memory_space<hbm>> -> memref<10000x128xf32, #tpu.memory_space<hbm>>
        tpu.enqueue_indirect_dma source(%dma_start3A_121 : memref<10000x128xf32, #tpu.memory_space<hbm>>) target(%arg8 : memref<128x128xf32, #tpu.memory_space<vmem>>) offsets(%dma_start3A_118 : memref<128xi32, #tpu.memory_space<vmem>>) semaphore(%arg11 : memref<!tpu.dma_semaphore, #tpu.memory_space<semaphore_mem>>)
        %dma_wait3A_122 = arith.constant 3 : i32
        %dma_wait3A_123 = arith.constant 0 : i32
        %dma_wait3A_124 = tpu.memref_slice %arg6[%dma_wait3A_122, %dma_wait3A_123] : memref<8x128xi32, #tpu.memory_space<vmem>> -> memref<1x128xi32, #tpu.memory_space<vmem>>
        %dma_wait3A_125 = tpu.memref_squeeze %dma_wait3A_124 : memref<1x128xi32, #tpu.memory_space<vmem>> -> memref<128xi32, #tpu.memory_space<vmem>>
        %dma_wait3A_126 = arith.constant 0 : i32
        %dma_wait3A_127 = arith.constant 0 : i32
        %dma_wait3A_128 = tpu.memref_slice %arg2[%dma_wait3A_126, %dma_wait3A_127] : memref<10000x128xf32, #tpu.memory_space<hbm>> -> memref<10000x128xf32, #tpu.memory_space<hbm>>
        tpu.wait_indirect_dma semaphore(%arg12 : memref<!tpu.dma_semaphore, #tpu.memory_space<semaphore_mem>>) src(%dma_wait3A_128 : memref<10000x128xf32, #tpu.memory_space<hbm>>) dst(%arg9 : memref<128x128xf32, #tpu.memory_space<vmem>>)
        %run_scoped3A_129 = arith.constant 3 : i32
        "tpu.region"() ({
          %run_scoped3A_183 = tpu.sem_alloc : memref<!tpu.dma_semaphore, #tpu.memory_space<semaphore_mem>>
          %dma_start3A_184 = arith.constant 0 : i32
          %dma_start3A_185 = tpu.memref_slice %arg7[%run_scoped3A_129, %dma_start3A_184] : memref<8x128xi32, #tpu.memory_space<vmem>> -> memref<1x128xi32, #tpu.memory_space<vmem>>
          %dma_start3A_186 = tpu.memref_squeeze %dma_start3A_185 : memref<1x128xi32, #tpu.memory_space<vmem>> -> memref<128xi32, #tpu.memory_space<vmem>>
          %dma_start3A_187 = arith.constant 0 : i32
          %dma_start3A_188 = arith.constant 0 : i32
          %dma_start3A_189 = tpu.memref_slice %arg10[%dma_start3A_187, %dma_start3A_188] : memref<10112x128xf32, #tpu.memory_space<vmem_shared>> -> memref<10112x128xf32, #tpu.memory_space<vmem_shared>>
          tpu.enqueue_indirect_dma source(%arg9 : memref<128x128xf32, #tpu.memory_space<vmem>>) target(%dma_start3A_189 : memref<10112x128xf32, #tpu.memory_space<vmem_shared>>) offsets(%dma_start3A_186 : memref<128xi32, #tpu.memory_space<vmem>>) semaphore(%run_scoped3A_183 : memref<!tpu.dma_semaphore, #tpu.memory_space<semaphore_mem>>) {add = true}
          %dma_wait3A_190 = arith.constant 0 : i32
          %dma_wait3A_191 = tpu.memref_slice %arg7[%run_scoped3A_129, %dma_wait3A_190] : memref<8x128xi32, #tpu.memory_space<vmem>> -> memref<1x128xi32, #tpu.memory_space<vmem>>
          %dma_wait3A_192 = tpu.memref_squeeze %dma_wait3A_191 : memref<1x128xi32, #tpu.memory_space<vmem>> -> memref<128xi32, #tpu.memory_space<vmem>>
          %dma_wait3A_193 = arith.constant 0 : i32
          %dma_wait3A_194 = arith.constant 0 : i32
          %dma_wait3A_195 = tpu.memref_slice %arg10[%dma_wait3A_193, %dma_wait3A_194] : memref<10112x128xf32, #tpu.memory_space<vmem_shared>> -> memref<10112x128xf32, #tpu.memory_space<vmem_shared>>
          tpu.wait_indirect_dma semaphore(%run_scoped3A_183 : memref<!tpu.dma_semaphore, #tpu.memory_space<semaphore_mem>>) src(%arg9 : memref<128x128xf32, #tpu.memory_space<vmem>>) dst(%dma_wait3A_195 : memref<10112x128xf32, #tpu.memory_space<vmem_shared>>)
          tpu.yield
        }) : () -> ()
        %dma_start3A_130 = arith.constant 5 : i32
        %dma_start3A_131 = arith.constant 0 : i32
        %dma_start3A_132 = tpu.memref_slice %arg6[%dma_start3A_130, %dma_start3A_131] : memref<8x128xi32, #tpu.memory_space<vmem>> -> memref<1x128xi32, #tpu.memory_space<vmem>>
        %dma_start3A_133 = tpu.memref_squeeze %dma_start3A_132 : memref<1x128xi32, #tpu.memory_space<vmem>> -> memref<128xi32, #tpu.memory_space<vmem>>
        %dma_start3A_134 = arith.constant 0 : i32
        %dma_start3A_135 = arith.constant 0 : i32
        %dma_start3A_136 = tpu.memref_slice %arg2[%dma_start3A_134, %dma_start3A_135] : memref<10000x128xf32, #tpu.memory_space<hbm>> -> memref<10000x128xf32, #tpu.memory_space<hbm>>
        tpu.enqueue_indirect_dma source(%dma_start3A_136 : memref<10000x128xf32, #tpu.memory_space<hbm>>) target(%arg9 : memref<128x128xf32, #tpu.memory_space<vmem>>) offsets(%dma_start3A_133 : memref<128xi32, #tpu.memory_space<vmem>>) semaphore(%arg12 : memref<!tpu.dma_semaphore, #tpu.memory_space<semaphore_mem>>)
        %dma_wait3A_137 = arith.constant 4 : i32
        %dma_wait3A_138 = arith.constant 0 : i32
        %dma_wait3A_139 = tpu.memref_slice %arg6[%dma_wait3A_137, %dma_wait3A_138] : memref<8x128xi32, #tpu.memory_space<vmem>> -> memref<1x128xi32, #tpu.memory_space<vmem>>
        %dma_wait3A_140 = tpu.memref_squeeze %dma_wait3A_139 : memref<1x128xi32, #tpu.memory_space<vmem>> -> memref<128xi32, #tpu.memory_space<vmem>>
        %dma_wait3A_141 = arith.constant 0 : i32
        %dma_wait3A_142 = arith.constant 0 : i32
        %dma_wait3A_143 = tpu.memref_slice %arg2[%dma_wait3A_141, %dma_wait3A_142] : memref<10000x128xf32, #tpu.memory_space<hbm>> -> memref<10000x128xf32, #tpu.memory_space<hbm>>
        tpu.wait_indirect_dma semaphore(%arg11 : memref<!tpu.dma_semaphore, #tpu.memory_space<semaphore_mem>>) src(%dma_wait3A_143 : memref<10000x128xf32, #tpu.memory_space<hbm>>) dst(%arg8 : memref<128x128xf32, #tpu.memory_space<vmem>>)
        %run_scoped3A_144 = arith.constant 4 : i32
        "tpu.region"() ({
          %run_scoped3A_183 = tpu.sem_alloc : memref<!tpu.dma_semaphore, #tpu.memory_space<semaphore_mem>>
          %dma_start3A_184 = arith.constant 0 : i32
          %dma_start3A_185 = tpu.memref_slice %arg7[%run_scoped3A_144, %dma_start3A_184] : memref<8x128xi32, #tpu.memory_space<vmem>> -> memref<1x128xi32, #tpu.memory_space<vmem>>
          %dma_start3A_186 = tpu.memref_squeeze %dma_start3A_185 : memref<1x128xi32, #tpu.memory_space<vmem>> -> memref<128xi32, #tpu.memory_space<vmem>>
          %dma_start3A_187 = arith.constant 0 : i32
          %dma_start3A_188 = arith.constant 0 : i32
          %dma_start3A_189 = tpu.memref_slice %arg10[%dma_start3A_187, %dma_start3A_188] : memref<10112x128xf32, #tpu.memory_space<vmem_shared>> -> memref<10112x128xf32, #tpu.memory_space<vmem_shared>>
          tpu.enqueue_indirect_dma source(%arg8 : memref<128x128xf32, #tpu.memory_space<vmem>>) target(%dma_start3A_189 : memref<10112x128xf32, #tpu.memory_space<vmem_shared>>) offsets(%dma_start3A_186 : memref<128xi32, #tpu.memory_space<vmem>>) semaphore(%run_scoped3A_183 : memref<!tpu.dma_semaphore, #tpu.memory_space<semaphore_mem>>) {add = true}
          %dma_wait3A_190 = arith.constant 0 : i32
          %dma_wait3A_191 = tpu.memref_slice %arg7[%run_scoped3A_144, %dma_wait3A_190] : memref<8x128xi32, #tpu.memory_space<vmem>> -> memref<1x128xi32, #tpu.memory_space<vmem>>
          %dma_wait3A_192 = tpu.memref_squeeze %dma_wait3A_191 : memref<1x128xi32, #tpu.memory_space<vmem>> -> memref<128xi32, #tpu.memory_space<vmem>>
          %dma_wait3A_193 = arith.constant 0 : i32
          %dma_wait3A_194 = arith.constant 0 : i32
          %dma_wait3A_195 = tpu.memref_slice %arg10[%dma_wait3A_193, %dma_wait3A_194] : memref<10112x128xf32, #tpu.memory_space<vmem_shared>> -> memref<10112x128xf32, #tpu.memory_space<vmem_shared>>
          tpu.wait_indirect_dma semaphore(%run_scoped3A_183 : memref<!tpu.dma_semaphore, #tpu.memory_space<semaphore_mem>>) src(%arg8 : memref<128x128xf32, #tpu.memory_space<vmem>>) dst(%dma_wait3A_195 : memref<10112x128xf32, #tpu.memory_space<vmem_shared>>)
          tpu.yield
        }) : () -> ()
        %dma_start3A_145 = arith.constant 6 : i32
        %dma_start3A_146 = arith.constant 0 : i32
        %dma_start3A_147 = tpu.memref_slice %arg6[%dma_start3A_145, %dma_start3A_146] : memref<8x128xi32, #tpu.memory_space<vmem>> -> memref<1x128xi32, #tpu.memory_space<vmem>>
        %dma_start3A_148 = tpu.memref_squeeze %dma_start3A_147 : memref<1x128xi32, #tpu.memory_space<vmem>> -> memref<128xi32, #tpu.memory_space<vmem>>
        %dma_start3A_149 = arith.constant 0 : i32
        %dma_start3A_150 = arith.constant 0 : i32
        %dma_start3A_151 = tpu.memref_slice %arg2[%dma_start3A_149, %dma_start3A_150] : memref<10000x128xf32, #tpu.memory_space<hbm>> -> memref<10000x128xf32, #tpu.memory_space<hbm>>
        tpu.enqueue_indirect_dma source(%dma_start3A_151 : memref<10000x128xf32, #tpu.memory_space<hbm>>) target(%arg8 : memref<128x128xf32, #tpu.memory_space<vmem>>) offsets(%dma_start3A_148 : memref<128xi32, #tpu.memory_space<vmem>>) semaphore(%arg11 : memref<!tpu.dma_semaphore, #tpu.memory_space<semaphore_mem>>)
        %dma_wait3A_152 = arith.constant 5 : i32
        %dma_wait3A_153 = arith.constant 0 : i32
        %dma_wait3A_154 = tpu.memref_slice %arg6[%dma_wait3A_152, %dma_wait3A_153] : memref<8x128xi32, #tpu.memory_space<vmem>> -> memref<1x128xi32, #tpu.memory_space<vmem>>
        %dma_wait3A_155 = tpu.memref_squeeze %dma_wait3A_154 : memref<1x128xi32, #tpu.memory_space<vmem>> -> memref<128xi32, #tpu.memory_space<vmem>>
        %dma_wait3A_156 = arith.constant 0 : i32
        %dma_wait3A_157 = arith.constant 0 : i32
        %dma_wait3A_158 = tpu.memref_slice %arg2[%dma_wait3A_156, %dma_wait3A_157] : memref<10000x128xf32, #tpu.memory_space<hbm>> -> memref<10000x128xf32, #tpu.memory_space<hbm>>
        tpu.wait_indirect_dma semaphore(%arg12 : memref<!tpu.dma_semaphore, #tpu.memory_space<semaphore_mem>>) src(%dma_wait3A_158 : memref<10000x128xf32, #tpu.memory_space<hbm>>) dst(%arg9 : memref<128x128xf32, #tpu.memory_space<vmem>>)
        %run_scoped3A_159 = arith.constant 5 : i32
        "tpu.region"() ({
          %run_scoped3A_183 = tpu.sem_alloc : memref<!tpu.dma_semaphore, #tpu.memory_space<semaphore_mem>>
          %dma_start3A_184 = arith.constant 0 : i32
          %dma_start3A_185 = tpu.memref_slice %arg7[%run_scoped3A_159, %dma_start3A_184] : memref<8x128xi32, #tpu.memory_space<vmem>> -> memref<1x128xi32, #tpu.memory_space<vmem>>
          %dma_start3A_186 = tpu.memref_squeeze %dma_start3A_185 : memref<1x128xi32, #tpu.memory_space<vmem>> -> memref<128xi32, #tpu.memory_space<vmem>>
          %dma_start3A_187 = arith.constant 0 : i32
          %dma_start3A_188 = arith.constant 0 : i32
          %dma_start3A_189 = tpu.memref_slice %arg10[%dma_start3A_187, %dma_start3A_188] : memref<10112x128xf32, #tpu.memory_space<vmem_shared>> -> memref<10112x128xf32, #tpu.memory_space<vmem_shared>>
          tpu.enqueue_indirect_dma source(%arg9 : memref<128x128xf32, #tpu.memory_space<vmem>>) target(%dma_start3A_189 : memref<10112x128xf32, #tpu.memory_space<vmem_shared>>) offsets(%dma_start3A_186 : memref<128xi32, #tpu.memory_space<vmem>>) semaphore(%run_scoped3A_183 : memref<!tpu.dma_semaphore, #tpu.memory_space<semaphore_mem>>) {add = true}
          %dma_wait3A_190 = arith.constant 0 : i32
          %dma_wait3A_191 = tpu.memref_slice %arg7[%run_scoped3A_159, %dma_wait3A_190] : memref<8x128xi32, #tpu.memory_space<vmem>> -> memref<1x128xi32, #tpu.memory_space<vmem>>
          %dma_wait3A_192 = tpu.memref_squeeze %dma_wait3A_191 : memref<1x128xi32, #tpu.memory_space<vmem>> -> memref<128xi32, #tpu.memory_space<vmem>>
          %dma_wait3A_193 = arith.constant 0 : i32
          %dma_wait3A_194 = arith.constant 0 : i32
          %dma_wait3A_195 = tpu.memref_slice %arg10[%dma_wait3A_193, %dma_wait3A_194] : memref<10112x128xf32, #tpu.memory_space<vmem_shared>> -> memref<10112x128xf32, #tpu.memory_space<vmem_shared>>
          tpu.wait_indirect_dma semaphore(%run_scoped3A_183 : memref<!tpu.dma_semaphore, #tpu.memory_space<semaphore_mem>>) src(%arg9 : memref<128x128xf32, #tpu.memory_space<vmem>>) dst(%dma_wait3A_195 : memref<10112x128xf32, #tpu.memory_space<vmem_shared>>)
          tpu.yield
        }) : () -> ()
        %dma_start3A_160 = arith.constant 7 : i32
        %dma_start3A_161 = arith.constant 0 : i32
        %dma_start3A_162 = tpu.memref_slice %arg6[%dma_start3A_160, %dma_start3A_161] : memref<8x128xi32, #tpu.memory_space<vmem>> -> memref<1x128xi32, #tpu.memory_space<vmem>>
        %dma_start3A_163 = tpu.memref_squeeze %dma_start3A_162 : memref<1x128xi32, #tpu.memory_space<vmem>> -> memref<128xi32, #tpu.memory_space<vmem>>
        %dma_start3A_164 = arith.constant 0 : i32
        %dma_start3A_165 = arith.constant 0 : i32
        %dma_start3A_166 = tpu.memref_slice %arg2[%dma_start3A_164, %dma_start3A_165] : memref<10000x128xf32, #tpu.memory_space<hbm>> -> memref<10000x128xf32, #tpu.memory_space<hbm>>
        tpu.enqueue_indirect_dma source(%dma_start3A_166 : memref<10000x128xf32, #tpu.memory_space<hbm>>) target(%arg9 : memref<128x128xf32, #tpu.memory_space<vmem>>) offsets(%dma_start3A_163 : memref<128xi32, #tpu.memory_space<vmem>>) semaphore(%arg12 : memref<!tpu.dma_semaphore, #tpu.memory_space<semaphore_mem>>)
        %dma_wait3A_167 = arith.constant 6 : i32
        %dma_wait3A_168 = arith.constant 0 : i32
        %dma_wait3A_169 = tpu.memref_slice %arg6[%dma_wait3A_167, %dma_wait3A_168] : memref<8x128xi32, #tpu.memory_space<vmem>> -> memref<1x128xi32, #tpu.memory_space<vmem>>
        %dma_wait3A_170 = tpu.memref_squeeze %dma_wait3A_169 : memref<1x128xi32, #tpu.memory_space<vmem>> -> memref<128xi32, #tpu.memory_space<vmem>>
        %dma_wait3A_171 = arith.constant 0 : i32
        %dma_wait3A_172 = arith.constant 0 : i32
        %dma_wait3A_173 = tpu.memref_slice %arg2[%dma_wait3A_171, %dma_wait3A_172] : memref<10000x128xf32, #tpu.memory_space<hbm>> -> memref<10000x128xf32, #tpu.memory_space<hbm>>
        tpu.wait_indirect_dma semaphore(%arg11 : memref<!tpu.dma_semaphore, #tpu.memory_space<semaphore_mem>>) src(%dma_wait3A_173 : memref<10000x128xf32, #tpu.memory_space<hbm>>) dst(%arg8 : memref<128x128xf32, #tpu.memory_space<vmem>>)
        %run_scoped3A_174 = arith.constant 6 : i32
        "tpu.region"() ({
          %run_scoped3A_183 = tpu.sem_alloc : memref<!tpu.dma_semaphore, #tpu.memory_space<semaphore_mem>>
          %dma_start3A_184 = arith.constant 0 : i32
          %dma_start3A_185 = tpu.memref_slice %arg7[%run_scoped3A_174, %dma_start3A_184] : memref<8x128xi32, #tpu.memory_space<vmem>> -> memref<1x128xi32, #tpu.memory_space<vmem>>
          %dma_start3A_186 = tpu.memref_squeeze %dma_start3A_185 : memref<1x128xi32, #tpu.memory_space<vmem>> -> memref<128xi32, #tpu.memory_space<vmem>>
          %dma_start3A_187 = arith.constant 0 : i32
          %dma_start3A_188 = arith.constant 0 : i32
          %dma_start3A_189 = tpu.memref_slice %arg10[%dma_start3A_187, %dma_start3A_188] : memref<10112x128xf32, #tpu.memory_space<vmem_shared>> -> memref<10112x128xf32, #tpu.memory_space<vmem_shared>>
          tpu.enqueue_indirect_dma source(%arg8 : memref<128x128xf32, #tpu.memory_space<vmem>>) target(%dma_start3A_189 : memref<10112x128xf32, #tpu.memory_space<vmem_shared>>) offsets(%dma_start3A_186 : memref<128xi32, #tpu.memory_space<vmem>>) semaphore(%run_scoped3A_183 : memref<!tpu.dma_semaphore, #tpu.memory_space<semaphore_mem>>) {add = true}
          %dma_wait3A_190 = arith.constant 0 : i32
          %dma_wait3A_191 = tpu.memref_slice %arg7[%run_scoped3A_174, %dma_wait3A_190] : memref<8x128xi32, #tpu.memory_space<vmem>> -> memref<1x128xi32, #tpu.memory_space<vmem>>
          %dma_wait3A_192 = tpu.memref_squeeze %dma_wait3A_191 : memref<1x128xi32, #tpu.memory_space<vmem>> -> memref<128xi32, #tpu.memory_space<vmem>>
          %dma_wait3A_193 = arith.constant 0 : i32
          %dma_wait3A_194 = arith.constant 0 : i32
          %dma_wait3A_195 = tpu.memref_slice %arg10[%dma_wait3A_193, %dma_wait3A_194] : memref<10112x128xf32, #tpu.memory_space<vmem_shared>> -> memref<10112x128xf32, #tpu.memory_space<vmem_shared>>
          tpu.wait_indirect_dma semaphore(%run_scoped3A_183 : memref<!tpu.dma_semaphore, #tpu.memory_space<semaphore_mem>>) src(%arg8 : memref<128x128xf32, #tpu.memory_space<vmem>>) dst(%dma_wait3A_195 : memref<10112x128xf32, #tpu.memory_space<vmem_shared>>)
          tpu.yield
        }) : () -> ()
        %dma_wait3A_175 = arith.constant 7 : i32
        %dma_wait3A_176 = arith.constant 0 : i32
        %dma_wait3A_177 = tpu.memref_slice %arg6[%dma_wait3A_175, %dma_wait3A_176] : memref<8x128xi32, #tpu.memory_space<vmem>> -> memref<1x128xi32, #tpu.memory_space<vmem>>
        %dma_wait3A_178 = tpu.memref_squeeze %dma_wait3A_177 : memref<1x128xi32, #tpu.memory_space<vmem>> -> memref<128xi32, #tpu.memory_space<vmem>>
        %dma_wait3A_179 = arith.constant 0 : i32
        %dma_wait3A_180 = arith.constant 0 : i32
        %dma_wait3A_181 = tpu.memref_slice %arg2[%dma_wait3A_179, %dma_wait3A_180] : memref<10000x128xf32, #tpu.memory_space<hbm>> -> memref<10000x128xf32, #tpu.memory_space<hbm>>
        tpu.wait_indirect_dma semaphore(%arg12 : memref<!tpu.dma_semaphore, #tpu.memory_space<semaphore_mem>>) src(%dma_wait3A_181 : memref<10000x128xf32, #tpu.memory_space<hbm>>) dst(%arg9 : memref<128x128xf32, #tpu.memory_space<vmem>>)
        %run_scoped3A_182 = arith.constant 7 : i32
        "tpu.region"() ({
          %run_scoped3A_183 = tpu.sem_alloc : memref<!tpu.dma_semaphore, #tpu.memory_space<semaphore_mem>>
          %dma_start3A_184 = arith.constant 0 : i32
          %dma_start3A_185 = tpu.memref_slice %arg7[%run_scoped3A_182, %dma_start3A_184] : memref<8x128xi32, #tpu.memory_space<vmem>> -> memref<1x128xi32, #tpu.memory_space<vmem>>
          %dma_start3A_186 = tpu.memref_squeeze %dma_start3A_185 : memref<1x128xi32, #tpu.memory_space<vmem>> -> memref<128xi32, #tpu.memory_space<vmem>>
          %dma_start3A_187 = arith.constant 0 : i32
          %dma_start3A_188 = arith.constant 0 : i32
          %dma_start3A_189 = tpu.memref_slice %arg10[%dma_start3A_187, %dma_start3A_188] : memref<10112x128xf32, #tpu.memory_space<vmem_shared>> -> memref<10112x128xf32, #tpu.memory_space<vmem_shared>>
          tpu.enqueue_indirect_dma source(%arg9 : memref<128x128xf32, #tpu.memory_space<vmem>>) target(%dma_start3A_189 : memref<10112x128xf32, #tpu.memory_space<vmem_shared>>) offsets(%dma_start3A_186 : memref<128xi32, #tpu.memory_space<vmem>>) semaphore(%run_scoped3A_183 : memref<!tpu.dma_semaphore, #tpu.memory_space<semaphore_mem>>) {add = true}
          %dma_wait3A_190 = arith.constant 0 : i32
          %dma_wait3A_191 = tpu.memref_slice %arg7[%run_scoped3A_182, %dma_wait3A_190] : memref<8x128xi32, #tpu.memory_space<vmem>> -> memref<1x128xi32, #tpu.memory_space<vmem>>
          %dma_wait3A_192 = tpu.memref_squeeze %dma_wait3A_191 : memref<1x128xi32, #tpu.memory_space<vmem>> -> memref<128xi32, #tpu.memory_space<vmem>>
          %dma_wait3A_193 = arith.constant 0 : i32
          %dma_wait3A_194 = arith.constant 0 : i32
          %dma_wait3A_195 = tpu.memref_slice %arg10[%dma_wait3A_193, %dma_wait3A_194] : memref<10112x128xf32, #tpu.memory_space<vmem_shared>> -> memref<10112x128xf32, #tpu.memory_space<vmem_shared>>
          tpu.wait_indirect_dma semaphore(%run_scoped3A_183 : memref<!tpu.dma_semaphore, #tpu.memory_space<semaphore_mem>>) src(%arg9 : memref<128x128xf32, #tpu.memory_space<vmem>>) dst(%dma_wait3A_195 : memref<10112x128xf32, #tpu.memory_space<vmem_shared>>)
          tpu.yield
        }) : () -> ()
      }
      %scan3A_58 = arith.constant 19 : i32
    } else {
    }
    %eq3A_25 = arith.constant 1 : i32
    %eq3A_26 = arith.cmpi eq, %arg0, %eq3A_25 : i32
    %convert_element_type3A_27 = arith.extui %eq3A_26 : i1 to i32
    %cond3A_28 = arith.constant 0 : i32
    %cond3A_29 = arith.cmpi ne, %convert_element_type3A_27, %cond3A_28 : i32
    scf.if %cond3A_29 {
      %mul3A_51 = arith.constant 8 : i32
      %mul3A_52 = arith.muli %arg1, %mul3A_51 : i32
      %add3A_53 = arith.constant 2432 : i32
      %add3A_54 = arith.addi %add3A_53, %mul3A_52 : i32
      %scan3A_55 = arith.constant 0 : i32
      %scan3A_56 = arith.constant 0 : i32
      %mul3A_57 = arith.constant 8 : i32
      %mul3A_58 = arith.muli %scan3A_56, %mul3A_57 : i32
      %add3A_59 = arith.addi %add3A_54, %mul3A_58 : i32
      "tpu.region"() ({
        %run_scoped3A_181 = tpu.sem_alloc : memref<!tpu.dma_semaphore, #tpu.memory_space<semaphore_mem>>
        %dma_start3A_182 = arith.constant 0 : i32
        %dma_start3A_183 = tpu.memref_slice %arg3[%add3A_59, %dma_start3A_182] : memref<2560x128xi32, #tpu.memory_space<hbm>> -> memref<8x128xi32, #tpu.memory_space<hbm>>
        %dma_start3A_184 = arith.constant 0 : i32
        %dma_start3A_185 = tpu.memref_slice %arg3[%add3A_59, %dma_start3A_184] : memref<2560x128xi32, #tpu.memory_space<hbm>> -> memref<8x128xi32, #tpu.memory_space<hbm>>
        tpu.enqueue_dma source(%dma_start3A_185 : memref<8x128xi32, #tpu.memory_space<hbm>>) target(%arg6 : memref<8x128xi32, #tpu.memory_space<vmem>>) target_semaphore(%run_scoped3A_181 : memref<!tpu.dma_semaphore, #tpu.memory_space<semaphore_mem>>)
        %dma_wait3A_186 = arith.constant 0 : i32
        %dma_wait3A_187 = tpu.memref_slice %arg3[%add3A_59, %dma_wait3A_186] : memref<2560x128xi32, #tpu.memory_space<hbm>> -> memref<8x128xi32, #tpu.memory_space<hbm>>
        %dma_wait3A_188 = arith.constant 0 : i32
        %dma_wait3A_189 = tpu.memref_slice %arg3[%add3A_59, %dma_wait3A_188] : memref<2560x128xi32, #tpu.memory_space<hbm>> -> memref<8x128xi32, #tpu.memory_space<hbm>>
        tpu.wait_dma2 semaphore(%run_scoped3A_181 : memref<!tpu.dma_semaphore, #tpu.memory_space<semaphore_mem>>) src(%dma_wait3A_189 : memref<8x128xi32, #tpu.memory_space<hbm>>) dst(%arg6 : memref<8x128xi32, #tpu.memory_space<vmem>>)
        tpu.yield
      }) : () -> ()
      %mul3A_60 = arith.constant 8 : i32
      %mul3A_61 = arith.muli %scan3A_56, %mul3A_60 : i32
      %add3A_62 = arith.addi %add3A_54, %mul3A_61 : i32
      "tpu.region"() ({
        %run_scoped3A_181 = tpu.sem_alloc : memref<!tpu.dma_semaphore, #tpu.memory_space<semaphore_mem>>
        %dma_start3A_182 = arith.constant 0 : i32
        %dma_start3A_183 = tpu.memref_slice %arg4[%add3A_62, %dma_start3A_182] : memref<2560x128xi32, #tpu.memory_space<hbm>> -> memref<8x128xi32, #tpu.memory_space<hbm>>
        %dma_start3A_184 = arith.constant 0 : i32
        %dma_start3A_185 = tpu.memref_slice %arg4[%add3A_62, %dma_start3A_184] : memref<2560x128xi32, #tpu.memory_space<hbm>> -> memref<8x128xi32, #tpu.memory_space<hbm>>
        tpu.enqueue_dma source(%dma_start3A_185 : memref<8x128xi32, #tpu.memory_space<hbm>>) target(%arg7 : memref<8x128xi32, #tpu.memory_space<vmem>>) target_semaphore(%run_scoped3A_181 : memref<!tpu.dma_semaphore, #tpu.memory_space<semaphore_mem>>)
        %dma_wait3A_186 = arith.constant 0 : i32
        %dma_wait3A_187 = tpu.memref_slice %arg4[%add3A_62, %dma_wait3A_186] : memref<2560x128xi32, #tpu.memory_space<hbm>> -> memref<8x128xi32, #tpu.memory_space<hbm>>
        %dma_wait3A_188 = arith.constant 0 : i32
        %dma_wait3A_189 = tpu.memref_slice %arg4[%add3A_62, %dma_wait3A_188] : memref<2560x128xi32, #tpu.memory_space<hbm>> -> memref<8x128xi32, #tpu.memory_space<hbm>>
        tpu.wait_dma2 semaphore(%run_scoped3A_181 : memref<!tpu.dma_semaphore, #tpu.memory_space<semaphore_mem>>) src(%dma_wait3A_189 : memref<8x128xi32, #tpu.memory_space<hbm>>) dst(%arg7 : memref<8x128xi32, #tpu.memory_space<vmem>>)
        tpu.yield
      }) : () -> ()
      %dma_start3A = arith.constant 0 : i32
      %dma_start3A_63 = arith.constant 0 : i32
      %dma_start3A_64 = tpu.memref_slice %arg6[%dma_start3A, %dma_start3A_63] : memref<8x128xi32, #tpu.memory_space<vmem>> -> memref<1x128xi32, #tpu.memory_space<vmem>>
      %dma_start3A_65 = tpu.memref_squeeze %dma_start3A_64 : memref<1x128xi32, #tpu.memory_space<vmem>> -> memref<128xi32, #tpu.memory_space<vmem>>
      %dma_start3A_66 = arith.constant 0 : i32
      %dma_start3A_67 = arith.constant 0 : i32
      %dma_start3A_68 = tpu.memref_slice %arg2[%dma_start3A_66, %dma_start3A_67] : memref<10000x128xf32, #tpu.memory_space<hbm>> -> memref<10000x128xf32, #tpu.memory_space<hbm>>
      tpu.enqueue_indirect_dma source(%dma_start3A_68 : memref<10000x128xf32, #tpu.memory_space<hbm>>) target(%arg8 : memref<128x128xf32, #tpu.memory_space<vmem>>) offsets(%dma_start3A_65 : memref<128xi32, #tpu.memory_space<vmem>>) semaphore(%arg11 : memref<!tpu.dma_semaphore, #tpu.memory_space<semaphore_mem>>)
      %dma_start3A_69 = arith.constant 1 : i32
      %dma_start3A_70 = arith.constant 0 : i32
      %dma_start3A_71 = tpu.memref_slice %arg6[%dma_start3A_69, %dma_start3A_70] : memref<8x128xi32, #tpu.memory_space<vmem>> -> memref<1x128xi32, #tpu.memory_space<vmem>>
      %dma_start3A_72 = tpu.memref_squeeze %dma_start3A_71 : memref<1x128xi32, #tpu.memory_space<vmem>> -> memref<128xi32, #tpu.memory_space<vmem>>
      %dma_start3A_73 = arith.constant 0 : i32
      %dma_start3A_74 = arith.constant 0 : i32
      %dma_start3A_75 = tpu.memref_slice %arg2[%dma_start3A_73, %dma_start3A_74] : memref<10000x128xf32, #tpu.memory_space<hbm>> -> memref<10000x128xf32, #tpu.memory_space<hbm>>
      tpu.enqueue_indirect_dma source(%dma_start3A_75 : memref<10000x128xf32, #tpu.memory_space<hbm>>) target(%arg9 : memref<128x128xf32, #tpu.memory_space<vmem>>) offsets(%dma_start3A_72 : memref<128xi32, #tpu.memory_space<vmem>>) semaphore(%arg12 : memref<!tpu.dma_semaphore, #tpu.memory_space<semaphore_mem>>)
      %dma_wait3A = arith.constant 0 : i32
      %dma_wait3A_76 = arith.constant 0 : i32
      %dma_wait3A_77 = tpu.memref_slice %arg6[%dma_wait3A, %dma_wait3A_76] : memref<8x128xi32, #tpu.memory_space<vmem>> -> memref<1x128xi32, #tpu.memory_space<vmem>>
      %dma_wait3A_78 = tpu.memref_squeeze %dma_wait3A_77 : memref<1x128xi32, #tpu.memory_space<vmem>> -> memref<128xi32, #tpu.memory_space<vmem>>
      %dma_wait3A_79 = arith.constant 0 : i32
      %dma_wait3A_80 = arith.constant 0 : i32
      %dma_wait3A_81 = tpu.memref_slice %arg2[%dma_wait3A_79, %dma_wait3A_80] : memref<10000x128xf32, #tpu.memory_space<hbm>> -> memref<10000x128xf32, #tpu.memory_space<hbm>>
      tpu.wait_indirect_dma semaphore(%arg11 : memref<!tpu.dma_semaphore, #tpu.memory_space<semaphore_mem>>) src(%dma_wait3A_81 : memref<10000x128xf32, #tpu.memory_space<hbm>>) dst(%arg8 : memref<128x128xf32, #tpu.memory_space<vmem>>)
      %run_scoped3A = arith.constant 0 : i32
      "tpu.region"() ({
        %run_scoped3A_181 = tpu.sem_alloc : memref<!tpu.dma_semaphore, #tpu.memory_space<semaphore_mem>>
        %dma_start3A_182 = arith.constant 0 : i32
        %dma_start3A_183 = tpu.memref_slice %arg7[%run_scoped3A, %dma_start3A_182] : memref<8x128xi32, #tpu.memory_space<vmem>> -> memref<1x128xi32, #tpu.memory_space<vmem>>
        %dma_start3A_184 = tpu.memref_squeeze %dma_start3A_183 : memref<1x128xi32, #tpu.memory_space<vmem>> -> memref<128xi32, #tpu.memory_space<vmem>>
        %dma_start3A_185 = arith.constant 0 : i32
        %dma_start3A_186 = arith.constant 0 : i32
        %dma_start3A_187 = tpu.memref_slice %arg10[%dma_start3A_185, %dma_start3A_186] : memref<10112x128xf32, #tpu.memory_space<vmem_shared>> -> memref<10112x128xf32, #tpu.memory_space<vmem_shared>>
        tpu.enqueue_indirect_dma source(%arg8 : memref<128x128xf32, #tpu.memory_space<vmem>>) target(%dma_start3A_187 : memref<10112x128xf32, #tpu.memory_space<vmem_shared>>) offsets(%dma_start3A_184 : memref<128xi32, #tpu.memory_space<vmem>>) semaphore(%run_scoped3A_181 : memref<!tpu.dma_semaphore, #tpu.memory_space<semaphore_mem>>) {add = true}
        %dma_wait3A_188 = arith.constant 0 : i32
        %dma_wait3A_189 = tpu.memref_slice %arg7[%run_scoped3A, %dma_wait3A_188] : memref<8x128xi32, #tpu.memory_space<vmem>> -> memref<1x128xi32, #tpu.memory_space<vmem>>
        %dma_wait3A_190 = tpu.memref_squeeze %dma_wait3A_189 : memref<1x128xi32, #tpu.memory_space<vmem>> -> memref<128xi32, #tpu.memory_space<vmem>>
        %dma_wait3A_191 = arith.constant 0 : i32
        %dma_wait3A_192 = arith.constant 0 : i32
        %dma_wait3A_193 = tpu.memref_slice %arg10[%dma_wait3A_191, %dma_wait3A_192] : memref<10112x128xf32, #tpu.memory_space<vmem_shared>> -> memref<10112x128xf32, #tpu.memory_space<vmem_shared>>
        tpu.wait_indirect_dma semaphore(%run_scoped3A_181 : memref<!tpu.dma_semaphore, #tpu.memory_space<semaphore_mem>>) src(%arg8 : memref<128x128xf32, #tpu.memory_space<vmem>>) dst(%dma_wait3A_193 : memref<10112x128xf32, #tpu.memory_space<vmem_shared>>)
        tpu.yield
      }) : () -> ()
      %dma_start3A_82 = arith.constant 2 : i32
      %dma_start3A_83 = arith.constant 0 : i32
      %dma_start3A_84 = tpu.memref_slice %arg6[%dma_start3A_82, %dma_start3A_83] : memref<8x128xi32, #tpu.memory_space<vmem>> -> memref<1x128xi32, #tpu.memory_space<vmem>>
      %dma_start3A_85 = tpu.memref_squeeze %dma_start3A_84 : memref<1x128xi32, #tpu.memory_space<vmem>> -> memref<128xi32, #tpu.memory_space<vmem>>
      %dma_start3A_86 = arith.constant 0 : i32
      %dma_start3A_87 = arith.constant 0 : i32
      %dma_start3A_88 = tpu.memref_slice %arg2[%dma_start3A_86, %dma_start3A_87] : memref<10000x128xf32, #tpu.memory_space<hbm>> -> memref<10000x128xf32, #tpu.memory_space<hbm>>
      tpu.enqueue_indirect_dma source(%dma_start3A_88 : memref<10000x128xf32, #tpu.memory_space<hbm>>) target(%arg8 : memref<128x128xf32, #tpu.memory_space<vmem>>) offsets(%dma_start3A_85 : memref<128xi32, #tpu.memory_space<vmem>>) semaphore(%arg11 : memref<!tpu.dma_semaphore, #tpu.memory_space<semaphore_mem>>)
      %dma_wait3A_89 = arith.constant 1 : i32
      %dma_wait3A_90 = arith.constant 0 : i32
      %dma_wait3A_91 = tpu.memref_slice %arg6[%dma_wait3A_89, %dma_wait3A_90] : memref<8x128xi32, #tpu.memory_space<vmem>> -> memref<1x128xi32, #tpu.memory_space<vmem>>
      %dma_wait3A_92 = tpu.memref_squeeze %dma_wait3A_91 : memref<1x128xi32, #tpu.memory_space<vmem>> -> memref<128xi32, #tpu.memory_space<vmem>>
      %dma_wait3A_93 = arith.constant 0 : i32
      %dma_wait3A_94 = arith.constant 0 : i32
      %dma_wait3A_95 = tpu.memref_slice %arg2[%dma_wait3A_93, %dma_wait3A_94] : memref<10000x128xf32, #tpu.memory_space<hbm>> -> memref<10000x128xf32, #tpu.memory_space<hbm>>
      tpu.wait_indirect_dma semaphore(%arg12 : memref<!tpu.dma_semaphore, #tpu.memory_space<semaphore_mem>>) src(%dma_wait3A_95 : memref<10000x128xf32, #tpu.memory_space<hbm>>) dst(%arg9 : memref<128x128xf32, #tpu.memory_space<vmem>>)
      %run_scoped3A_96 = arith.constant 1 : i32
      "tpu.region"() ({
        %run_scoped3A_181 = tpu.sem_alloc : memref<!tpu.dma_semaphore, #tpu.memory_space<semaphore_mem>>
        %dma_start3A_182 = arith.constant 0 : i32
        %dma_start3A_183 = tpu.memref_slice %arg7[%run_scoped3A_96, %dma_start3A_182] : memref<8x128xi32, #tpu.memory_space<vmem>> -> memref<1x128xi32, #tpu.memory_space<vmem>>
        %dma_start3A_184 = tpu.memref_squeeze %dma_start3A_183 : memref<1x128xi32, #tpu.memory_space<vmem>> -> memref<128xi32, #tpu.memory_space<vmem>>
        %dma_start3A_185 = arith.constant 0 : i32
        %dma_start3A_186 = arith.constant 0 : i32
        %dma_start3A_187 = tpu.memref_slice %arg10[%dma_start3A_185, %dma_start3A_186] : memref<10112x128xf32, #tpu.memory_space<vmem_shared>> -> memref<10112x128xf32, #tpu.memory_space<vmem_shared>>
        tpu.enqueue_indirect_dma source(%arg9 : memref<128x128xf32, #tpu.memory_space<vmem>>) target(%dma_start3A_187 : memref<10112x128xf32, #tpu.memory_space<vmem_shared>>) offsets(%dma_start3A_184 : memref<128xi32, #tpu.memory_space<vmem>>) semaphore(%run_scoped3A_181 : memref<!tpu.dma_semaphore, #tpu.memory_space<semaphore_mem>>) {add = true}
        %dma_wait3A_188 = arith.constant 0 : i32
        %dma_wait3A_189 = tpu.memref_slice %arg7[%run_scoped3A_96, %dma_wait3A_188] : memref<8x128xi32, #tpu.memory_space<vmem>> -> memref<1x128xi32, #tpu.memory_space<vmem>>
        %dma_wait3A_190 = tpu.memref_squeeze %dma_wait3A_189 : memref<1x128xi32, #tpu.memory_space<vmem>> -> memref<128xi32, #tpu.memory_space<vmem>>
        %dma_wait3A_191 = arith.constant 0 : i32
        %dma_wait3A_192 = arith.constant 0 : i32
        %dma_wait3A_193 = tpu.memref_slice %arg10[%dma_wait3A_191, %dma_wait3A_192] : memref<10112x128xf32, #tpu.memory_space<vmem_shared>> -> memref<10112x128xf32, #tpu.memory_space<vmem_shared>>
        tpu.wait_indirect_dma semaphore(%run_scoped3A_181 : memref<!tpu.dma_semaphore, #tpu.memory_space<semaphore_mem>>) src(%arg9 : memref<128x128xf32, #tpu.memory_space<vmem>>) dst(%dma_wait3A_193 : memref<10112x128xf32, #tpu.memory_space<vmem_shared>>)
        tpu.yield
      }) : () -> ()
      %dma_start3A_97 = arith.constant 3 : i32
      %dma_start3A_98 = arith.constant 0 : i32
      %dma_start3A_99 = tpu.memref_slice %arg6[%dma_start3A_97, %dma_start3A_98] : memref<8x128xi32, #tpu.memory_space<vmem>> -> memref<1x128xi32, #tpu.memory_space<vmem>>
      %dma_start3A_100 = tpu.memref_squeeze %dma_start3A_99 : memref<1x128xi32, #tpu.memory_space<vmem>> -> memref<128xi32, #tpu.memory_space<vmem>>
      %dma_start3A_101 = arith.constant 0 : i32
      %dma_start3A_102 = arith.constant 0 : i32
      %dma_start3A_103 = tpu.memref_slice %arg2[%dma_start3A_101, %dma_start3A_102] : memref<10000x128xf32, #tpu.memory_space<hbm>> -> memref<10000x128xf32, #tpu.memory_space<hbm>>
      tpu.enqueue_indirect_dma source(%dma_start3A_103 : memref<10000x128xf32, #tpu.memory_space<hbm>>) target(%arg9 : memref<128x128xf32, #tpu.memory_space<vmem>>) offsets(%dma_start3A_100 : memref<128xi32, #tpu.memory_space<vmem>>) semaphore(%arg12 : memref<!tpu.dma_semaphore, #tpu.memory_space<semaphore_mem>>)
      %dma_wait3A_104 = arith.constant 2 : i32
      %dma_wait3A_105 = arith.constant 0 : i32
      %dma_wait3A_106 = tpu.memref_slice %arg6[%dma_wait3A_104, %dma_wait3A_105] : memref<8x128xi32, #tpu.memory_space<vmem>> -> memref<1x128xi32, #tpu.memory_space<vmem>>
      %dma_wait3A_107 = tpu.memref_squeeze %dma_wait3A_106 : memref<1x128xi32, #tpu.memory_space<vmem>> -> memref<128xi32, #tpu.memory_space<vmem>>
      %dma_wait3A_108 = arith.constant 0 : i32
      %dma_wait3A_109 = arith.constant 0 : i32
      %dma_wait3A_110 = tpu.memref_slice %arg2[%dma_wait3A_108, %dma_wait3A_109] : memref<10000x128xf32, #tpu.memory_space<hbm>> -> memref<10000x128xf32, #tpu.memory_space<hbm>>
      tpu.wait_indirect_dma semaphore(%arg11 : memref<!tpu.dma_semaphore, #tpu.memory_space<semaphore_mem>>) src(%dma_wait3A_110 : memref<10000x128xf32, #tpu.memory_space<hbm>>) dst(%arg8 : memref<128x128xf32, #tpu.memory_space<vmem>>)
      %run_scoped3A_111 = arith.constant 2 : i32
      "tpu.region"() ({
        %run_scoped3A_181 = tpu.sem_alloc : memref<!tpu.dma_semaphore, #tpu.memory_space<semaphore_mem>>
        %dma_start3A_182 = arith.constant 0 : i32
        %dma_start3A_183 = tpu.memref_slice %arg7[%run_scoped3A_111, %dma_start3A_182] : memref<8x128xi32, #tpu.memory_space<vmem>> -> memref<1x128xi32, #tpu.memory_space<vmem>>
        %dma_start3A_184 = tpu.memref_squeeze %dma_start3A_183 : memref<1x128xi32, #tpu.memory_space<vmem>> -> memref<128xi32, #tpu.memory_space<vmem>>
        %dma_start3A_185 = arith.constant 0 : i32
        %dma_start3A_186 = arith.constant 0 : i32
        %dma_start3A_187 = tpu.memref_slice %arg10[%dma_start3A_185, %dma_start3A_186] : memref<10112x128xf32, #tpu.memory_space<vmem_shared>> -> memref<10112x128xf32, #tpu.memory_space<vmem_shared>>
        tpu.enqueue_indirect_dma source(%arg8 : memref<128x128xf32, #tpu.memory_space<vmem>>) target(%dma_start3A_187 : memref<10112x128xf32, #tpu.memory_space<vmem_shared>>) offsets(%dma_start3A_184 : memref<128xi32, #tpu.memory_space<vmem>>) semaphore(%run_scoped3A_181 : memref<!tpu.dma_semaphore, #tpu.memory_space<semaphore_mem>>) {add = true}
        %dma_wait3A_188 = arith.constant 0 : i32
        %dma_wait3A_189 = tpu.memref_slice %arg7[%run_scoped3A_111, %dma_wait3A_188] : memref<8x128xi32, #tpu.memory_space<vmem>> -> memref<1x128xi32, #tpu.memory_space<vmem>>
        %dma_wait3A_190 = tpu.memref_squeeze %dma_wait3A_189 : memref<1x128xi32, #tpu.memory_space<vmem>> -> memref<128xi32, #tpu.memory_space<vmem>>
        %dma_wait3A_191 = arith.constant 0 : i32
        %dma_wait3A_192 = arith.constant 0 : i32
        %dma_wait3A_193 = tpu.memref_slice %arg10[%dma_wait3A_191, %dma_wait3A_192] : memref<10112x128xf32, #tpu.memory_space<vmem_shared>> -> memref<10112x128xf32, #tpu.memory_space<vmem_shared>>
        tpu.wait_indirect_dma semaphore(%run_scoped3A_181 : memref<!tpu.dma_semaphore, #tpu.memory_space<semaphore_mem>>) src(%arg8 : memref<128x128xf32, #tpu.memory_space<vmem>>) dst(%dma_wait3A_193 : memref<10112x128xf32, #tpu.memory_space<vmem_shared>>)
        tpu.yield
      }) : () -> ()
      %dma_start3A_112 = arith.constant 4 : i32
      %dma_start3A_113 = arith.constant 0 : i32
      %dma_start3A_114 = tpu.memref_slice %arg6[%dma_start3A_112, %dma_start3A_113] : memref<8x128xi32, #tpu.memory_space<vmem>> -> memref<1x128xi32, #tpu.memory_space<vmem>>
      %dma_start3A_115 = tpu.memref_squeeze %dma_start3A_114 : memref<1x128xi32, #tpu.memory_space<vmem>> -> memref<128xi32, #tpu.memory_space<vmem>>
      %dma_start3A_116 = arith.constant 0 : i32
      %dma_start3A_117 = arith.constant 0 : i32
      %dma_start3A_118 = tpu.memref_slice %arg2[%dma_start3A_116, %dma_start3A_117] : memref<10000x128xf32, #tpu.memory_space<hbm>> -> memref<10000x128xf32, #tpu.memory_space<hbm>>
      tpu.enqueue_indirect_dma source(%dma_start3A_118 : memref<10000x128xf32, #tpu.memory_space<hbm>>) target(%arg8 : memref<128x128xf32, #tpu.memory_space<vmem>>) offsets(%dma_start3A_115 : memref<128xi32, #tpu.memory_space<vmem>>) semaphore(%arg11 : memref<!tpu.dma_semaphore, #tpu.memory_space<semaphore_mem>>)
      %dma_wait3A_119 = arith.constant 3 : i32
      %dma_wait3A_120 = arith.constant 0 : i32
      %dma_wait3A_121 = tpu.memref_slice %arg6[%dma_wait3A_119, %dma_wait3A_120] : memref<8x128xi32, #tpu.memory_space<vmem>> -> memref<1x128xi32, #tpu.memory_space<vmem>>
      %dma_wait3A_122 = tpu.memref_squeeze %dma_wait3A_121 : memref<1x128xi32, #tpu.memory_space<vmem>> -> memref<128xi32, #tpu.memory_space<vmem>>
      %dma_wait3A_123 = arith.constant 0 : i32
      %dma_wait3A_124 = arith.constant 0 : i32
      %dma_wait3A_125 = tpu.memref_slice %arg2[%dma_wait3A_123, %dma_wait3A_124] : memref<10000x128xf32, #tpu.memory_space<hbm>> -> memref<10000x128xf32, #tpu.memory_space<hbm>>
      tpu.wait_indirect_dma semaphore(%arg12 : memref<!tpu.dma_semaphore, #tpu.memory_space<semaphore_mem>>) src(%dma_wait3A_125 : memref<10000x128xf32, #tpu.memory_space<hbm>>) dst(%arg9 : memref<128x128xf32, #tpu.memory_space<vmem>>)
      %run_scoped3A_126 = arith.constant 3 : i32
      "tpu.region"() ({
        %run_scoped3A_181 = tpu.sem_alloc : memref<!tpu.dma_semaphore, #tpu.memory_space<semaphore_mem>>
        %dma_start3A_182 = arith.constant 0 : i32
        %dma_start3A_183 = tpu.memref_slice %arg7[%run_scoped3A_126, %dma_start3A_182] : memref<8x128xi32, #tpu.memory_space<vmem>> -> memref<1x128xi32, #tpu.memory_space<vmem>>
        %dma_start3A_184 = tpu.memref_squeeze %dma_start3A_183 : memref<1x128xi32, #tpu.memory_space<vmem>> -> memref<128xi32, #tpu.memory_space<vmem>>
        %dma_start3A_185 = arith.constant 0 : i32
        %dma_start3A_186 = arith.constant 0 : i32
        %dma_start3A_187 = tpu.memref_slice %arg10[%dma_start3A_185, %dma_start3A_186] : memref<10112x128xf32, #tpu.memory_space<vmem_shared>> -> memref<10112x128xf32, #tpu.memory_space<vmem_shared>>
        tpu.enqueue_indirect_dma source(%arg9 : memref<128x128xf32, #tpu.memory_space<vmem>>) target(%dma_start3A_187 : memref<10112x128xf32, #tpu.memory_space<vmem_shared>>) offsets(%dma_start3A_184 : memref<128xi32, #tpu.memory_space<vmem>>) semaphore(%run_scoped3A_181 : memref<!tpu.dma_semaphore, #tpu.memory_space<semaphore_mem>>) {add = true}
        %dma_wait3A_188 = arith.constant 0 : i32
        %dma_wait3A_189 = tpu.memref_slice %arg7[%run_scoped3A_126, %dma_wait3A_188] : memref<8x128xi32, #tpu.memory_space<vmem>> -> memref<1x128xi32, #tpu.memory_space<vmem>>
        %dma_wait3A_190 = tpu.memref_squeeze %dma_wait3A_189 : memref<1x128xi32, #tpu.memory_space<vmem>> -> memref<128xi32, #tpu.memory_space<vmem>>
        %dma_wait3A_191 = arith.constant 0 : i32
        %dma_wait3A_192 = arith.constant 0 : i32
        %dma_wait3A_193 = tpu.memref_slice %arg10[%dma_wait3A_191, %dma_wait3A_192] : memref<10112x128xf32, #tpu.memory_space<vmem_shared>> -> memref<10112x128xf32, #tpu.memory_space<vmem_shared>>
        tpu.wait_indirect_dma semaphore(%run_scoped3A_181 : memref<!tpu.dma_semaphore, #tpu.memory_space<semaphore_mem>>) src(%arg9 : memref<128x128xf32, #tpu.memory_space<vmem>>) dst(%dma_wait3A_193 : memref<10112x128xf32, #tpu.memory_space<vmem_shared>>)
        tpu.yield
      }) : () -> ()
      %dma_start3A_127 = arith.constant 5 : i32
      %dma_start3A_128 = arith.constant 0 : i32
      %dma_start3A_129 = tpu.memref_slice %arg6[%dma_start3A_127, %dma_start3A_128] : memref<8x128xi32, #tpu.memory_space<vmem>> -> memref<1x128xi32, #tpu.memory_space<vmem>>
      %dma_start3A_130 = tpu.memref_squeeze %dma_start3A_129 : memref<1x128xi32, #tpu.memory_space<vmem>> -> memref<128xi32, #tpu.memory_space<vmem>>
      %dma_start3A_131 = arith.constant 0 : i32
      %dma_start3A_132 = arith.constant 0 : i32
      %dma_start3A_133 = tpu.memref_slice %arg2[%dma_start3A_131, %dma_start3A_132] : memref<10000x128xf32, #tpu.memory_space<hbm>> -> memref<10000x128xf32, #tpu.memory_space<hbm>>
      tpu.enqueue_indirect_dma source(%dma_start3A_133 : memref<10000x128xf32, #tpu.memory_space<hbm>>) target(%arg9 : memref<128x128xf32, #tpu.memory_space<vmem>>) offsets(%dma_start3A_130 : memref<128xi32, #tpu.memory_space<vmem>>) semaphore(%arg12 : memref<!tpu.dma_semaphore, #tpu.memory_space<semaphore_mem>>)
      %dma_wait3A_134 = arith.constant 4 : i32
      %dma_wait3A_135 = arith.constant 0 : i32
      %dma_wait3A_136 = tpu.memref_slice %arg6[%dma_wait3A_134, %dma_wait3A_135] : memref<8x128xi32, #tpu.memory_space<vmem>> -> memref<1x128xi32, #tpu.memory_space<vmem>>
      %dma_wait3A_137 = tpu.memref_squeeze %dma_wait3A_136 : memref<1x128xi32, #tpu.memory_space<vmem>> -> memref<128xi32, #tpu.memory_space<vmem>>
      %dma_wait3A_138 = arith.constant 0 : i32
      %dma_wait3A_139 = arith.constant 0 : i32
      %dma_wait3A_140 = tpu.memref_slice %arg2[%dma_wait3A_138, %dma_wait3A_139] : memref<10000x128xf32, #tpu.memory_space<hbm>> -> memref<10000x128xf32, #tpu.memory_space<hbm>>
      tpu.wait_indirect_dma semaphore(%arg11 : memref<!tpu.dma_semaphore, #tpu.memory_space<semaphore_mem>>) src(%dma_wait3A_140 : memref<10000x128xf32, #tpu.memory_space<hbm>>) dst(%arg8 : memref<128x128xf32, #tpu.memory_space<vmem>>)
      %run_scoped3A_141 = arith.constant 4 : i32
      "tpu.region"() ({
        %run_scoped3A_181 = tpu.sem_alloc : memref<!tpu.dma_semaphore, #tpu.memory_space<semaphore_mem>>
        %dma_start3A_182 = arith.constant 0 : i32
        %dma_start3A_183 = tpu.memref_slice %arg7[%run_scoped3A_141, %dma_start3A_182] : memref<8x128xi32, #tpu.memory_space<vmem>> -> memref<1x128xi32, #tpu.memory_space<vmem>>
        %dma_start3A_184 = tpu.memref_squeeze %dma_start3A_183 : memref<1x128xi32, #tpu.memory_space<vmem>> -> memref<128xi32, #tpu.memory_space<vmem>>
        %dma_start3A_185 = arith.constant 0 : i32
        %dma_start3A_186 = arith.constant 0 : i32
        %dma_start3A_187 = tpu.memref_slice %arg10[%dma_start3A_185, %dma_start3A_186] : memref<10112x128xf32, #tpu.memory_space<vmem_shared>> -> memref<10112x128xf32, #tpu.memory_space<vmem_shared>>
        tpu.enqueue_indirect_dma source(%arg8 : memref<128x128xf32, #tpu.memory_space<vmem>>) target(%dma_start3A_187 : memref<10112x128xf32, #tpu.memory_space<vmem_shared>>) offsets(%dma_start3A_184 : memref<128xi32, #tpu.memory_space<vmem>>) semaphore(%run_scoped3A_181 : memref<!tpu.dma_semaphore, #tpu.memory_space<semaphore_mem>>) {add = true}
        %dma_wait3A_188 = arith.constant 0 : i32
        %dma_wait3A_189 = tpu.memref_slice %arg7[%run_scoped3A_141, %dma_wait3A_188] : memref<8x128xi32, #tpu.memory_space<vmem>> -> memref<1x128xi32, #tpu.memory_space<vmem>>
        %dma_wait3A_190 = tpu.memref_squeeze %dma_wait3A_189 : memref<1x128xi32, #tpu.memory_space<vmem>> -> memref<128xi32, #tpu.memory_space<vmem>>
        %dma_wait3A_191 = arith.constant 0 : i32
        %dma_wait3A_192 = arith.constant 0 : i32
        %dma_wait3A_193 = tpu.memref_slice %arg10[%dma_wait3A_191, %dma_wait3A_192] : memref<10112x128xf32, #tpu.memory_space<vmem_shared>> -> memref<10112x128xf32, #tpu.memory_space<vmem_shared>>
        tpu.wait_indirect_dma semaphore(%run_scoped3A_181 : memref<!tpu.dma_semaphore, #tpu.memory_space<semaphore_mem>>) src(%arg8 : memref<128x128xf32, #tpu.memory_space<vmem>>) dst(%dma_wait3A_193 : memref<10112x128xf32, #tpu.memory_space<vmem_shared>>)
        tpu.yield
      }) : () -> ()
      %dma_start3A_142 = arith.constant 6 : i32
      %dma_start3A_143 = arith.constant 0 : i32
      %dma_start3A_144 = tpu.memref_slice %arg6[%dma_start3A_142, %dma_start3A_143] : memref<8x128xi32, #tpu.memory_space<vmem>> -> memref<1x128xi32, #tpu.memory_space<vmem>>
      %dma_start3A_145 = tpu.memref_squeeze %dma_start3A_144 : memref<1x128xi32, #tpu.memory_space<vmem>> -> memref<128xi32, #tpu.memory_space<vmem>>
      %dma_start3A_146 = arith.constant 0 : i32
      %dma_start3A_147 = arith.constant 0 : i32
      %dma_start3A_148 = tpu.memref_slice %arg2[%dma_start3A_146, %dma_start3A_147] : memref<10000x128xf32, #tpu.memory_space<hbm>> -> memref<10000x128xf32, #tpu.memory_space<hbm>>
      tpu.enqueue_indirect_dma source(%dma_start3A_148 : memref<10000x128xf32, #tpu.memory_space<hbm>>) target(%arg8 : memref<128x128xf32, #tpu.memory_space<vmem>>) offsets(%dma_start3A_145 : memref<128xi32, #tpu.memory_space<vmem>>) semaphore(%arg11 : memref<!tpu.dma_semaphore, #tpu.memory_space<semaphore_mem>>)
      %dma_wait3A_149 = arith.constant 5 : i32
      %dma_wait3A_150 = arith.constant 0 : i32
      %dma_wait3A_151 = tpu.memref_slice %arg6[%dma_wait3A_149, %dma_wait3A_150] : memref<8x128xi32, #tpu.memory_space<vmem>> -> memref<1x128xi32, #tpu.memory_space<vmem>>
      %dma_wait3A_152 = tpu.memref_squeeze %dma_wait3A_151 : memref<1x128xi32, #tpu.memory_space<vmem>> -> memref<128xi32, #tpu.memory_space<vmem>>
      %dma_wait3A_153 = arith.constant 0 : i32
      %dma_wait3A_154 = arith.constant 0 : i32
      %dma_wait3A_155 = tpu.memref_slice %arg2[%dma_wait3A_153, %dma_wait3A_154] : memref<10000x128xf32, #tpu.memory_space<hbm>> -> memref<10000x128xf32, #tpu.memory_space<hbm>>
      tpu.wait_indirect_dma semaphore(%arg12 : memref<!tpu.dma_semaphore, #tpu.memory_space<semaphore_mem>>) src(%dma_wait3A_155 : memref<10000x128xf32, #tpu.memory_space<hbm>>) dst(%arg9 : memref<128x128xf32, #tpu.memory_space<vmem>>)
      %run_scoped3A_156 = arith.constant 5 : i32
      "tpu.region"() ({
        %run_scoped3A_181 = tpu.sem_alloc : memref<!tpu.dma_semaphore, #tpu.memory_space<semaphore_mem>>
        %dma_start3A_182 = arith.constant 0 : i32
        %dma_start3A_183 = tpu.memref_slice %arg7[%run_scoped3A_156, %dma_start3A_182] : memref<8x128xi32, #tpu.memory_space<vmem>> -> memref<1x128xi32, #tpu.memory_space<vmem>>
        %dma_start3A_184 = tpu.memref_squeeze %dma_start3A_183 : memref<1x128xi32, #tpu.memory_space<vmem>> -> memref<128xi32, #tpu.memory_space<vmem>>
        %dma_start3A_185 = arith.constant 0 : i32
        %dma_start3A_186 = arith.constant 0 : i32
        %dma_start3A_187 = tpu.memref_slice %arg10[%dma_start3A_185, %dma_start3A_186] : memref<10112x128xf32, #tpu.memory_space<vmem_shared>> -> memref<10112x128xf32, #tpu.memory_space<vmem_shared>>
        tpu.enqueue_indirect_dma source(%arg9 : memref<128x128xf32, #tpu.memory_space<vmem>>) target(%dma_start3A_187 : memref<10112x128xf32, #tpu.memory_space<vmem_shared>>) offsets(%dma_start3A_184 : memref<128xi32, #tpu.memory_space<vmem>>) semaphore(%run_scoped3A_181 : memref<!tpu.dma_semaphore, #tpu.memory_space<semaphore_mem>>) {add = true}
        %dma_wait3A_188 = arith.constant 0 : i32
        %dma_wait3A_189 = tpu.memref_slice %arg7[%run_scoped3A_156, %dma_wait3A_188] : memref<8x128xi32, #tpu.memory_space<vmem>> -> memref<1x128xi32, #tpu.memory_space<vmem>>
        %dma_wait3A_190 = tpu.memref_squeeze %dma_wait3A_189 : memref<1x128xi32, #tpu.memory_space<vmem>> -> memref<128xi32, #tpu.memory_space<vmem>>
        %dma_wait3A_191 = arith.constant 0 : i32
        %dma_wait3A_192 = arith.constant 0 : i32
        %dma_wait3A_193 = tpu.memref_slice %arg10[%dma_wait3A_191, %dma_wait3A_192] : memref<10112x128xf32, #tpu.memory_space<vmem_shared>> -> memref<10112x128xf32, #tpu.memory_space<vmem_shared>>
        tpu.wait_indirect_dma semaphore(%run_scoped3A_181 : memref<!tpu.dma_semaphore, #tpu.memory_space<semaphore_mem>>) src(%arg9 : memref<128x128xf32, #tpu.memory_space<vmem>>) dst(%dma_wait3A_193 : memref<10112x128xf32, #tpu.memory_space<vmem_shared>>)
        tpu.yield
      }) : () -> ()
      %dma_start3A_157 = arith.constant 7 : i32
      %dma_start3A_158 = arith.constant 0 : i32
      %dma_start3A_159 = tpu.memref_slice %arg6[%dma_start3A_157, %dma_start3A_158] : memref<8x128xi32, #tpu.memory_space<vmem>> -> memref<1x128xi32, #tpu.memory_space<vmem>>
      %dma_start3A_160 = tpu.memref_squeeze %dma_start3A_159 : memref<1x128xi32, #tpu.memory_space<vmem>> -> memref<128xi32, #tpu.memory_space<vmem>>
      %dma_start3A_161 = arith.constant 0 : i32
      %dma_start3A_162 = arith.constant 0 : i32
      %dma_start3A_163 = tpu.memref_slice %arg2[%dma_start3A_161, %dma_start3A_162] : memref<10000x128xf32, #tpu.memory_space<hbm>> -> memref<10000x128xf32, #tpu.memory_space<hbm>>
      tpu.enqueue_indirect_dma source(%dma_start3A_163 : memref<10000x128xf32, #tpu.memory_space<hbm>>) target(%arg9 : memref<128x128xf32, #tpu.memory_space<vmem>>) offsets(%dma_start3A_160 : memref<128xi32, #tpu.memory_space<vmem>>) semaphore(%arg12 : memref<!tpu.dma_semaphore, #tpu.memory_space<semaphore_mem>>)
      %dma_wait3A_164 = arith.constant 6 : i32
      %dma_wait3A_165 = arith.constant 0 : i32
      %dma_wait3A_166 = tpu.memref_slice %arg6[%dma_wait3A_164, %dma_wait3A_165] : memref<8x128xi32, #tpu.memory_space<vmem>> -> memref<1x128xi32, #tpu.memory_space<vmem>>
      %dma_wait3A_167 = tpu.memref_squeeze %dma_wait3A_166 : memref<1x128xi32, #tpu.memory_space<vmem>> -> memref<128xi32, #tpu.memory_space<vmem>>
      %dma_wait3A_168 = arith.constant 0 : i32
      %dma_wait3A_169 = arith.constant 0 : i32
      %dma_wait3A_170 = tpu.memref_slice %arg2[%dma_wait3A_168, %dma_wait3A_169] : memref<10000x128xf32, #tpu.memory_space<hbm>> -> memref<10000x128xf32, #tpu.memory_space<hbm>>
      tpu.wait_indirect_dma semaphore(%arg11 : memref<!tpu.dma_semaphore, #tpu.memory_space<semaphore_mem>>) src(%dma_wait3A_170 : memref<10000x128xf32, #tpu.memory_space<hbm>>) dst(%arg8 : memref<128x128xf32, #tpu.memory_space<vmem>>)
      %run_scoped3A_171 = arith.constant 6 : i32
      "tpu.region"() ({
        %run_scoped3A_181 = tpu.sem_alloc : memref<!tpu.dma_semaphore, #tpu.memory_space<semaphore_mem>>
        %dma_start3A_182 = arith.constant 0 : i32
        %dma_start3A_183 = tpu.memref_slice %arg7[%run_scoped3A_171, %dma_start3A_182] : memref<8x128xi32, #tpu.memory_space<vmem>> -> memref<1x128xi32, #tpu.memory_space<vmem>>
        %dma_start3A_184 = tpu.memref_squeeze %dma_start3A_183 : memref<1x128xi32, #tpu.memory_space<vmem>> -> memref<128xi32, #tpu.memory_space<vmem>>
        %dma_start3A_185 = arith.constant 0 : i32
        %dma_start3A_186 = arith.constant 0 : i32
        %dma_start3A_187 = tpu.memref_slice %arg10[%dma_start3A_185, %dma_start3A_186] : memref<10112x128xf32, #tpu.memory_space<vmem_shared>> -> memref<10112x128xf32, #tpu.memory_space<vmem_shared>>
        tpu.enqueue_indirect_dma source(%arg8 : memref<128x128xf32, #tpu.memory_space<vmem>>) target(%dma_start3A_187 : memref<10112x128xf32, #tpu.memory_space<vmem_shared>>) offsets(%dma_start3A_184 : memref<128xi32, #tpu.memory_space<vmem>>) semaphore(%run_scoped3A_181 : memref<!tpu.dma_semaphore, #tpu.memory_space<semaphore_mem>>) {add = true}
        %dma_wait3A_188 = arith.constant 0 : i32
        %dma_wait3A_189 = tpu.memref_slice %arg7[%run_scoped3A_171, %dma_wait3A_188] : memref<8x128xi32, #tpu.memory_space<vmem>> -> memref<1x128xi32, #tpu.memory_space<vmem>>
        %dma_wait3A_190 = tpu.memref_squeeze %dma_wait3A_189 : memref<1x128xi32, #tpu.memory_space<vmem>> -> memref<128xi32, #tpu.memory_space<vmem>>
        %dma_wait3A_191 = arith.constant 0 : i32
        %dma_wait3A_192 = arith.constant 0 : i32
        %dma_wait3A_193 = tpu.memref_slice %arg10[%dma_wait3A_191, %dma_wait3A_192] : memref<10112x128xf32, #tpu.memory_space<vmem_shared>> -> memref<10112x128xf32, #tpu.memory_space<vmem_shared>>
        tpu.wait_indirect_dma semaphore(%run_scoped3A_181 : memref<!tpu.dma_semaphore, #tpu.memory_space<semaphore_mem>>) src(%arg8 : memref<128x128xf32, #tpu.memory_space<vmem>>) dst(%dma_wait3A_193 : memref<10112x128xf32, #tpu.memory_space<vmem_shared>>)
        tpu.yield
      }) : () -> ()
      %dma_wait3A_172 = arith.constant 7 : i32
      %dma_wait3A_173 = arith.constant 0 : i32
      %dma_wait3A_174 = tpu.memref_slice %arg6[%dma_wait3A_172, %dma_wait3A_173] : memref<8x128xi32, #tpu.memory_space<vmem>> -> memref<1x128xi32, #tpu.memory_space<vmem>>
      %dma_wait3A_175 = tpu.memref_squeeze %dma_wait3A_174 : memref<1x128xi32, #tpu.memory_space<vmem>> -> memref<128xi32, #tpu.memory_space<vmem>>
      %dma_wait3A_176 = arith.constant 0 : i32
      %dma_wait3A_177 = arith.constant 0 : i32
      %dma_wait3A_178 = tpu.memref_slice %arg2[%dma_wait3A_176, %dma_wait3A_177] : memref<10000x128xf32, #tpu.memory_space<hbm>> -> memref<10000x128xf32, #tpu.memory_space<hbm>>
      tpu.wait_indirect_dma semaphore(%arg12 : memref<!tpu.dma_semaphore, #tpu.memory_space<semaphore_mem>>) src(%dma_wait3A_178 : memref<10000x128xf32, #tpu.memory_space<hbm>>) dst(%arg9 : memref<128x128xf32, #tpu.memory_space<vmem>>)
      %run_scoped3A_179 = arith.constant 7 : i32
      "tpu.region"() ({
        %run_scoped3A_181 = tpu.sem_alloc : memref<!tpu.dma_semaphore, #tpu.memory_space<semaphore_mem>>
        %dma_start3A_182 = arith.constant 0 : i32
        %dma_start3A_183 = tpu.memref_slice %arg7[%run_scoped3A_179, %dma_start3A_182] : memref<8x128xi32, #tpu.memory_space<vmem>> -> memref<1x128xi32, #tpu.memory_space<vmem>>
        %dma_start3A_184 = tpu.memref_squeeze %dma_start3A_183 : memref<1x128xi32, #tpu.memory_space<vmem>> -> memref<128xi32, #tpu.memory_space<vmem>>
        %dma_start3A_185 = arith.constant 0 : i32
        %dma_start3A_186 = arith.constant 0 : i32
        %dma_start3A_187 = tpu.memref_slice %arg10[%dma_start3A_185, %dma_start3A_186] : memref<10112x128xf32, #tpu.memory_space<vmem_shared>> -> memref<10112x128xf32, #tpu.memory_space<vmem_shared>>
        tpu.enqueue_indirect_dma source(%arg9 : memref<128x128xf32, #tpu.memory_space<vmem>>) target(%dma_start3A_187 : memref<10112x128xf32, #tpu.memory_space<vmem_shared>>) offsets(%dma_start3A_184 : memref<128xi32, #tpu.memory_space<vmem>>) semaphore(%run_scoped3A_181 : memref<!tpu.dma_semaphore, #tpu.memory_space<semaphore_mem>>) {add = true}
        %dma_wait3A_188 = arith.constant 0 : i32
        %dma_wait3A_189 = tpu.memref_slice %arg7[%run_scoped3A_179, %dma_wait3A_188] : memref<8x128xi32, #tpu.memory_space<vmem>> -> memref<1x128xi32, #tpu.memory_space<vmem>>
        %dma_wait3A_190 = tpu.memref_squeeze %dma_wait3A_189 : memref<1x128xi32, #tpu.memory_space<vmem>> -> memref<128xi32, #tpu.memory_space<vmem>>
        %dma_wait3A_191 = arith.constant 0 : i32
        %dma_wait3A_192 = arith.constant 0 : i32
        %dma_wait3A_193 = tpu.memref_slice %arg10[%dma_wait3A_191, %dma_wait3A_192] : memref<10112x128xf32, #tpu.memory_space<vmem_shared>> -> memref<10112x128xf32, #tpu.memory_space<vmem_shared>>
        tpu.wait_indirect_dma semaphore(%run_scoped3A_181 : memref<!tpu.dma_semaphore, #tpu.memory_space<semaphore_mem>>) src(%arg9 : memref<128x128xf32, #tpu.memory_space<vmem>>) dst(%dma_wait3A_193 : memref<10112x128xf32, #tpu.memory_space<vmem_shared>>)
        tpu.yield
      }) : () -> ()
      %scan3A_180 = arith.constant 1 : i32
    } else {
    }
    %barrier3A_30 = arith.constant 0 : index
    tpu.barrier barrier_id(%barrier3A_30)
    %mul3A_31 = arith.constant 632 : i32
    %mul3A_32 = arith.muli %arg1, %mul3A_31 : i32
    %add3A_33 = arith.constant 0 : i32
    %add3A_34 = arith.addi %mul3A_32, %add3A_33 : i32
    "tpu.region"() ({
      %run_scoped3A = tpu.sem_alloc : memref<!tpu.dma_semaphore, #tpu.memory_space<semaphore_mem>>
      %dma_start3A = arith.constant 0 : i32
      %dma_start3A_51 = tpu.memref_slice %arg10[%add3A_34, %dma_start3A] : memref<10112x128xf32, #tpu.memory_space<vmem_shared>> -> memref<128x128xf32, #tpu.memory_space<vmem_shared>>
      %dma_start3A_52 = arith.constant 0 : i32
      %dma_start3A_53 = tpu.memref_slice %arg10[%add3A_34, %dma_start3A_52] : memref<10112x128xf32, #tpu.memory_space<vmem_shared>> -> memref<128x128xf32, #tpu.memory_space<vmem_shared>>
      tpu.enqueue_dma source(%dma_start3A_53 : memref<128x128xf32, #tpu.memory_space<vmem_shared>>) target(%arg8 : memref<128x128xf32, #tpu.memory_space<vmem>>) target_semaphore(%run_scoped3A : memref<!tpu.dma_semaphore, #tpu.memory_space<semaphore_mem>>)
      %dma_wait3A = arith.constant 0 : i32
      %dma_wait3A_54 = tpu.memref_slice %arg10[%add3A_34, %dma_wait3A] : memref<10112x128xf32, #tpu.memory_space<vmem_shared>> -> memref<128x128xf32, #tpu.memory_space<vmem_shared>>
      %dma_wait3A_55 = arith.constant 0 : i32
      %dma_wait3A_56 = tpu.memref_slice %arg10[%add3A_34, %dma_wait3A_55] : memref<10112x128xf32, #tpu.memory_space<vmem_shared>> -> memref<128x128xf32, #tpu.memory_space<vmem_shared>>
      tpu.wait_dma2 semaphore(%run_scoped3A : memref<!tpu.dma_semaphore, #tpu.memory_space<semaphore_mem>>) src(%dma_wait3A_56 : memref<128x128xf32, #tpu.memory_space<vmem_shared>>) dst(%arg8 : memref<128x128xf32, #tpu.memory_space<vmem>>)
      tpu.yield
    }) : () -> ()
    "tpu.region"() ({
      %run_scoped3A = tpu.sem_alloc : memref<!tpu.dma_semaphore, #tpu.memory_space<semaphore_mem>>
      %dma_start3A = arith.constant 0 : i32
      %dma_start3A_51 = tpu.memref_slice %arg5[%arg0, %add3A_34, %dma_start3A] : memref<2x10112x128xf32, #tpu.memory_space<hbm>> -> memref<1x128x128xf32, #tpu.memory_space<hbm>>
      %dma_start3A_52 = tpu.memref_squeeze %dma_start3A_51 : memref<1x128x128xf32, #tpu.memory_space<hbm>> -> memref<128x128xf32, #tpu.memory_space<hbm>>
      %dma_start3A_53 = arith.constant 0 : i32
      %dma_start3A_54 = tpu.memref_slice %arg5[%arg0, %add3A_34, %dma_start3A_53] : memref<2x10112x128xf32, #tpu.memory_space<hbm>> -> memref<1x128x128xf32, #tpu.memory_space<hbm>>
      %dma_start3A_55 = tpu.memref_squeeze %dma_start3A_54 : memref<1x128x128xf32, #tpu.memory_space<hbm>> -> memref<128x128xf32, #tpu.memory_space<hbm>>
      tpu.enqueue_dma source(%arg8 : memref<128x128xf32, #tpu.memory_space<vmem>>) target(%dma_start3A_55 : memref<128x128xf32, #tpu.memory_space<hbm>>) target_semaphore(%run_scoped3A : memref<!tpu.dma_semaphore, #tpu.memory_space<semaphore_mem>>)
      %dma_wait3A = arith.constant 0 : i32
      %dma_wait3A_56 = tpu.memref_slice %arg5[%arg0, %add3A_34, %dma_wait3A] : memref<2x10112x128xf32, #tpu.memory_space<hbm>> -> memref<1x128x128xf32, #tpu.memory_space<hbm>>
      %dma_wait3A_57 = tpu.memref_squeeze %dma_wait3A_56 : memref<1x128x128xf32, #tpu.memory_space<hbm>> -> memref<128x128xf32, #tpu.memory_space<hbm>>
      %dma_wait3A_58 = arith.constant 0 : i32
      %dma_wait3A_59 = tpu.memref_slice %arg5[%arg0, %add3A_34, %dma_wait3A_58] : memref<2x10112x128xf32, #tpu.memory_space<hbm>> -> memref<1x128x128xf32, #tpu.memory_space<hbm>>
      %dma_wait3A_60 = tpu.memref_squeeze %dma_wait3A_59 : memref<1x128x128xf32, #tpu.memory_space<hbm>> -> memref<128x128xf32, #tpu.memory_space<hbm>>
      tpu.wait_dma2 semaphore(%run_scoped3A : memref<!tpu.dma_semaphore, #tpu.memory_space<semaphore_mem>>) src(%arg8 : memref<128x128xf32, #tpu.memory_space<vmem>>) dst(%dma_wait3A_60 : memref<128x128xf32, #tpu.memory_space<hbm>>)
      tpu.yield
    }) : () -> ()
    %mul3A_35 = arith.constant 632 : i32
    %mul3A_36 = arith.muli %arg1, %mul3A_35 : i32
    %add3A_37 = arith.constant 128 : i32
    %add3A_38 = arith.addi %mul3A_36, %add3A_37 : i32
    "tpu.region"() ({
      %run_scoped3A = tpu.sem_alloc : memref<!tpu.dma_semaphore, #tpu.memory_space<semaphore_mem>>
      %dma_start3A = arith.constant 0 : i32
      %dma_start3A_51 = tpu.memref_slice %arg10[%add3A_38, %dma_start3A] : memref<10112x128xf32, #tpu.memory_space<vmem_shared>> -> memref<128x128xf32, #tpu.memory_space<vmem_shared>>
      %dma_start3A_52 = arith.constant 0 : i32
      %dma_start3A_53 = tpu.memref_slice %arg10[%add3A_38, %dma_start3A_52] : memref<10112x128xf32, #tpu.memory_space<vmem_shared>> -> memref<128x128xf32, #tpu.memory_space<vmem_shared>>
      tpu.enqueue_dma source(%dma_start3A_53 : memref<128x128xf32, #tpu.memory_space<vmem_shared>>) target(%arg8 : memref<128x128xf32, #tpu.memory_space<vmem>>) target_semaphore(%run_scoped3A : memref<!tpu.dma_semaphore, #tpu.memory_space<semaphore_mem>>)
      %dma_wait3A = arith.constant 0 : i32
      %dma_wait3A_54 = tpu.memref_slice %arg10[%add3A_38, %dma_wait3A] : memref<10112x128xf32, #tpu.memory_space<vmem_shared>> -> memref<128x128xf32, #tpu.memory_space<vmem_shared>>
      %dma_wait3A_55 = arith.constant 0 : i32
      %dma_wait3A_56 = tpu.memref_slice %arg10[%add3A_38, %dma_wait3A_55] : memref<10112x128xf32, #tpu.memory_space<vmem_shared>> -> memref<128x128xf32, #tpu.memory_space<vmem_shared>>
      tpu.wait_dma2 semaphore(%run_scoped3A : memref<!tpu.dma_semaphore, #tpu.memory_space<semaphore_mem>>) src(%dma_wait3A_56 : memref<128x128xf32, #tpu.memory_space<vmem_shared>>) dst(%arg8 : memref<128x128xf32, #tpu.memory_space<vmem>>)
      tpu.yield
    }) : () -> ()
    "tpu.region"() ({
      %run_scoped3A = tpu.sem_alloc : memref<!tpu.dma_semaphore, #tpu.memory_space<semaphore_mem>>
      %dma_start3A = arith.constant 0 : i32
      %dma_start3A_51 = tpu.memref_slice %arg5[%arg0, %add3A_38, %dma_start3A] : memref<2x10112x128xf32, #tpu.memory_space<hbm>> -> memref<1x128x128xf32, #tpu.memory_space<hbm>>
      %dma_start3A_52 = tpu.memref_squeeze %dma_start3A_51 : memref<1x128x128xf32, #tpu.memory_space<hbm>> -> memref<128x128xf32, #tpu.memory_space<hbm>>
      %dma_start3A_53 = arith.constant 0 : i32
      %dma_start3A_54 = tpu.memref_slice %arg5[%arg0, %add3A_38, %dma_start3A_53] : memref<2x10112x128xf32, #tpu.memory_space<hbm>> -> memref<1x128x128xf32, #tpu.memory_space<hbm>>
      %dma_start3A_55 = tpu.memref_squeeze %dma_start3A_54 : memref<1x128x128xf32, #tpu.memory_space<hbm>> -> memref<128x128xf32, #tpu.memory_space<hbm>>
      tpu.enqueue_dma source(%arg8 : memref<128x128xf32, #tpu.memory_space<vmem>>) target(%dma_start3A_55 : memref<128x128xf32, #tpu.memory_space<hbm>>) target_semaphore(%run_scoped3A : memref<!tpu.dma_semaphore, #tpu.memory_space<semaphore_mem>>)
      %dma_wait3A = arith.constant 0 : i32
      %dma_wait3A_56 = tpu.memref_slice %arg5[%arg0, %add3A_38, %dma_wait3A] : memref<2x10112x128xf32, #tpu.memory_space<hbm>> -> memref<1x128x128xf32, #tpu.memory_space<hbm>>
      %dma_wait3A_57 = tpu.memref_squeeze %dma_wait3A_56 : memref<1x128x128xf32, #tpu.memory_space<hbm>> -> memref<128x128xf32, #tpu.memory_space<hbm>>
      %dma_wait3A_58 = arith.constant 0 : i32
      %dma_wait3A_59 = tpu.memref_slice %arg5[%arg0, %add3A_38, %dma_wait3A_58] : memref<2x10112x128xf32, #tpu.memory_space<hbm>> -> memref<1x128x128xf32, #tpu.memory_space<hbm>>
      %dma_wait3A_60 = tpu.memref_squeeze %dma_wait3A_59 : memref<1x128x128xf32, #tpu.memory_space<hbm>> -> memref<128x128xf32, #tpu.memory_space<hbm>>
      tpu.wait_dma2 semaphore(%run_scoped3A : memref<!tpu.dma_semaphore, #tpu.memory_space<semaphore_mem>>) src(%arg8 : memref<128x128xf32, #tpu.memory_space<vmem>>) dst(%dma_wait3A_60 : memref<128x128xf32, #tpu.memory_space<hbm>>)
      tpu.yield
    }) : () -> ()
    %mul3A_39 = arith.constant 632 : i32
    %mul3A_40 = arith.muli %arg1, %mul3A_39 : i32
    %add3A_41 = arith.constant 256 : i32
    %add3A_42 = arith.addi %mul3A_40, %add3A_41 : i32
    "tpu.region"() ({
      %run_scoped3A = tpu.sem_alloc : memref<!tpu.dma_semaphore, #tpu.memory_space<semaphore_mem>>
      %dma_start3A = arith.constant 0 : i32
      %dma_start3A_51 = tpu.memref_slice %arg10[%add3A_42, %dma_start3A] : memref<10112x128xf32, #tpu.memory_space<vmem_shared>> -> memref<128x128xf32, #tpu.memory_space<vmem_shared>>
      %dma_start3A_52 = arith.constant 0 : i32
      %dma_start3A_53 = tpu.memref_slice %arg10[%add3A_42, %dma_start3A_52] : memref<10112x128xf32, #tpu.memory_space<vmem_shared>> -> memref<128x128xf32, #tpu.memory_space<vmem_shared>>
      tpu.enqueue_dma source(%dma_start3A_53 : memref<128x128xf32, #tpu.memory_space<vmem_shared>>) target(%arg8 : memref<128x128xf32, #tpu.memory_space<vmem>>) target_semaphore(%run_scoped3A : memref<!tpu.dma_semaphore, #tpu.memory_space<semaphore_mem>>)
      %dma_wait3A = arith.constant 0 : i32
      %dma_wait3A_54 = tpu.memref_slice %arg10[%add3A_42, %dma_wait3A] : memref<10112x128xf32, #tpu.memory_space<vmem_shared>> -> memref<128x128xf32, #tpu.memory_space<vmem_shared>>
      %dma_wait3A_55 = arith.constant 0 : i32
      %dma_wait3A_56 = tpu.memref_slice %arg10[%add3A_42, %dma_wait3A_55] : memref<10112x128xf32, #tpu.memory_space<vmem_shared>> -> memref<128x128xf32, #tpu.memory_space<vmem_shared>>
      tpu.wait_dma2 semaphore(%run_scoped3A : memref<!tpu.dma_semaphore, #tpu.memory_space<semaphore_mem>>) src(%dma_wait3A_56 : memref<128x128xf32, #tpu.memory_space<vmem_shared>>) dst(%arg8 : memref<128x128xf32, #tpu.memory_space<vmem>>)
      tpu.yield
    }) : () -> ()
    "tpu.region"() ({
      %run_scoped3A = tpu.sem_alloc : memref<!tpu.dma_semaphore, #tpu.memory_space<semaphore_mem>>
      %dma_start3A = arith.constant 0 : i32
      %dma_start3A_51 = tpu.memref_slice %arg5[%arg0, %add3A_42, %dma_start3A] : memref<2x10112x128xf32, #tpu.memory_space<hbm>> -> memref<1x128x128xf32, #tpu.memory_space<hbm>>
      %dma_start3A_52 = tpu.memref_squeeze %dma_start3A_51 : memref<1x128x128xf32, #tpu.memory_space<hbm>> -> memref<128x128xf32, #tpu.memory_space<hbm>>
      %dma_start3A_53 = arith.constant 0 : i32
      %dma_start3A_54 = tpu.memref_slice %arg5[%arg0, %add3A_42, %dma_start3A_53] : memref<2x10112x128xf32, #tpu.memory_space<hbm>> -> memref<1x128x128xf32, #tpu.memory_space<hbm>>
      %dma_start3A_55 = tpu.memref_squeeze %dma_start3A_54 : memref<1x128x128xf32, #tpu.memory_space<hbm>> -> memref<128x128xf32, #tpu.memory_space<hbm>>
      tpu.enqueue_dma source(%arg8 : memref<128x128xf32, #tpu.memory_space<vmem>>) target(%dma_start3A_55 : memref<128x128xf32, #tpu.memory_space<hbm>>) target_semaphore(%run_scoped3A : memref<!tpu.dma_semaphore, #tpu.memory_space<semaphore_mem>>)
      %dma_wait3A = arith.constant 0 : i32
      %dma_wait3A_56 = tpu.memref_slice %arg5[%arg0, %add3A_42, %dma_wait3A] : memref<2x10112x128xf32, #tpu.memory_space<hbm>> -> memref<1x128x128xf32, #tpu.memory_space<hbm>>
      %dma_wait3A_57 = tpu.memref_squeeze %dma_wait3A_56 : memref<1x128x128xf32, #tpu.memory_space<hbm>> -> memref<128x128xf32, #tpu.memory_space<hbm>>
      %dma_wait3A_58 = arith.constant 0 : i32
      %dma_wait3A_59 = tpu.memref_slice %arg5[%arg0, %add3A_42, %dma_wait3A_58] : memref<2x10112x128xf32, #tpu.memory_space<hbm>> -> memref<1x128x128xf32, #tpu.memory_space<hbm>>
      %dma_wait3A_60 = tpu.memref_squeeze %dma_wait3A_59 : memref<1x128x128xf32, #tpu.memory_space<hbm>> -> memref<128x128xf32, #tpu.memory_space<hbm>>
      tpu.wait_dma2 semaphore(%run_scoped3A : memref<!tpu.dma_semaphore, #tpu.memory_space<semaphore_mem>>) src(%arg8 : memref<128x128xf32, #tpu.memory_space<vmem>>) dst(%dma_wait3A_60 : memref<128x128xf32, #tpu.memory_space<hbm>>)
      tpu.yield
    }) : () -> ()
    %mul3A_43 = arith.constant 632 : i32
    %mul3A_44 = arith.muli %arg1, %mul3A_43 : i32
    %add3A_45 = arith.constant 384 : i32
    %add3A_46 = arith.addi %mul3A_44, %add3A_45 : i32
    "tpu.region"() ({
      %run_scoped3A = tpu.sem_alloc : memref<!tpu.dma_semaphore, #tpu.memory_space<semaphore_mem>>
      %dma_start3A = arith.constant 0 : i32
      %dma_start3A_51 = tpu.memref_slice %arg10[%add3A_46, %dma_start3A] : memref<10112x128xf32, #tpu.memory_space<vmem_shared>> -> memref<128x128xf32, #tpu.memory_space<vmem_shared>>
      %dma_start3A_52 = arith.constant 0 : i32
      %dma_start3A_53 = tpu.memref_slice %arg10[%add3A_46, %dma_start3A_52] : memref<10112x128xf32, #tpu.memory_space<vmem_shared>> -> memref<128x128xf32, #tpu.memory_space<vmem_shared>>
      tpu.enqueue_dma source(%dma_start3A_53 : memref<128x128xf32, #tpu.memory_space<vmem_shared>>) target(%arg8 : memref<128x128xf32, #tpu.memory_space<vmem>>) target_semaphore(%run_scoped3A : memref<!tpu.dma_semaphore, #tpu.memory_space<semaphore_mem>>)
      %dma_wait3A = arith.constant 0 : i32
      %dma_wait3A_54 = tpu.memref_slice %arg10[%add3A_46, %dma_wait3A] : memref<10112x128xf32, #tpu.memory_space<vmem_shared>> -> memref<128x128xf32, #tpu.memory_space<vmem_shared>>
      %dma_wait3A_55 = arith.constant 0 : i32
      %dma_wait3A_56 = tpu.memref_slice %arg10[%add3A_46, %dma_wait3A_55] : memref<10112x128xf32, #tpu.memory_space<vmem_shared>> -> memref<128x128xf32, #tpu.memory_space<vmem_shared>>
      tpu.wait_dma2 semaphore(%run_scoped3A : memref<!tpu.dma_semaphore, #tpu.memory_space<semaphore_mem>>) src(%dma_wait3A_56 : memref<128x128xf32, #tpu.memory_space<vmem_shared>>) dst(%arg8 : memref<128x128xf32, #tpu.memory_space<vmem>>)
      tpu.yield
    }) : () -> ()
    "tpu.region"() ({
      %run_scoped3A = tpu.sem_alloc : memref<!tpu.dma_semaphore, #tpu.memory_space<semaphore_mem>>
      %dma_start3A = arith.constant 0 : i32
      %dma_start3A_51 = tpu.memref_slice %arg5[%arg0, %add3A_46, %dma_start3A] : memref<2x10112x128xf32, #tpu.memory_space<hbm>> -> memref<1x128x128xf32, #tpu.memory_space<hbm>>
      %dma_start3A_52 = tpu.memref_squeeze %dma_start3A_51 : memref<1x128x128xf32, #tpu.memory_space<hbm>> -> memref<128x128xf32, #tpu.memory_space<hbm>>
      %dma_start3A_53 = arith.constant 0 : i32
      %dma_start3A_54 = tpu.memref_slice %arg5[%arg0, %add3A_46, %dma_start3A_53] : memref<2x10112x128xf32, #tpu.memory_space<hbm>> -> memref<1x128x128xf32, #tpu.memory_space<hbm>>
      %dma_start3A_55 = tpu.memref_squeeze %dma_start3A_54 : memref<1x128x128xf32, #tpu.memory_space<hbm>> -> memref<128x128xf32, #tpu.memory_space<hbm>>
      tpu.enqueue_dma source(%arg8 : memref<128x128xf32, #tpu.memory_space<vmem>>) target(%dma_start3A_55 : memref<128x128xf32, #tpu.memory_space<hbm>>) target_semaphore(%run_scoped3A : memref<!tpu.dma_semaphore, #tpu.memory_space<semaphore_mem>>)
      %dma_wait3A = arith.constant 0 : i32
      %dma_wait3A_56 = tpu.memref_slice %arg5[%arg0, %add3A_46, %dma_wait3A] : memref<2x10112x128xf32, #tpu.memory_space<hbm>> -> memref<1x128x128xf32, #tpu.memory_space<hbm>>
      %dma_wait3A_57 = tpu.memref_squeeze %dma_wait3A_56 : memref<1x128x128xf32, #tpu.memory_space<hbm>> -> memref<128x128xf32, #tpu.memory_space<hbm>>
      %dma_wait3A_58 = arith.constant 0 : i32
      %dma_wait3A_59 = tpu.memref_slice %arg5[%arg0, %add3A_46, %dma_wait3A_58] : memref<2x10112x128xf32, #tpu.memory_space<hbm>> -> memref<1x128x128xf32, #tpu.memory_space<hbm>>
      %dma_wait3A_60 = tpu.memref_squeeze %dma_wait3A_59 : memref<1x128x128xf32, #tpu.memory_space<hbm>> -> memref<128x128xf32, #tpu.memory_space<hbm>>
      tpu.wait_dma2 semaphore(%run_scoped3A : memref<!tpu.dma_semaphore, #tpu.memory_space<semaphore_mem>>) src(%arg8 : memref<128x128xf32, #tpu.memory_space<vmem>>) dst(%dma_wait3A_60 : memref<128x128xf32, #tpu.memory_space<hbm>>)
      tpu.yield
    }) : () -> ()
    %mul3A_47 = arith.constant 632 : i32
    %mul3A_48 = arith.muli %arg1, %mul3A_47 : i32
    %add3A_49 = arith.constant 512 : i32
    %add3A_50 = arith.addi %mul3A_48, %add3A_49 : i32
    "tpu.region"() ({
      %run_scoped3A = tpu.sem_alloc : memref<!tpu.dma_semaphore, #tpu.memory_space<semaphore_mem>>
      %dma_start3A = arith.constant 0 : i32
      %dma_start3A_51 = arith.constant 0 : i32
      %dma_start3A_52 = tpu.memref_slice %arg8[%dma_start3A, %dma_start3A_51] : memref<128x128xf32, #tpu.memory_space<vmem>> -> memref<120x128xf32, #tpu.memory_space<vmem>>
      %dma_start3A_53 = arith.constant 0 : i32
      %dma_start3A_54 = tpu.memref_slice %arg10[%add3A_50, %dma_start3A_53] : memref<10112x128xf32, #tpu.memory_space<vmem_shared>> -> memref<120x128xf32, #tpu.memory_space<vmem_shared>>
      %dma_start3A_55 = arith.constant 0 : i32
      %dma_start3A_56 = arith.constant 0 : i32
      %dma_start3A_57 = tpu.memref_slice %arg8[%dma_start3A_55, %dma_start3A_56] : memref<128x128xf32, #tpu.memory_space<vmem>> -> memref<120x128xf32, #tpu.memory_space<vmem>>
      %dma_start3A_58 = arith.constant 0 : i32
      %dma_start3A_59 = tpu.memref_slice %arg10[%add3A_50, %dma_start3A_58] : memref<10112x128xf32, #tpu.memory_space<vmem_shared>> -> memref<120x128xf32, #tpu.memory_space<vmem_shared>>
      tpu.enqueue_dma source(%dma_start3A_59 : memref<120x128xf32, #tpu.memory_space<vmem_shared>>) target(%dma_start3A_57 : memref<120x128xf32, #tpu.memory_space<vmem>>) target_semaphore(%run_scoped3A : memref<!tpu.dma_semaphore, #tpu.memory_space<semaphore_mem>>)
      %dma_wait3A = arith.constant 0 : i32
      %dma_wait3A_60 = arith.constant 0 : i32
      %dma_wait3A_61 = tpu.memref_slice %arg8[%dma_wait3A, %dma_wait3A_60] : memref<128x128xf32, #tpu.memory_space<vmem>> -> memref<120x128xf32, #tpu.memory_space<vmem>>
      %dma_wait3A_62 = arith.constant 0 : i32
      %dma_wait3A_63 = tpu.memref_slice %arg10[%add3A_50, %dma_wait3A_62] : memref<10112x128xf32, #tpu.memory_space<vmem_shared>> -> memref<120x128xf32, #tpu.memory_space<vmem_shared>>
      %dma_wait3A_64 = arith.constant 0 : i32
      %dma_wait3A_65 = arith.constant 0 : i32
      %dma_wait3A_66 = tpu.memref_slice %arg8[%dma_wait3A_64, %dma_wait3A_65] : memref<128x128xf32, #tpu.memory_space<vmem>> -> memref<120x128xf32, #tpu.memory_space<vmem>>
      %dma_wait3A_67 = arith.constant 0 : i32
      %dma_wait3A_68 = tpu.memref_slice %arg10[%add3A_50, %dma_wait3A_67] : memref<10112x128xf32, #tpu.memory_space<vmem_shared>> -> memref<120x128xf32, #tpu.memory_space<vmem_shared>>
      tpu.wait_dma2 semaphore(%run_scoped3A : memref<!tpu.dma_semaphore, #tpu.memory_space<semaphore_mem>>) src(%dma_wait3A_68 : memref<120x128xf32, #tpu.memory_space<vmem_shared>>) dst(%dma_wait3A_66 : memref<120x128xf32, #tpu.memory_space<vmem>>)
      tpu.yield
    }) : () -> ()
    "tpu.region"() ({
      %run_scoped3A = tpu.sem_alloc : memref<!tpu.dma_semaphore, #tpu.memory_space<semaphore_mem>>
      %dma_start3A = arith.constant 0 : i32
      %dma_start3A_51 = arith.constant 0 : i32
      %dma_start3A_52 = tpu.memref_slice %arg8[%dma_start3A, %dma_start3A_51] : memref<128x128xf32, #tpu.memory_space<vmem>> -> memref<120x128xf32, #tpu.memory_space<vmem>>
      %dma_start3A_53 = arith.constant 0 : i32
      %dma_start3A_54 = tpu.memref_slice %arg5[%arg0, %add3A_50, %dma_start3A_53] : memref<2x10112x128xf32, #tpu.memory_space<hbm>> -> memref<1x120x128xf32, #tpu.memory_space<hbm>>
      %dma_start3A_55 = tpu.memref_squeeze %dma_start3A_54 : memref<1x120x128xf32, #tpu.memory_space<hbm>> -> memref<120x128xf32, #tpu.memory_space<hbm>>
      %dma_start3A_56 = arith.constant 0 : i32
      %dma_start3A_57 = tpu.memref_slice %arg5[%arg0, %add3A_50, %dma_start3A_56] : memref<2x10112x128xf32, #tpu.memory_space<hbm>> -> memref<1x120x128xf32, #tpu.memory_space<hbm>>
      %dma_start3A_58 = tpu.memref_squeeze %dma_start3A_57 : memref<1x120x128xf32, #tpu.memory_space<hbm>> -> memref<120x128xf32, #tpu.memory_space<hbm>>
      %dma_start3A_59 = arith.constant 0 : i32
      %dma_start3A_60 = arith.constant 0 : i32
      %dma_start3A_61 = tpu.memref_slice %arg8[%dma_start3A_59, %dma_start3A_60] : memref<128x128xf32, #tpu.memory_space<vmem>> -> memref<120x128xf32, #tpu.memory_space<vmem>>
      tpu.enqueue_dma source(%dma_start3A_61 : memref<120x128xf32, #tpu.memory_space<vmem>>) target(%dma_start3A_58 : memref<120x128xf32, #tpu.memory_space<hbm>>) target_semaphore(%run_scoped3A : memref<!tpu.dma_semaphore, #tpu.memory_space<semaphore_mem>>)
      %dma_wait3A = arith.constant 0 : i32
      %dma_wait3A_62 = arith.constant 0 : i32
      %dma_wait3A_63 = tpu.memref_slice %arg8[%dma_wait3A, %dma_wait3A_62] : memref<128x128xf32, #tpu.memory_space<vmem>> -> memref<120x128xf32, #tpu.memory_space<vmem>>
      %dma_wait3A_64 = arith.constant 0 : i32
      %dma_wait3A_65 = tpu.memref_slice %arg5[%arg0, %add3A_50, %dma_wait3A_64] : memref<2x10112x128xf32, #tpu.memory_space<hbm>> -> memref<1x120x128xf32, #tpu.memory_space<hbm>>
      %dma_wait3A_66 = tpu.memref_squeeze %dma_wait3A_65 : memref<1x120x128xf32, #tpu.memory_space<hbm>> -> memref<120x128xf32, #tpu.memory_space<hbm>>
      %dma_wait3A_67 = arith.constant 0 : i32
      %dma_wait3A_68 = tpu.memref_slice %arg5[%arg0, %add3A_50, %dma_wait3A_67] : memref<2x10112x128xf32, #tpu.memory_space<hbm>> -> memref<1x120x128xf32, #tpu.memory_space<hbm>>
      %dma_wait3A_69 = tpu.memref_squeeze %dma_wait3A_68 : memref<1x120x128xf32, #tpu.memory_space<hbm>> -> memref<120x128xf32, #tpu.memory_space<hbm>>
      %dma_wait3A_70 = arith.constant 0 : i32
      %dma_wait3A_71 = arith.constant 0 : i32
      %dma_wait3A_72 = tpu.memref_slice %arg8[%dma_wait3A_70, %dma_wait3A_71] : memref<128x128xf32, #tpu.memory_space<vmem>> -> memref<120x128xf32, #tpu.memory_space<vmem>>
      tpu.wait_dma2 semaphore(%run_scoped3A : memref<!tpu.dma_semaphore, #tpu.memory_space<semaphore_mem>>) src(%dma_wait3A_72 : memref<120x128xf32, #tpu.memory_space<vmem>>) dst(%dma_wait3A_69 : memref<120x128xf32, #tpu.memory_space<hbm>>)
      tpu.yield
    }) : () -> ()
    return
  }
}

#map = affine_map<(d0, d1) -> (0, 0)>
#map1 = affine_map<(d0, d1) -> (0, 0, 0)>
module attributes {stable_mosaic.version = 14 : i64} {
  func.func @spmm(%arg0: i32, %arg1: i32, %arg2: memref<10000x128xf32, #tpu.memory_space<hbm>>, %arg3: memref<2560x128xi32, #tpu.memory_space<hbm>>, %arg4: memref<2560x128xi32, #tpu.memory_space<hbm>>, %arg5: memref<2x10112x128xf32, #tpu.memory_space<hbm>>, %arg6: memref<8x128xi32, #tpu.memory_space<vmem>>, %arg7: memref<8x128xi32, #tpu.memory_space<vmem>>, %arg8: memref<128x128xf32, #tpu.memory_space<vmem>>, %arg9: memref<128x128xf32, #tpu.memory_space<vmem>>, %arg10: memref<10112x128xf32, #tpu.memory_space<vmem_shared>>, %arg11: memref<!tpu.dma_semaphore, #tpu.memory_space<semaphore_mem>>, %arg12: memref<!tpu.dma_semaphore, #tpu.memory_space<semaphore_mem>>) attributes {dimension_semantics = [#tpu.dimension_semantics<core_parallel>, #tpu.dimension_semantics<subcore_parallel>], iteration_bounds = array<i64: 2, 16>, scalar_prefetch = 0 : i64, scratch_operands = 7 : i64, tpu.core_type = #tpu.core_type<sc_vector_subcore>, window_params = [{transform_indices = #map}, {transform_indices = #map}, {transform_indices = #map}, {transform_indices = #map1}]} {
    %scan3A = arith.constant 0 : i32
    %scan3A_0 = arith.constant 0 : i32
    %scan3A_1 = arith.constant 128 : i32
    %scan3A_2 = arith.addi %scan3A_0, %scan3A_1 : i32
    %scan3A_3 = arith.constant 1 : i32
    scf.for %scan3A_51 = %scan3A_0 to %scan3A_2 step %scan3A_3  : i32 {
      %broadcast_in_dim3A = arith.constant 0.000000e+00 : f32
      %broadcast_in_dim3A_52 = vector.broadcast %broadcast_in_dim3A : f32 to vector<16xf32>
      %swap3A = arith.index_cast %scan3A_51 : i32 to index
      %swap3A_53 = arith.constant 0 : index
      %swap3A_54 = tpu.vector_load %arg8[%swap3A, %swap3A_53] {strides = array<i32>} : memref<128x128xf32, #tpu.memory_space<vmem>>, vector<1x16xf32>,
      %swap3A_55 = vector.shape_cast %swap3A_54 : vector<1x16xf32> to vector<16xf32>
      %swap3A_56 = vector.shape_cast %broadcast_in_dim3A_52 : vector<16xf32> to vector<1x16xf32>
      tpu.vector_store %arg8[%swap3A, %swap3A_53], %swap3A_56 {strides = array<i32>} : memref<128x128xf32, #tpu.memory_space<vmem>>, vector<1x16xf32>,
      %broadcast_in_dim3A_57 = arith.constant 0.000000e+00 : f32
      %broadcast_in_dim3A_58 = vector.broadcast %broadcast_in_dim3A_57 : f32 to vector<16xf32>
      %swap3A_59 = arith.index_cast %scan3A_51 : i32 to index
      %swap3A_60 = arith.constant 16 : index
      %swap3A_61 = tpu.vector_load %arg8[%swap3A_59, %swap3A_60] {strides = array<i32>} : memref<128x128xf32, #tpu.memory_space<vmem>>, vector<1x16xf32>,
      %swap3A_62 = vector.shape_cast %swap3A_61 : vector<1x16xf32> to vector<16xf32>
      %swap3A_63 = vector.shape_cast %broadcast_in_dim3A_58 : vector<16xf32> to vector<1x16xf32>
      tpu.vector_store %arg8[%swap3A_59, %swap3A_60], %swap3A_63 {strides = array<i32>} : memref<128x128xf32, #tpu.memory_space<vmem>>, vector<1x16xf32>,
      %broadcast_in_dim3A_64 = arith.constant 0.000000e+00 : f32
      %broadcast_in_dim3A_65 = vector.broadcast %broadcast_in_dim3A_64 : f32 to vector<16xf32>
      %swap3A_66 = arith.index_cast %scan3A_51 : i32 to index
      %swap3A_67 = arith.constant 32 : index
      %swap3A_68 = tpu.vector_load %arg8[%swap3A_66, %swap3A_67] {strides = array<i32>} : memref<128x128xf32, #tpu.memory_space<vmem>>, vector<1x16xf32>,
      %swap3A_69 = vector.shape_cast %swap3A_68 : vector<1x16xf32> to vector<16xf32>
      %swap3A_70 = vector.shape_cast %broadcast_in_dim3A_65 : vector<16xf32> to vector<1x16xf32>
      tpu.vector_store %arg8[%swap3A_66, %swap3A_67], %swap3A_70 {strides = array<i32>} : memref<128x128xf32, #tpu.memory_space<vmem>>, vector<1x16xf32>,
      %broadcast_in_dim3A_71 = arith.constant 0.000000e+00 : f32
      %broadcast_in_dim3A_72 = vector.broadcast %broadcast_in_dim3A_71 : f32 to vector<16xf32>
      %swap3A_73 = arith.index_cast %scan3A_51 : i32 to index
      %swap3A_74 = arith.constant 48 : index
      %swap3A_75 = tpu.vector_load %arg8[%swap3A_73, %swap3A_74] {strides = array<i32>} : memref<128x128xf32, #tpu.memory_space<vmem>>, vector<1x16xf32>,
      %swap3A_76 = vector.shape_cast %swap3A_75 : vector<1x16xf32> to vector<16xf32>
      %swap3A_77 = vector.shape_cast %broadcast_in_dim3A_72 : vector<16xf32> to vector<1x16xf32>
      tpu.vector_store %arg8[%swap3A_73, %swap3A_74], %swap3A_77 {strides = array<i32>} : memref<128x128xf32, #tpu.memory_space<vmem>>, vector<1x16xf32>,
      %broadcast_in_dim3A_78 = arith.constant 0.000000e+00 : f32
      %broadcast_in_dim3A_79 = vector.broadcast %broadcast_in_dim3A_78 : f32 to vector<16xf32>
      %swap3A_80 = arith.index_cast %scan3A_51 : i32 to index
      %swap3A_81 = arith.constant 64 : index
      %swap3A_82 = tpu.vector_load %arg8[%swap3A_80, %swap3A_81] {strides = array<i32>} : memref<128x128xf32, #tpu.memory_space<vmem>>, vector<1x16xf32>,
      %swap3A_83 = vector.shape_cast %swap3A_82 : vector<1x16xf32> to vector<16xf32>
      %swap3A_84 = vector.shape_cast %broadcast_in_dim3A_79 : vector<16xf32> to vector<1x16xf32>
      tpu.vector_store %arg8[%swap3A_80, %swap3A_81], %swap3A_84 {strides = array<i32>} : memref<128x128xf32, #tpu.memory_space<vmem>>, vector<1x16xf32>,
      %broadcast_in_dim3A_85 = arith.constant 0.000000e+00 : f32
      %broadcast_in_dim3A_86 = vector.broadcast %broadcast_in_dim3A_85 : f32 to vector<16xf32>
      %swap3A_87 = arith.index_cast %scan3A_51 : i32 to index
      %swap3A_88 = arith.constant 80 : index
      %swap3A_89 = tpu.vector_load %arg8[%swap3A_87, %swap3A_88] {strides = array<i32>} : memref<128x128xf32, #tpu.memory_space<vmem>>, vector<1x16xf32>,
      %swap3A_90 = vector.shape_cast %swap3A_89 : vector<1x16xf32> to vector<16xf32>
      %swap3A_91 = vector.shape_cast %broadcast_in_dim3A_86 : vector<16xf32> to vector<1x16xf32>
      tpu.vector_store %arg8[%swap3A_87, %swap3A_88], %swap3A_91 {strides = array<i32>} : memref<128x128xf32, #tpu.memory_space<vmem>>, vector<1x16xf32>,
      %broadcast_in_dim3A_92 = arith.constant 0.000000e+00 : f32
      %broadcast_in_dim3A_93 = vector.broadcast %broadcast_in_dim3A_92 : f32 to vector<16xf32>
      %swap3A_94 = arith.index_cast %scan3A_51 : i32 to index
      %swap3A_95 = arith.constant 96 : index
      %swap3A_96 = tpu.vector_load %arg8[%swap3A_94, %swap3A_95] {strides = array<i32>} : memref<128x128xf32, #tpu.memory_space<vmem>>, vector<1x16xf32>,
      %swap3A_97 = vector.shape_cast %swap3A_96 : vector<1x16xf32> to vector<16xf32>
      %swap3A_98 = vector.shape_cast %broadcast_in_dim3A_93 : vector<16xf32> to vector<1x16xf32>
      tpu.vector_store %arg8[%swap3A_94, %swap3A_95], %swap3A_98 {strides = array<i32>} : memref<128x128xf32, #tpu.memory_space<vmem>>, vector<1x16xf32>,
      %broadcast_in_dim3A_99 = arith.constant 0.000000e+00 : f32
      %broadcast_in_dim3A_100 = vector.broadcast %broadcast_in_dim3A_99 : f32 to vector<16xf32>
      %swap3A_101 = arith.index_cast %scan3A_51 : i32 to index
      %swap3A_102 = arith.constant 112 : index
      %swap3A_103 = tpu.vector_load %arg8[%swap3A_101, %swap3A_102] {strides = array<i32>} : memref<128x128xf32, #tpu.memory_space<vmem>>, vector<1x16xf32>,
      %swap3A_104 = vector.shape_cast %swap3A_103 : vector<1x16xf32> to vector<16xf32>
      %swap3A_105 = vector.shape_cast %broadcast_in_dim3A_100 : vector<16xf32> to vector<1x16xf32>
      tpu.vector_store %arg8[%swap3A_101, %swap3A_102], %swap3A_105 {strides = array<i32>} : memref<128x128xf32, #tpu.memory_space<vmem>>, vector<1x16xf32>,
    }
    %scan3A_4 = arith.constant 128 : i32
    %mul3A = arith.constant 632 : i32
    %mul3A_5 = arith.muli %arg1, %mul3A : i32
    %add3A = arith.constant 0 : i32
    %add3A_6 = arith.addi %mul3A_5, %add3A : i32
    "tpu.region"() ({
      %run_scoped3A = tpu.sem_alloc : memref<!tpu.dma_semaphore, #tpu.memory_space<semaphore_mem>>
      %dma_start3A = arith.constant 0 : i32
      %dma_start3A_51 = tpu.memref_slice %arg10[%add3A_6, %dma_start3A] : memref<10112x128xf32, #tpu.memory_space<vmem_shared>> -> memref<128x128xf32, #tpu.memory_space<vmem_shared>>
      %dma_start3A_52 = arith.constant 0 : i32
      %dma_start3A_53 = tpu.memref_slice %arg10[%add3A_6, %dma_start3A_52] : memref<10112x128xf32, #tpu.memory_space<vmem_shared>> -> memref<128x128xf32, #tpu.memory_space<vmem_shared>>
      tpu.enqueue_dma source(%arg8 : memref<128x128xf32, #tpu.memory_space<vmem>>) target(%dma_start3A_53 : memref<128x128xf32, #tpu.memory_space<vmem_shared>>) target_semaphore(%run_scoped3A : memref<!tpu.dma_semaphore, #tpu.memory_space<semaphore_mem>>)
      %dma_wait3A = arith.constant 0 : i32
      %dma_wait3A_54 = tpu.memref_slice %arg10[%add3A_6, %dma_wait3A] : memref<10112x128xf32, #tpu.memory_space<vmem_shared>> -> memref<128x128xf32, #tpu.memory_space<vmem_shared>>
      %dma_wait3A_55 = arith.constant 0 : i32
      %dma_wait3A_56 = tpu.memref_slice %arg10[%add3A_6, %dma_wait3A_55] : memref<10112x128xf32, #tpu.memory_space<vmem_shared>> -> memref<128x128xf32, #tpu.memory_space<vmem_shared>>
      tpu.wait_dma2 semaphore(%run_scoped3A : memref<!tpu.dma_semaphore, #tpu.memory_space<semaphore_mem>>) src(%arg8 : memref<128x128xf32, #tpu.memory_space<vmem>>) dst(%dma_wait3A_56 : memref<128x128xf32, #tpu.memory_space<vmem_shared>>)
      tpu.yield
    }) : () -> ()
    %mul3A_7 = arith.constant 632 : i32
    %mul3A_8 = arith.muli %arg1, %mul3A_7 : i32
    %add3A_9 = arith.constant 128 : i32
    %add3A_10 = arith.addi %mul3A_8, %add3A_9 : i32
    "tpu.region"() ({
      %run_scoped3A = tpu.sem_alloc : memref<!tpu.dma_semaphore, #tpu.memory_space<semaphore_mem>>
      %dma_start3A = arith.constant 0 : i32
      %dma_start3A_51 = tpu.memref_slice %arg10[%add3A_10, %dma_start3A] : memref<10112x128xf32, #tpu.memory_space<vmem_shared>> -> memref<128x128xf32, #tpu.memory_space<vmem_shared>>
      %dma_start3A_52 = arith.constant 0 : i32
      %dma_start3A_53 = tpu.memref_slice %arg10[%add3A_10, %dma_start3A_52] : memref<10112x128xf32, #tpu.memory_space<vmem_shared>> -> memref<128x128xf32, #tpu.memory_space<vmem_shared>>
      tpu.enqueue_dma source(%arg8 : memref<128x128xf32, #tpu.memory_space<vmem>>) target(%dma_start3A_53 : memref<128x128xf32, #tpu.memory_space<vmem_shared>>) target_semaphore(%run_scoped3A : memref<!tpu.dma_semaphore, #tpu.memory_space<semaphore_mem>>)
      %dma_wait3A = arith.constant 0 : i32
      %dma_wait3A_54 = tpu.memref_slice %arg10[%add3A_10, %dma_wait3A] : memref<10112x128xf32, #tpu.memory_space<vmem_shared>> -> memref<128x128xf32, #tpu.memory_space<vmem_shared>>
      %dma_wait3A_55 = arith.constant 0 : i32
      %dma_wait3A_56 = tpu.memref_slice %arg10[%add3A_10, %dma_wait3A_55] : memref<10112x128xf32, #tpu.memory_space<vmem_shared>> -> memref<128x128xf32, #tpu.memory_space<vmem_shared>>
      tpu.wait_dma2 semaphore(%run_scoped3A : memref<!tpu.dma_semaphore, #tpu.memory_space<semaphore_mem>>) src(%arg8 : memref<128x128xf32, #tpu.memory_space<vmem>>) dst(%dma_wait3A_56 : memref<128x128xf32, #tpu.memory_space<vmem_shared>>)
      tpu.yield
    }) : () -> ()
    %mul3A_11 = arith.constant 632 : i32
    %mul3A_12 = arith.muli %arg1, %mul3A_11 : i32
    %add3A_13 = arith.constant 256 : i32
    %add3A_14 = arith.addi %mul3A_12, %add3A_13 : i32
    "tpu.region"() ({
      %run_scoped3A = tpu.sem_alloc : memref<!tpu.dma_semaphore, #tpu.memory_space<semaphore_mem>>
      %dma_start3A = arith.constant 0 : i32
      %dma_start3A_51 = tpu.memref_slice %arg10[%add3A_14, %dma_start3A] : memref<10112x128xf32, #tpu.memory_space<vmem_shared>> -> memref<128x128xf32, #tpu.memory_space<vmem_shared>>
      %dma_start3A_52 = arith.constant 0 : i32
      %dma_start3A_53 = tpu.memref_slice %arg10[%add3A_14, %dma_start3A_52] : memref<10112x128xf32, #tpu.memory_space<vmem_shared>> -> memref<128x128xf32, #tpu.memory_space<vmem_shared>>
      tpu.enqueue_dma source(%arg8 : memref<128x128xf32, #tpu.memory_space<vmem>>) target(%dma_start3A_53 : memref<128x128xf32, #tpu.memory_space<vmem_shared>>) target_semaphore(%run_scoped3A : memref<!tpu.dma_semaphore, #tpu.memory_space<semaphore_mem>>)
      %dma_wait3A = arith.constant 0 : i32
      %dma_wait3A_54 = tpu.memref_slice %arg10[%add3A_14, %dma_wait3A] : memref<10112x128xf32, #tpu.memory_space<vmem_shared>> -> memref<128x128xf32, #tpu.memory_space<vmem_shared>>
      %dma_wait3A_55 = arith.constant 0 : i32
      %dma_wait3A_56 = tpu.memref_slice %arg10[%add3A_14, %dma_wait3A_55] : memref<10112x128xf32, #tpu.memory_space<vmem_shared>> -> memref<128x128xf32, #tpu.memory_space<vmem_shared>>
      tpu.wait_dma2 semaphore(%run_scoped3A : memref<!tpu.dma_semaphore, #tpu.memory_space<semaphore_mem>>) src(%arg8 : memref<128x128xf32, #tpu.memory_space<vmem>>) dst(%dma_wait3A_56 : memref<128x128xf32, #tpu.memory_space<vmem_shared>>)
      tpu.yield
    }) : () -> ()
    %mul3A_15 = arith.constant 632 : i32
    %mul3A_16 = arith.muli %arg1, %mul3A_15 : i32
    %add3A_17 = arith.constant 384 : i32
    %add3A_18 = arith.addi %mul3A_16, %add3A_17 : i32
    "tpu.region"() ({
      %run_scoped3A = tpu.sem_alloc : memref<!tpu.dma_semaphore, #tpu.memory_space<semaphore_mem>>
      %dma_start3A = arith.constant 0 : i32
      %dma_start3A_51 = tpu.memref_slice %arg10[%add3A_18, %dma_start3A] : memref<10112x128xf32, #tpu.memory_space<vmem_shared>> -> memref<128x128xf32, #tpu.memory_space<vmem_shared>>
      %dma_start3A_52 = arith.constant 0 : i32
      %dma_start3A_53 = tpu.memref_slice %arg10[%add3A_18, %dma_start3A_52] : memref<10112x128xf32, #tpu.memory_space<vmem_shared>> -> memref<128x128xf32, #tpu.memory_space<vmem_shared>>
      tpu.enqueue_dma source(%arg8 : memref<128x128xf32, #tpu.memory_space<vmem>>) target(%dma_start3A_53 : memref<128x128xf32, #tpu.memory_space<vmem_shared>>) target_semaphore(%run_scoped3A : memref<!tpu.dma_semaphore, #tpu.memory_space<semaphore_mem>>)
      %dma_wait3A = arith.constant 0 : i32
      %dma_wait3A_54 = tpu.memref_slice %arg10[%add3A_18, %dma_wait3A] : memref<10112x128xf32, #tpu.memory_space<vmem_shared>> -> memref<128x128xf32, #tpu.memory_space<vmem_shared>>
      %dma_wait3A_55 = arith.constant 0 : i32
      %dma_wait3A_56 = tpu.memref_slice %arg10[%add3A_18, %dma_wait3A_55] : memref<10112x128xf32, #tpu.memory_space<vmem_shared>> -> memref<128x128xf32, #tpu.memory_space<vmem_shared>>
      tpu.wait_dma2 semaphore(%run_scoped3A : memref<!tpu.dma_semaphore, #tpu.memory_space<semaphore_mem>>) src(%arg8 : memref<128x128xf32, #tpu.memory_space<vmem>>) dst(%dma_wait3A_56 : memref<128x128xf32, #tpu.memory_space<vmem_shared>>)
      tpu.yield
    }) : () -> ()
    %mul3A_19 = arith.constant 632 : i32
    %mul3A_20 = arith.muli %arg1, %mul3A_19 : i32
    %add3A_21 = arith.constant 512 : i32
    %add3A_22 = arith.addi %mul3A_20, %add3A_21 : i32
    "tpu.region"() ({
      %run_scoped3A = tpu.sem_alloc : memref<!tpu.dma_semaphore, #tpu.memory_space<semaphore_mem>>
      %dma_start3A = arith.constant 0 : i32
      %dma_start3A_51 = arith.constant 0 : i32
      %dma_start3A_52 = tpu.memref_slice %arg8[%dma_start3A, %dma_start3A_51] : memref<128x128xf32, #tpu.memory_space<vmem>> -> memref<120x128xf32, #tpu.memory_space<vmem>>
      %dma_start3A_53 = arith.constant 0 : i32
      %dma_start3A_54 = tpu.memref_slice %arg10[%add3A_22, %dma_start3A_53] : memref<10112x128xf32, #tpu.memory_space<vmem_shared>> -> memref<120x128xf32, #tpu.memory_space<vmem_shared>>
      %dma_start3A_55 = arith.constant 0 : i32
      %dma_start3A_56 = tpu.memref_slice %arg10[%add3A_22, %dma_start3A_55] : memref<10112x128xf32, #tpu.memory_space<vmem_shared>> -> memref<120x128xf32, #tpu.memory_space<vmem_shared>>
      %dma_start3A_57 = arith.constant 0 : i32
      %dma_start3A_58 = arith.constant 0 : i32
      %dma_start3A_59 = tpu.memref_slice %arg8[%dma_start3A_57, %dma_start3A_58] : memref<128x128xf32, #tpu.memory_space<vmem>> -> memref<120x128xf32, #tpu.memory_space<vmem>>
      tpu.enqueue_dma source(%dma_start3A_59 : memref<120x128xf32, #tpu.memory_space<vmem>>) target(%dma_start3A_56 : memref<120x128xf32, #tpu.memory_space<vmem_shared>>) target_semaphore(%run_scoped3A : memref<!tpu.dma_semaphore, #tpu.memory_space<semaphore_mem>>)
      %dma_wait3A = arith.constant 0 : i32
      %dma_wait3A_60 = arith.constant 0 : i32
      %dma_wait3A_61 = tpu.memref_slice %arg8[%dma_wait3A, %dma_wait3A_60] : memref<128x128xf32, #tpu.memory_space<vmem>> -> memref<120x128xf32, #tpu.memory_space<vmem>>
      %dma_wait3A_62 = arith.constant 0 : i32
      %dma_wait3A_63 = tpu.memref_slice %arg10[%add3A_22, %dma_wait3A_62] : memref<10112x128xf32, #tpu.memory_space<vmem_shared>> -> memref<120x128xf32, #tpu.memory_space<vmem_shared>>
      %dma_wait3A_64 = arith.constant 0 : i32
      %dma_wait3A_65 = tpu.memref_slice %arg10[%add3A_22, %dma_wait3A_64] : memref<10112x128xf32, #tpu.memory_space<vmem_shared>> -> memref<120x128xf32, #tpu.memory_space<vmem_shared>>
      %dma_wait3A_66 = arith.constant 0 : i32
      %dma_wait3A_67 = arith.constant 0 : i32
      %dma_wait3A_68 = tpu.memref_slice %arg8[%dma_wait3A_66, %dma_wait3A_67] : memref<128x128xf32, #tpu.memory_space<vmem>> -> memref<120x128xf32, #tpu.memory_space<vmem>>
      tpu.wait_dma2 semaphore(%run_scoped3A : memref<!tpu.dma_semaphore, #tpu.memory_space<semaphore_mem>>) src(%dma_wait3A_68 : memref<120x128xf32, #tpu.memory_space<vmem>>) dst(%dma_wait3A_65 : memref<120x128xf32, #tpu.memory_space<vmem_shared>>)
      tpu.yield
    }) : () -> ()
    %barrier3A = arith.constant 0 : index
    tpu.barrier barrier_id(%barrier3A)
    %eq3A = arith.constant 0 : i32
    %eq3A_23 = arith.cmpi eq, %arg0, %eq3A : i32
    %convert_element_type3A = arith.extui %eq3A_23 : i1 to i32
    %cond3A = arith.constant 0 : i32
    %cond3A_24 = arith.cmpi ne, %convert_element_type3A, %cond3A : i32
    scf.if %cond3A_24 {
      %mul3A_51 = arith.constant 152 : i32
      %mul3A_52 = arith.muli %arg1, %mul3A_51 : i32
      %scan3A_53 = arith.constant 0 : i32
      %scan3A_54 = arith.constant 0 : i32
      %scan3A_55 = arith.constant 19 : i32
      %scan3A_56 = arith.addi %scan3A_54, %scan3A_55 : i32
      %scan3A_57 = arith.constant 1 : i32
      scf.for %scan3A_59 = %scan3A_54 to %scan3A_56 step %scan3A_57  : i32 {
        %mul3A_60 = arith.constant 8 : i32
        %mul3A_61 = arith.muli %scan3A_59, %mul3A_60 : i32
        %add3A_62 = arith.addi %mul3A_52, %mul3A_61 : i32
        "tpu.region"() ({
          %run_scoped3A_183 = tpu.sem_alloc : memref<!tpu.dma_semaphore, #tpu.memory_space<semaphore_mem>>
          %dma_start3A_184 = arith.constant 0 : i32
          %dma_start3A_185 = tpu.memref_slice %arg3[%add3A_62, %dma_start3A_184] : memref<2560x128xi32, #tpu.memory_space<hbm>> -> memref<8x128xi32, #tpu.memory_space<hbm>>
          %dma_start3A_186 = arith.constant 0 : i32
          %dma_start3A_187 = tpu.memref_slice %arg3[%add3A_62, %dma_start3A_186] : memref<2560x128xi32, #tpu.memory_space<hbm>> -> memref<8x128xi32, #tpu.memory_space<hbm>>
          tpu.enqueue_dma source(%dma_start3A_187 : memref<8x128xi32, #tpu.memory_space<hbm>>) target(%arg6 : memref<8x128xi32, #tpu.memory_space<vmem>>) target_semaphore(%run_scoped3A_183 : memref<!tpu.dma_semaphore, #tpu.memory_space<semaphore_mem>>)
          %dma_wait3A_188 = arith.constant 0 : i32
          %dma_wait3A_189 = tpu.memref_slice %arg3[%add3A_62, %dma_wait3A_188] : memref<2560x128xi32, #tpu.memory_space<hbm>> -> memref<8x128xi32, #tpu.memory_space<hbm>>
          %dma_wait3A_190 = arith.constant 0 : i32
          %dma_wait3A_191 = tpu.memref_slice %arg3[%add3A_62, %dma_wait3A_190] : memref<2560x128xi32, #tpu.memory_space<hbm>> -> memref<8x128xi32, #tpu.memory_space<hbm>>
          tpu.wait_dma2 semaphore(%run_scoped3A_183 : memref<!tpu.dma_semaphore, #tpu.memory_space<semaphore_mem>>) src(%dma_wait3A_191 : memref<8x128xi32, #tpu.memory_space<hbm>>) dst(%arg6 : memref<8x128xi32, #tpu.memory_space<vmem>>)
          tpu.yield
        }) : () -> ()
        %mul3A_63 = arith.constant 8 : i32
        %mul3A_64 = arith.muli %scan3A_59, %mul3A_63 : i32
        %add3A_65 = arith.addi %mul3A_52, %mul3A_64 : i32
        "tpu.region"() ({
          %run_scoped3A_183 = tpu.sem_alloc : memref<!tpu.dma_semaphore, #tpu.memory_space<semaphore_mem>>
          %dma_start3A_184 = arith.constant 0 : i32
          %dma_start3A_185 = tpu.memref_slice %arg4[%add3A_65, %dma_start3A_184] : memref<2560x128xi32, #tpu.memory_space<hbm>> -> memref<8x128xi32, #tpu.memory_space<hbm>>
          %dma_start3A_186 = arith.constant 0 : i32
          %dma_start3A_187 = tpu.memref_slice %arg4[%add3A_65, %dma_start3A_186] : memref<2560x128xi32, #tpu.memory_space<hbm>> -> memref<8x128xi32, #tpu.memory_space<hbm>>
          tpu.enqueue_dma source(%dma_start3A_187 : memref<8x128xi32, #tpu.memory_space<hbm>>) target(%arg7 : memref<8x128xi32, #tpu.memory_space<vmem>>) target_semaphore(%run_scoped3A_183 : memref<!tpu.dma_semaphore, #tpu.memory_space<semaphore_mem>>)
          %dma_wait3A_188 = arith.constant 0 : i32
          %dma_wait3A_189 = tpu.memref_slice %arg4[%add3A_65, %dma_wait3A_188] : memref<2560x128xi32, #tpu.memory_space<hbm>> -> memref<8x128xi32, #tpu.memory_space<hbm>>
          %dma_wait3A_190 = arith.constant 0 : i32
          %dma_wait3A_191 = tpu.memref_slice %arg4[%add3A_65, %dma_wait3A_190] : memref<2560x128xi32, #tpu.memory_space<hbm>> -> memref<8x128xi32, #tpu.memory_space<hbm>>
          tpu.wait_dma2 semaphore(%run_scoped3A_183 : memref<!tpu.dma_semaphore, #tpu.memory_space<semaphore_mem>>) src(%dma_wait3A_191 : memref<8x128xi32, #tpu.memory_space<hbm>>) dst(%arg7 : memref<8x128xi32, #tpu.memory_space<vmem>>)
          tpu.yield
        }) : () -> ()
        %dma_start3A = arith.constant 0 : i32
        %dma_start3A_66 = arith.constant 0 : i32
        %dma_start3A_67 = tpu.memref_slice %arg6[%dma_start3A, %dma_start3A_66] : memref<8x128xi32, #tpu.memory_space<vmem>> -> memref<1x128xi32, #tpu.memory_space<vmem>>
        %dma_start3A_68 = tpu.memref_squeeze %dma_start3A_67 : memref<1x128xi32, #tpu.memory_space<vmem>> -> memref<128xi32, #tpu.memory_space<vmem>>
        %dma_start3A_69 = arith.constant 0 : i32
        %dma_start3A_70 = arith.constant 0 : i32
        %dma_start3A_71 = tpu.memref_slice %arg2[%dma_start3A_69, %dma_start3A_70] : memref<10000x128xf32, #tpu.memory_space<hbm>> -> memref<10000x128xf32, #tpu.memory_space<hbm>>
        tpu.enqueue_indirect_dma source(%dma_start3A_71 : memref<10000x128xf32, #tpu.memory_space<hbm>>) target(%arg8 : memref<128x128xf32, #tpu.memory_space<vmem>>) offsets(%dma_start3A_68 : memref<128xi32, #tpu.memory_space<vmem>>) semaphore(%arg11 : memref<!tpu.dma_semaphore, #tpu.memory_space<semaphore_mem>>)
        %dma_start3A_72 = arith.constant 1 : i32
        %dma_start3A_73 = arith.constant 0 : i32
        %dma_start3A_74 = tpu.memref_slice %arg6[%dma_start3A_72, %dma_start3A_73] : memref<8x128xi32, #tpu.memory_space<vmem>> -> memref<1x128xi32, #tpu.memory_space<vmem>>
        %dma_start3A_75 = tpu.memref_squeeze %dma_start3A_74 : memref<1x128xi32, #tpu.memory_space<vmem>> -> memref<128xi32, #tpu.memory_space<vmem>>
        %dma_start3A_76 = arith.constant 0 : i32
        %dma_start3A_77 = arith.constant 0 : i32
        %dma_start3A_78 = tpu.memref_slice %arg2[%dma_start3A_76, %dma_start3A_77] : memref<10000x128xf32, #tpu.memory_space<hbm>> -> memref<10000x128xf32, #tpu.memory_space<hbm>>
        tpu.enqueue_indirect_dma source(%dma_start3A_78 : memref<10000x128xf32, #tpu.memory_space<hbm>>) target(%arg9 : memref<128x128xf32, #tpu.memory_space<vmem>>) offsets(%dma_start3A_75 : memref<128xi32, #tpu.memory_space<vmem>>) semaphore(%arg12 : memref<!tpu.dma_semaphore, #tpu.memory_space<semaphore_mem>>)
        %dma_wait3A = arith.constant 0 : i32
        %dma_wait3A_79 = arith.constant 0 : i32
        %dma_wait3A_80 = tpu.memref_slice %arg6[%dma_wait3A, %dma_wait3A_79] : memref<8x128xi32, #tpu.memory_space<vmem>> -> memref<1x128xi32, #tpu.memory_space<vmem>>
        %dma_wait3A_81 = tpu.memref_squeeze %dma_wait3A_80 : memref<1x128xi32, #tpu.memory_space<vmem>> -> memref<128xi32, #tpu.memory_space<vmem>>
        %dma_wait3A_82 = arith.constant 0 : i32
        %dma_wait3A_83 = arith.constant 0 : i32
        %dma_wait3A_84 = tpu.memref_slice %arg2[%dma_wait3A_82, %dma_wait3A_83] : memref<10000x128xf32, #tpu.memory_space<hbm>> -> memref<10000x128xf32, #tpu.memory_space<hbm>>
        tpu.wait_indirect_dma semaphore(%arg11 : memref<!tpu.dma_semaphore, #tpu.memory_space<semaphore_mem>>) src(%dma_wait3A_84 : memref<10000x128xf32, #tpu.memory_space<hbm>>) dst(%arg8 : memref<128x128xf32, #tpu.memory_space<vmem>>)
        %run_scoped3A = arith.constant 0 : i32
        "tpu.region"() ({
          %run_scoped3A_183 = tpu.sem_alloc : memref<!tpu.dma_semaphore, #tpu.memory_space<semaphore_mem>>
          %dma_start3A_184 = arith.constant 0 : i32
          %dma_start3A_185 = tpu.memref_slice %arg7[%run_scoped3A, %dma_start3A_184] : memref<8x128xi32, #tpu.memory_space<vmem>> -> memref<1x128xi32, #tpu.memory_space<vmem>>
          %dma_start3A_186 = tpu.memref_squeeze %dma_start3A_185 : memref<1x128xi32, #tpu.memory_space<vmem>> -> memref<128xi32, #tpu.memory_space<vmem>>
          %dma_start3A_187 = arith.constant 0 : i32
          %dma_start3A_188 = arith.constant 0 : i32
          %dma_start3A_189 = tpu.memref_slice %arg10[%dma_start3A_187, %dma_start3A_188] : memref<10112x128xf32, #tpu.memory_space<vmem_shared>> -> memref<10112x128xf32, #tpu.memory_space<vmem_shared>>
          tpu.enqueue_indirect_dma source(%arg8 : memref<128x128xf32, #tpu.memory_space<vmem>>) target(%dma_start3A_189 : memref<10112x128xf32, #tpu.memory_space<vmem_shared>>) offsets(%dma_start3A_186 : memref<128xi32, #tpu.memory_space<vmem>>) semaphore(%run_scoped3A_183 : memref<!tpu.dma_semaphore, #tpu.memory_space<semaphore_mem>>) {add = true}
          %dma_wait3A_190 = arith.constant 0 : i32
          %dma_wait3A_191 = tpu.memref_slice %arg7[%run_scoped3A, %dma_wait3A_190] : memref<8x128xi32, #tpu.memory_space<vmem>> -> memref<1x128xi32, #tpu.memory_space<vmem>>
          %dma_wait3A_192 = tpu.memref_squeeze %dma_wait3A_191 : memref<1x128xi32, #tpu.memory_space<vmem>> -> memref<128xi32, #tpu.memory_space<vmem>>
          %dma_wait3A_193 = arith.constant 0 : i32
          %dma_wait3A_194 = arith.constant 0 : i32
          %dma_wait3A_195 = tpu.memref_slice %arg10[%dma_wait3A_193, %dma_wait3A_194] : memref<10112x128xf32, #tpu.memory_space<vmem_shared>> -> memref<10112x128xf32, #tpu.memory_space<vmem_shared>>
          tpu.wait_indirect_dma semaphore(%run_scoped3A_183 : memref<!tpu.dma_semaphore, #tpu.memory_space<semaphore_mem>>) src(%arg8 : memref<128x128xf32, #tpu.memory_space<vmem>>) dst(%dma_wait3A_195 : memref<10112x128xf32, #tpu.memory_space<vmem_shared>>)
          tpu.yield
        }) : () -> ()
        %dma_start3A_85 = arith.constant 2 : i32
        %dma_start3A_86 = arith.constant 0 : i32
        %dma_start3A_87 = tpu.memref_slice %arg6[%dma_start3A_85, %dma_start3A_86] : memref<8x128xi32, #tpu.memory_space<vmem>> -> memref<1x128xi32, #tpu.memory_space<vmem>>
        %dma_start3A_88 = tpu.memref_squeeze %dma_start3A_87 : memref<1x128xi32, #tpu.memory_space<vmem>> -> memref<128xi32, #tpu.memory_space<vmem>>
        %dma_start3A_89 = arith.constant 0 : i32
        %dma_start3A_90 = arith.constant 0 : i32
        %dma_start3A_91 = tpu.memref_slice %arg2[%dma_start3A_89, %dma_start3A_90] : memref<10000x128xf32, #tpu.memory_space<hbm>> -> memref<10000x128xf32, #tpu.memory_space<hbm>>
        tpu.enqueue_indirect_dma source(%dma_start3A_91 : memref<10000x128xf32, #tpu.memory_space<hbm>>) target(%arg8 : memref<128x128xf32, #tpu.memory_space<vmem>>) offsets(%dma_start3A_88 : memref<128xi32, #tpu.memory_space<vmem>>) semaphore(%arg11 : memref<!tpu.dma_semaphore, #tpu.memory_space<semaphore_mem>>)
        %dma_wait3A_92 = arith.constant 1 : i32
        %dma_wait3A_93 = arith.constant 0 : i32
        %dma_wait3A_94 = tpu.memref_slice %arg6[%dma_wait3A_92, %dma_wait3A_93] : memref<8x128xi32, #tpu.memory_space<vmem>> -> memref<1x128xi32, #tpu.memory_space<vmem>>
        %dma_wait3A_95 = tpu.memref_squeeze %dma_wait3A_94 : memref<1x128xi32, #tpu.memory_space<vmem>> -> memref<128xi32, #tpu.memory_space<vmem>>
        %dma_wait3A_96 = arith.constant 0 : i32
        %dma_wait3A_97 = arith.constant 0 : i32
        %dma_wait3A_98 = tpu.memref_slice %arg2[%dma_wait3A_96, %dma_wait3A_97] : memref<10000x128xf32, #tpu.memory_space<hbm>> -> memref<10000x128xf32, #tpu.memory_space<hbm>>
        tpu.wait_indirect_dma semaphore(%arg12 : memref<!tpu.dma_semaphore, #tpu.memory_space<semaphore_mem>>) src(%dma_wait3A_98 : memref<10000x128xf32, #tpu.memory_space<hbm>>) dst(%arg9 : memref<128x128xf32, #tpu.memory_space<vmem>>)
        %run_scoped3A_99 = arith.constant 1 : i32
        "tpu.region"() ({
          %run_scoped3A_183 = tpu.sem_alloc : memref<!tpu.dma_semaphore, #tpu.memory_space<semaphore_mem>>
          %dma_start3A_184 = arith.constant 0 : i32
          %dma_start3A_185 = tpu.memref_slice %arg7[%run_scoped3A_99, %dma_start3A_184] : memref<8x128xi32, #tpu.memory_space<vmem>> -> memref<1x128xi32, #tpu.memory_space<vmem>>
          %dma_start3A_186 = tpu.memref_squeeze %dma_start3A_185 : memref<1x128xi32, #tpu.memory_space<vmem>> -> memref<128xi32, #tpu.memory_space<vmem>>
          %dma_start3A_187 = arith.constant 0 : i32
          %dma_start3A_188 = arith.constant 0 : i32
          %dma_start3A_189 = tpu.memref_slice %arg10[%dma_start3A_187, %dma_start3A_188] : memref<10112x128xf32, #tpu.memory_space<vmem_shared>> -> memref<10112x128xf32, #tpu.memory_space<vmem_shared>>
          tpu.enqueue_indirect_dma source(%arg9 : memref<128x128xf32, #tpu.memory_space<vmem>>) target(%dma_start3A_189 : memref<10112x128xf32, #tpu.memory_space<vmem_shared>>) offsets(%dma_start3A_186 : memref<128xi32, #tpu.memory_space<vmem>>) semaphore(%run_scoped3A_183 : memref<!tpu.dma_semaphore, #tpu.memory_space<semaphore_mem>>) {add = true}
          %dma_wait3A_190 = arith.constant 0 : i32
          %dma_wait3A_191 = tpu.memref_slice %arg7[%run_scoped3A_99, %dma_wait3A_190] : memref<8x128xi32, #tpu.memory_space<vmem>> -> memref<1x128xi32, #tpu.memory_space<vmem>>
          %dma_wait3A_192 = tpu.memref_squeeze %dma_wait3A_191 : memref<1x128xi32, #tpu.memory_space<vmem>> -> memref<128xi32, #tpu.memory_space<vmem>>
          %dma_wait3A_193 = arith.constant 0 : i32
          %dma_wait3A_194 = arith.constant 0 : i32
          %dma_wait3A_195 = tpu.memref_slice %arg10[%dma_wait3A_193, %dma_wait3A_194] : memref<10112x128xf32, #tpu.memory_space<vmem_shared>> -> memref<10112x128xf32, #tpu.memory_space<vmem_shared>>
          tpu.wait_indirect_dma semaphore(%run_scoped3A_183 : memref<!tpu.dma_semaphore, #tpu.memory_space<semaphore_mem>>) src(%arg9 : memref<128x128xf32, #tpu.memory_space<vmem>>) dst(%dma_wait3A_195 : memref<10112x128xf32, #tpu.memory_space<vmem_shared>>)
          tpu.yield
        }) : () -> ()
        %dma_start3A_100 = arith.constant 3 : i32
        %dma_start3A_101 = arith.constant 0 : i32
        %dma_start3A_102 = tpu.memref_slice %arg6[%dma_start3A_100, %dma_start3A_101] : memref<8x128xi32, #tpu.memory_space<vmem>> -> memref<1x128xi32, #tpu.memory_space<vmem>>
        %dma_start3A_103 = tpu.memref_squeeze %dma_start3A_102 : memref<1x128xi32, #tpu.memory_space<vmem>> -> memref<128xi32, #tpu.memory_space<vmem>>
        %dma_start3A_104 = arith.constant 0 : i32
        %dma_start3A_105 = arith.constant 0 : i32
        %dma_start3A_106 = tpu.memref_slice %arg2[%dma_start3A_104, %dma_start3A_105] : memref<10000x128xf32, #tpu.memory_space<hbm>> -> memref<10000x128xf32, #tpu.memory_space<hbm>>
        tpu.enqueue_indirect_dma source(%dma_start3A_106 : memref<10000x128xf32, #tpu.memory_space<hbm>>) target(%arg9 : memref<128x128xf32, #tpu.memory_space<vmem>>) offsets(%dma_start3A_103 : memref<128xi32, #tpu.memory_space<vmem>>) semaphore(%arg12 : memref<!tpu.dma_semaphore, #tpu.memory_space<semaphore_mem>>)
        %dma_wait3A_107 = arith.constant 2 : i32
        %dma_wait3A_108 = arith.constant 0 : i32
        %dma_wait3A_109 = tpu.memref_slice %arg6[%dma_wait3A_107, %dma_wait3A_108] : memref<8x128xi32, #tpu.memory_space<vmem>> -> memref<1x128xi32, #tpu.memory_space<vmem>>
        %dma_wait3A_110 = tpu.memref_squeeze %dma_wait3A_109 : memref<1x128xi32, #tpu.memory_space<vmem>> -> memref<128xi32, #tpu.memory_space<vmem>>
        %dma_wait3A_111 = arith.constant 0 : i32
        %dma_wait3A_112 = arith.constant 0 : i32
        %dma_wait3A_113 = tpu.memref_slice %arg2[%dma_wait3A_111, %dma_wait3A_112] : memref<10000x128xf32, #tpu.memory_space<hbm>> -> memref<10000x128xf32, #tpu.memory_space<hbm>>
        tpu.wait_indirect_dma semaphore(%arg11 : memref<!tpu.dma_semaphore, #tpu.memory_space<semaphore_mem>>) src(%dma_wait3A_113 : memref<10000x128xf32, #tpu.memory_space<hbm>>) dst(%arg8 : memref<128x128xf32, #tpu.memory_space<vmem>>)
        %run_scoped3A_114 = arith.constant 2 : i32
        "tpu.region"() ({
          %run_scoped3A_183 = tpu.sem_alloc : memref<!tpu.dma_semaphore, #tpu.memory_space<semaphore_mem>>
          %dma_start3A_184 = arith.constant 0 : i32
          %dma_start3A_185 = tpu.memref_slice %arg7[%run_scoped3A_114, %dma_start3A_184] : memref<8x128xi32, #tpu.memory_space<vmem>> -> memref<1x128xi32, #tpu.memory_space<vmem>>
          %dma_start3A_186 = tpu.memref_squeeze %dma_start3A_185 : memref<1x128xi32, #tpu.memory_space<vmem>> -> memref<128xi32, #tpu.memory_space<vmem>>
          %dma_start3A_187 = arith.constant 0 : i32
          %dma_start3A_188 = arith.constant 0 : i32
          %dma_start3A_189 = tpu.memref_slice %arg10[%dma_start3A_187, %dma_start3A_188] : memref<10112x128xf32, #tpu.memory_space<vmem_shared>> -> memref<10112x128xf32, #tpu.memory_space<vmem_shared>>
          tpu.enqueue_indirect_dma source(%arg8 : memref<128x128xf32, #tpu.memory_space<vmem>>) target(%dma_start3A_189 : memref<10112x128xf32, #tpu.memory_space<vmem_shared>>) offsets(%dma_start3A_186 : memref<128xi32, #tpu.memory_space<vmem>>) semaphore(%run_scoped3A_183 : memref<!tpu.dma_semaphore, #tpu.memory_space<semaphore_mem>>) {add = true}
          %dma_wait3A_190 = arith.constant 0 : i32
          %dma_wait3A_191 = tpu.memref_slice %arg7[%run_scoped3A_114, %dma_wait3A_190] : memref<8x128xi32, #tpu.memory_space<vmem>> -> memref<1x128xi32, #tpu.memory_space<vmem>>
          %dma_wait3A_192 = tpu.memref_squeeze %dma_wait3A_191 : memref<1x128xi32, #tpu.memory_space<vmem>> -> memref<128xi32, #tpu.memory_space<vmem>>
          %dma_wait3A_193 = arith.constant 0 : i32
          %dma_wait3A_194 = arith.constant 0 : i32
          %dma_wait3A_195 = tpu.memref_slice %arg10[%dma_wait3A_193, %dma_wait3A_194] : memref<10112x128xf32, #tpu.memory_space<vmem_shared>> -> memref<10112x128xf32, #tpu.memory_space<vmem_shared>>
          tpu.wait_indirect_dma semaphore(%run_scoped3A_183 : memref<!tpu.dma_semaphore, #tpu.memory_space<semaphore_mem>>) src(%arg8 : memref<128x128xf32, #tpu.memory_space<vmem>>) dst(%dma_wait3A_195 : memref<10112x128xf32, #tpu.memory_space<vmem_shared>>)
          tpu.yield
        }) : () -> ()
        %dma_start3A_115 = arith.constant 4 : i32
        %dma_start3A_116 = arith.constant 0 : i32
        %dma_start3A_117 = tpu.memref_slice %arg6[%dma_start3A_115, %dma_start3A_116] : memref<8x128xi32, #tpu.memory_space<vmem>> -> memref<1x128xi32, #tpu.memory_space<vmem>>
        %dma_start3A_118 = tpu.memref_squeeze %dma_start3A_117 : memref<1x128xi32, #tpu.memory_space<vmem>> -> memref<128xi32, #tpu.memory_space<vmem>>
        %dma_start3A_119 = arith.constant 0 : i32
        %dma_start3A_120 = arith.constant 0 : i32
        %dma_start3A_121 = tpu.memref_slice %arg2[%dma_start3A_119, %dma_start3A_120] : memref<10000x128xf32, #tpu.memory_space<hbm>> -> memref<10000x128xf32, #tpu.memory_space<hbm>>
        tpu.enqueue_indirect_dma source(%dma_start3A_121 : memref<10000x128xf32, #tpu.memory_space<hbm>>) target(%arg8 : memref<128x128xf32, #tpu.memory_space<vmem>>) offsets(%dma_start3A_118 : memref<128xi32, #tpu.memory_space<vmem>>) semaphore(%arg11 : memref<!tpu.dma_semaphore, #tpu.memory_space<semaphore_mem>>)
        %dma_wait3A_122 = arith.constant 3 : i32
        %dma_wait3A_123 = arith.constant 0 : i32
        %dma_wait3A_124 = tpu.memref_slice %arg6[%dma_wait3A_122, %dma_wait3A_123] : memref<8x128xi32, #tpu.memory_space<vmem>> -> memref<1x128xi32, #tpu.memory_space<vmem>>
        %dma_wait3A_125 = tpu.memref_squeeze %dma_wait3A_124 : memref<1x128xi32, #tpu.memory_space<vmem>> -> memref<128xi32, #tpu.memory_space<vmem>>
        %dma_wait3A_126 = arith.constant 0 : i32
        %dma_wait3A_127 = arith.constant 0 : i32
        %dma_wait3A_128 = tpu.memref_slice %arg2[%dma_wait3A_126, %dma_wait3A_127] : memref<10000x128xf32, #tpu.memory_space<hbm>> -> memref<10000x128xf32, #tpu.memory_space<hbm>>
        tpu.wait_indirect_dma semaphore(%arg12 : memref<!tpu.dma_semaphore, #tpu.memory_space<semaphore_mem>>) src(%dma_wait3A_128 : memref<10000x128xf32, #tpu.memory_space<hbm>>) dst(%arg9 : memref<128x128xf32, #tpu.memory_space<vmem>>)
        %run_scoped3A_129 = arith.constant 3 : i32
        "tpu.region"() ({
          %run_scoped3A_183 = tpu.sem_alloc : memref<!tpu.dma_semaphore, #tpu.memory_space<semaphore_mem>>
          %dma_start3A_184 = arith.constant 0 : i32
          %dma_start3A_185 = tpu.memref_slice %arg7[%run_scoped3A_129, %dma_start3A_184] : memref<8x128xi32, #tpu.memory_space<vmem>> -> memref<1x128xi32, #tpu.memory_space<vmem>>
          %dma_start3A_186 = tpu.memref_squeeze %dma_start3A_185 : memref<1x128xi32, #tpu.memory_space<vmem>> -> memref<128xi32, #tpu.memory_space<vmem>>
          %dma_start3A_187 = arith.constant 0 : i32
          %dma_start3A_188 = arith.constant 0 : i32
          %dma_start3A_189 = tpu.memref_slice %arg10[%dma_start3A_187, %dma_start3A_188] : memref<10112x128xf32, #tpu.memory_space<vmem_shared>> -> memref<10112x128xf32, #tpu.memory_space<vmem_shared>>
          tpu.enqueue_indirect_dma source(%arg9 : memref<128x128xf32, #tpu.memory_space<vmem>>) target(%dma_start3A_189 : memref<10112x128xf32, #tpu.memory_space<vmem_shared>>) offsets(%dma_start3A_186 : memref<128xi32, #tpu.memory_space<vmem>>) semaphore(%run_scoped3A_183 : memref<!tpu.dma_semaphore, #tpu.memory_space<semaphore_mem>>) {add = true}
          %dma_wait3A_190 = arith.constant 0 : i32
          %dma_wait3A_191 = tpu.memref_slice %arg7[%run_scoped3A_129, %dma_wait3A_190] : memref<8x128xi32, #tpu.memory_space<vmem>> -> memref<1x128xi32, #tpu.memory_space<vmem>>
          %dma_wait3A_192 = tpu.memref_squeeze %dma_wait3A_191 : memref<1x128xi32, #tpu.memory_space<vmem>> -> memref<128xi32, #tpu.memory_space<vmem>>
          %dma_wait3A_193 = arith.constant 0 : i32
          %dma_wait3A_194 = arith.constant 0 : i32
          %dma_wait3A_195 = tpu.memref_slice %arg10[%dma_wait3A_193, %dma_wait3A_194] : memref<10112x128xf32, #tpu.memory_space<vmem_shared>> -> memref<10112x128xf32, #tpu.memory_space<vmem_shared>>
          tpu.wait_indirect_dma semaphore(%run_scoped3A_183 : memref<!tpu.dma_semaphore, #tpu.memory_space<semaphore_mem>>) src(%arg9 : memref<128x128xf32, #tpu.memory_space<vmem>>) dst(%dma_wait3A_195 : memref<10112x128xf32, #tpu.memory_space<vmem_shared>>)
          tpu.yield
        }) : () -> ()
        %dma_start3A_130 = arith.constant 5 : i32
        %dma_start3A_131 = arith.constant 0 : i32
        %dma_start3A_132 = tpu.memref_slice %arg6[%dma_start3A_130, %dma_start3A_131] : memref<8x128xi32, #tpu.memory_space<vmem>> -> memref<1x128xi32, #tpu.memory_space<vmem>>
        %dma_start3A_133 = tpu.memref_squeeze %dma_start3A_132 : memref<1x128xi32, #tpu.memory_space<vmem>> -> memref<128xi32, #tpu.memory_space<vmem>>
        %dma_start3A_134 = arith.constant 0 : i32
        %dma_start3A_135 = arith.constant 0 : i32
        %dma_start3A_136 = tpu.memref_slice %arg2[%dma_start3A_134, %dma_start3A_135] : memref<10000x128xf32, #tpu.memory_space<hbm>> -> memref<10000x128xf32, #tpu.memory_space<hbm>>
        tpu.enqueue_indirect_dma source(%dma_start3A_136 : memref<10000x128xf32, #tpu.memory_space<hbm>>) target(%arg9 : memref<128x128xf32, #tpu.memory_space<vmem>>) offsets(%dma_start3A_133 : memref<128xi32, #tpu.memory_space<vmem>>) semaphore(%arg12 : memref<!tpu.dma_semaphore, #tpu.memory_space<semaphore_mem>>)
        %dma_wait3A_137 = arith.constant 4 : i32
        %dma_wait3A_138 = arith.constant 0 : i32
        %dma_wait3A_139 = tpu.memref_slice %arg6[%dma_wait3A_137, %dma_wait3A_138] : memref<8x128xi32, #tpu.memory_space<vmem>> -> memref<1x128xi32, #tpu.memory_space<vmem>>
        %dma_wait3A_140 = tpu.memref_squeeze %dma_wait3A_139 : memref<1x128xi32, #tpu.memory_space<vmem>> -> memref<128xi32, #tpu.memory_space<vmem>>
        %dma_wait3A_141 = arith.constant 0 : i32
        %dma_wait3A_142 = arith.constant 0 : i32
        %dma_wait3A_143 = tpu.memref_slice %arg2[%dma_wait3A_141, %dma_wait3A_142] : memref<10000x128xf32, #tpu.memory_space<hbm>> -> memref<10000x128xf32, #tpu.memory_space<hbm>>
        tpu.wait_indirect_dma semaphore(%arg11 : memref<!tpu.dma_semaphore, #tpu.memory_space<semaphore_mem>>) src(%dma_wait3A_143 : memref<10000x128xf32, #tpu.memory_space<hbm>>) dst(%arg8 : memref<128x128xf32, #tpu.memory_space<vmem>>)
        %run_scoped3A_144 = arith.constant 4 : i32
        "tpu.region"() ({
          %run_scoped3A_183 = tpu.sem_alloc : memref<!tpu.dma_semaphore, #tpu.memory_space<semaphore_mem>>
          %dma_start3A_184 = arith.constant 0 : i32
          %dma_start3A_185 = tpu.memref_slice %arg7[%run_scoped3A_144, %dma_start3A_184] : memref<8x128xi32, #tpu.memory_space<vmem>> -> memref<1x128xi32, #tpu.memory_space<vmem>>
          %dma_start3A_186 = tpu.memref_squeeze %dma_start3A_185 : memref<1x128xi32, #tpu.memory_space<vmem>> -> memref<128xi32, #tpu.memory_space<vmem>>
          %dma_start3A_187 = arith.constant 0 : i32
          %dma_start3A_188 = arith.constant 0 : i32
          %dma_start3A_189 = tpu.memref_slice %arg10[%dma_start3A_187, %dma_start3A_188] : memref<10112x128xf32, #tpu.memory_space<vmem_shared>> -> memref<10112x128xf32, #tpu.memory_space<vmem_shared>>
          tpu.enqueue_indirect_dma source(%arg8 : memref<128x128xf32, #tpu.memory_space<vmem>>) target(%dma_start3A_189 : memref<10112x128xf32, #tpu.memory_space<vmem_shared>>) offsets(%dma_start3A_186 : memref<128xi32, #tpu.memory_space<vmem>>) semaphore(%run_scoped3A_183 : memref<!tpu.dma_semaphore, #tpu.memory_space<semaphore_mem>>) {add = true}
          %dma_wait3A_190 = arith.constant 0 : i32
          %dma_wait3A_191 = tpu.memref_slice %arg7[%run_scoped3A_144, %dma_wait3A_190] : memref<8x128xi32, #tpu.memory_space<vmem>> -> memref<1x128xi32, #tpu.memory_space<vmem>>
          %dma_wait3A_192 = tpu.memref_squeeze %dma_wait3A_191 : memref<1x128xi32, #tpu.memory_space<vmem>> -> memref<128xi32, #tpu.memory_space<vmem>>
          %dma_wait3A_193 = arith.constant 0 : i32
          %dma_wait3A_194 = arith.constant 0 : i32
          %dma_wait3A_195 = tpu.memref_slice %arg10[%dma_wait3A_193, %dma_wait3A_194] : memref<10112x128xf32, #tpu.memory_space<vmem_shared>> -> memref<10112x128xf32, #tpu.memory_space<vmem_shared>>
          tpu.wait_indirect_dma semaphore(%run_scoped3A_183 : memref<!tpu.dma_semaphore, #tpu.memory_space<semaphore_mem>>) src(%arg8 : memref<128x128xf32, #tpu.memory_space<vmem>>) dst(%dma_wait3A_195 : memref<10112x128xf32, #tpu.memory_space<vmem_shared>>)
          tpu.yield
        }) : () -> ()
        %dma_start3A_145 = arith.constant 6 : i32
        %dma_start3A_146 = arith.constant 0 : i32
        %dma_start3A_147 = tpu.memref_slice %arg6[%dma_start3A_145, %dma_start3A_146] : memref<8x128xi32, #tpu.memory_space<vmem>> -> memref<1x128xi32, #tpu.memory_space<vmem>>
        %dma_start3A_148 = tpu.memref_squeeze %dma_start3A_147 : memref<1x128xi32, #tpu.memory_space<vmem>> -> memref<128xi32, #tpu.memory_space<vmem>>
        %dma_start3A_149 = arith.constant 0 : i32
        %dma_start3A_150 = arith.constant 0 : i32
        %dma_start3A_151 = tpu.memref_slice %arg2[%dma_start3A_149, %dma_start3A_150] : memref<10000x128xf32, #tpu.memory_space<hbm>> -> memref<10000x128xf32, #tpu.memory_space<hbm>>
        tpu.enqueue_indirect_dma source(%dma_start3A_151 : memref<10000x128xf32, #tpu.memory_space<hbm>>) target(%arg8 : memref<128x128xf32, #tpu.memory_space<vmem>>) offsets(%dma_start3A_148 : memref<128xi32, #tpu.memory_space<vmem>>) semaphore(%arg11 : memref<!tpu.dma_semaphore, #tpu.memory_space<semaphore_mem>>)
        %dma_wait3A_152 = arith.constant 5 : i32
        %dma_wait3A_153 = arith.constant 0 : i32
        %dma_wait3A_154 = tpu.memref_slice %arg6[%dma_wait3A_152, %dma_wait3A_153] : memref<8x128xi32, #tpu.memory_space<vmem>> -> memref<1x128xi32, #tpu.memory_space<vmem>>
        %dma_wait3A_155 = tpu.memref_squeeze %dma_wait3A_154 : memref<1x128xi32, #tpu.memory_space<vmem>> -> memref<128xi32, #tpu.memory_space<vmem>>
        %dma_wait3A_156 = arith.constant 0 : i32
        %dma_wait3A_157 = arith.constant 0 : i32
        %dma_wait3A_158 = tpu.memref_slice %arg2[%dma_wait3A_156, %dma_wait3A_157] : memref<10000x128xf32, #tpu.memory_space<hbm>> -> memref<10000x128xf32, #tpu.memory_space<hbm>>
        tpu.wait_indirect_dma semaphore(%arg12 : memref<!tpu.dma_semaphore, #tpu.memory_space<semaphore_mem>>) src(%dma_wait3A_158 : memref<10000x128xf32, #tpu.memory_space<hbm>>) dst(%arg9 : memref<128x128xf32, #tpu.memory_space<vmem>>)
        %run_scoped3A_159 = arith.constant 5 : i32
        "tpu.region"() ({
          %run_scoped3A_183 = tpu.sem_alloc : memref<!tpu.dma_semaphore, #tpu.memory_space<semaphore_mem>>
          %dma_start3A_184 = arith.constant 0 : i32
          %dma_start3A_185 = tpu.memref_slice %arg7[%run_scoped3A_159, %dma_start3A_184] : memref<8x128xi32, #tpu.memory_space<vmem>> -> memref<1x128xi32, #tpu.memory_space<vmem>>
          %dma_start3A_186 = tpu.memref_squeeze %dma_start3A_185 : memref<1x128xi32, #tpu.memory_space<vmem>> -> memref<128xi32, #tpu.memory_space<vmem>>
          %dma_start3A_187 = arith.constant 0 : i32
          %dma_start3A_188 = arith.constant 0 : i32
          %dma_start3A_189 = tpu.memref_slice %arg10[%dma_start3A_187, %dma_start3A_188] : memref<10112x128xf32, #tpu.memory_space<vmem_shared>> -> memref<10112x128xf32, #tpu.memory_space<vmem_shared>>
          tpu.enqueue_indirect_dma source(%arg9 : memref<128x128xf32, #tpu.memory_space<vmem>>) target(%dma_start3A_189 : memref<10112x128xf32, #tpu.memory_space<vmem_shared>>) offsets(%dma_start3A_186 : memref<128xi32, #tpu.memory_space<vmem>>) semaphore(%run_scoped3A_183 : memref<!tpu.dma_semaphore, #tpu.memory_space<semaphore_mem>>) {add = true}
          %dma_wait3A_190 = arith.constant 0 : i32
          %dma_wait3A_191 = tpu.memref_slice %arg7[%run_scoped3A_159, %dma_wait3A_190] : memref<8x128xi32, #tpu.memory_space<vmem>> -> memref<1x128xi32, #tpu.memory_space<vmem>>
          %dma_wait3A_192 = tpu.memref_squeeze %dma_wait3A_191 : memref<1x128xi32, #tpu.memory_space<vmem>> -> memref<128xi32, #tpu.memory_space<vmem>>
          %dma_wait3A_193 = arith.constant 0 : i32
          %dma_wait3A_194 = arith.constant 0 : i32
          %dma_wait3A_195 = tpu.memref_slice %arg10[%dma_wait3A_193, %dma_wait3A_194] : memref<10112x128xf32, #tpu.memory_space<vmem_shared>> -> memref<10112x128xf32, #tpu.memory_space<vmem_shared>>
          tpu.wait_indirect_dma semaphore(%run_scoped3A_183 : memref<!tpu.dma_semaphore, #tpu.memory_space<semaphore_mem>>) src(%arg9 : memref<128x128xf32, #tpu.memory_space<vmem>>) dst(%dma_wait3A_195 : memref<10112x128xf32, #tpu.memory_space<vmem_shared>>)
          tpu.yield
        }) : () -> ()
        %dma_start3A_160 = arith.constant 7 : i32
        %dma_start3A_161 = arith.constant 0 : i32
        %dma_start3A_162 = tpu.memref_slice %arg6[%dma_start3A_160, %dma_start3A_161] : memref<8x128xi32, #tpu.memory_space<vmem>> -> memref<1x128xi32, #tpu.memory_space<vmem>>
        %dma_start3A_163 = tpu.memref_squeeze %dma_start3A_162 : memref<1x128xi32, #tpu.memory_space<vmem>> -> memref<128xi32, #tpu.memory_space<vmem>>
        %dma_start3A_164 = arith.constant 0 : i32
        %dma_start3A_165 = arith.constant 0 : i32
        %dma_start3A_166 = tpu.memref_slice %arg2[%dma_start3A_164, %dma_start3A_165] : memref<10000x128xf32, #tpu.memory_space<hbm>> -> memref<10000x128xf32, #tpu.memory_space<hbm>>
        tpu.enqueue_indirect_dma source(%dma_start3A_166 : memref<10000x128xf32, #tpu.memory_space<hbm>>) target(%arg9 : memref<128x128xf32, #tpu.memory_space<vmem>>) offsets(%dma_start3A_163 : memref<128xi32, #tpu.memory_space<vmem>>) semaphore(%arg12 : memref<!tpu.dma_semaphore, #tpu.memory_space<semaphore_mem>>)
        %dma_wait3A_167 = arith.constant 6 : i32
        %dma_wait3A_168 = arith.constant 0 : i32
        %dma_wait3A_169 = tpu.memref_slice %arg6[%dma_wait3A_167, %dma_wait3A_168] : memref<8x128xi32, #tpu.memory_space<vmem>> -> memref<1x128xi32, #tpu.memory_space<vmem>>
        %dma_wait3A_170 = tpu.memref_squeeze %dma_wait3A_169 : memref<1x128xi32, #tpu.memory_space<vmem>> -> memref<128xi32, #tpu.memory_space<vmem>>
        %dma_wait3A_171 = arith.constant 0 : i32
        %dma_wait3A_172 = arith.constant 0 : i32
        %dma_wait3A_173 = tpu.memref_slice %arg2[%dma_wait3A_171, %dma_wait3A_172] : memref<10000x128xf32, #tpu.memory_space<hbm>> -> memref<10000x128xf32, #tpu.memory_space<hbm>>
        tpu.wait_indirect_dma semaphore(%arg11 : memref<!tpu.dma_semaphore, #tpu.memory_space<semaphore_mem>>) src(%dma_wait3A_173 : memref<10000x128xf32, #tpu.memory_space<hbm>>) dst(%arg8 : memref<128x128xf32, #tpu.memory_space<vmem>>)
        %run_scoped3A_174 = arith.constant 6 : i32
        "tpu.region"() ({
          %run_scoped3A_183 = tpu.sem_alloc : memref<!tpu.dma_semaphore, #tpu.memory_space<semaphore_mem>>
          %dma_start3A_184 = arith.constant 0 : i32
          %dma_start3A_185 = tpu.memref_slice %arg7[%run_scoped3A_174, %dma_start3A_184] : memref<8x128xi32, #tpu.memory_space<vmem>> -> memref<1x128xi32, #tpu.memory_space<vmem>>
          %dma_start3A_186 = tpu.memref_squeeze %dma_start3A_185 : memref<1x128xi32, #tpu.memory_space<vmem>> -> memref<128xi32, #tpu.memory_space<vmem>>
          %dma_start3A_187 = arith.constant 0 : i32
          %dma_start3A_188 = arith.constant 0 : i32
          %dma_start3A_189 = tpu.memref_slice %arg10[%dma_start3A_187, %dma_start3A_188] : memref<10112x128xf32, #tpu.memory_space<vmem_shared>> -> memref<10112x128xf32, #tpu.memory_space<vmem_shared>>
          tpu.enqueue_indirect_dma source(%arg8 : memref<128x128xf32, #tpu.memory_space<vmem>>) target(%dma_start3A_189 : memref<10112x128xf32, #tpu.memory_space<vmem_shared>>) offsets(%dma_start3A_186 : memref<128xi32, #tpu.memory_space<vmem>>) semaphore(%run_scoped3A_183 : memref<!tpu.dma_semaphore, #tpu.memory_space<semaphore_mem>>) {add = true}
          %dma_wait3A_190 = arith.constant 0 : i32
          %dma_wait3A_191 = tpu.memref_slice %arg7[%run_scoped3A_174, %dma_wait3A_190] : memref<8x128xi32, #tpu.memory_space<vmem>> -> memref<1x128xi32, #tpu.memory_space<vmem>>
          %dma_wait3A_192 = tpu.memref_squeeze %dma_wait3A_191 : memref<1x128xi32, #tpu.memory_space<vmem>> -> memref<128xi32, #tpu.memory_space<vmem>>
          %dma_wait3A_193 = arith.constant 0 : i32
          %dma_wait3A_194 = arith.constant 0 : i32
          %dma_wait3A_195 = tpu.memref_slice %arg10[%dma_wait3A_193, %dma_wait3A_194] : memref<10112x128xf32, #tpu.memory_space<vmem_shared>> -> memref<10112x128xf32, #tpu.memory_space<vmem_shared>>
          tpu.wait_indirect_dma semaphore(%run_scoped3A_183 : memref<!tpu.dma_semaphore, #tpu.memory_space<semaphore_mem>>) src(%arg8 : memref<128x128xf32, #tpu.memory_space<vmem>>) dst(%dma_wait3A_195 : memref<10112x128xf32, #tpu.memory_space<vmem_shared>>)
          tpu.yield
        }) : () -> ()
        %dma_wait3A_175 = arith.constant 7 : i32
        %dma_wait3A_176 = arith.constant 0 : i32
        %dma_wait3A_177 = tpu.memref_slice %arg6[%dma_wait3A_175, %dma_wait3A_176] : memref<8x128xi32, #tpu.memory_space<vmem>> -> memref<1x128xi32, #tpu.memory_space<vmem>>
        %dma_wait3A_178 = tpu.memref_squeeze %dma_wait3A_177 : memref<1x128xi32, #tpu.memory_space<vmem>> -> memref<128xi32, #tpu.memory_space<vmem>>
        %dma_wait3A_179 = arith.constant 0 : i32
        %dma_wait3A_180 = arith.constant 0 : i32
        %dma_wait3A_181 = tpu.memref_slice %arg2[%dma_wait3A_179, %dma_wait3A_180] : memref<10000x128xf32, #tpu.memory_space<hbm>> -> memref<10000x128xf32, #tpu.memory_space<hbm>>
        tpu.wait_indirect_dma semaphore(%arg12 : memref<!tpu.dma_semaphore, #tpu.memory_space<semaphore_mem>>) src(%dma_wait3A_181 : memref<10000x128xf32, #tpu.memory_space<hbm>>) dst(%arg9 : memref<128x128xf32, #tpu.memory_space<vmem>>)
        %run_scoped3A_182 = arith.constant 7 : i32
        "tpu.region"() ({
          %run_scoped3A_183 = tpu.sem_alloc : memref<!tpu.dma_semaphore, #tpu.memory_space<semaphore_mem>>
          %dma_start3A_184 = arith.constant 0 : i32
          %dma_start3A_185 = tpu.memref_slice %arg7[%run_scoped3A_182, %dma_start3A_184] : memref<8x128xi32, #tpu.memory_space<vmem>> -> memref<1x128xi32, #tpu.memory_space<vmem>>
          %dma_start3A_186 = tpu.memref_squeeze %dma_start3A_185 : memref<1x128xi32, #tpu.memory_space<vmem>> -> memref<128xi32, #tpu.memory_space<vmem>>
          %dma_start3A_187 = arith.constant 0 : i32
          %dma_start3A_188 = arith.constant 0 : i32
          %dma_start3A_189 = tpu.memref_slice %arg10[%dma_start3A_187, %dma_start3A_188] : memref<10112x128xf32, #tpu.memory_space<vmem_shared>> -> memref<10112x128xf32, #tpu.memory_space<vmem_shared>>
          tpu.enqueue_indirect_dma source(%arg9 : memref<128x128xf32, #tpu.memory_space<vmem>>) target(%dma_start3A_189 : memref<10112x128xf32, #tpu.memory_space<vmem_shared>>) offsets(%dma_start3A_186 : memref<128xi32, #tpu.memory_space<vmem>>) semaphore(%run_scoped3A_183 : memref<!tpu.dma_semaphore, #tpu.memory_space<semaphore_mem>>) {add = true}
          %dma_wait3A_190 = arith.constant 0 : i32
          %dma_wait3A_191 = tpu.memref_slice %arg7[%run_scoped3A_182, %dma_wait3A_190] : memref<8x128xi32, #tpu.memory_space<vmem>> -> memref<1x128xi32, #tpu.memory_space<vmem>>
          %dma_wait3A_192 = tpu.memref_squeeze %dma_wait3A_191 : memref<1x128xi32, #tpu.memory_space<vmem>> -> memref<128xi32, #tpu.memory_space<vmem>>
          %dma_wait3A_193 = arith.constant 0 : i32
          %dma_wait3A_194 = arith.constant 0 : i32
          %dma_wait3A_195 = tpu.memref_slice %arg10[%dma_wait3A_193, %dma_wait3A_194] : memref<10112x128xf32, #tpu.memory_space<vmem_shared>> -> memref<10112x128xf32, #tpu.memory_space<vmem_shared>>
          tpu.wait_indirect_dma semaphore(%run_scoped3A_183 : memref<!tpu.dma_semaphore, #tpu.memory_space<semaphore_mem>>) src(%arg9 : memref<128x128xf32, #tpu.memory_space<vmem>>) dst(%dma_wait3A_195 : memref<10112x128xf32, #tpu.memory_space<vmem_shared>>)
          tpu.yield
        }) : () -> ()
      }
      %scan3A_58 = arith.constant 19 : i32
    } else {
    }
    %eq3A_25 = arith.constant 1 : i32
    %eq3A_26 = arith.cmpi eq, %arg0, %eq3A_25 : i32
    %convert_element_type3A_27 = arith.extui %eq3A_26 : i1 to i32
    %cond3A_28 = arith.constant 0 : i32
    %cond3A_29 = arith.cmpi ne, %convert_element_type3A_27, %cond3A_28 : i32
    scf.if %cond3A_29 {
      %mul3A_51 = arith.constant 8 : i32
      %mul3A_52 = arith.muli %arg1, %mul3A_51 : i32
      %add3A_53 = arith.constant 2432 : i32
      %add3A_54 = arith.addi %add3A_53, %mul3A_52 : i32
      %scan3A_55 = arith.constant 0 : i32
      %scan3A_56 = arith.constant 0 : i32
      %mul3A_57 = arith.constant 8 : i32
      %mul3A_58 = arith.muli %scan3A_56, %mul3A_57 : i32
      %add3A_59 = arith.addi %add3A_54, %mul3A_58 : i32
      "tpu.region"() ({
        %run_scoped3A_181 = tpu.sem_alloc : memref<!tpu.dma_semaphore, #tpu.memory_space<semaphore_mem>>
        %dma_start3A_182 = arith.constant 0 : i32
        %dma_start3A_183 = tpu.memref_slice %arg3[%add3A_59, %dma_start3A_182] : memref<2560x128xi32, #tpu.memory_space<hbm>> -> memref<8x128xi32, #tpu.memory_space<hbm>>
        %dma_start3A_184 = arith.constant 0 : i32
        %dma_start3A_185 = tpu.memref_slice %arg3[%add3A_59, %dma_start3A_184] : memref<2560x128xi32, #tpu.memory_space<hbm>> -> memref<8x128xi32, #tpu.memory_space<hbm>>
        tpu.enqueue_dma source(%dma_start3A_185 : memref<8x128xi32, #tpu.memory_space<hbm>>) target(%arg6 : memref<8x128xi32, #tpu.memory_space<vmem>>) target_semaphore(%run_scoped3A_181 : memref<!tpu.dma_semaphore, #tpu.memory_space<semaphore_mem>>)
        %dma_wait3A_186 = arith.constant 0 : i32
        %dma_wait3A_187 = tpu.memref_slice %arg3[%add3A_59, %dma_wait3A_186] : memref<2560x128xi32, #tpu.memory_space<hbm>> -> memref<8x128xi32, #tpu.memory_space<hbm>>
        %dma_wait3A_188 = arith.constant 0 : i32
        %dma_wait3A_189 = tpu.memref_slice %arg3[%add3A_59, %dma_wait3A_188] : memref<2560x128xi32, #tpu.memory_space<hbm>> -> memref<8x128xi32, #tpu.memory_space<hbm>>
        tpu.wait_dma2 semaphore(%run_scoped3A_181 : memref<!tpu.dma_semaphore, #tpu.memory_space<semaphore_mem>>) src(%dma_wait3A_189 : memref<8x128xi32, #tpu.memory_space<hbm>>) dst(%arg6 : memref<8x128xi32, #tpu.memory_space<vmem>>)
        tpu.yield
      }) : () -> ()
      %mul3A_60 = arith.constant 8 : i32
      %mul3A_61 = arith.muli %scan3A_56, %mul3A_60 : i32
      %add3A_62 = arith.addi %add3A_54, %mul3A_61 : i32
      "tpu.region"() ({
        %run_scoped3A_181 = tpu.sem_alloc : memref<!tpu.dma_semaphore, #tpu.memory_space<semaphore_mem>>
        %dma_start3A_182 = arith.constant 0 : i32
        %dma_start3A_183 = tpu.memref_slice %arg4[%add3A_62, %dma_start3A_182] : memref<2560x128xi32, #tpu.memory_space<hbm>> -> memref<8x128xi32, #tpu.memory_space<hbm>>
        %dma_start3A_184 = arith.constant 0 : i32
        %dma_start3A_185 = tpu.memref_slice %arg4[%add3A_62, %dma_start3A_184] : memref<2560x128xi32, #tpu.memory_space<hbm>> -> memref<8x128xi32, #tpu.memory_space<hbm>>
        tpu.enqueue_dma source(%dma_start3A_185 : memref<8x128xi32, #tpu.memory_space<hbm>>) target(%arg7 : memref<8x128xi32, #tpu.memory_space<vmem>>) target_semaphore(%run_scoped3A_181 : memref<!tpu.dma_semaphore, #tpu.memory_space<semaphore_mem>>)
        %dma_wait3A_186 = arith.constant 0 : i32
        %dma_wait3A_187 = tpu.memref_slice %arg4[%add3A_62, %dma_wait3A_186] : memref<2560x128xi32, #tpu.memory_space<hbm>> -> memref<8x128xi32, #tpu.memory_space<hbm>>
        %dma_wait3A_188 = arith.constant 0 : i32
        %dma_wait3A_189 = tpu.memref_slice %arg4[%add3A_62, %dma_wait3A_188] : memref<2560x128xi32, #tpu.memory_space<hbm>> -> memref<8x128xi32, #tpu.memory_space<hbm>>
        tpu.wait_dma2 semaphore(%run_scoped3A_181 : memref<!tpu.dma_semaphore, #tpu.memory_space<semaphore_mem>>) src(%dma_wait3A_189 : memref<8x128xi32, #tpu.memory_space<hbm>>) dst(%arg7 : memref<8x128xi32, #tpu.memory_space<vmem>>)
        tpu.yield
      }) : () -> ()
      %dma_start3A = arith.constant 0 : i32
      %dma_start3A_63 = arith.constant 0 : i32
      %dma_start3A_64 = tpu.memref_slice %arg6[%dma_start3A, %dma_start3A_63] : memref<8x128xi32, #tpu.memory_space<vmem>> -> memref<1x128xi32, #tpu.memory_space<vmem>>
      %dma_start3A_65 = tpu.memref_squeeze %dma_start3A_64 : memref<1x128xi32, #tpu.memory_space<vmem>> -> memref<128xi32, #tpu.memory_space<vmem>>
      %dma_start3A_66 = arith.constant 0 : i32
      %dma_start3A_67 = arith.constant 0 : i32
      %dma_start3A_68 = tpu.memref_slice %arg2[%dma_start3A_66, %dma_start3A_67] : memref<10000x128xf32, #tpu.memory_space<hbm>> -> memref<10000x128xf32, #tpu.memory_space<hbm>>
      tpu.enqueue_indirect_dma source(%dma_start3A_68 : memref<10000x128xf32, #tpu.memory_space<hbm>>) target(%arg8 : memref<128x128xf32, #tpu.memory_space<vmem>>) offsets(%dma_start3A_65 : memref<128xi32, #tpu.memory_space<vmem>>) semaphore(%arg11 : memref<!tpu.dma_semaphore, #tpu.memory_space<semaphore_mem>>)
      %dma_start3A_69 = arith.constant 1 : i32
      %dma_start3A_70 = arith.constant 0 : i32
      %dma_start3A_71 = tpu.memref_slice %arg6[%dma_start3A_69, %dma_start3A_70] : memref<8x128xi32, #tpu.memory_space<vmem>> -> memref<1x128xi32, #tpu.memory_space<vmem>>
      %dma_start3A_72 = tpu.memref_squeeze %dma_start3A_71 : memref<1x128xi32, #tpu.memory_space<vmem>> -> memref<128xi32, #tpu.memory_space<vmem>>
      %dma_start3A_73 = arith.constant 0 : i32
      %dma_start3A_74 = arith.constant 0 : i32
      %dma_start3A_75 = tpu.memref_slice %arg2[%dma_start3A_73, %dma_start3A_74] : memref<10000x128xf32, #tpu.memory_space<hbm>> -> memref<10000x128xf32, #tpu.memory_space<hbm>>
      tpu.enqueue_indirect_dma source(%dma_start3A_75 : memref<10000x128xf32, #tpu.memory_space<hbm>>) target(%arg9 : memref<128x128xf32, #tpu.memory_space<vmem>>) offsets(%dma_start3A_72 : memref<128xi32, #tpu.memory_space<vmem>>) semaphore(%arg12 : memref<!tpu.dma_semaphore, #tpu.memory_space<semaphore_mem>>)
      %dma_wait3A = arith.constant 0 : i32
      %dma_wait3A_76 = arith.constant 0 : i32
      %dma_wait3A_77 = tpu.memref_slice %arg6[%dma_wait3A, %dma_wait3A_76] : memref<8x128xi32, #tpu.memory_space<vmem>> -> memref<1x128xi32, #tpu.memory_space<vmem>>
      %dma_wait3A_78 = tpu.memref_squeeze %dma_wait3A_77 : memref<1x128xi32, #tpu.memory_space<vmem>> -> memref<128xi32, #tpu.memory_space<vmem>>
      %dma_wait3A_79 = arith.constant 0 : i32
      %dma_wait3A_80 = arith.constant 0 : i32
      %dma_wait3A_81 = tpu.memref_slice %arg2[%dma_wait3A_79, %dma_wait3A_80] : memref<10000x128xf32, #tpu.memory_space<hbm>> -> memref<10000x128xf32, #tpu.memory_space<hbm>>
      tpu.wait_indirect_dma semaphore(%arg11 : memref<!tpu.dma_semaphore, #tpu.memory_space<semaphore_mem>>) src(%dma_wait3A_81 : memref<10000x128xf32, #tpu.memory_space<hbm>>) dst(%arg8 : memref<128x128xf32, #tpu.memory_space<vmem>>)
      %run_scoped3A = arith.constant 0 : i32
      "tpu.region"() ({
        %run_scoped3A_181 = tpu.sem_alloc : memref<!tpu.dma_semaphore, #tpu.memory_space<semaphore_mem>>
        %dma_start3A_182 = arith.constant 0 : i32
        %dma_start3A_183 = tpu.memref_slice %arg7[%run_scoped3A, %dma_start3A_182] : memref<8x128xi32, #tpu.memory_space<vmem>> -> memref<1x128xi32, #tpu.memory_space<vmem>>
        %dma_start3A_184 = tpu.memref_squeeze %dma_start3A_183 : memref<1x128xi32, #tpu.memory_space<vmem>> -> memref<128xi32, #tpu.memory_space<vmem>>
        %dma_start3A_185 = arith.constant 0 : i32
        %dma_start3A_186 = arith.constant 0 : i32
        %dma_start3A_187 = tpu.memref_slice %arg10[%dma_start3A_185, %dma_start3A_186] : memref<10112x128xf32, #tpu.memory_space<vmem_shared>> -> memref<10112x128xf32, #tpu.memory_space<vmem_shared>>
        tpu.enqueue_indirect_dma source(%arg8 : memref<128x128xf32, #tpu.memory_space<vmem>>) target(%dma_start3A_187 : memref<10112x128xf32, #tpu.memory_space<vmem_shared>>) offsets(%dma_start3A_184 : memref<128xi32, #tpu.memory_space<vmem>>) semaphore(%run_scoped3A_181 : memref<!tpu.dma_semaphore, #tpu.memory_space<semaphore_mem>>) {add = true}
        %dma_wait3A_188 = arith.constant 0 : i32
        %dma_wait3A_189 = tpu.memref_slice %arg7[%run_scoped3A, %dma_wait3A_188] : memref<8x128xi32, #tpu.memory_space<vmem>> -> memref<1x128xi32, #tpu.memory_space<vmem>>
        %dma_wait3A_190 = tpu.memref_squeeze %dma_wait3A_189 : memref<1x128xi32, #tpu.memory_space<vmem>> -> memref<128xi32, #tpu.memory_space<vmem>>
        %dma_wait3A_191 = arith.constant 0 : i32
        %dma_wait3A_192 = arith.constant 0 : i32
        %dma_wait3A_193 = tpu.memref_slice %arg10[%dma_wait3A_191, %dma_wait3A_192] : memref<10112x128xf32, #tpu.memory_space<vmem_shared>> -> memref<10112x128xf32, #tpu.memory_space<vmem_shared>>
        tpu.wait_indirect_dma semaphore(%run_scoped3A_181 : memref<!tpu.dma_semaphore, #tpu.memory_space<semaphore_mem>>) src(%arg8 : memref<128x128xf32, #tpu.memory_space<vmem>>) dst(%dma_wait3A_193 : memref<10112x128xf32, #tpu.memory_space<vmem_shared>>)
        tpu.yield
      }) : () -> ()
      %dma_start3A_82 = arith.constant 2 : i32
      %dma_start3A_83 = arith.constant 0 : i32
      %dma_start3A_84 = tpu.memref_slice %arg6[%dma_start3A_82, %dma_start3A_83] : memref<8x128xi32, #tpu.memory_space<vmem>> -> memref<1x128xi32, #tpu.memory_space<vmem>>
      %dma_start3A_85 = tpu.memref_squeeze %dma_start3A_84 : memref<1x128xi32, #tpu.memory_space<vmem>> -> memref<128xi32, #tpu.memory_space<vmem>>
      %dma_start3A_86 = arith.constant 0 : i32
      %dma_start3A_87 = arith.constant 0 : i32
      %dma_start3A_88 = tpu.memref_slice %arg2[%dma_start3A_86, %dma_start3A_87] : memref<10000x128xf32, #tpu.memory_space<hbm>> -> memref<10000x128xf32, #tpu.memory_space<hbm>>
      tpu.enqueue_indirect_dma source(%dma_start3A_88 : memref<10000x128xf32, #tpu.memory_space<hbm>>) target(%arg8 : memref<128x128xf32, #tpu.memory_space<vmem>>) offsets(%dma_start3A_85 : memref<128xi32, #tpu.memory_space<vmem>>) semaphore(%arg11 : memref<!tpu.dma_semaphore, #tpu.memory_space<semaphore_mem>>)
      %dma_wait3A_89 = arith.constant 1 : i32
      %dma_wait3A_90 = arith.constant 0 : i32
      %dma_wait3A_91 = tpu.memref_slice %arg6[%dma_wait3A_89, %dma_wait3A_90] : memref<8x128xi32, #tpu.memory_space<vmem>> -> memref<1x128xi32, #tpu.memory_space<vmem>>
      %dma_wait3A_92 = tpu.memref_squeeze %dma_wait3A_91 : memref<1x128xi32, #tpu.memory_space<vmem>> -> memref<128xi32, #tpu.memory_space<vmem>>
      %dma_wait3A_93 = arith.constant 0 : i32
      %dma_wait3A_94 = arith.constant 0 : i32
      %dma_wait3A_95 = tpu.memref_slice %arg2[%dma_wait3A_93, %dma_wait3A_94] : memref<10000x128xf32, #tpu.memory_space<hbm>> -> memref<10000x128xf32, #tpu.memory_space<hbm>>
      tpu.wait_indirect_dma semaphore(%arg12 : memref<!tpu.dma_semaphore, #tpu.memory_space<semaphore_mem>>) src(%dma_wait3A_95 : memref<10000x128xf32, #tpu.memory_space<hbm>>) dst(%arg9 : memref<128x128xf32, #tpu.memory_space<vmem>>)
      %run_scoped3A_96 = arith.constant 1 : i32
      "tpu.region"() ({
        %run_scoped3A_181 = tpu.sem_alloc : memref<!tpu.dma_semaphore, #tpu.memory_space<semaphore_mem>>
        %dma_start3A_182 = arith.constant 0 : i32
        %dma_start3A_183 = tpu.memref_slice %arg7[%run_scoped3A_96, %dma_start3A_182] : memref<8x128xi32, #tpu.memory_space<vmem>> -> memref<1x128xi32, #tpu.memory_space<vmem>>
        %dma_start3A_184 = tpu.memref_squeeze %dma_start3A_183 : memref<1x128xi32, #tpu.memory_space<vmem>> -> memref<128xi32, #tpu.memory_space<vmem>>
        %dma_start3A_185 = arith.constant 0 : i32
        %dma_start3A_186 = arith.constant 0 : i32
        %dma_start3A_187 = tpu.memref_slice %arg10[%dma_start3A_185, %dma_start3A_186] : memref<10112x128xf32, #tpu.memory_space<vmem_shared>> -> memref<10112x128xf32, #tpu.memory_space<vmem_shared>>
        tpu.enqueue_indirect_dma source(%arg9 : memref<128x128xf32, #tpu.memory_space<vmem>>) target(%dma_start3A_187 : memref<10112x128xf32, #tpu.memory_space<vmem_shared>>) offsets(%dma_start3A_184 : memref<128xi32, #tpu.memory_space<vmem>>) semaphore(%run_scoped3A_181 : memref<!tpu.dma_semaphore, #tpu.memory_space<semaphore_mem>>) {add = true}
        %dma_wait3A_188 = arith.constant 0 : i32
        %dma_wait3A_189 = tpu.memref_slice %arg7[%run_scoped3A_96, %dma_wait3A_188] : memref<8x128xi32, #tpu.memory_space<vmem>> -> memref<1x128xi32, #tpu.memory_space<vmem>>
        %dma_wait3A_190 = tpu.memref_squeeze %dma_wait3A_189 : memref<1x128xi32, #tpu.memory_space<vmem>> -> memref<128xi32, #tpu.memory_space<vmem>>
        %dma_wait3A_191 = arith.constant 0 : i32
        %dma_wait3A_192 = arith.constant 0 : i32
        %dma_wait3A_193 = tpu.memref_slice %arg10[%dma_wait3A_191, %dma_wait3A_192] : memref<10112x128xf32, #tpu.memory_space<vmem_shared>> -> memref<10112x128xf32, #tpu.memory_space<vmem_shared>>
        tpu.wait_indirect_dma semaphore(%run_scoped3A_181 : memref<!tpu.dma_semaphore, #tpu.memory_space<semaphore_mem>>) src(%arg9 : memref<128x128xf32, #tpu.memory_space<vmem>>) dst(%dma_wait3A_193 : memref<10112x128xf32, #tpu.memory_space<vmem_shared>>)
        tpu.yield
      }) : () -> ()
      %dma_start3A_97 = arith.constant 3 : i32
      %dma_start3A_98 = arith.constant 0 : i32
      %dma_start3A_99 = tpu.memref_slice %arg6[%dma_start3A_97, %dma_start3A_98] : memref<8x128xi32, #tpu.memory_space<vmem>> -> memref<1x128xi32, #tpu.memory_space<vmem>>
      %dma_start3A_100 = tpu.memref_squeeze %dma_start3A_99 : memref<1x128xi32, #tpu.memory_space<vmem>> -> memref<128xi32, #tpu.memory_space<vmem>>
      %dma_start3A_101 = arith.constant 0 : i32
      %dma_start3A_102 = arith.constant 0 : i32
      %dma_start3A_103 = tpu.memref_slice %arg2[%dma_start3A_101, %dma_start3A_102] : memref<10000x128xf32, #tpu.memory_space<hbm>> -> memref<10000x128xf32, #tpu.memory_space<hbm>>
      tpu.enqueue_indirect_dma source(%dma_start3A_103 : memref<10000x128xf32, #tpu.memory_space<hbm>>) target(%arg9 : memref<128x128xf32, #tpu.memory_space<vmem>>) offsets(%dma_start3A_100 : memref<128xi32, #tpu.memory_space<vmem>>) semaphore(%arg12 : memref<!tpu.dma_semaphore, #tpu.memory_space<semaphore_mem>>)
      %dma_wait3A_104 = arith.constant 2 : i32
      %dma_wait3A_105 = arith.constant 0 : i32
      %dma_wait3A_106 = tpu.memref_slice %arg6[%dma_wait3A_104, %dma_wait3A_105] : memref<8x128xi32, #tpu.memory_space<vmem>> -> memref<1x128xi32, #tpu.memory_space<vmem>>
      %dma_wait3A_107 = tpu.memref_squeeze %dma_wait3A_106 : memref<1x128xi32, #tpu.memory_space<vmem>> -> memref<128xi32, #tpu.memory_space<vmem>>
      %dma_wait3A_108 = arith.constant 0 : i32
      %dma_wait3A_109 = arith.constant 0 : i32
      %dma_wait3A_110 = tpu.memref_slice %arg2[%dma_wait3A_108, %dma_wait3A_109] : memref<10000x128xf32, #tpu.memory_space<hbm>> -> memref<10000x128xf32, #tpu.memory_space<hbm>>
      tpu.wait_indirect_dma semaphore(%arg11 : memref<!tpu.dma_semaphore, #tpu.memory_space<semaphore_mem>>) src(%dma_wait3A_110 : memref<10000x128xf32, #tpu.memory_space<hbm>>) dst(%arg8 : memref<128x128xf32, #tpu.memory_space<vmem>>)
      %run_scoped3A_111 = arith.constant 2 : i32
      "tpu.region"() ({
        %run_scoped3A_181 = tpu.sem_alloc : memref<!tpu.dma_semaphore, #tpu.memory_space<semaphore_mem>>
        %dma_start3A_182 = arith.constant 0 : i32
        %dma_start3A_183 = tpu.memref_slice %arg7[%run_scoped3A_111, %dma_start3A_182] : memref<8x128xi32, #tpu.memory_space<vmem>> -> memref<1x128xi32, #tpu.memory_space<vmem>>
        %dma_start3A_184 = tpu.memref_squeeze %dma_start3A_183 : memref<1x128xi32, #tpu.memory_space<vmem>> -> memref<128xi32, #tpu.memory_space<vmem>>
        %dma_start3A_185 = arith.constant 0 : i32
        %dma_start3A_186 = arith.constant 0 : i32
        %dma_start3A_187 = tpu.memref_slice %arg10[%dma_start3A_185, %dma_start3A_186] : memref<10112x128xf32, #tpu.memory_space<vmem_shared>> -> memref<10112x128xf32, #tpu.memory_space<vmem_shared>>
        tpu.enqueue_indirect_dma source(%arg8 : memref<128x128xf32, #tpu.memory_space<vmem>>) target(%dma_start3A_187 : memref<10112x128xf32, #tpu.memory_space<vmem_shared>>) offsets(%dma_start3A_184 : memref<128xi32, #tpu.memory_space<vmem>>) semaphore(%run_scoped3A_181 : memref<!tpu.dma_semaphore, #tpu.memory_space<semaphore_mem>>) {add = true}
        %dma_wait3A_188 = arith.constant 0 : i32
        %dma_wait3A_189 = tpu.memref_slice %arg7[%run_scoped3A_111, %dma_wait3A_188] : memref<8x128xi32, #tpu.memory_space<vmem>> -> memref<1x128xi32, #tpu.memory_space<vmem>>
        %dma_wait3A_190 = tpu.memref_squeeze %dma_wait3A_189 : memref<1x128xi32, #tpu.memory_space<vmem>> -> memref<128xi32, #tpu.memory_space<vmem>>
        %dma_wait3A_191 = arith.constant 0 : i32
        %dma_wait3A_192 = arith.constant 0 : i32
        %dma_wait3A_193 = tpu.memref_slice %arg10[%dma_wait3A_191, %dma_wait3A_192] : memref<10112x128xf32, #tpu.memory_space<vmem_shared>> -> memref<10112x128xf32, #tpu.memory_space<vmem_shared>>
        tpu.wait_indirect_dma semaphore(%run_scoped3A_181 : memref<!tpu.dma_semaphore, #tpu.memory_space<semaphore_mem>>) src(%arg8 : memref<128x128xf32, #tpu.memory_space<vmem>>) dst(%dma_wait3A_193 : memref<10112x128xf32, #tpu.memory_space<vmem_shared>>)
        tpu.yield
      }) : () -> ()
      %dma_start3A_112 = arith.constant 4 : i32
      %dma_start3A_113 = arith.constant 0 : i32
      %dma_start3A_114 = tpu.memref_slice %arg6[%dma_start3A_112, %dma_start3A_113] : memref<8x128xi32, #tpu.memory_space<vmem>> -> memref<1x128xi32, #tpu.memory_space<vmem>>
      %dma_start3A_115 = tpu.memref_squeeze %dma_start3A_114 : memref<1x128xi32, #tpu.memory_space<vmem>> -> memref<128xi32, #tpu.memory_space<vmem>>
      %dma_start3A_116 = arith.constant 0 : i32
      %dma_start3A_117 = arith.constant 0 : i32
      %dma_start3A_118 = tpu.memref_slice %arg2[%dma_start3A_116, %dma_start3A_117] : memref<10000x128xf32, #tpu.memory_space<hbm>> -> memref<10000x128xf32, #tpu.memory_space<hbm>>
      tpu.enqueue_indirect_dma source(%dma_start3A_118 : memref<10000x128xf32, #tpu.memory_space<hbm>>) target(%arg8 : memref<128x128xf32, #tpu.memory_space<vmem>>) offsets(%dma_start3A_115 : memref<128xi32, #tpu.memory_space<vmem>>) semaphore(%arg11 : memref<!tpu.dma_semaphore, #tpu.memory_space<semaphore_mem>>)
      %dma_wait3A_119 = arith.constant 3 : i32
      %dma_wait3A_120 = arith.constant 0 : i32
      %dma_wait3A_121 = tpu.memref_slice %arg6[%dma_wait3A_119, %dma_wait3A_120] : memref<8x128xi32, #tpu.memory_space<vmem>> -> memref<1x128xi32, #tpu.memory_space<vmem>>
      %dma_wait3A_122 = tpu.memref_squeeze %dma_wait3A_121 : memref<1x128xi32, #tpu.memory_space<vmem>> -> memref<128xi32, #tpu.memory_space<vmem>>
      %dma_wait3A_123 = arith.constant 0 : i32
      %dma_wait3A_124 = arith.constant 0 : i32
      %dma_wait3A_125 = tpu.memref_slice %arg2[%dma_wait3A_123, %dma_wait3A_124] : memref<10000x128xf32, #tpu.memory_space<hbm>> -> memref<10000x128xf32, #tpu.memory_space<hbm>>
      tpu.wait_indirect_dma semaphore(%arg12 : memref<!tpu.dma_semaphore, #tpu.memory_space<semaphore_mem>>) src(%dma_wait3A_125 : memref<10000x128xf32, #tpu.memory_space<hbm>>) dst(%arg9 : memref<128x128xf32, #tpu.memory_space<vmem>>)
      %run_scoped3A_126 = arith.constant 3 : i32
      "tpu.region"() ({
        %run_scoped3A_181 = tpu.sem_alloc : memref<!tpu.dma_semaphore, #tpu.memory_space<semaphore_mem>>
        %dma_start3A_182 = arith.constant 0 : i32
        %dma_start3A_183 = tpu.memref_slice %arg7[%run_scoped3A_126, %dma_start3A_182] : memref<8x128xi32, #tpu.memory_space<vmem>> -> memref<1x128xi32, #tpu.memory_space<vmem>>
        %dma_start3A_184 = tpu.memref_squeeze %dma_start3A_183 : memref<1x128xi32, #tpu.memory_space<vmem>> -> memref<128xi32, #tpu.memory_space<vmem>>
        %dma_start3A_185 = arith.constant 0 : i32
        %dma_start3A_186 = arith.constant 0 : i32
        %dma_start3A_187 = tpu.memref_slice %arg10[%dma_start3A_185, %dma_start3A_186] : memref<10112x128xf32, #tpu.memory_space<vmem_shared>> -> memref<10112x128xf32, #tpu.memory_space<vmem_shared>>
        tpu.enqueue_indirect_dma source(%arg9 : memref<128x128xf32, #tpu.memory_space<vmem>>) target(%dma_start3A_187 : memref<10112x128xf32, #tpu.memory_space<vmem_shared>>) offsets(%dma_start3A_184 : memref<128xi32, #tpu.memory_space<vmem>>) semaphore(%run_scoped3A_181 : memref<!tpu.dma_semaphore, #tpu.memory_space<semaphore_mem>>) {add = true}
        %dma_wait3A_188 = arith.constant 0 : i32
        %dma_wait3A_189 = tpu.memref_slice %arg7[%run_scoped3A_126, %dma_wait3A_188] : memref<8x128xi32, #tpu.memory_space<vmem>> -> memref<1x128xi32, #tpu.memory_space<vmem>>
        %dma_wait3A_190 = tpu.memref_squeeze %dma_wait3A_189 : memref<1x128xi32, #tpu.memory_space<vmem>> -> memref<128xi32, #tpu.memory_space<vmem>>
        %dma_wait3A_191 = arith.constant 0 : i32
        %dma_wait3A_192 = arith.constant 0 : i32
        %dma_wait3A_193 = tpu.memref_slice %arg10[%dma_wait3A_191, %dma_wait3A_192] : memref<10112x128xf32, #tpu.memory_space<vmem_shared>> -> memref<10112x128xf32, #tpu.memory_space<vmem_shared>>
        tpu.wait_indirect_dma semaphore(%run_scoped3A_181 : memref<!tpu.dma_semaphore, #tpu.memory_space<semaphore_mem>>) src(%arg9 : memref<128x128xf32, #tpu.memory_space<vmem>>) dst(%dma_wait3A_193 : memref<10112x128xf32, #tpu.memory_space<vmem_shared>>)
        tpu.yield
      }) : () -> ()
      %dma_start3A_127 = arith.constant 5 : i32
      %dma_start3A_128 = arith.constant 0 : i32
      %dma_start3A_129 = tpu.memref_slice %arg6[%dma_start3A_127, %dma_start3A_128] : memref<8x128xi32, #tpu.memory_space<vmem>> -> memref<1x128xi32, #tpu.memory_space<vmem>>
      %dma_start3A_130 = tpu.memref_squeeze %dma_start3A_129 : memref<1x128xi32, #tpu.memory_space<vmem>> -> memref<128xi32, #tpu.memory_space<vmem>>
      %dma_start3A_131 = arith.constant 0 : i32
      %dma_start3A_132 = arith.constant 0 : i32
      %dma_start3A_133 = tpu.memref_slice %arg2[%dma_start3A_131, %dma_start3A_132] : memref<10000x128xf32, #tpu.memory_space<hbm>> -> memref<10000x128xf32, #tpu.memory_space<hbm>>
      tpu.enqueue_indirect_dma source(%dma_start3A_133 : memref<10000x128xf32, #tpu.memory_space<hbm>>) target(%arg9 : memref<128x128xf32, #tpu.memory_space<vmem>>) offsets(%dma_start3A_130 : memref<128xi32, #tpu.memory_space<vmem>>) semaphore(%arg12 : memref<!tpu.dma_semaphore, #tpu.memory_space<semaphore_mem>>)
      %dma_wait3A_134 = arith.constant 4 : i32
      %dma_wait3A_135 = arith.constant 0 : i32
      %dma_wait3A_136 = tpu.memref_slice %arg6[%dma_wait3A_134, %dma_wait3A_135] : memref<8x128xi32, #tpu.memory_space<vmem>> -> memref<1x128xi32, #tpu.memory_space<vmem>>
      %dma_wait3A_137 = tpu.memref_squeeze %dma_wait3A_136 : memref<1x128xi32, #tpu.memory_space<vmem>> -> memref<128xi32, #tpu.memory_space<vmem>>
      %dma_wait3A_138 = arith.constant 0 : i32
      %dma_wait3A_139 = arith.constant 0 : i32
      %dma_wait3A_140 = tpu.memref_slice %arg2[%dma_wait3A_138, %dma_wait3A_139] : memref<10000x128xf32, #tpu.memory_space<hbm>> -> memref<10000x128xf32, #tpu.memory_space<hbm>>
      tpu.wait_indirect_dma semaphore(%arg11 : memref<!tpu.dma_semaphore, #tpu.memory_space<semaphore_mem>>) src(%dma_wait3A_140 : memref<10000x128xf32, #tpu.memory_space<hbm>>) dst(%arg8 : memref<128x128xf32, #tpu.memory_space<vmem>>)
      %run_scoped3A_141 = arith.constant 4 : i32
      "tpu.region"() ({
        %run_scoped3A_181 = tpu.sem_alloc : memref<!tpu.dma_semaphore, #tpu.memory_space<semaphore_mem>>
        %dma_start3A_182 = arith.constant 0 : i32
        %dma_start3A_183 = tpu.memref_slice %arg7[%run_scoped3A_141, %dma_start3A_182] : memref<8x128xi32, #tpu.memory_space<vmem>> -> memref<1x128xi32, #tpu.memory_space<vmem>>
        %dma_start3A_184 = tpu.memref_squeeze %dma_start3A_183 : memref<1x128xi32, #tpu.memory_space<vmem>> -> memref<128xi32, #tpu.memory_space<vmem>>
        %dma_start3A_185 = arith.constant 0 : i32
        %dma_start3A_186 = arith.constant 0 : i32
        %dma_start3A_187 = tpu.memref_slice %arg10[%dma_start3A_185, %dma_start3A_186] : memref<10112x128xf32, #tpu.memory_space<vmem_shared>> -> memref<10112x128xf32, #tpu.memory_space<vmem_shared>>
        tpu.enqueue_indirect_dma source(%arg8 : memref<128x128xf32, #tpu.memory_space<vmem>>) target(%dma_start3A_187 : memref<10112x128xf32, #tpu.memory_space<vmem_shared>>) offsets(%dma_start3A_184 : memref<128xi32, #tpu.memory_space<vmem>>) semaphore(%run_scoped3A_181 : memref<!tpu.dma_semaphore, #tpu.memory_space<semaphore_mem>>) {add = true}
        %dma_wait3A_188 = arith.constant 0 : i32
        %dma_wait3A_189 = tpu.memref_slice %arg7[%run_scoped3A_141, %dma_wait3A_188] : memref<8x128xi32, #tpu.memory_space<vmem>> -> memref<1x128xi32, #tpu.memory_space<vmem>>
        %dma_wait3A_190 = tpu.memref_squeeze %dma_wait3A_189 : memref<1x128xi32, #tpu.memory_space<vmem>> -> memref<128xi32, #tpu.memory_space<vmem>>
        %dma_wait3A_191 = arith.constant 0 : i32
        %dma_wait3A_192 = arith.constant 0 : i32
        %dma_wait3A_193 = tpu.memref_slice %arg10[%dma_wait3A_191, %dma_wait3A_192] : memref<10112x128xf32, #tpu.memory_space<vmem_shared>> -> memref<10112x128xf32, #tpu.memory_space<vmem_shared>>
        tpu.wait_indirect_dma semaphore(%run_scoped3A_181 : memref<!tpu.dma_semaphore, #tpu.memory_space<semaphore_mem>>) src(%arg8 : memref<128x128xf32, #tpu.memory_space<vmem>>) dst(%dma_wait3A_193 : memref<10112x128xf32, #tpu.memory_space<vmem_shared>>)
        tpu.yield
      }) : () -> ()
      %dma_start3A_142 = arith.constant 6 : i32
      %dma_start3A_143 = arith.constant 0 : i32
      %dma_start3A_144 = tpu.memref_slice %arg6[%dma_start3A_142, %dma_start3A_143] : memref<8x128xi32, #tpu.memory_space<vmem>> -> memref<1x128xi32, #tpu.memory_space<vmem>>
      %dma_start3A_145 = tpu.memref_squeeze %dma_start3A_144 : memref<1x128xi32, #tpu.memory_space<vmem>> -> memref<128xi32, #tpu.memory_space<vmem>>
      %dma_start3A_146 = arith.constant 0 : i32
      %dma_start3A_147 = arith.constant 0 : i32
      %dma_start3A_148 = tpu.memref_slice %arg2[%dma_start3A_146, %dma_start3A_147] : memref<10000x128xf32, #tpu.memory_space<hbm>> -> memref<10000x128xf32, #tpu.memory_space<hbm>>
      tpu.enqueue_indirect_dma source(%dma_start3A_148 : memref<10000x128xf32, #tpu.memory_space<hbm>>) target(%arg8 : memref<128x128xf32, #tpu.memory_space<vmem>>) offsets(%dma_start3A_145 : memref<128xi32, #tpu.memory_space<vmem>>) semaphore(%arg11 : memref<!tpu.dma_semaphore, #tpu.memory_space<semaphore_mem>>)
      %dma_wait3A_149 = arith.constant 5 : i32
      %dma_wait3A_150 = arith.constant 0 : i32
      %dma_wait3A_151 = tpu.memref_slice %arg6[%dma_wait3A_149, %dma_wait3A_150] : memref<8x128xi32, #tpu.memory_space<vmem>> -> memref<1x128xi32, #tpu.memory_space<vmem>>
      %dma_wait3A_152 = tpu.memref_squeeze %dma_wait3A_151 : memref<1x128xi32, #tpu.memory_space<vmem>> -> memref<128xi32, #tpu.memory_space<vmem>>
      %dma_wait3A_153 = arith.constant 0 : i32
      %dma_wait3A_154 = arith.constant 0 : i32
      %dma_wait3A_155 = tpu.memref_slice %arg2[%dma_wait3A_153, %dma_wait3A_154] : memref<10000x128xf32, #tpu.memory_space<hbm>> -> memref<10000x128xf32, #tpu.memory_space<hbm>>
      tpu.wait_indirect_dma semaphore(%arg12 : memref<!tpu.dma_semaphore, #tpu.memory_space<semaphore_mem>>) src(%dma_wait3A_155 : memref<10000x128xf32, #tpu.memory_space<hbm>>) dst(%arg9 : memref<128x128xf32, #tpu.memory_space<vmem>>)
      %run_scoped3A_156 = arith.constant 5 : i32
      "tpu.region"() ({
        %run_scoped3A_181 = tpu.sem_alloc : memref<!tpu.dma_semaphore, #tpu.memory_space<semaphore_mem>>
        %dma_start3A_182 = arith.constant 0 : i32
        %dma_start3A_183 = tpu.memref_slice %arg7[%run_scoped3A_156, %dma_start3A_182] : memref<8x128xi32, #tpu.memory_space<vmem>> -> memref<1x128xi32, #tpu.memory_space<vmem>>
        %dma_start3A_184 = tpu.memref_squeeze %dma_start3A_183 : memref<1x128xi32, #tpu.memory_space<vmem>> -> memref<128xi32, #tpu.memory_space<vmem>>
        %dma_start3A_185 = arith.constant 0 : i32
        %dma_start3A_186 = arith.constant 0 : i32
        %dma_start3A_187 = tpu.memref_slice %arg10[%dma_start3A_185, %dma_start3A_186] : memref<10112x128xf32, #tpu.memory_space<vmem_shared>> -> memref<10112x128xf32, #tpu.memory_space<vmem_shared>>
        tpu.enqueue_indirect_dma source(%arg9 : memref<128x128xf32, #tpu.memory_space<vmem>>) target(%dma_start3A_187 : memref<10112x128xf32, #tpu.memory_space<vmem_shared>>) offsets(%dma_start3A_184 : memref<128xi32, #tpu.memory_space<vmem>>) semaphore(%run_scoped3A_181 : memref<!tpu.dma_semaphore, #tpu.memory_space<semaphore_mem>>) {add = true}
        %dma_wait3A_188 = arith.constant 0 : i32
        %dma_wait3A_189 = tpu.memref_slice %arg7[%run_scoped3A_156, %dma_wait3A_188] : memref<8x128xi32, #tpu.memory_space<vmem>> -> memref<1x128xi32, #tpu.memory_space<vmem>>
        %dma_wait3A_190 = tpu.memref_squeeze %dma_wait3A_189 : memref<1x128xi32, #tpu.memory_space<vmem>> -> memref<128xi32, #tpu.memory_space<vmem>>
        %dma_wait3A_191 = arith.constant 0 : i32
        %dma_wait3A_192 = arith.constant 0 : i32
        %dma_wait3A_193 = tpu.memref_slice %arg10[%dma_wait3A_191, %dma_wait3A_192] : memref<10112x128xf32, #tpu.memory_space<vmem_shared>> -> memref<10112x128xf32, #tpu.memory_space<vmem_shared>>
        tpu.wait_indirect_dma semaphore(%run_scoped3A_181 : memref<!tpu.dma_semaphore, #tpu.memory_space<semaphore_mem>>) src(%arg9 : memref<128x128xf32, #tpu.memory_space<vmem>>) dst(%dma_wait3A_193 : memref<10112x128xf32, #tpu.memory_space<vmem_shared>>)
        tpu.yield
      }) : () -> ()
      %dma_start3A_157 = arith.constant 7 : i32
      %dma_start3A_158 = arith.constant 0 : i32
      %dma_start3A_159 = tpu.memref_slice %arg6[%dma_start3A_157, %dma_start3A_158] : memref<8x128xi32, #tpu.memory_space<vmem>> -> memref<1x128xi32, #tpu.memory_space<vmem>>
      %dma_start3A_160 = tpu.memref_squeeze %dma_start3A_159 : memref<1x128xi32, #tpu.memory_space<vmem>> -> memref<128xi32, #tpu.memory_space<vmem>>
      %dma_start3A_161 = arith.constant 0 : i32
      %dma_start3A_162 = arith.constant 0 : i32
      %dma_start3A_163 = tpu.memref_slice %arg2[%dma_start3A_161, %dma_start3A_162] : memref<10000x128xf32, #tpu.memory_space<hbm>> -> memref<10000x128xf32, #tpu.memory_space<hbm>>
      tpu.enqueue_indirect_dma source(%dma_start3A_163 : memref<10000x128xf32, #tpu.memory_space<hbm>>) target(%arg9 : memref<128x128xf32, #tpu.memory_space<vmem>>) offsets(%dma_start3A_160 : memref<128xi32, #tpu.memory_space<vmem>>) semaphore(%arg12 : memref<!tpu.dma_semaphore, #tpu.memory_space<semaphore_mem>>)
      %dma_wait3A_164 = arith.constant 6 : i32
      %dma_wait3A_165 = arith.constant 0 : i32
      %dma_wait3A_166 = tpu.memref_slice %arg6[%dma_wait3A_164, %dma_wait3A_165] : memref<8x128xi32, #tpu.memory_space<vmem>> -> memref<1x128xi32, #tpu.memory_space<vmem>>
      %dma_wait3A_167 = tpu.memref_squeeze %dma_wait3A_166 : memref<1x128xi32, #tpu.memory_space<vmem>> -> memref<128xi32, #tpu.memory_space<vmem>>
      %dma_wait3A_168 = arith.constant 0 : i32
      %dma_wait3A_169 = arith.constant 0 : i32
      %dma_wait3A_170 = tpu.memref_slice %arg2[%dma_wait3A_168, %dma_wait3A_169] : memref<10000x128xf32, #tpu.memory_space<hbm>> -> memref<10000x128xf32, #tpu.memory_space<hbm>>
      tpu.wait_indirect_dma semaphore(%arg11 : memref<!tpu.dma_semaphore, #tpu.memory_space<semaphore_mem>>) src(%dma_wait3A_170 : memref<10000x128xf32, #tpu.memory_space<hbm>>) dst(%arg8 : memref<128x128xf32, #tpu.memory_space<vmem>>)
      %run_scoped3A_171 = arith.constant 6 : i32
      "tpu.region"() ({
        %run_scoped3A_181 = tpu.sem_alloc : memref<!tpu.dma_semaphore, #tpu.memory_space<semaphore_mem>>
        %dma_start3A_182 = arith.constant 0 : i32
        %dma_start3A_183 = tpu.memref_slice %arg7[%run_scoped3A_171, %dma_start3A_182] : memref<8x128xi32, #tpu.memory_space<vmem>> -> memref<1x128xi32, #tpu.memory_space<vmem>>
        %dma_start3A_184 = tpu.memref_squeeze %dma_start3A_183 : memref<1x128xi32, #tpu.memory_space<vmem>> -> memref<128xi32, #tpu.memory_space<vmem>>
        %dma_start3A_185 = arith.constant 0 : i32
        %dma_start3A_186 = arith.constant 0 : i32
        %dma_start3A_187 = tpu.memref_slice %arg10[%dma_start3A_185, %dma_start3A_186] : memref<10112x128xf32, #tpu.memory_space<vmem_shared>> -> memref<10112x128xf32, #tpu.memory_space<vmem_shared>>
        tpu.enqueue_indirect_dma source(%arg8 : memref<128x128xf32, #tpu.memory_space<vmem>>) target(%dma_start3A_187 : memref<10112x128xf32, #tpu.memory_space<vmem_shared>>) offsets(%dma_start3A_184 : memref<128xi32, #tpu.memory_space<vmem>>) semaphore(%run_scoped3A_181 : memref<!tpu.dma_semaphore, #tpu.memory_space<semaphore_mem>>) {add = true}
        %dma_wait3A_188 = arith.constant 0 : i32
        %dma_wait3A_189 = tpu.memref_slice %arg7[%run_scoped3A_171, %dma_wait3A_188] : memref<8x128xi32, #tpu.memory_space<vmem>> -> memref<1x128xi32, #tpu.memory_space<vmem>>
        %dma_wait3A_190 = tpu.memref_squeeze %dma_wait3A_189 : memref<1x128xi32, #tpu.memory_space<vmem>> -> memref<128xi32, #tpu.memory_space<vmem>>
        %dma_wait3A_191 = arith.constant 0 : i32
        %dma_wait3A_192 = arith.constant 0 : i32
        %dma_wait3A_193 = tpu.memref_slice %arg10[%dma_wait3A_191, %dma_wait3A_192] : memref<10112x128xf32, #tpu.memory_space<vmem_shared>> -> memref<10112x128xf32, #tpu.memory_space<vmem_shared>>
        tpu.wait_indirect_dma semaphore(%run_scoped3A_181 : memref<!tpu.dma_semaphore, #tpu.memory_space<semaphore_mem>>) src(%arg8 : memref<128x128xf32, #tpu.memory_space<vmem>>) dst(%dma_wait3A_193 : memref<10112x128xf32, #tpu.memory_space<vmem_shared>>)
        tpu.yield
      }) : () -> ()
      %dma_wait3A_172 = arith.constant 7 : i32
      %dma_wait3A_173 = arith.constant 0 : i32
      %dma_wait3A_174 = tpu.memref_slice %arg6[%dma_wait3A_172, %dma_wait3A_173] : memref<8x128xi32, #tpu.memory_space<vmem>> -> memref<1x128xi32, #tpu.memory_space<vmem>>
      %dma_wait3A_175 = tpu.memref_squeeze %dma_wait3A_174 : memref<1x128xi32, #tpu.memory_space<vmem>> -> memref<128xi32, #tpu.memory_space<vmem>>
      %dma_wait3A_176 = arith.constant 0 : i32
      %dma_wait3A_177 = arith.constant 0 : i32
      %dma_wait3A_178 = tpu.memref_slice %arg2[%dma_wait3A_176, %dma_wait3A_177] : memref<10000x128xf32, #tpu.memory_space<hbm>> -> memref<10000x128xf32, #tpu.memory_space<hbm>>
      tpu.wait_indirect_dma semaphore(%arg12 : memref<!tpu.dma_semaphore, #tpu.memory_space<semaphore_mem>>) src(%dma_wait3A_178 : memref<10000x128xf32, #tpu.memory_space<hbm>>) dst(%arg9 : memref<128x128xf32, #tpu.memory_space<vmem>>)
      %run_scoped3A_179 = arith.constant 7 : i32
      "tpu.region"() ({
        %run_scoped3A_181 = tpu.sem_alloc : memref<!tpu.dma_semaphore, #tpu.memory_space<semaphore_mem>>
        %dma_start3A_182 = arith.constant 0 : i32
        %dma_start3A_183 = tpu.memref_slice %arg7[%run_scoped3A_179, %dma_start3A_182] : memref<8x128xi32, #tpu.memory_space<vmem>> -> memref<1x128xi32, #tpu.memory_space<vmem>>
        %dma_start3A_184 = tpu.memref_squeeze %dma_start3A_183 : memref<1x128xi32, #tpu.memory_space<vmem>> -> memref<128xi32, #tpu.memory_space<vmem>>
        %dma_start3A_185 = arith.constant 0 : i32
        %dma_start3A_186 = arith.constant 0 : i32
        %dma_start3A_187 = tpu.memref_slice %arg10[%dma_start3A_185, %dma_start3A_186] : memref<10112x128xf32, #tpu.memory_space<vmem_shared>> -> memref<10112x128xf32, #tpu.memory_space<vmem_shared>>
        tpu.enqueue_indirect_dma source(%arg9 : memref<128x128xf32, #tpu.memory_space<vmem>>) target(%dma_start3A_187 : memref<10112x128xf32, #tpu.memory_space<vmem_shared>>) offsets(%dma_start3A_184 : memref<128xi32, #tpu.memory_space<vmem>>) semaphore(%run_scoped3A_181 : memref<!tpu.dma_semaphore, #tpu.memory_space<semaphore_mem>>) {add = true}
        %dma_wait3A_188 = arith.constant 0 : i32
        %dma_wait3A_189 = tpu.memref_slice %arg7[%run_scoped3A_179, %dma_wait3A_188] : memref<8x128xi32, #tpu.memory_space<vmem>> -> memref<1x128xi32, #tpu.memory_space<vmem>>
        %dma_wait3A_190 = tpu.memref_squeeze %dma_wait3A_189 : memref<1x128xi32, #tpu.memory_space<vmem>> -> memref<128xi32, #tpu.memory_space<vmem>>
        %dma_wait3A_191 = arith.constant 0 : i32
        %dma_wait3A_192 = arith.constant 0 : i32
        %dma_wait3A_193 = tpu.memref_slice %arg10[%dma_wait3A_191, %dma_wait3A_192] : memref<10112x128xf32, #tpu.memory_space<vmem_shared>> -> memref<10112x128xf32, #tpu.memory_space<vmem_shared>>
        tpu.wait_indirect_dma semaphore(%run_scoped3A_181 : memref<!tpu.dma_semaphore, #tpu.memory_space<semaphore_mem>>) src(%arg9 : memref<128x128xf32, #tpu.memory_space<vmem>>) dst(%dma_wait3A_193 : memref<10112x128xf32, #tpu.memory_space<vmem_shared>>)
        tpu.yield
      }) : () -> ()
      %scan3A_180 = arith.constant 1 : i32
    } else {
    }
    %barrier3A_30 = arith.constant 0 : index
    tpu.barrier barrier_id(%barrier3A_30)
    %mul3A_31 = arith.constant 632 : i32
    %mul3A_32 = arith.muli %arg1, %mul3A_31 : i32
    %add3A_33 = arith.constant 0 : i32
    %add3A_34 = arith.addi %mul3A_32, %add3A_33 : i32
    "tpu.region"() ({
      %run_scoped3A = tpu.sem_alloc : memref<!tpu.dma_semaphore, #tpu.memory_space<semaphore_mem>>
      %dma_start3A = arith.constant 0 : i32
      %dma_start3A_51 = tpu.memref_slice %arg10[%add3A_34, %dma_start3A] : memref<10112x128xf32, #tpu.memory_space<vmem_shared>> -> memref<128x128xf32, #tpu.memory_space<vmem_shared>>
      %dma_start3A_52 = arith.constant 0 : i32
      %dma_start3A_53 = tpu.memref_slice %arg10[%add3A_34, %dma_start3A_52] : memref<10112x128xf32, #tpu.memory_space<vmem_shared>> -> memref<128x128xf32, #tpu.memory_space<vmem_shared>>
      tpu.enqueue_dma source(%dma_start3A_53 : memref<128x128xf32, #tpu.memory_space<vmem_shared>>) target(%arg8 : memref<128x128xf32, #tpu.memory_space<vmem>>) target_semaphore(%run_scoped3A : memref<!tpu.dma_semaphore, #tpu.memory_space<semaphore_mem>>)
      %dma_wait3A = arith.constant 0 : i32
      %dma_wait3A_54 = tpu.memref_slice %arg10[%add3A_34, %dma_wait3A] : memref<10112x128xf32, #tpu.memory_space<vmem_shared>> -> memref<128x128xf32, #tpu.memory_space<vmem_shared>>
      %dma_wait3A_55 = arith.constant 0 : i32
      %dma_wait3A_56 = tpu.memref_slice %arg10[%add3A_34, %dma_wait3A_55] : memref<10112x128xf32, #tpu.memory_space<vmem_shared>> -> memref<128x128xf32, #tpu.memory_space<vmem_shared>>
      tpu.wait_dma2 semaphore(%run_scoped3A : memref<!tpu.dma_semaphore, #tpu.memory_space<semaphore_mem>>) src(%dma_wait3A_56 : memref<128x128xf32, #tpu.memory_space<vmem_shared>>) dst(%arg8 : memref<128x128xf32, #tpu.memory_space<vmem>>)
      tpu.yield
    }) : () -> ()
    "tpu.region"() ({
      %run_scoped3A = tpu.sem_alloc : memref<!tpu.dma_semaphore, #tpu.memory_space<semaphore_mem>>
      %dma_start3A = arith.constant 0 : i32
      %dma_start3A_51 = tpu.memref_slice %arg5[%arg0, %add3A_34, %dma_start3A] : memref<2x10112x128xf32, #tpu.memory_space<hbm>> -> memref<1x128x128xf32, #tpu.memory_space<hbm>>
      %dma_start3A_52 = tpu.memref_squeeze %dma_start3A_51 : memref<1x128x128xf32, #tpu.memory_space<hbm>> -> memref<128x128xf32, #tpu.memory_space<hbm>>
      %dma_start3A_53 = arith.constant 0 : i32
      %dma_start3A_54 = tpu.memref_slice %arg5[%arg0, %add3A_34, %dma_start3A_53] : memref<2x10112x128xf32, #tpu.memory_space<hbm>> -> memref<1x128x128xf32, #tpu.memory_space<hbm>>
      %dma_start3A_55 = tpu.memref_squeeze %dma_start3A_54 : memref<1x128x128xf32, #tpu.memory_space<hbm>> -> memref<128x128xf32, #tpu.memory_space<hbm>>
      tpu.enqueue_dma source(%arg8 : memref<128x128xf32, #tpu.memory_space<vmem>>) target(%dma_start3A_55 : memref<128x128xf32, #tpu.memory_space<hbm>>) target_semaphore(%run_scoped3A : memref<!tpu.dma_semaphore, #tpu.memory_space<semaphore_mem>>)
      %dma_wait3A = arith.constant 0 : i32
      %dma_wait3A_56 = tpu.memref_slice %arg5[%arg0, %add3A_34, %dma_wait3A] : memref<2x10112x128xf32, #tpu.memory_space<hbm>> -> memref<1x128x128xf32, #tpu.memory_space<hbm>>
      %dma_wait3A_57 = tpu.memref_squeeze %dma_wait3A_56 : memref<1x128x128xf32, #tpu.memory_space<hbm>> -> memref<128x128xf32, #tpu.memory_space<hbm>>
      %dma_wait3A_58 = arith.constant 0 : i32
      %dma_wait3A_59 = tpu.memref_slice %arg5[%arg0, %add3A_34, %dma_wait3A_58] : memref<2x10112x128xf32, #tpu.memory_space<hbm>> -> memref<1x128x128xf32, #tpu.memory_space<hbm>>
      %dma_wait3A_60 = tpu.memref_squeeze %dma_wait3A_59 : memref<1x128x128xf32, #tpu.memory_space<hbm>> -> memref<128x128xf32, #tpu.memory_space<hbm>>
      tpu.wait_dma2 semaphore(%run_scoped3A : memref<!tpu.dma_semaphore, #tpu.memory_space<semaphore_mem>>) src(%arg8 : memref<128x128xf32, #tpu.memory_space<vmem>>) dst(%dma_wait3A_60 : memref<128x128xf32, #tpu.memory_space<hbm>>)
      tpu.yield
    }) : () -> ()
    %mul3A_35 = arith.constant 632 : i32
    %mul3A_36 = arith.muli %arg1, %mul3A_35 : i32
    %add3A_37 = arith.constant 128 : i32
    %add3A_38 = arith.addi %mul3A_36, %add3A_37 : i32
    "tpu.region"() ({
      %run_scoped3A = tpu.sem_alloc : memref<!tpu.dma_semaphore, #tpu.memory_space<semaphore_mem>>
      %dma_start3A = arith.constant 0 : i32
      %dma_start3A_51 = tpu.memref_slice %arg10[%add3A_38, %dma_start3A] : memref<10112x128xf32, #tpu.memory_space<vmem_shared>> -> memref<128x128xf32, #tpu.memory_space<vmem_shared>>
      %dma_start3A_52 = arith.constant 0 : i32
      %dma_start3A_53 = tpu.memref_slice %arg10[%add3A_38, %dma_start3A_52] : memref<10112x128xf32, #tpu.memory_space<vmem_shared>> -> memref<128x128xf32, #tpu.memory_space<vmem_shared>>
      tpu.enqueue_dma source(%dma_start3A_53 : memref<128x128xf32, #tpu.memory_space<vmem_shared>>) target(%arg8 : memref<128x128xf32, #tpu.memory_space<vmem>>) target_semaphore(%run_scoped3A : memref<!tpu.dma_semaphore, #tpu.memory_space<semaphore_mem>>)
      %dma_wait3A = arith.constant 0 : i32
      %dma_wait3A_54 = tpu.memref_slice %arg10[%add3A_38, %dma_wait3A] : memref<10112x128xf32, #tpu.memory_space<vmem_shared>> -> memref<128x128xf32, #tpu.memory_space<vmem_shared>>
      %dma_wait3A_55 = arith.constant 0 : i32
      %dma_wait3A_56 = tpu.memref_slice %arg10[%add3A_38, %dma_wait3A_55] : memref<10112x128xf32, #tpu.memory_space<vmem_shared>> -> memref<128x128xf32, #tpu.memory_space<vmem_shared>>
      tpu.wait_dma2 semaphore(%run_scoped3A : memref<!tpu.dma_semaphore, #tpu.memory_space<semaphore_mem>>) src(%dma_wait3A_56 : memref<128x128xf32, #tpu.memory_space<vmem_shared>>) dst(%arg8 : memref<128x128xf32, #tpu.memory_space<vmem>>)
      tpu.yield
    }) : () -> ()
    "tpu.region"() ({
      %run_scoped3A = tpu.sem_alloc : memref<!tpu.dma_semaphore, #tpu.memory_space<semaphore_mem>>
      %dma_start3A = arith.constant 0 : i32
      %dma_start3A_51 = tpu.memref_slice %arg5[%arg0, %add3A_38, %dma_start3A] : memref<2x10112x128xf32, #tpu.memory_space<hbm>> -> memref<1x128x128xf32, #tpu.memory_space<hbm>>
      %dma_start3A_52 = tpu.memref_squeeze %dma_start3A_51 : memref<1x128x128xf32, #tpu.memory_space<hbm>> -> memref<128x128xf32, #tpu.memory_space<hbm>>
      %dma_start3A_53 = arith.constant 0 : i32
      %dma_start3A_54 = tpu.memref_slice %arg5[%arg0, %add3A_38, %dma_start3A_53] : memref<2x10112x128xf32, #tpu.memory_space<hbm>> -> memref<1x128x128xf32, #tpu.memory_space<hbm>>
      %dma_start3A_55 = tpu.memref_squeeze %dma_start3A_54 : memref<1x128x128xf32, #tpu.memory_space<hbm>> -> memref<128x128xf32, #tpu.memory_space<hbm>>
      tpu.enqueue_dma source(%arg8 : memref<128x128xf32, #tpu.memory_space<vmem>>) target(%dma_start3A_55 : memref<128x128xf32, #tpu.memory_space<hbm>>) target_semaphore(%run_scoped3A : memref<!tpu.dma_semaphore, #tpu.memory_space<semaphore_mem>>)
      %dma_wait3A = arith.constant 0 : i32
      %dma_wait3A_56 = tpu.memref_slice %arg5[%arg0, %add3A_38, %dma_wait3A] : memref<2x10112x128xf32, #tpu.memory_space<hbm>> -> memref<1x128x128xf32, #tpu.memory_space<hbm>>
      %dma_wait3A_57 = tpu.memref_squeeze %dma_wait3A_56 : memref<1x128x128xf32, #tpu.memory_space<hbm>> -> memref<128x128xf32, #tpu.memory_space<hbm>>
      %dma_wait3A_58 = arith.constant 0 : i32
      %dma_wait3A_59 = tpu.memref_slice %arg5[%arg0, %add3A_38, %dma_wait3A_58] : memref<2x10112x128xf32, #tpu.memory_space<hbm>> -> memref<1x128x128xf32, #tpu.memory_space<hbm>>
      %dma_wait3A_60 = tpu.memref_squeeze %dma_wait3A_59 : memref<1x128x128xf32, #tpu.memory_space<hbm>> -> memref<128x128xf32, #tpu.memory_space<hbm>>
      tpu.wait_dma2 semaphore(%run_scoped3A : memref<!tpu.dma_semaphore, #tpu.memory_space<semaphore_mem>>) src(%arg8 : memref<128x128xf32, #tpu.memory_space<vmem>>) dst(%dma_wait3A_60 : memref<128x128xf32, #tpu.memory_space<hbm>>)
      tpu.yield
    }) : () -> ()
    %mul3A_39 = arith.constant 632 : i32
    %mul3A_40 = arith.muli %arg1, %mul3A_39 : i32
    %add3A_41 = arith.constant 256 : i32
    %add3A_42 = arith.addi %mul3A_40, %add3A_41 : i32
    "tpu.region"() ({
      %run_scoped3A = tpu.sem_alloc : memref<!tpu.dma_semaphore, #tpu.memory_space<semaphore_mem>>
      %dma_start3A = arith.constant 0 : i32
      %dma_start3A_51 = tpu.memref_slice %arg10[%add3A_42, %dma_start3A] : memref<10112x128xf32, #tpu.memory_space<vmem_shared>> -> memref<128x128xf32, #tpu.memory_space<vmem_shared>>
      %dma_start3A_52 = arith.constant 0 : i32
      %dma_start3A_53 = tpu.memref_slice %arg10[%add3A_42, %dma_start3A_52] : memref<10112x128xf32, #tpu.memory_space<vmem_shared>> -> memref<128x128xf32, #tpu.memory_space<vmem_shared>>
      tpu.enqueue_dma source(%dma_start3A_53 : memref<128x128xf32, #tpu.memory_space<vmem_shared>>) target(%arg8 : memref<128x128xf32, #tpu.memory_space<vmem>>) target_semaphore(%run_scoped3A : memref<!tpu.dma_semaphore, #tpu.memory_space<semaphore_mem>>)
      %dma_wait3A = arith.constant 0 : i32
      %dma_wait3A_54 = tpu.memref_slice %arg10[%add3A_42, %dma_wait3A] : memref<10112x128xf32, #tpu.memory_space<vmem_shared>> -> memref<128x128xf32, #tpu.memory_space<vmem_shared>>
      %dma_wait3A_55 = arith.constant 0 : i32
      %dma_wait3A_56 = tpu.memref_slice %arg10[%add3A_42, %dma_wait3A_55] : memref<10112x128xf32, #tpu.memory_space<vmem_shared>> -> memref<128x128xf32, #tpu.memory_space<vmem_shared>>
      tpu.wait_dma2 semaphore(%run_scoped3A : memref<!tpu.dma_semaphore, #tpu.memory_space<semaphore_mem>>) src(%dma_wait3A_56 : memref<128x128xf32, #tpu.memory_space<vmem_shared>>) dst(%arg8 : memref<128x128xf32, #tpu.memory_space<vmem>>)
      tpu.yield
    }) : () -> ()
    "tpu.region"() ({
      %run_scoped3A = tpu.sem_alloc : memref<!tpu.dma_semaphore, #tpu.memory_space<semaphore_mem>>
      %dma_start3A = arith.constant 0 : i32
      %dma_start3A_51 = tpu.memref_slice %arg5[%arg0, %add3A_42, %dma_start3A] : memref<2x10112x128xf32, #tpu.memory_space<hbm>> -> memref<1x128x128xf32, #tpu.memory_space<hbm>>
      %dma_start3A_52 = tpu.memref_squeeze %dma_start3A_51 : memref<1x128x128xf32, #tpu.memory_space<hbm>> -> memref<128x128xf32, #tpu.memory_space<hbm>>
      %dma_start3A_53 = arith.constant 0 : i32
      %dma_start3A_54 = tpu.memref_slice %arg5[%arg0, %add3A_42, %dma_start3A_53] : memref<2x10112x128xf32, #tpu.memory_space<hbm>> -> memref<1x128x128xf32, #tpu.memory_space<hbm>>
      %dma_start3A_55 = tpu.memref_squeeze %dma_start3A_54 : memref<1x128x128xf32, #tpu.memory_space<hbm>> -> memref<128x128xf32, #tpu.memory_space<hbm>>
      tpu.enqueue_dma source(%arg8 : memref<128x128xf32, #tpu.memory_space<vmem>>) target(%dma_start3A_55 : memref<128x128xf32, #tpu.memory_space<hbm>>) target_semaphore(%run_scoped3A : memref<!tpu.dma_semaphore, #tpu.memory_space<semaphore_mem>>)
      %dma_wait3A = arith.constant 0 : i32
      %dma_wait3A_56 = tpu.memref_slice %arg5[%arg0, %add3A_42, %dma_wait3A] : memref<2x10112x128xf32, #tpu.memory_space<hbm>> -> memref<1x128x128xf32, #tpu.memory_space<hbm>>
      %dma_wait3A_57 = tpu.memref_squeeze %dma_wait3A_56 : memref<1x128x128xf32, #tpu.memory_space<hbm>> -> memref<128x128xf32, #tpu.memory_space<hbm>>
      %dma_wait3A_58 = arith.constant 0 : i32
      %dma_wait3A_59 = tpu.memref_slice %arg5[%arg0, %add3A_42, %dma_wait3A_58] : memref<2x10112x128xf32, #tpu.memory_space<hbm>> -> memref<1x128x128xf32, #tpu.memory_space<hbm>>
      %dma_wait3A_60 = tpu.memref_squeeze %dma_wait3A_59 : memref<1x128x128xf32, #tpu.memory_space<hbm>> -> memref<128x128xf32, #tpu.memory_space<hbm>>
      tpu.wait_dma2 semaphore(%run_scoped3A : memref<!tpu.dma_semaphore, #tpu.memory_space<semaphore_mem>>) src(%arg8 : memref<128x128xf32, #tpu.memory_space<vmem>>) dst(%dma_wait3A_60 : memref<128x128xf32, #tpu.memory_space<hbm>>)
      tpu.yield
    }) : () -> ()
    %mul3A_43 = arith.constant 632 : i32
    %mul3A_44 = arith.muli %arg1, %mul3A_43 : i32
    %add3A_45 = arith.constant 384 : i32
    %add3A_46 = arith.addi %mul3A_44, %add3A_45 : i32
    "tpu.region"() ({
      %run_scoped3A = tpu.sem_alloc : memref<!tpu.dma_semaphore, #tpu.memory_space<semaphore_mem>>
      %dma_start3A = arith.constant 0 : i32
      %dma_start3A_51 = tpu.memref_slice %arg10[%add3A_46, %dma_start3A] : memref<10112x128xf32, #tpu.memory_space<vmem_shared>> -> memref<128x128xf32, #tpu.memory_space<vmem_shared>>
      %dma_start3A_52 = arith.constant 0 : i32
      %dma_start3A_53 = tpu.memref_slice %arg10[%add3A_46, %dma_start3A_52] : memref<10112x128xf32, #tpu.memory_space<vmem_shared>> -> memref<128x128xf32, #tpu.memory_space<vmem_shared>>
      tpu.enqueue_dma source(%dma_start3A_53 : memref<128x128xf32, #tpu.memory_space<vmem_shared>>) target(%arg8 : memref<128x128xf32, #tpu.memory_space<vmem>>) target_semaphore(%run_scoped3A : memref<!tpu.dma_semaphore, #tpu.memory_space<semaphore_mem>>)
      %dma_wait3A = arith.constant 0 : i32
      %dma_wait3A_54 = tpu.memref_slice %arg10[%add3A_46, %dma_wait3A] : memref<10112x128xf32, #tpu.memory_space<vmem_shared>> -> memref<128x128xf32, #tpu.memory_space<vmem_shared>>
      %dma_wait3A_55 = arith.constant 0 : i32
      %dma_wait3A_56 = tpu.memref_slice %arg10[%add3A_46, %dma_wait3A_55] : memref<10112x128xf32, #tpu.memory_space<vmem_shared>> -> memref<128x128xf32, #tpu.memory_space<vmem_shared>>
      tpu.wait_dma2 semaphore(%run_scoped3A : memref<!tpu.dma_semaphore, #tpu.memory_space<semaphore_mem>>) src(%dma_wait3A_56 : memref<128x128xf32, #tpu.memory_space<vmem_shared>>) dst(%arg8 : memref<128x128xf32, #tpu.memory_space<vmem>>)
      tpu.yield
    }) : () -> ()
    "tpu.region"() ({
      %run_scoped3A = tpu.sem_alloc : memref<!tpu.dma_semaphore, #tpu.memory_space<semaphore_mem>>
      %dma_start3A = arith.constant 0 : i32
      %dma_start3A_51 = tpu.memref_slice %arg5[%arg0, %add3A_46, %dma_start3A] : memref<2x10112x128xf32, #tpu.memory_space<hbm>> -> memref<1x128x128xf32, #tpu.memory_space<hbm>>
      %dma_start3A_52 = tpu.memref_squeeze %dma_start3A_51 : memref<1x128x128xf32, #tpu.memory_space<hbm>> -> memref<128x128xf32, #tpu.memory_space<hbm>>
      %dma_start3A_53 = arith.constant 0 : i32
      %dma_start3A_54 = tpu.memref_slice %arg5[%arg0, %add3A_46, %dma_start3A_53] : memref<2x10112x128xf32, #tpu.memory_space<hbm>> -> memref<1x128x128xf32, #tpu.memory_space<hbm>>
      %dma_start3A_55 = tpu.memref_squeeze %dma_start3A_54 : memref<1x128x128xf32, #tpu.memory_space<hbm>> -> memref<128x128xf32, #tpu.memory_space<hbm>>
      tpu.enqueue_dma source(%arg8 : memref<128x128xf32, #tpu.memory_space<vmem>>) target(%dma_start3A_55 : memref<128x128xf32, #tpu.memory_space<hbm>>) target_semaphore(%run_scoped3A : memref<!tpu.dma_semaphore, #tpu.memory_space<semaphore_mem>>)
      %dma_wait3A = arith.constant 0 : i32
      %dma_wait3A_56 = tpu.memref_slice %arg5[%arg0, %add3A_46, %dma_wait3A] : memref<2x10112x128xf32, #tpu.memory_space<hbm>> -> memref<1x128x128xf32, #tpu.memory_space<hbm>>
      %dma_wait3A_57 = tpu.memref_squeeze %dma_wait3A_56 : memref<1x128x128xf32, #tpu.memory_space<hbm>> -> memref<128x128xf32, #tpu.memory_space<hbm>>
      %dma_wait3A_58 = arith.constant 0 : i32
      %dma_wait3A_59 = tpu.memref_slice %arg5[%arg0, %add3A_46, %dma_wait3A_58] : memref<2x10112x128xf32, #tpu.memory_space<hbm>> -> memref<1x128x128xf32, #tpu.memory_space<hbm>>
      %dma_wait3A_60 = tpu.memref_squeeze %dma_wait3A_59 : memref<1x128x128xf32, #tpu.memory_space<hbm>> -> memref<128x128xf32, #tpu.memory_space<hbm>>
      tpu.wait_dma2 semaphore(%run_scoped3A : memref<!tpu.dma_semaphore, #tpu.memory_space<semaphore_mem>>) src(%arg8 : memref<128x128xf32, #tpu.memory_space<vmem>>) dst(%dma_wait3A_60 : memref<128x128xf32, #tpu.memory_space<hbm>>)
      tpu.yield
    }) : () -> ()
    %mul3A_47 = arith.constant 632 : i32
    %mul3A_48 = arith.muli %arg1, %mul3A_47 : i32
    %add3A_49 = arith.constant 512 : i32
    %add3A_50 = arith.addi %mul3A_48, %add3A_49 : i32
    "tpu.region"() ({
      %run_scoped3A = tpu.sem_alloc : memref<!tpu.dma_semaphore, #tpu.memory_space<semaphore_mem>>
      %dma_start3A = arith.constant 0 : i32
      %dma_start3A_51 = arith.constant 0 : i32
      %dma_start3A_52 = tpu.memref_slice %arg8[%dma_start3A, %dma_start3A_51] : memref<128x128xf32, #tpu.memory_space<vmem>> -> memref<120x128xf32, #tpu.memory_space<vmem>>
      %dma_start3A_53 = arith.constant 0 : i32
      %dma_start3A_54 = tpu.memref_slice %arg10[%add3A_50, %dma_start3A_53] : memref<10112x128xf32, #tpu.memory_space<vmem_shared>> -> memref<120x128xf32, #tpu.memory_space<vmem_shared>>
      %dma_start3A_55 = arith.constant 0 : i32
      %dma_start3A_56 = arith.constant 0 : i32
      %dma_start3A_57 = tpu.memref_slice %arg8[%dma_start3A_55, %dma_start3A_56] : memref<128x128xf32, #tpu.memory_space<vmem>> -> memref<120x128xf32, #tpu.memory_space<vmem>>
      %dma_start3A_58 = arith.constant 0 : i32
      %dma_start3A_59 = tpu.memref_slice %arg10[%add3A_50, %dma_start3A_58] : memref<10112x128xf32, #tpu.memory_space<vmem_shared>> -> memref<120x128xf32, #tpu.memory_space<vmem_shared>>
      tpu.enqueue_dma source(%dma_start3A_59 : memref<120x128xf32, #tpu.memory_space<vmem_shared>>) target(%dma_start3A_57 : memref<120x128xf32, #tpu.memory_space<vmem>>) target_semaphore(%run_scoped3A : memref<!tpu.dma_semaphore, #tpu.memory_space<semaphore_mem>>)
      %dma_wait3A = arith.constant 0 : i32
      %dma_wait3A_60 = arith.constant 0 : i32
      %dma_wait3A_61 = tpu.memref_slice %arg8[%dma_wait3A, %dma_wait3A_60] : memref<128x128xf32, #tpu.memory_space<vmem>> -> memref<120x128xf32, #tpu.memory_space<vmem>>
      %dma_wait3A_62 = arith.constant 0 : i32
      %dma_wait3A_63 = tpu.memref_slice %arg10[%add3A_50, %dma_wait3A_62] : memref<10112x128xf32, #tpu.memory_space<vmem_shared>> -> memref<120x128xf32, #tpu.memory_space<vmem_shared>>
      %dma_wait3A_64 = arith.constant 0 : i32
      %dma_wait3A_65 = arith.constant 0 : i32
      %dma_wait3A_66 = tpu.memref_slice %arg8[%dma_wait3A_64, %dma_wait3A_65] : memref<128x128xf32, #tpu.memory_space<vmem>> -> memref<120x128xf32, #tpu.memory_space<vmem>>
      %dma_wait3A_67 = arith.constant 0 : i32
      %dma_wait3A_68 = tpu.memref_slice %arg10[%add3A_50, %dma_wait3A_67] : memref<10112x128xf32, #tpu.memory_space<vmem_shared>> -> memref<120x128xf32, #tpu.memory_space<vmem_shared>>
      tpu.wait_dma2 semaphore(%run_scoped3A : memref<!tpu.dma_semaphore, #tpu.memory_space<semaphore_mem>>) src(%dma_wait3A_68 : memref<120x128xf32, #tpu.memory_space<vmem_shared>>) dst(%dma_wait3A_66 : memref<120x128xf32, #tpu.memory_space<vmem>>)
      tpu.yield
    }) : () -> ()
    "tpu.region"() ({
      %run_scoped3A = tpu.sem_alloc : memref<!tpu.dma_semaphore, #tpu.memory_space<semaphore_mem>>
      %dma_start3A = arith.constant 0 : i32
      %dma_start3A_51 = arith.constant 0 : i32
      %dma_start3A_52 = tpu.memref_slice %arg8[%dma_start3A, %dma_start3A_51] : memref<128x128xf32, #tpu.memory_space<vmem>> -> memref<120x128xf32, #tpu.memory_space<vmem>>
      %dma_start3A_53 = arith.constant 0 : i32
      %dma_start3A_54 = tpu.memref_slice %arg5[%arg0, %add3A_50, %dma_start3A_53] : memref<2x10112x128xf32, #tpu.memory_space<hbm>> -> memref<1x120x128xf32, #tpu.memory_space<hbm>>
      %dma_start3A_55 = tpu.memref_squeeze %dma_start3A_54 : memref<1x120x128xf32, #tpu.memory_space<hbm>> -> memref<120x128xf32, #tpu.memory_space<hbm>>
      %dma_start3A_56 = arith.constant 0 : i32
      %dma_start3A_57 = tpu.memref_slice %arg5[%arg0, %add3A_50, %dma_start3A_56] : memref<2x10112x128xf32, #tpu.memory_space<hbm>> -> memref<1x120x128xf32, #tpu.memory_space<hbm>>
      %dma_start3A_58 = tpu.memref_squeeze %dma_start3A_57 : memref<1x120x128xf32, #tpu.memory_space<hbm>> -> memref<120x128xf32, #tpu.memory_space<hbm>>
      %dma_start3A_59 = arith.constant 0 : i32
      %dma_start3A_60 = arith.constant 0 : i32
      %dma_start3A_61 = tpu.memref_slice %arg8[%dma_start3A_59, %dma_start3A_60] : memref<128x128xf32, #tpu.memory_space<vmem>> -> memref<120x128xf32, #tpu.memory_space<vmem>>
      tpu.enqueue_dma source(%dma_start3A_61 : memref<120x128xf32, #tpu.memory_space<vmem>>) target(%dma_start3A_58 : memref<120x128xf32, #tpu.memory_space<hbm>>) target_semaphore(%run_scoped3A : memref<!tpu.dma_semaphore, #tpu.memory_space<semaphore_mem>>)
      %dma_wait3A = arith.constant 0 : i32
      %dma_wait3A_62 = arith.constant 0 : i32
      %dma_wait3A_63 = tpu.memref_slice %arg8[%dma_wait3A, %dma_wait3A_62] : memref<128x128xf32, #tpu.memory_space<vmem>> -> memref<120x128xf32, #tpu.memory_space<vmem>>
      %dma_wait3A_64 = arith.constant 0 : i32
      %dma_wait3A_65 = tpu.memref_slice %arg5[%arg0, %add3A_50, %dma_wait3A_64] : memref<2x10112x128xf32, #tpu.memory_space<hbm>> -> memref<1x120x128xf32, #tpu.memory_space<hbm>>
      %dma_wait3A_66 = tpu.memref_squeeze %dma_wait3A_65 : memref<1x120x128xf32, #tpu.memory_space<hbm>> -> memref<120x128xf32, #tpu.memory_space<hbm>>
      %dma_wait3A_67 = arith.constant 0 : i32
      %dma_wait3A_68 = tpu.memref_slice %arg5[%arg0, %add3A_50, %dma_wait3A_67] : memref<2x10112x128xf32, #tpu.memory_space<hbm>> -> memref<1x120x128xf32, #tpu.memory_space<hbm>>
      %dma_wait3A_69 = tpu.memref_squeeze %dma_wait3A_68 : memref<1x120x128xf32, #tpu.memory_space<hbm>> -> memref<120x128xf32, #tpu.memory_space<hbm>>
      %dma_wait3A_70 = arith.constant 0 : i32
      %dma_wait3A_71 = arith.constant 0 : i32
      %dma_wait3A_72 = tpu.memref_slice %arg8[%dma_wait3A_70, %dma_wait3A_71] : memref<128x128xf32, #tpu.memory_space<vmem>> -> memref<120x128xf32, #tpu.memory_space<vmem>>
      tpu.wait_dma2 semaphore(%run_scoped3A : memref<!tpu.dma_semaphore, #tpu.memory_space<semaphore_mem>>) src(%dma_wait3A_72 : memref<120x128xf32, #tpu.memory_space<vmem>>) dst(%dma_wait3A_69 : memref<120x128xf32, #tpu.memory_space<hbm>>)
      tpu.yield
    }) : () -> ()
    return
  }
}

module attributes {stable_mosaic.version = 14 : i64} {
  func.func @_tc_prep(%arg0: i32, %arg1: memref<400x32xf32, #tpu.memory_space<vmem>>, %arg2: memref<400x128xf32, #tpu.memory_space<vmem>>, %arg3: memref<400x1xf32, #tpu.memory_space<vmem>>, %arg4: memref<400x128xf32, #tpu.memory_space<vmem>>) attributes {dimension_semantics = [#tpu.dimension_semantics<arbitrary>], iteration_bounds = array<i64: 25>, scalar_prefetch = 0 : i64, scratch_operands = 0 : i64, tpu.core_type = #tpu.core_type<tc>, window_params = [{transform_indices = @transform_0, window_bounds = array<i64: 400, 32>}, {transform_indices = @transform_1, window_bounds = array<i64: 400, 128>}, {transform_indices = @transform_2, window_bounds = array<i64: 400, 1>}, {transform_indices = @transform_3, window_bounds = array<i64: 400, 128>}]} {
    %get3A = arith.constant 0 : index
    %get3A_0 = arith.constant 0 : index
    %get3A_1 = vector.load %arg1[%get3A, %get3A_0] : memref<400x32xf32, #tpu.memory_space<vmem>>, vector<400x32xf32>
    %reduce_sum3A = arith.constant dense<0.000000e+00> : vector<400xf32>
    %reduce_sum3A_2 = vector.multi_reduction <add>, %get3A_1, %reduce_sum3A [1] : vector<400x32xf32> to vector<400xf32>
    %broadcast_in_dim3A = vector.shape_cast %reduce_sum3A_2 : vector<400xf32> to vector<400x1xf32>
    %add3A = arith.constant 1.000000e+00 : f32
    %add3A_3 = vector.broadcast %add3A : f32 to vector<400x1xf32>
    %add3A_4 = arith.addf %add3A_3, %broadcast_in_dim3A : vector<400x1xf32>
    %rsqrt3A = math.rsqrt %add3A_4 : vector<400x1xf32>
    %swap3A = arith.constant 0 : index
    %swap3A_5 = arith.constant 0 : index
    %swap3A_6 = vector.load %arg3[%swap3A, %swap3A_5] : memref<400x1xf32, #tpu.memory_space<vmem>>, vector<400x1xf32>
    tpu.vector_store %arg3[%swap3A, %swap3A_5], %rsqrt3A {strides = array<i32>} : memref<400x1xf32, #tpu.memory_space<vmem>>, vector<400x1xf32>,
    %get3A_7 = arith.constant 0 : index
    %get3A_8 = arith.constant 0 : index
    %get3A_9 = vector.load %arg2[%get3A_7, %get3A_8] : memref<400x128xf32, #tpu.memory_space<vmem>>, vector<400x128xf32>
    %mul3A = vector.broadcast %rsqrt3A : vector<400x1xf32> to vector<400x128xf32>
    %mul3A_10 = arith.mulf %get3A_9, %mul3A : vector<400x128xf32>
    %swap3A_11 = arith.constant 0 : index
    %swap3A_12 = arith.constant 0 : index
    %swap3A_13 = vector.load %arg4[%swap3A_11, %swap3A_12] : memref<400x128xf32, #tpu.memory_space<vmem>>, vector<400x128xf32>
    tpu.vector_store %arg4[%swap3A_11, %swap3A_12], %mul3A_10 {strides = array<i32>} : memref<400x128xf32, #tpu.memory_space<vmem>>, vector<400x128xf32>,
    return
  }
  func.func @transform_0(%arg0: i32) -> (i32, i32) {
    %c0_i32 = arith.constant 0 : i32
    %c0_i32_0 = arith.constant 0 : i32
    return %arg0, %c0_i32 : i32, i32
  }
  func.func @transform_1(%arg0: i32) -> (i32, i32) {
    %c0_i32 = arith.constant 0 : i32
    %c0_i32_0 = arith.constant 0 : i32
    return %arg0, %c0_i32 : i32, i32
  }
  func.func @transform_2(%arg0: i32) -> (i32, i32) {
    %c0_i32 = arith.constant 0 : i32
    %c0_i32_0 = arith.constant 0 : i32
    return %arg0, %c0_i32 : i32, i32
  }
  func.func @transform_3(%arg0: i32) -> (i32, i32) {
    %c0_i32 = arith.constant 0 : i32
    %c0_i32_0 = arith.constant 0 : i32
    return %arg0, %c0_i32 : i32, i32
  }
}

module attributes {stable_mosaic.version = 14 : i64} {
  func.func @_tc_l1(%arg0: i32, %arg1: memref<2x400x128xf32, #tpu.memory_space<vmem>>, %arg2: memref<400x128xf32, #tpu.memory_space<vmem>>, %arg3: memref<400x1xf32, #tpu.memory_space<vmem>>, %arg4: memref<128x256xf32, #tpu.memory_space<vmem>>, %arg5: memref<8x256xf32, #tpu.memory_space<vmem>>, %arg6: memref<256x128xf32, #tpu.memory_space<vmem>>, %arg7: memref<400x128xf32, #tpu.memory_space<vmem>>) attributes {dimension_semantics = [#tpu.dimension_semantics<arbitrary>], iteration_bounds = array<i64: 25>, scalar_prefetch = 0 : i64, scratch_operands = 0 : i64, tpu.core_type = #tpu.core_type<tc>, window_params = [{transform_indices = @transform_0, window_bounds = array<i64: 2, 400, 128>}, {transform_indices = @transform_1, window_bounds = array<i64: 400, 128>}, {transform_indices = @transform_2, window_bounds = array<i64: 400, 1>}, {pipeline_mode = #tpu.pipeline_mode<synchronous>, transform_indices = @transform_3, window_bounds = array<i64: 128, 256>}, {pipeline_mode = #tpu.pipeline_mode<synchronous>, transform_indices = @transform_4, window_bounds = array<i64: 8, 256>}, {pipeline_mode = #tpu.pipeline_mode<synchronous>, transform_indices = @transform_5, window_bounds = array<i64: 256, 128>}, {transform_indices = @transform_6, window_bounds = array<i64: 400, 128>}]} {
    %get3A = arith.constant 0 : index
    %get3A_0 = arith.constant 0 : index
    %get3A_1 = vector.load %arg3[%get3A, %get3A_0] : memref<400x1xf32, #tpu.memory_space<vmem>>, vector<400x1xf32>
    %get3A_2 = arith.constant 0 : index
    %get3A_3 = arith.constant 0 : index
    %get3A_4 = arith.constant 0 : index
    %get3A_5 = vector.load %arg1[%get3A_2, %get3A_3, %get3A_4] : memref<2x400x128xf32, #tpu.memory_space<vmem>>, vector<1x400x128xf32>
    %get3A_6 = vector.shape_cast %get3A_5 : vector<1x400x128xf32> to vector<400x128xf32>
    %get3A_7 = arith.constant 1 : index
    %get3A_8 = arith.constant 0 : index
    %get3A_9 = arith.constant 0 : index
    %get3A_10 = vector.load %arg1[%get3A_7, %get3A_8, %get3A_9] : memref<2x400x128xf32, #tpu.memory_space<vmem>>, vector<1x400x128xf32>
    %get3A_11 = vector.shape_cast %get3A_10 : vector<1x400x128xf32> to vector<400x128xf32>
    %add3A = arith.addf %get3A_6, %get3A_11 : vector<400x128xf32>
    %get3A_12 = arith.constant 0 : index
    %get3A_13 = arith.constant 0 : index
    %get3A_14 = vector.load %arg2[%get3A_12, %get3A_13] : memref<400x128xf32, #tpu.memory_space<vmem>>, vector<400x128xf32>
    %add3A_15 = arith.addf %add3A, %get3A_14 : vector<400x128xf32>
    %mul3A = vector.broadcast %get3A_1 : vector<400x1xf32> to vector<400x128xf32>
    %mul3A_16 = arith.mulf %add3A_15, %mul3A : vector<400x128xf32>
    %get3A_17 = arith.constant 0 : index
    %get3A_18 = arith.constant 0 : index
    %get3A_19 = vector.load %arg4[%get3A_17, %get3A_18] : memref<128x256xf32, #tpu.memory_space<vmem>>, vector<128x256xf32>
    %dot_general3A = arith.constant dense<0.000000e+00> : vector<400x256xf32>
    %dot_general3A_20 = tpu.matmul %mul3A_16, %get3A_19, %dot_general3A {dimension_numbers = #tpu.dot_dimension_numbers<[1], [0], [0], [1], [0, 0, 1, 1], [], []>, transpose_lhs_hint = false} : vector<400x128xf32>, vector<128x256xf32>, vector<400x256xf32> -> vector<400x256xf32>
    %get3A_21 = arith.constant 0 : index
    %get3A_22 = arith.constant 0 : index
    %get3A_23 = vector.load %arg5[%get3A_21, %get3A_22] : memref<8x256xf32, #tpu.memory_space<vmem>>, vector<1x256xf32>
    %add3A_24 = vector.broadcast %get3A_23 : vector<1x256xf32> to vector<400x256xf32>
    %add3A_25 = arith.addf %dot_general3A_20, %add3A_24 : vector<400x256xf32>
    %get3A_26 = arith.constant 0 : index
    %get3A_27 = arith.constant 0 : index
    %get3A_28 = vector.load %arg6[%get3A_26, %get3A_27] : memref<256x128xf32, #tpu.memory_space<vmem>>, vector<256x128xf32>
    %dot_general3A_29 = arith.constant dense<0.000000e+00> : vector<400x128xf32>
    %dot_general3A_30 = tpu.matmul %add3A_25, %get3A_28, %dot_general3A_29 {dimension_numbers = #tpu.dot_dimension_numbers<[1], [0], [0], [1], [0, 0, 1, 1], [], []>, transpose_lhs_hint = false} : vector<400x256xf32>, vector<256x128xf32>, vector<400x128xf32> -> vector<400x128xf32>
    %mul3A_31 = vector.broadcast %get3A_1 : vector<400x1xf32> to vector<400x128xf32>
    %mul3A_32 = arith.mulf %dot_general3A_30, %mul3A_31 : vector<400x128xf32>
    %swap3A = arith.constant 0 : index
    %swap3A_33 = arith.constant 0 : index
    %swap3A_34 = vector.load %arg7[%swap3A, %swap3A_33] : memref<400x128xf32, #tpu.memory_space<vmem>>, vector<400x128xf32>
    tpu.vector_store %arg7[%swap3A, %swap3A_33], %mul3A_32 {strides = array<i32>} : memref<400x128xf32, #tpu.memory_space<vmem>>, vector<400x128xf32>,
    return
  }
  func.func @transform_0(%arg0: i32) -> (i32, i32, i32) {
    %c0_i32 = arith.constant 0 : i32
    %c0_i32_0 = arith.constant 0 : i32
    %c0_i32_1 = arith.constant 0 : i32
    return %c0_i32, %arg0, %c0_i32_0 : i32, i32, i32
  }
  func.func @transform_1(%arg0: i32) -> (i32, i32) {
    %c0_i32 = arith.constant 0 : i32
    %c0_i32_0 = arith.constant 0 : i32
    return %arg0, %c0_i32 : i32, i32
  }
  func.func @transform_2(%arg0: i32) -> (i32, i32) {
    %c0_i32 = arith.constant 0 : i32
    %c0_i32_0 = arith.constant 0 : i32
    return %arg0, %c0_i32 : i32, i32
  }
  func.func @transform_3(%arg0: i32) -> (i32, i32) {
    %c0_i32 = arith.constant 0 : i32
    %c0_i32_0 = arith.constant 0 : i32
    %c0_i32_1 = arith.constant 0 : i32
    return %c0_i32, %c0_i32_0 : i32, i32
  }
  func.func @transform_4(%arg0: i32) -> (i32, i32) {
    %c0_i32 = arith.constant 0 : i32
    %c0_i32_0 = arith.constant 0 : i32
    %c0_i32_1 = arith.constant 0 : i32
    return %c0_i32, %c0_i32_0 : i32, i32
  }
  func.func @transform_5(%arg0: i32) -> (i32, i32) {
    %c0_i32 = arith.constant 0 : i32
    %c0_i32_0 = arith.constant 0 : i32
    %c0_i32_1 = arith.constant 0 : i32
    return %c0_i32, %c0_i32_0 : i32, i32
  }
  func.func @transform_6(%arg0: i32) -> (i32, i32) {
    %c0_i32 = arith.constant 0 : i32
    %c0_i32_0 = arith.constant 0 : i32
    return %arg0, %c0_i32 : i32, i32
  }
}

module attributes {stable_mosaic.version = 14 : i64} {
  func.func @_tc_l2(%arg0: i32, %arg1: memref<2x400x128xf32, #tpu.memory_space<vmem>>, %arg2: memref<400x128xf32, #tpu.memory_space<vmem>>, %arg3: memref<400x1xf32, #tpu.memory_space<vmem>>, %arg4: memref<8x128xf32, #tpu.memory_space<vmem>>, %arg5: memref<400x128xf32, #tpu.memory_space<vmem>>) attributes {dimension_semantics = [#tpu.dimension_semantics<arbitrary>], iteration_bounds = array<i64: 25>, scalar_prefetch = 0 : i64, scratch_operands = 0 : i64, tpu.core_type = #tpu.core_type<tc>, window_params = [{transform_indices = @transform_0, window_bounds = array<i64: 2, 400, 128>}, {transform_indices = @transform_1, window_bounds = array<i64: 400, 128>}, {transform_indices = @transform_2, window_bounds = array<i64: 400, 1>}, {pipeline_mode = #tpu.pipeline_mode<synchronous>, transform_indices = @transform_3, window_bounds = array<i64: 8, 128>}, {transform_indices = @transform_4, window_bounds = array<i64: 400, 128>}]} {
    %get3A = arith.constant 0 : index
    %get3A_0 = arith.constant 0 : index
    %get3A_1 = vector.load %arg3[%get3A, %get3A_0] : memref<400x1xf32, #tpu.memory_space<vmem>>, vector<400x1xf32>
    %get3A_2 = arith.constant 0 : index
    %get3A_3 = arith.constant 0 : index
    %get3A_4 = arith.constant 0 : index
    %get3A_5 = vector.load %arg1[%get3A_2, %get3A_3, %get3A_4] : memref<2x400x128xf32, #tpu.memory_space<vmem>>, vector<1x400x128xf32>
    %get3A_6 = vector.shape_cast %get3A_5 : vector<1x400x128xf32> to vector<400x128xf32>
    %get3A_7 = arith.constant 1 : index
    %get3A_8 = arith.constant 0 : index
    %get3A_9 = arith.constant 0 : index
    %get3A_10 = vector.load %arg1[%get3A_7, %get3A_8, %get3A_9] : memref<2x400x128xf32, #tpu.memory_space<vmem>>, vector<1x400x128xf32>
    %get3A_11 = vector.shape_cast %get3A_10 : vector<1x400x128xf32> to vector<400x128xf32>
    %add3A = arith.addf %get3A_6, %get3A_11 : vector<400x128xf32>
    %get3A_12 = arith.constant 0 : index
    %get3A_13 = arith.constant 0 : index
    %get3A_14 = vector.load %arg2[%get3A_12, %get3A_13] : memref<400x128xf32, #tpu.memory_space<vmem>>, vector<400x128xf32>
    %add3A_15 = arith.addf %add3A, %get3A_14 : vector<400x128xf32>
    %mul3A = vector.broadcast %get3A_1 : vector<400x1xf32> to vector<400x128xf32>
    %mul3A_16 = arith.mulf %add3A_15, %mul3A : vector<400x128xf32>
    %get3A_17 = arith.constant 0 : index
    %get3A_18 = arith.constant 0 : index
    %get3A_19 = vector.load %arg4[%get3A_17, %get3A_18] : memref<8x128xf32, #tpu.memory_space<vmem>>, vector<1x128xf32>
    %add3A_20 = vector.broadcast %get3A_19 : vector<1x128xf32> to vector<400x128xf32>
    %add3A_21 = arith.addf %mul3A_16, %add3A_20 : vector<400x128xf32>
    %max3A = arith.constant 0.000000e+00 : f32
    %max3A_22 = vector.broadcast %max3A : f32 to vector<400x128xf32>
    %max3A_23 = arith.maximumf %add3A_21, %max3A_22 : vector<400x128xf32>
    %mul3A_24 = vector.broadcast %get3A_1 : vector<400x1xf32> to vector<400x128xf32>
    %mul3A_25 = arith.mulf %max3A_23, %mul3A_24 : vector<400x128xf32>
    %swap3A = arith.constant 0 : index
    %swap3A_26 = arith.constant 0 : index
    %swap3A_27 = vector.load %arg5[%swap3A, %swap3A_26] : memref<400x128xf32, #tpu.memory_space<vmem>>, vector<400x128xf32>
    tpu.vector_store %arg5[%swap3A, %swap3A_26], %mul3A_25 {strides = array<i32>} : memref<400x128xf32, #tpu.memory_space<vmem>>, vector<400x128xf32>,
    return
  }
  func.func @transform_0(%arg0: i32) -> (i32, i32, i32) {
    %c0_i32 = arith.constant 0 : i32
    %c0_i32_0 = arith.constant 0 : i32
    %c0_i32_1 = arith.constant 0 : i32
    return %c0_i32, %arg0, %c0_i32_0 : i32, i32, i32
  }
  func.func @transform_1(%arg0: i32) -> (i32, i32) {
    %c0_i32 = arith.constant 0 : i32
    %c0_i32_0 = arith.constant 0 : i32
    return %arg0, %c0_i32 : i32, i32
  }
  func.func @transform_2(%arg0: i32) -> (i32, i32) {
    %c0_i32 = arith.constant 0 : i32
    %c0_i32_0 = arith.constant 0 : i32
    return %arg0, %c0_i32 : i32, i32
  }
  func.func @transform_3(%arg0: i32) -> (i32, i32) {
    %c0_i32 = arith.constant 0 : i32
    %c0_i32_0 = arith.constant 0 : i32
    %c0_i32_1 = arith.constant 0 : i32
    return %c0_i32, %c0_i32_0 : i32, i32
  }
  func.func @transform_4(%arg0: i32) -> (i32, i32) {
    %c0_i32 = arith.constant 0 : i32
    %c0_i32_0 = arith.constant 0 : i32
    return %arg0, %c0_i32 : i32, i32
  }
}

module attributes {stable_mosaic.version = 14 : i64} {
  func.func @_tc_fin(%arg0: i32, %arg1: memref<2x400x128xf32, #tpu.memory_space<vmem>>, %arg2: memref<400x128xf32, #tpu.memory_space<vmem>>, %arg3: memref<400x1xf32, #tpu.memory_space<vmem>>, %arg4: memref<128x64xf32, #tpu.memory_space<vmem>>, %arg5: memref<8x64xf32, #tpu.memory_space<vmem>>, %arg6: memref<400x64xf32, #tpu.memory_space<vmem>>) attributes {dimension_semantics = [#tpu.dimension_semantics<arbitrary>], iteration_bounds = array<i64: 25>, scalar_prefetch = 0 : i64, scratch_operands = 0 : i64, tpu.core_type = #tpu.core_type<tc>, window_params = [{transform_indices = @transform_0, window_bounds = array<i64: 2, 400, 128>}, {transform_indices = @transform_1, window_bounds = array<i64: 400, 128>}, {transform_indices = @transform_2, window_bounds = array<i64: 400, 1>}, {pipeline_mode = #tpu.pipeline_mode<synchronous>, transform_indices = @transform_3, window_bounds = array<i64: 128, 64>}, {pipeline_mode = #tpu.pipeline_mode<synchronous>, transform_indices = @transform_4, window_bounds = array<i64: 8, 64>}, {transform_indices = @transform_5, window_bounds = array<i64: 400, 64>}]} {
    %get3A = arith.constant 0 : index
    %get3A_0 = arith.constant 0 : index
    %get3A_1 = arith.constant 0 : index
    %get3A_2 = vector.load %arg1[%get3A, %get3A_0, %get3A_1] : memref<2x400x128xf32, #tpu.memory_space<vmem>>, vector<1x400x128xf32>
    %get3A_3 = vector.shape_cast %get3A_2 : vector<1x400x128xf32> to vector<400x128xf32>
    %get3A_4 = arith.constant 1 : index
    %get3A_5 = arith.constant 0 : index
    %get3A_6 = arith.constant 0 : index
    %get3A_7 = vector.load %arg1[%get3A_4, %get3A_5, %get3A_6] : memref<2x400x128xf32, #tpu.memory_space<vmem>>, vector<1x400x128xf32>
    %get3A_8 = vector.shape_cast %get3A_7 : vector<1x400x128xf32> to vector<400x128xf32>
    %add3A = arith.addf %get3A_3, %get3A_8 : vector<400x128xf32>
    %get3A_9 = arith.constant 0 : index
    %get3A_10 = arith.constant 0 : index
    %get3A_11 = vector.load %arg2[%get3A_9, %get3A_10] : memref<400x128xf32, #tpu.memory_space<vmem>>, vector<400x128xf32>
    %add3A_12 = arith.addf %add3A, %get3A_11 : vector<400x128xf32>
    %get3A_13 = arith.constant 0 : index
    %get3A_14 = arith.constant 0 : index
    %get3A_15 = vector.load %arg3[%get3A_13, %get3A_14] : memref<400x1xf32, #tpu.memory_space<vmem>>, vector<400x1xf32>
    %mul3A = vector.broadcast %get3A_15 : vector<400x1xf32> to vector<400x128xf32>
    %mul3A_16 = arith.mulf %add3A_12, %mul3A : vector<400x128xf32>
    %get3A_17 = arith.constant 0 : index
    %get3A_18 = arith.constant 0 : index
    %get3A_19 = vector.load %arg4[%get3A_17, %get3A_18] : memref<128x64xf32, #tpu.memory_space<vmem>>, vector<128x64xf32>
    %dot_general3A = arith.constant dense<0.000000e+00> : vector<400x64xf32>
    %dot_general3A_20 = tpu.matmul %mul3A_16, %get3A_19, %dot_general3A {dimension_numbers = #tpu.dot_dimension_numbers<[1], [0], [0], [1], [0, 0, 1, 1], [], []>, transpose_lhs_hint = false} : vector<400x128xf32>, vector<128x64xf32>, vector<400x64xf32> -> vector<400x64xf32>
    %get3A_21 = arith.constant 0 : index
    %get3A_22 = arith.constant 0 : index
    %get3A_23 = vector.load %arg5[%get3A_21, %get3A_22] : memref<8x64xf32, #tpu.memory_space<vmem>>, vector<1x64xf32>
    %add3A_24 = vector.broadcast %get3A_23 : vector<1x64xf32> to vector<400x64xf32>
    %add3A_25 = arith.addf %dot_general3A_20, %add3A_24 : vector<400x64xf32>
    %swap3A = arith.constant 0 : index
    %swap3A_26 = arith.constant 0 : index
    %swap3A_27 = vector.load %arg6[%swap3A, %swap3A_26] : memref<400x64xf32, #tpu.memory_space<vmem>>, vector<400x64xf32>
    tpu.vector_store %arg6[%swap3A, %swap3A_26], %add3A_25 {strides = array<i32>} : memref<400x64xf32, #tpu.memory_space<vmem>>, vector<400x64xf32>,
    return
  }
  func.func @transform_0(%arg0: i32) -> (i32, i32, i32) {
    %c0_i32 = arith.constant 0 : i32
    %c0_i32_0 = arith.constant 0 : i32
    %c0_i32_1 = arith.constant 0 : i32
    return %c0_i32, %arg0, %c0_i32_0 : i32, i32, i32
  }
  func.func @transform_1(%arg0: i32) -> (i32, i32) {
    %c0_i32 = arith.constant 0 : i32
    %c0_i32_0 = arith.constant 0 : i32
    return %arg0, %c0_i32 : i32, i32
  }
  func.func @transform_2(%arg0: i32) -> (i32, i32) {
    %c0_i32 = arith.constant 0 : i32
    %c0_i32_0 = arith.constant 0 : i32
    return %arg0, %c0_i32 : i32, i32
  }
  func.func @transform_3(%arg0: i32) -> (i32, i32) {
    %c0_i32 = arith.constant 0 : i32
    %c0_i32_0 = arith.constant 0 : i32
    %c0_i32_1 = arith.constant 0 : i32
    return %c0_i32, %c0_i32_0 : i32, i32
  }
  func.func @transform_4(%arg0: i32) -> (i32, i32) {
    %c0_i32 = arith.constant 0 : i32
    %c0_i32_0 = arith.constant 0 : i32
    %c0_i32_1 = arith.constant 0 : i32
    return %c0_i32, %c0_i32_0 : i32, i32
  }
  func.func @transform_5(%arg0: i32) -> (i32, i32) {
    %c0_i32 = arith.constant 0 : i32
    %c0_i32_0 = arith.constant 0 : i32
    return %arg0, %c0_i32 : i32, i32
  }
}

</mosaic_0001>

<sc_bundles>
// kernel: kernel.10.cloned.1.call-start
scs
__scs_entry_jumppad:
0x0: {  	(pc) =	sbr.rel $0x88, $3  }
0x1: {  	(tag) =	ssettag $0x0;
	lr =	simm.s32 $0x1  }
0x2: {  	[smem:$0x3F99] =	sst lr;
	_ =	strace $0xD0000000  }
0x3: {  	_ = 	snop  }
0x4: {  	_ = 	snop  }
0x5: {  	_ = 	snop  }
0x6: {  	_ = 	snop  }
0x7: {  	_ = 	snop  }
__scs_overlays_trampoline_lowered:
0x8: {  	[smem:$0x3FA8] =	sst s0  }
0x9: {  	[smem:$0x3FA9] =	sst s1  }
0xa: {  	[smem:$0x3FAA] =	sst s2  }
0xb: {  	[smem:$0x3FAB] =	sst s3  }
0xc: {  	[smem:$0x3FAC] =	sst s4  }
0xd: {  	[smem:$0x3FAD] =	sst s5  }
0xe: {  	[smem:$0x3FAE] =	sst s6  }
0xf: {  	[smem:$0x3FAF] =	sst s7  }
0x10: {  	[smem:$0x3FB0] =	sst s8  }
0x11: {  	[smem:$0x3FB1] =	sst s9;
	s0 =	simm.s32 @!p0 $0x0  }
0x12: {  	s1 =	sld [smem:$0x3F97];
	s0 =	simm.s32 @p0 $0x1  }
0x13: {  	[smem:$0x3FB2] =	sst s0;
	s0 =	simm.s32 @!p1 $0x0  }
0x14: {  	s2 =	sld [smem:$0x3F96];
	s0 =	simm.s32 @p1 $0x1  }
0x15: {  	[smem:$0x3FB3] =	sst s0;
	s0 =	simm.s32 @!p2 $0x0  }
0x16: {  	s3 =	sld [smem:$0x3FDB];
	s0 =	simm.s32 @p2 $0x1  }
0x17: {  	s4 =	simm.s32 $0x1BF5;
	[smem:$0x3FB5] =	sst s0  }
0x18: {  	s0 =	sld [smem:$0x3F98];
	_ =	swait.ge [sflag:s4], $0x0  }
0x19: {  	s7 =	sld [smem:$0x3F99]  }
0x1a: {  	s8 =	sadd.s32 $0xFFFFE003, lr  }
0x1b: {  	s9 =	sadd.s32 $0xFFFFFEF7, lr;
	s5 =	simm.s32 $0xFFFFFFFF;
	p2 =	slt.u32 s8, $0xFFFFF086  }
0x1c: {  	p1 =	slt.u32 s9, $0xF7A;
	s5 =	simm.s32 @!p2 $0x0  }
0x1d: {  	s5 =	simm.s32 @p1 $0x1;
	p0 =	seq.s32 s7, s2  }
0x1e: {  	s7 =	smul.u32 @!p0 $0xF7A, s2;
	p2 =	seq.s32 @!p0 s5, $0x0  }
0x1f: {  	s9 =	smul.u32 $0xF7A, s1;
	s8 =	simm.s32 @!p0 $0x1BF5;
	p2 =	por !p2, p0  }
0x20: {  	[sflag:s8] =	ssyncset.s32 @!p0 $0xFFFFF086;
	s6 =	sadd.s32 @!p0 s3, s7;
	s7 =	simm.s32 @!p0 $0x108  }
0x21: {  	s3 =	sadd.s32 s3, s9;
	s6 =	sadd.s32 @!p0 $0x88, s6;
	s7 =	simm.s32 @p2 $0x1082  }
0x22: {  	[simem:s7], [sflag:s8] =	dma.local @!p0 [hbm:s6], $0xF7A  }
0x23: {  	s9 =	sor.u32 $0xD0000000, s2;
	s6 =	simm.s32 $0x108;
	_ =	swait.ge @!p0 [sflag:s8], $0x0  }
0x24: {  	s3 =	sadd.s32 $0x88, s3;
	s6 =	simm.s32 @!p1 $0x1082;
	[sflag:s4] =	ssyncset.s32 $0xFFFFF086  }
0x25: {  	[simem:s6], [sflag:s4] =	dma.local [hbm:s3], $0xF7A  }
0x26: {  	[smem:$0x3F99] =	sst s1;
	(tag) =	ssettag s2;
	_ =	strace s9  }
0x27: {  	s1 =	sld [smem:$0x3FA9]  }
0x28: {  	s2 =	sld [smem:$0x3FAA]  }
0x29: {  	s4 =	sld [smem:$0x3FAC]  }
0x2a: {  	p0 =	seq.s32 s5, $0x0;
	s5 =	sld [smem:$0x3FAD]  }
0x2b: {  	s6 =	sld [smem:$0x3FAE]  }
0x2c: {  	s7 =	sld [smem:$0x3FAF]  }
0x2d: {  	s3 =	simm.s32 $0x108;
	s8 =	sld [smem:$0x3FB0]  }
0x2e: {  	s3 =	simm.s32 @!p0 $0x1082;
	s9 =	sld [smem:$0x3FB1]  }
0x2f: {  	lr =	sadd.s32 s0, s3;
	s0 =	sld [smem:$0x3FA8]  }
0x30: {  	s3 =	sld [smem:$0x3FAB]  }
0x31: {  	[smem:$0x3FB4] =	sst s10  }
0x32: {  	s10 =	sld [smem:$0x3FB2];
	_ =	sdelay $0x3  }
0x33: {  	p0 =	seq.s32 s10, $0x1;
	s10 =	sld [smem:$0x3FB4];
	_ =	sdelay $0x3  }
0x34: {  	[smem:$0x3FB4] =	sst s10  }
0x35: {  	s10 =	sld [smem:$0x3FB3];
	_ =	sdelay $0x3  }
0x36: {  	p1 =	seq.s32 s10, $0x1;
	s10 =	sld [smem:$0x3FB4];
	_ =	sdelay $0x3  }
0x37: {  	[smem:$0x3FB4] =	sst s10  }
0x38: {  	s10 =	sld [smem:$0x3FB5]  }
0x39: {  	_ = 	snop;
	(pc) =	sbr.ind lr, $3  }
0x3a: {  	_ = 	snop  }
0x3b: {  	_ = 	snop  }
0x3c: {  	p2 =	seq.s32 s10, $0x1;
	s10 =	sld [smem:$0x3FB4]  }
0x3d: {  	_ =	shalt  }
0x3e: {  	_ =	shalt  }
0x3f: {  	_ =	shalt  }
0x40: {  	_ =	shalt  }
0x41: {  	_ =	shalt  }
0x42: {  	_ =	shalt  }
0x43: {  	_ =	shalt  }
0x44: {  	_ =	shalt  }
0x45: {  	_ =	shalt  }
0x46: {  	_ =	shalt  }
0x47: {  	_ =	shalt  }
0x48: {  	_ =	shalt  }
0x49: {  	_ =	shalt  }
0x4a: {  	_ =	shalt  }
0x4b: {  	_ =	shalt  }
0x4c: {  	_ =	shalt  }
0x4d: {  	_ =	shalt  }
0x4e: {  	_ =	shalt  }
0x4f: {  	_ =	shalt  }
0x50: {  	_ =	shalt  }
0x51: {  	_ =	shalt  }
0x52: {  	_ =	shalt  }
0x53: {  	_ =	shalt  }
0x54: {  	_ =	shalt  }
0x55: {  	_ =	shalt  }
0x56: {  	_ =	shalt  }
0x57: {  	_ =	shalt  }
0x58: {  	_ =	shalt  }
0x59: {  	_ =	shalt  }
0x5a: {  	_ =	shalt  }
0x5b: {  	_ =	shalt  }
0x5c: {  	_ =	shalt  }
0x5d: {  	_ =	shalt  }
0x5e: {  	_ =	shalt  }
0x5f: {  	_ =	shalt  }
0x60: {  	_ =	shalt  }
0x61: {  	_ =	shalt  }
0x62: {  	_ =	shalt  }
0x63: {  	_ =	shalt  }
0x64: {  	_ =	shalt  }
0x65: {  	_ =	shalt  }
0x66: {  	_ =	shalt  }
0x67: {  	_ =	shalt  }
0x68: {  	_ =	shalt  }
0x69: {  	_ =	shalt  }
0x6a: {  	_ =	shalt  }
0x6b: {  	_ =	shalt  }
0x6c: {  	_ =	shalt  }
0x6d: {  	_ =	shalt  }
0x6e: {  	_ =	shalt  }
0x6f: {  	_ =	shalt  }
0x70: {  	_ =	shalt  }
0x71: {  	_ =	shalt  }
0x72: {  	_ =	shalt  }
0x73: {  	_ =	shalt  }
0x74: {  	_ =	shalt  }
0x75: {  	_ =	shalt  }
0x76: {  	_ =	shalt  }
0x77: {  	_ =	shalt  }
0x78: {  	_ =	shalt  }
0x79: {  	_ =	shalt  }
0x7a: {  	_ =	shalt  }
0x7b: {  	_ =	shalt  }
0x7c: {  	_ =	shalt  }
0x7d: {  	_ =	shalt  }
0x7e: {  	_ =	shalt  }
0x7f: {  	_ =	shalt  }
0x80: {  	_ =	shalt  }
0x81: {  	_ =	shalt  }
0x82: {  	_ =	shalt  }
0x83: {  	_ =	shalt  }
0x84: {  	_ =	shalt  }
0x85: {  	_ =	shalt  }
0x86: {  	_ =	shalt  }
0x87: {  	_ =	shalt  }
.Lfunc_end0:
.L_simem_size_0:
called_computation_lowered:
.L_overlay_start_0:
0x88: {  	s2 =	sld [smem:$0x3FD9]  }
0x89: {  	s3 =	sld [smem:$0x3FFE];
	_ =	sdelay $0x1  }
0x8a: {  	s1 =	srdreg.scid  }
0x8b: {  	s0 =	sand.u32 $0x1, s1  }
0x8c: {  	s17 =	sshll.u32 s0, $0xA;
	s2 =	sadd.s32 s3, s2  }
0x8d: {  	s2 =	sadd.s32 s2, s17  }
0x8e: {  	[smem:$0x3FC0] =	sst s2  }
0x8f: {  	_ = 	snop  }
0x90: {  	s2 =	sld [smem:$0x3FD0];
	(tm) =	ssettm $0x1  }
0x91: {  	s18 =	sld [smem:$0x3FFB];
	_ =	sdelay $0x3  }
0x92: {  	_ =	strace s18  }
0x93: {  	s3 =	sld [smem:$0x3FFC];
	_ =	sdelay $0x3  }
0x94: {  	_ =	strace s3  }
0x95: {  	s3 =	sld [smem:$0x3FFD];
	_ =	sdelay $0x3  }
0x96: {  	_ =	strace s3  }
0x97: {  	_ =	strace $0x8FFFFFFF  }
0x98: {  	s19 =	sld [smem:$0x3FDB];
	_ =	sdelay $0x1  }
0x99: {  	s4 =	simm.s32 $_scs_section_size  }
0x9a: {  	s5 =	simm.s32 $_size__tile_overlayer_lowered;
	s6 =	simm.s32 $_tile_overlayer_lowered  }
0x9b: {  	s22 =	simm.s32 $0x1BFF;
	s21 =	sshll.u32 s6, $0x1;
	s3 =	sadd.s32 s4, s19  }
0x9c: {  	s7 =	simm.s32 $0x0;
	s20 =	sshll.u32 s5, $0x1;
	s5 =	sadd.s32 s21, s3  }
0x9d: {  	[timem:s7], [sflag:s22] =	dma.local [hbm:s5], s20  }
0x9e: {  	_ =	swait.ge [sflag:s22], s20  }
0x9f: {  	s4 =	ssub.s32 $0x0, s20;
	[sflag:s22] =	ssyncset.done $0x0  }
0xa0: {  	[sflag:s22] =	ssyncadd.s32 s4;
	_ =	sdelay $0x1  }
0xa1: {  	s23 =	simm.s32 $0x1B8B  }
0xa2: {  	_ =	swait.ge [sflag:s23], $0x1  }
0xa3: {  	[sflag:s23] =	ssyncset.done $0x0  }
0xa4: {  	s25 =	simm.s32 $0x1B8E;
	s24 =	sld [smem:$0x3FFE];
	[sflag:s23] =	ssyncadd.s32 $0xFFFFFFFF  }
0xa5: {  	s26 =	simm.s32 $execute0_lowered;
	[smem:$0x3FD2] =	sst s25  }
0xa6: {  	s5 =	sshll.u32 s26, $0x1;
	_ =	strace $0x80000046;
	[dreg:$0x1] =	wrdreg $0xFFFFFFFF  }
0xa7: {  	s28 =	simm.s32 $_size_execute0_lowered;
	s3 =	sadd.s32 s3, s5;
	[dreg:$0x0] =	wrdreg $0x0  }
0xa8: {  	s5 =	sshll.u32 s28, $0x1;
	[dreg:$0x2] =	wrdreg s3  }
0xa9: {  	[dreg:$0x3] =	wrdreg s5  }
0xaa: {  	[dreg:$0x4] =	wrdreg $0xC0  }
0xab: {  	_ =	task [dreg:s7], $0x5FFFF  }
0xac: {  	[dreg:$0x1] =	wrdreg $0xFFFFFFFF  }
0xad: {  	[dreg:$0x0] =	wrdreg $0x60  }
0xae: {  	[dreg:$0x2] =	wrdreg s2  }
0xaf: {  	[dreg:$0x3] =	wrdreg s24  }
0xb0: {  	[dreg:$0x4] =	wrdreg $0x9  }
0xb1: {  	_ =	task.clear_ibuf [dreg:s7], $0x5FFFF;
	_ =	strace $0x90000046  }
0xb2: {  	s29 =	simm.s32 $0x9;
	_ =	strace $0x80000048  }
0xb3: {  	_ =	swait.ge [sflag:s29], $0x1  }
0xb4: {  	[sflag:s29] =	ssyncadd.s32 $0xFFFFFFFF  }
0xb5: {  	_ =	strace $0x90000048  }
0xb6: {  	_ =	sfence  }
0xb7: {  	s30 =	sld [smem:$0x0];
	_ =	sdelay $0x2  }
0xb8: {  	s31 =	sshll.u32 s1, $0xD;
	s1 =	sshrl.u32 s1, $0x2  }
0xb9: {  	s3 =	sand.u32 $0x4000, s31;
	s1 =	sadd.s32 s1, s30  }
0xba: {  	s0 =	sor.u32 s3, s0;
	s1 =	sshll.u32 s1, $0x11  }
0xbb: {  	s0 =	sor.u32 s1, s0  }
0xbc: {  	s0 =	sadd.s32 $0x8F2B, s0  }
0xbd: {  	[sflag:s0] =	ssyncadd.remote.s32 $0x1  }
0xbe: {  	_ =	sfence.sel $0xFFFF  }
0xbf: {  	[dreg:$0x0] =	wrdreg $0xFFFFFFFF;
	(pc) =	sbr.abs _section_cstart, $3  }
0xc0: {  	[dreg:$0x1] =	wrdreg $0xFFFFFFFF  }
0xc1: {  	_ =	task.clear_ibuf [dreg:s7], $0x2FFFF;
	_ =	strace $0x9FFFFFFF  }
0xc2: {  	(tm) =	ssettm $0x7FFFFFFF  }
0xc3: {  	_ =	shalt  }
tec
execute0_lowered:
.L_overlay_start_1:
0x0: {  	(tag) =	ssettag $0x1  }
0x1: {  	s4 =	rddreg [dreg:$0x0];
	s1 =	srdreg.scid  }
0x2: {  	s0 =	stileid.u32;
	s5 =	rddreg [dreg:$0x1]  }
0x3: {  	s9 =	simm.s32 $0x80;
	s10 =	simm.s32 $0x400;
	s11 =	simm.s32 $0x0  }
0x4: {  	s3 =	sand.u32 $0x1, s1;
	s2 =	sshll.u32 s0, $0x1;
	s1 =	rddreg [dreg:$0x2]  }
0x5: {  	s7 =	sshrl.u32 s0, $0x2;
	s6 =	sor.u32 s3, s2;
	s2 =	simm.s32 $0x0  }
0x6: {  	s7 =	smul.u32 $0x13C00, s7;
	s30 =	ssub.s32 $0x2, s3;
	s8 =	sshll.u32 s6, $0x7  }
0x7: {  	s3 =	sadd.s32 $0xD200, s5;
	s6 =	smul.u32 $0x500, s6;
	s8 =	sand.u32 $0x380, s8  }
0x8: {  	[smem:$0x7FF] =	sst s2;
	s31 =	sshrl.u32 s30, $0x1;
	s7 =	sor.u32 s7, s8  }
0x9: {  	_ =	strace $0x80000047;
	s4 =	sadd.s32 s4, s6;
	s7 =	sshrl.u32 s7, $0x3  }
0xa: {  	s8 =	simm.s32 $0x1;
	s5 =	sadd.s32 s7, s5;
	s7 =	ssub.s32 s30, s31  }
0xb: {  	v0 =	vimm.f32 $1.000000000e+00;
	s5 =	sadd.s32 $0xD800, s5;
	s6 =	smax.u32 s7, $0x1;
	s7 =	simm.s32 $0x2800  }
.LBB2_1:
0xc: {  	[tilespmem:s7], [sflag:$0x1] =	stream.linear.gather [hbm4b:s3+s2], $0x2780, $0x38;
	[tilespmem:$0x4F80] =	vst v63  }
0xd: {  	_ =	swait.ge [sflag:s8], $0x2780  }
0xe: {  	[sflag:s8] =	ssyncset.done $0x0  }
0xf: {  	[sflag:s8] =	ssyncadd.s32 $0xFFFFD880  }
0x10: {  	[tilespmem:s2], [sflag:$0x1] =	stream.linear.gather [hbm4b:s4+s2], $0x2800, $0x38;
	[tilespmem:$0x4F80] =	vst v63  }
0x11: {  	_ =	swait.ge [sflag:s8], $0x2800  }
0x12: {  	[sflag:s8] =	ssyncset.done $0x0  }
0x13: {  	s12 =	simm.s32 $0x0;
	[sflag:s8] =	ssyncadd.s32 $0xFFFFD800  }
.LBB2_2:
0x14: {  	s13 =	sshra.s32 s12, $0x2  }
0x15: {  	v1 =	vld [tilespmem:s13+$0x0];
	_ =	sdelay $0x7  }
0x16: {  	[tilespmem:v1+s7+$0x0] =	vst.idx.add.f32.msk $0xffff, v0  }
0x17: {  	v1 =	vld [tilespmem:s13+$0x10];
	_ =	sdelay $0x7  }
0x18: {  	[tilespmem:v1+s7+$0x0] =	vst.idx.add.f32.msk $0xffff, v0  }
0x19: {  	v1 =	vld [tilespmem:s13+$0x20];
	_ =	sdelay $0x7  }
0x1a: {  	[tilespmem:v1+s7+$0x0] =	vst.idx.add.f32.msk $0xffff, v0  }
0x1b: {  	v1 =	vld [tilespmem:s13+$0x30];
	_ =	sdelay $0x7  }
0x1c: {  	[tilespmem:v1+s7+$0x0] =	vst.idx.add.f32.msk $0xffff, v0  }
0x1d: {  	v1 =	vld [tilespmem:s13+$0x40];
	_ =	sdelay $0x7  }
0x1e: {  	[tilespmem:v1+s7+$0x0] =	vst.idx.add.f32.msk $0xffff, v0  }
0x1f: {  	v1 =	vld [tilespmem:s13+$0x50];
	_ =	sdelay $0x7  }
0x20: {  	[tilespmem:v1+s7+$0x0] =	vst.idx.add.f32.msk $0xffff, v0  }
0x21: {  	v1 =	vld [tilespmem:s13+$0x60];
	_ =	sdelay $0x7  }
0x22: {  	[tilespmem:v1+s7+$0x0] =	vst.idx.add.f32.msk $0xffff, v0  }
0x23: {  	v1 =	vld [tilespmem:s13+$0x70];
	_ =	sdelay $0x2  }
0x24: {  	p0 =	sne.s32 s12, $0x9E00  }
.Ltmp0:
0x25: {  	_ = 	snop;
	(pc) =	sbr.rel @p0 .LBB2_2-.Ltmp0, $2  }
0x26: {  	_ =	sdelay $0x2  }
0x27: {  	s12 =	sadd.s32 $0x200, s12;
	[tilespmem:v1+s7+$0x0] =	vst.idx.add.f32.msk $0xffff, v0  }
0x28: {  	s11 =	sadd.s32 $0x1, s11  }
0x29: {  	p0 =	sne.s32 s11, s6  }
.Ltmp1:
0x2a: {  	_ = 	snop;
	(pc) =	sbr.rel @p0 .LBB2_1-.Ltmp1, $4  }
0x2b: {  	[hbm4b:s5+s9] =	stream.strided.scatter [tilespmem:s7], [sflag:$0x1], $0x2780, s10, s9, $0x38;
	[tilespmem:$0x4F80] =	vst v63  }
0x2c: {  	_ =	swait.ge [sflag:s8], $0x2780  }
0x2d: {  	[sflag:s8] =	ssyncset.done $0x0  }
0x2e: {  	[sflag:s8] =	ssyncadd.s32 $0xFFFFD880  }
0x2f: {  	_ =	sfence.sel $0x180000  }
0x30: {  	[bflag:$0x0] =	sbarrier.arrive $0xFFFF  }
0x31: {  	p0 =	sne.s32 s0, $0x0;
	_ =	strace $0x90000047  }
0x32: {  	s0 =	sadd.s32 @!p0 $0x100000, s1;
	[bflag:$0x2] =	sbarrier.arrive $0xFFFF  }
0x33: {  	[sflag:s0] =	ssyncadd.tile.s32 @!p0 $0x1;
	_ =	shalt  }
.Lfunc_end2:
_tile_overlayer_lowered:
.L_overlay_start_2:
0x34: {  	(tag) =	ssettag $0x2  }
0x35: {  	s0 =	rddreg [dreg:$0x0];
	s2 =	stileid.u32  }
0x36: {  	s1 =	rddreg [dreg:$0x1];
	p0 =	sne.s32 s2, $0x0  }
0x37: {  	s3 =	rddreg [dreg:$0x2];
	[bflag:$0x3] =	sbarrier.arrive $0xFFFF;
	s2 =	simm.s32 @!p0 $0x1C01  }
0x38: {  	[timem:s3], [sflag:s2] =	dma.local @!p0 [hbm:s0], s1  }
0x39: {  	s0 =	simm.s32 @!p0 $0x1  }
0x3a: {  	_ =	swait.ge @!p0 [sflag:s0], s1  }
0x3b: {  	s1 =	ssub.s32 @!p0 $0x0, s1;
	[sflag:s0] =	ssyncset.done @!p0 $0x0  }
0x3c: {  	[sflag:s0] =	ssyncadd.s32 @!p0 s1  }
0x3d: {  	[bflag:$0x3] =	sbarrier.arrive $0xFFFF  }
0x3e: {  	_ =	shalt  }

// kernel: kernel.13.cloned.1.call-start
scs
__scs_entry_jumppad:
0x0: {  	(pc) =	sbr.rel $0x88, $3  }
0x1: {  	(tag) =	ssettag $0x0;
	lr =	simm.s32 $0x1  }
0x2: {  	[smem:$0x3F99] =	sst lr;
	_ =	strace $0xD0000000  }
0x3: {  	_ = 	snop  }
0x4: {  	_ = 	snop  }
0x5: {  	_ = 	snop  }
0x6: {  	_ = 	snop  }
0x7: {  	_ = 	snop  }
__scs_overlays_trampoline_lowered:
0x8: {  	[smem:$0x3FA8] =	sst s0  }
0x9: {  	[smem:$0x3FA9] =	sst s1  }
0xa: {  	[smem:$0x3FAA] =	sst s2  }
0xb: {  	[smem:$0x3FAB] =	sst s3  }
0xc: {  	[smem:$0x3FAC] =	sst s4  }
0xd: {  	[smem:$0x3FAD] =	sst s5  }
0xe: {  	[smem:$0x3FAE] =	sst s6  }
0xf: {  	[smem:$0x3FAF] =	sst s7  }
0x10: {  	[smem:$0x3FB0] =	sst s8  }
0x11: {  	[smem:$0x3FB1] =	sst s9;
	s0 =	simm.s32 @!p0 $0x0  }
0x12: {  	s1 =	sld [smem:$0x3F97];
	s0 =	simm.s32 @p0 $0x1  }
0x13: {  	[smem:$0x3FB2] =	sst s0;
	s0 =	simm.s32 @!p1 $0x0  }
0x14: {  	s2 =	sld [smem:$0x3F96];
	s0 =	simm.s32 @p1 $0x1  }
0x15: {  	[smem:$0x3FB3] =	sst s0;
	s0 =	simm.s32 @!p2 $0x0  }
0x16: {  	s3 =	sld [smem:$0x3FDB];
	s0 =	simm.s32 @p2 $0x1  }
0x17: {  	s4 =	simm.s32 $0x1BF5;
	[smem:$0x3FB5] =	sst s0  }
0x18: {  	s0 =	sld [smem:$0x3F98];
	_ =	swait.ge [sflag:s4], $0x0  }
0x19: {  	s7 =	sld [smem:$0x3F99]  }
0x1a: {  	s8 =	sadd.s32 $0xFFFFE003, lr  }
0x1b: {  	s9 =	sadd.s32 $0xFFFFFEF7, lr;
	s5 =	simm.s32 $0xFFFFFFFF;
	p2 =	slt.u32 s8, $0xFFFFF086  }
0x1c: {  	p1 =	slt.u32 s9, $0xF7A;
	s5 =	simm.s32 @!p2 $0x0  }
0x1d: {  	s5 =	simm.s32 @p1 $0x1;
	p0 =	seq.s32 s7, s2  }
0x1e: {  	s7 =	smul.u32 @!p0 $0xF7A, s2;
	p2 =	seq.s32 @!p0 s5, $0x0  }
0x1f: {  	s9 =	smul.u32 $0xF7A, s1;
	s8 =	simm.s32 @!p0 $0x1BF5;
	p2 =	por !p2, p0  }
0x20: {  	[sflag:s8] =	ssyncset.s32 @!p0 $0xFFFFF086;
	s6 =	sadd.s32 @!p0 s3, s7;
	s7 =	simm.s32 @!p0 $0x108  }
0x21: {  	s3 =	sadd.s32 s3, s9;
	s6 =	sadd.s32 @!p0 $0x88, s6;
	s7 =	simm.s32 @p2 $0x1082  }
0x22: {  	[simem:s7], [sflag:s8] =	dma.local @!p0 [hbm:s6], $0xF7A  }
0x23: {  	s9 =	sor.u32 $0xD0000000, s2;
	s6 =	simm.s32 $0x108;
	_ =	swait.ge @!p0 [sflag:s8], $0x0  }
0x24: {  	s3 =	sadd.s32 $0x88, s3;
	s6 =	simm.s32 @!p1 $0x1082;
	[sflag:s4] =	ssyncset.s32 $0xFFFFF086  }
0x25: {  	[simem:s6], [sflag:s4] =	dma.local [hbm:s3], $0xF7A  }
0x26: {  	[smem:$0x3F99] =	sst s1;
	(tag) =	ssettag s2;
	_ =	strace s9  }
0x27: {  	s1 =	sld [smem:$0x3FA9]  }
0x28: {  	s2 =	sld [smem:$0x3FAA]  }
0x29: {  	s4 =	sld [smem:$0x3FAC]  }
0x2a: {  	p0 =	seq.s32 s5, $0x0;
	s5 =	sld [smem:$0x3FAD]  }
0x2b: {  	s6 =	sld [smem:$0x3FAE]  }
0x2c: {  	s7 =	sld [smem:$0x3FAF]  }
0x2d: {  	s3 =	simm.s32 $0x108;
	s8 =	sld [smem:$0x3FB0]  }
0x2e: {  	s3 =	simm.s32 @!p0 $0x1082;
	s9 =	sld [smem:$0x3FB1]  }
0x2f: {  	lr =	sadd.s32 s0, s3;
	s0 =	sld [smem:$0x3FA8]  }
0x30: {  	s3 =	sld [smem:$0x3FAB]  }
0x31: {  	[smem:$0x3FB4] =	sst s10  }
0x32: {  	s10 =	sld [smem:$0x3FB2];
	_ =	sdelay $0x3  }
0x33: {  	p0 =	seq.s32 s10, $0x1;
	s10 =	sld [smem:$0x3FB4];
	_ =	sdelay $0x3  }
0x34: {  	[smem:$0x3FB4] =	sst s10  }
0x35: {  	s10 =	sld [smem:$0x3FB3];
	_ =	sdelay $0x3  }
0x36: {  	p1 =	seq.s32 s10, $0x1;
	s10 =	sld [smem:$0x3FB4];
	_ =	sdelay $0x3  }
0x37: {  	[smem:$0x3FB4] =	sst s10  }
0x38: {  	s10 =	sld [smem:$0x3FB5]  }
0x39: {  	_ = 	snop;
	(pc) =	sbr.ind lr, $3  }
0x3a: {  	_ = 	snop  }
0x3b: {  	_ = 	snop  }
0x3c: {  	p2 =	seq.s32 s10, $0x1;
	s10 =	sld [smem:$0x3FB4]  }
0x3d: {  	_ =	shalt  }
0x3e: {  	_ =	shalt  }
0x3f: {  	_ =	shalt  }
0x40: {  	_ =	shalt  }
0x41: {  	_ =	shalt  }
0x42: {  	_ =	shalt  }
0x43: {  	_ =	shalt  }
0x44: {  	_ =	shalt  }
0x45: {  	_ =	shalt  }
0x46: {  	_ =	shalt  }
0x47: {  	_ =	shalt  }
0x48: {  	_ =	shalt  }
0x49: {  	_ =	shalt  }
0x4a: {  	_ =	shalt  }
0x4b: {  	_ =	shalt  }
0x4c: {  	_ =	shalt  }
0x4d: {  	_ =	shalt  }
0x4e: {  	_ =	shalt  }
0x4f: {  	_ =	shalt  }
0x50: {  	_ =	shalt  }
0x51: {  	_ =	shalt  }
0x52: {  	_ =	shalt  }
0x53: {  	_ =	shalt  }
0x54: {  	_ =	shalt  }
0x55: {  	_ =	shalt  }
0x56: {  	_ =	shalt  }
0x57: {  	_ =	shalt  }
0x58: {  	_ =	shalt  }
0x59: {  	_ =	shalt  }
0x5a: {  	_ =	shalt  }
0x5b: {  	_ =	shalt  }
0x5c: {  	_ =	shalt  }
0x5d: {  	_ =	shalt  }
0x5e: {  	_ =	shalt  }
0x5f: {  	_ =	shalt  }
0x60: {  	_ =	shalt  }
0x61: {  	_ =	shalt  }
0x62: {  	_ =	shalt  }
0x63: {  	_ =	shalt  }
0x64: {  	_ =	shalt  }
0x65: {  	_ =	shalt  }
0x66: {  	_ =	shalt  }
0x67: {  	_ =	shalt  }
0x68: {  	_ =	shalt  }
0x69: {  	_ =	shalt  }
0x6a: {  	_ =	shalt  }
0x6b: {  	_ =	shalt  }
0x6c: {  	_ =	shalt  }
0x6d: {  	_ =	shalt  }
0x6e: {  	_ =	shalt  }
0x6f: {  	_ =	shalt  }
0x70: {  	_ =	shalt  }
0x71: {  	_ =	shalt  }
0x72: {  	_ =	shalt  }
0x73: {  	_ =	shalt  }
0x74: {  	_ =	shalt  }
0x75: {  	_ =	shalt  }
0x76: {  	_ =	shalt  }
0x77: {  	_ =	shalt  }
0x78: {  	_ =	shalt  }
0x79: {  	_ =	shalt  }
0x7a: {  	_ =	shalt  }
0x7b: {  	_ =	shalt  }
0x7c: {  	_ =	shalt  }
0x7d: {  	_ =	shalt  }
0x7e: {  	_ =	shalt  }
0x7f: {  	_ =	shalt  }
0x80: {  	_ =	shalt  }
0x81: {  	_ =	shalt  }
0x82: {  	_ =	shalt  }
0x83: {  	_ =	shalt  }
0x84: {  	_ =	shalt  }
0x85: {  	_ =	shalt  }
0x86: {  	_ =	shalt  }
0x87: {  	_ =	shalt  }
.Lfunc_end0:
.L_simem_size_0:
called_computation.1_lowered:
.L_overlay_start_0:
0x88: {  	s2 =	sld [smem:$0x3FD9]  }
0x89: {  	s3 =	sld [smem:$0x3FFE];
	_ =	sdelay $0x1  }
0x8a: {  	s1 =	srdreg.scid  }
0x8b: {  	s0 =	sand.u32 $0x1, s1  }
0x8c: {  	s17 =	sshll.u32 s0, $0xA;
	s2 =	sadd.s32 s3, s2  }
0x8d: {  	s2 =	sadd.s32 s2, s17  }
0x8e: {  	[smem:$0x3FC0] =	sst s2  }
0x8f: {  	_ = 	snop  }
0x90: {  	s2 =	sld [smem:$0x3FD0];
	(tm) =	ssettm $0x1  }
0x91: {  	s18 =	sld [smem:$0x3FFB];
	_ =	sdelay $0x3  }
0x92: {  	_ =	strace s18  }
0x93: {  	s3 =	sld [smem:$0x3FFC];
	_ =	sdelay $0x3  }
0x94: {  	_ =	strace s3  }
0x95: {  	s3 =	sld [smem:$0x3FFD];
	_ =	sdelay $0x3  }
0x96: {  	_ =	strace s3  }
0x97: {  	_ =	strace $0x8FFFFFFF  }
0x98: {  	s19 =	sld [smem:$0x3FDB];
	_ =	sdelay $0x1  }
0x99: {  	s4 =	simm.s32 $_scs_section_size  }
0x9a: {  	s5 =	simm.s32 $_size__tile_overlayer_lowered;
	s6 =	simm.s32 $_tile_overlayer_lowered  }
0x9b: {  	s22 =	simm.s32 $0x1BFF;
	s21 =	sshll.u32 s6, $0x1;
	s3 =	sadd.s32 s4, s19  }
0x9c: {  	s7 =	simm.s32 $0x0;
	s20 =	sshll.u32 s5, $0x1;
	s5 =	sadd.s32 s21, s3  }
0x9d: {  	[timem:s7], [sflag:s22] =	dma.local [hbm:s5], s20  }
0x9e: {  	_ =	swait.ge [sflag:s22], s20  }
0x9f: {  	s4 =	ssub.s32 $0x0, s20;
	[sflag:s22] =	ssyncset.done $0x0  }
0xa0: {  	[sflag:s22] =	ssyncadd.s32 s4;
	_ =	sdelay $0x1  }
0xa1: {  	s23 =	simm.s32 $0x1B8B  }
0xa2: {  	_ =	swait.ge [sflag:s23], $0x1  }
0xa3: {  	[sflag:s23] =	ssyncset.done $0x0  }
0xa4: {  	s25 =	simm.s32 $0x1B8E;
	s24 =	sld [smem:$0x3FFE];
	[sflag:s23] =	ssyncadd.s32 $0xFFFFFFFF  }
0xa5: {  	s26 =	simm.s32 $execute0_lowered;
	[smem:$0x3FD2] =	sst s25  }
0xa6: {  	s5 =	sshll.u32 s26, $0x1;
	_ =	strace $0x80000049;
	[dreg:$0x1] =	wrdreg $0xFFFFFFFF  }
0xa7: {  	s28 =	simm.s32 $_size_execute0_lowered;
	s3 =	sadd.s32 s3, s5;
	[dreg:$0x0] =	wrdreg $0x0  }
0xa8: {  	s5 =	sshll.u32 s28, $0x1;
	[dreg:$0x2] =	wrdreg s3  }
0xa9: {  	[dreg:$0x3] =	wrdreg s5  }
0xaa: {  	[dreg:$0x4] =	wrdreg $0xC0  }
0xab: {  	_ =	task [dreg:s7], $0x5FFFF  }
0xac: {  	[dreg:$0x1] =	wrdreg $0xFFFFFFFF  }
0xad: {  	[dreg:$0x0] =	wrdreg $0x60  }
0xae: {  	[dreg:$0x2] =	wrdreg s24  }
0xaf: {  	[dreg:$0x3] =	wrdreg s2  }
0xb0: {  	[dreg:$0x4] =	wrdreg $0x88000  }
0xb1: {  	[dreg:$0x5] =	wrdreg $0x9  }
0xb2: {  	_ =	task.clear_ibuf [dreg:s7], $0x6FFFF;
	_ =	strace $0x90000049  }
0xb3: {  	s29 =	simm.s32 $0x9;
	_ =	strace $0x8000004B  }
0xb4: {  	_ =	swait.ge [sflag:s29], $0x1  }
0xb5: {  	[sflag:s29] =	ssyncadd.s32 $0xFFFFFFFF  }
0xb6: {  	_ =	strace $0x9000004B  }
0xb7: {  	_ =	sfence  }
0xb8: {  	s30 =	sld [smem:$0x0];
	_ =	sdelay $0x2  }
0xb9: {  	s31 =	sshll.u32 s1, $0xD;
	s1 =	sshrl.u32 s1, $0x2  }
0xba: {  	s3 =	sand.u32 $0x4000, s31;
	s1 =	sadd.s32 s1, s30  }
0xbb: {  	s0 =	sor.u32 s3, s0;
	s1 =	sshll.u32 s1, $0x11  }
0xbc: {  	s0 =	sor.u32 s1, s0  }
0xbd: {  	s0 =	sadd.s32 $0x8F2B, s0  }
0xbe: {  	[sflag:s0] =	ssyncadd.remote.s32 $0x1  }
0xbf: {  	_ =	sfence.sel $0xFFFF  }
0xc0: {  	[dreg:$0x0] =	wrdreg $0xFFFFFFFF;
	(pc) =	sbr.abs _section_cstart, $3  }
0xc1: {  	[dreg:$0x1] =	wrdreg $0xFFFFFFFF  }
0xc2: {  	_ =	task.clear_ibuf [dreg:s7], $0x2FFFF;
	_ =	strace $0x9FFFFFFF  }
0xc3: {  	(tm) =	ssettm $0x7FFFFFFF  }
tec
execute0_lowered:
.L_overlay_start_1:
0x0: {  	(tag) =	ssettag $0x1  }
0x1: {  	s0 =	rddreg [dreg:$0x0]  }
0x2: {  	s2 =	rddreg [dreg:$0x1]  }
0x3: {  	s1 =	rddreg [dreg:$0x2];
	s3 =	simm.s32 $0x0  }
0x4: {  	s4 =	srdreg.scid;
	s17 =	stileid.u32;
	s28 =	simm.s32 $0x2  }
0x5: {  	s29 =	simm.s32 $0x480;
	s30 =	simm.s32 $0x180;
	s31 =	simm.s32 $0x500  }
0x6: {  	[smem:$0x7FF] =	sst s3;
	s5 =	sand.u32 $0x1, s4;
	s6 =	smul.u32 $0x4F000, s17  }
0x7: {  	s4 =	sadd.s32 $0xD200, s0;
	s7 =	sadd.s32 $0x3200, s0;
	s10 =	smul.u32 $0x13C00, s17  }
0x8: {  	s0 =	sadd.s32 $0x34400, s0;
	s15 =	sshll.u32 s17, $0x7;
	_ =	strace $0x8000004A  }
0x9: {  	s8 =	ssub.s32 $0x2, s5;
	s16 =	smul.u32 $0x13C000, s5;
	p0 =	seq.s32 s5, $0x1  }
0xa: {  	s26 =	sor.u32 $0x9800, s15;
	s9 =	sshrl.u32 s8, $0x1;
	s6 =	sshrl.u32 s6, $0x2  }
0xb: {  	s24 =	sadd.s32 $0x4000, s10;
	s12 =	sadd.s32 $0x8000, s10;
	s13 =	sadd.s32 $0xC000, s10  }
0xc: {  	s25 =	sadd.s32 $0x10000, s10;
	s15 =	sadd.s32 s7, s26;
	s5 =	sadd.s32 s2, s26  }
0xd: {  	s11 =	ssub.s32 s8, s9;
	s8 =	sadd.s32 s6, s1;
	s9 =	sadd.s32 s24, s1  }
0xe: {  	s20 =	sadd.s32 s12, s1;
	s14 =	sadd.s32 s13, s1;
	s18 =	sadd.s32 s25, s1  }
0xf: {  	[dreg:$0x9] =	wrdreg s15;
	s10 =	sadd.s32 s10, s16;
	s6 =	sadd.s32 s16, s24  }
0x10: {  	[dreg:$0xa] =	wrdreg s5;
	s21 =	sadd.s32 s16, s12;
	s22 =	sadd.s32 s16, s13  }
0x11: {  	s23 =	sadd.s32 s16, s25;
	s24 =	smul.u32 $0x980, s17;
	s12 =	simm.s32 $0x300  }
0x12: {  	s13 =	simm.s32 $0x680;
	s15 =	simm.s32 $0x700;
	[dreg:$0x7] =	wrdreg s14  }
0x13: {  	s16 =	simm.s32 $0x780;
	s17 =	simm.s32 $0x0;
	[dreg:$0x8] =	wrdreg s18  }
0x14: {  	s18 =	sshrl.u32 s10, $0x3;
	s6 =	sshrl.u32 s6, $0x3;
	s10 =	sshrl.u32 s23, $0x3  }
0x15: {  	s26 =	smax.u32 s11, $0x1;
	s23 =	simm.s32 $0x80;
	[dreg:$0x4] =	wrdreg s8  }
0x16: {  	s11 =	simm.s32 $0x600;
	s14 =	simm.s32 $0x380;
	[dreg:$0x5] =	wrdreg s9  }
0x17: {  	s5 =	sadd.s32 s0, s18;
	s19 =	sadd.s32 s0, s6;
	s6 =	sshrl.u32 s22, $0x3  }
0x18: {  	[dreg:$0x10] =	wrdreg s26;
	s18 =	sadd.s32 s24, s2;
	s22 =	simm.s32 $0x400  }
0x19: {  	s26 =	simm.s32 $0x100;
	s2 =	simm.s32 $0x580;
	[dreg:$0xb] =	wrdreg s5  }
0x1a: {  	[dreg:$0xc] =	wrdreg s19;
	s5 =	sshrl.u32 s21, $0x3;
	s25 =	sadd.s32 s0, s6  }
.Ltmp0:
0x1b: {  	s19 =	sadd.s32 s24, s7;
	s7 =	smov.u32 s20;
	(pc) =	sbr.rel .LBB2_1-.Ltmp0, $4  }
0x1c: {  	s20 =	simm.s32 $0x800;
	s21 =	simm.s32 $0x3;
	[dreg:$0xe] =	wrdreg s25  }
0x1d: {  	s24 =	simm.s32 $0x4800;
	s5 =	sadd.s32 s0, s5;
	[dreg:$0x6] =	wrdreg s7  }
0x1e: {  	s0 =	sadd.s32 s0, s10;
	s25 =	simm.s32 $0x1;
	[dreg:$0xd] =	wrdreg s5  }
0x1f: {  	v0 =	vimm.f32 $0.0e+00;
	s10 =	simm.s32 $0x280;
	[dreg:$0xf] =	wrdreg s0;
	s0 =	simm.s32 $0x200  }
.LBB2_7:
0x20: {  	s5 =	rddreg [dreg:$0x9]  }
0x21: {  	[tilespmem:s3], [sflag:$0x3] =	stream.linear.gather [hbm4b:s5+s3], $0x400, $0x38;
	[tilespmem:$0x1C400] =	vst v63  }
0x22: {  	_ =	swait.ge [sflag:s21], $0x400  }
0x23: {  	[sflag:s21] =	ssyncset.done $0x0  }
0x24: {  	s6 =	rddreg [dreg:$0xa];
	[sflag:s21] =	ssyncadd.s32 $0xFFFFFC00  }
0x25: {  	[tilespmem:s22], [sflag:$0x3] =	stream.linear.gather [hbm4b:s6+s3], $0x400, $0x38;
	[tilespmem:$0x1C400] =	vst v63  }
0x26: {  	_ =	swait.ge [sflag:s21], $0x400  }
0x27: {  	[sflag:s21] =	ssyncset.done $0x0  }
0x28: {  	[sflag:s21] =	ssyncadd.s32 $0xFFFFFC00  }
0x29: {  	[tilespmem:s20], [sflag:$0x1] =	stream.indirect.gather [hbm4b:s4+s23], $0x80, s3, s23, $0xb8;
	[tilespmem:$0x1C400] =	vst v63  }
0x2a: {  	_ = 	snop  }
0x2b: {  	[tilespmem:s24], [sflag:$0x2] =	stream.indirect.gather [hbm4b:s4+s23], $0x80, s23, s23, $0xb8;
	[tilespmem:$0x1C400] =	vst v63  }
0x2c: {  	_ =	swait.ge [sflag:s25], $0x4000  }
0x2d: {  	[sflag:s25] =	ssyncset.done $0x0  }
0x2e: {  	[sflag:s25] =	ssyncadd.s32 $0xFFFFC000  }
0x2f: {  	[spmem:s1] =	stream.indirect.scatter.add.f32 [tilespmem:s20], [sflag:$0x3], $0x80, s22, s23, $0xb8;
	[tilespmem:$0x1C400] =	vst v63  }
0x30: {  	_ =	swait.ge [sflag:s21], $0x4000  }
0x31: {  	[sflag:s21] =	ssyncset.done $0x0  }
0x32: {  	[sflag:s21] =	ssyncadd.s32 $0xFFFFC000  }
0x33: {  	[tilespmem:s20], [sflag:$0x1] =	stream.indirect.gather [hbm4b:s4+s23], $0x80, s26, s23, $0xb8;
	[tilespmem:$0x1C400] =	vst v63  }
0x34: {  	_ =	swait.ge [sflag:s28], $0x4000  }
0x35: {  	[sflag:s28] =	ssyncset.done $0x0  }
0x36: {  	[sflag:s28] =	ssyncadd.s32 $0xFFFFC000  }
0x37: {  	[spmem:s1] =	stream.indirect.scatter.add.f32 [tilespmem:s24], [sflag:$0x3], $0x80, s29, s23, $0xb8;
	[tilespmem:$0x1C400] =	vst v63  }
0x38: {  	_ =	swait.ge [sflag:s21], $0x4000  }
0x39: {  	[sflag:s21] =	ssyncset.done $0x0  }
0x3a: {  	[sflag:s21] =	ssyncadd.s32 $0xFFFFC000  }
0x3b: {  	[tilespmem:s24], [sflag:$0x2] =	stream.indirect.gather [hbm4b:s4+s23], $0x80, s30, s23, $0xb8;
	[tilespmem:$0x1C400] =	vst v63  }
0x3c: {  	_ =	swait.ge [sflag:s25], $0x4000  }
0x3d: {  	[sflag:s25] =	ssyncset.done $0x0  }
0x3e: {  	[sflag:s25] =	ssyncadd.s32 $0xFFFFC000  }
0x3f: {  	[spmem:s1] =	stream.indirect.scatter.add.f32 [tilespmem:s20], [sflag:$0x3], $0x80, s31, s23, $0xb8;
	[tilespmem:$0x1C400] =	vst v63  }
0x40: {  	_ =	swait.ge [sflag:s21], $0x4000  }
0x41: {  	[sflag:s21] =	ssyncset.done $0x0  }
0x42: {  	[sflag:s21] =	ssyncadd.s32 $0xFFFFC000  }
0x43: {  	[tilespmem:s20], [sflag:$0x1] =	stream.indirect.gather [hbm4b:s4+s23], $0x80, s0, s23, $0xb8;
	[tilespmem:$0x1C400] =	vst v63  }
0x44: {  	_ =	swait.ge [sflag:s28], $0x4000  }
0x45: {  	[sflag:s28] =	ssyncset.done $0x0  }
0x46: {  	[sflag:s28] =	ssyncadd.s32 $0xFFFFC000  }
0x47: {  	[spmem:s1] =	stream.indirect.scatter.add.f32 [tilespmem:s24], [sflag:$0x3], $0x80, s2, s23, $0xb8;
	[tilespmem:$0x1C400] =	vst v63  }
0x48: {  	_ =	swait.ge [sflag:s21], $0x4000  }
0x49: {  	[sflag:s21] =	ssyncset.done $0x0  }
0x4a: {  	[sflag:s21] =	ssyncadd.s32 $0xFFFFC000  }
0x4b: {  	[tilespmem:s24], [sflag:$0x2] =	stream.indirect.gather [hbm4b:s4+s23], $0x80, s10, s23, $0xb8;
	[tilespmem:$0x1C400] =	vst v63  }
0x4c: {  	_ =	swait.ge [sflag:s25], $0x4000  }
0x4d: {  	[sflag:s25] =	ssyncset.done $0x0  }
0x4e: {  	[sflag:s25] =	ssyncadd.s32 $0xFFFFC000  }
0x4f: {  	[spmem:s1] =	stream.indirect.scatter.add.f32 [tilespmem:s20], [sflag:$0x3], $0x80, s11, s23, $0xb8;
	[tilespmem:$0x1C400] =	vst v63  }
0x50: {  	_ =	swait.ge [sflag:s21], $0x4000  }
0x51: {  	[sflag:s21] =	ssyncset.done $0x0  }
0x52: {  	[sflag:s21] =	ssyncadd.s32 $0xFFFFC000  }
0x53: {  	[tilespmem:s20], [sflag:$0x1] =	stream.indirect.gather [hbm4b:s4+s23], $0x80, s12, s23, $0xb8;
	[tilespmem:$0x1C400] =	vst v63  }
0x54: {  	_ =	swait.ge [sflag:s28], $0x4000  }
0x55: {  	[sflag:s28] =	ssyncset.done $0x0  }
0x56: {  	[sflag:s28] =	ssyncadd.s32 $0xFFFFC000  }
0x57: {  	[spmem:s1] =	stream.indirect.scatter.add.f32 [tilespmem:s24], [sflag:$0x3], $0x80, s13, s23, $0xb8;
	[tilespmem:$0x1C400] =	vst v63  }
0x58: {  	_ =	swait.ge [sflag:s21], $0x4000  }
0x59: {  	[sflag:s21] =	ssyncset.done $0x0  }
0x5a: {  	[sflag:s21] =	ssyncadd.s32 $0xFFFFC000  }
0x5b: {  	[tilespmem:s24], [sflag:$0x2] =	stream.indirect.gather [hbm4b:s4+s23], $0x80, s14, s23, $0xb8;
	[tilespmem:$0x1C400] =	vst v63  }
0x5c: {  	_ =	swait.ge [sflag:s25], $0x4000  }
0x5d: {  	[sflag:s25] =	ssyncset.done $0x0  }
0x5e: {  	[sflag:s25] =	ssyncadd.s32 $0xFFFFC000  }
0x5f: {  	[spmem:s1] =	stream.indirect.scatter.add.f32 [tilespmem:s20], [sflag:$0x3], $0x80, s15, s23, $0xb8;
	[tilespmem:$0x1C400] =	vst v63  }
0x60: {  	_ =	swait.ge [sflag:s21], $0x4000  }
0x61: {  	[sflag:s21] =	ssyncset.done $0x0  }
0x62: {  	[sflag:s21] =	ssyncadd.s32 $0xFFFFC000  }
0x63: {  	_ =	swait.ge [sflag:s28], $0x4000  }
0x64: {  	[sflag:s28] =	ssyncset.done $0x0  }
0x65: {  	[sflag:s28] =	ssyncadd.s32 $0xFFFFC000  }
0x66: {  	[spmem:s1] =	stream.indirect.scatter.add.f32 [tilespmem:s24], [sflag:$0x3], $0x80, s16, s23, $0xb8;
	[tilespmem:$0x1C400] =	vst v63  }
0x67: {  	_ =	swait.ge [sflag:s21], $0x4000  }
0x68: {  	[sflag:s21] =	ssyncset.done $0x0  }
0x69: {  	[sflag:s21] =	ssyncadd.s32 $0xFFFFC000  }
.LBB2_8:
0x6a: {  	[bflag:$0x0] =	sbarrier.arrive $0xFFFF  }
0x6b: {  	[tilespmem:s20], [sflag:$0x3] =	stream.linear.gather [spmem:s8], $0x4000, $0x38;
	[tilespmem:$0x1C400] =	vst v63  }
0x6c: {  	_ =	swait.ge [sflag:s21], $0x4000  }
0x6d: {  	[sflag:s21] =	ssyncset.done $0x0  }
0x6e: {  	s5 =	rddreg [dreg:$0xb];
	[sflag:s21] =	ssyncadd.s32 $0xFFFFC000  }
0x6f: {  	[hbm4b:s5+s3] =	stream.linear.scatter [tilespmem:s20], [sflag:$0x3], $0x4000, $0x38;
	[tilespmem:$0x1C400] =	vst v63  }
0x70: {  	_ =	swait.ge [sflag:s21], $0x4000  }
0x71: {  	[sflag:s21] =	ssyncset.done $0x0  }
0x72: {  	[sflag:s21] =	ssyncadd.s32 $0xFFFFC000  }
0x73: {  	[tilespmem:s20], [sflag:$0x3] =	stream.linear.gather [spmem:s9], $0x4000, $0x38;
	[tilespmem:$0x1C400] =	vst v63  }
0x74: {  	_ =	swait.ge [sflag:s21], $0x4000  }
0x75: {  	[sflag:s21] =	ssyncset.done $0x0  }
0x76: {  	s6 =	rddreg [dreg:$0xc];
	[sflag:s21] =	ssyncadd.s32 $0xFFFFC000  }
0x77: {  	[hbm4b:s6+s3] =	stream.linear.scatter [tilespmem:s20], [sflag:$0x3], $0x4000, $0x38;
	[tilespmem:$0x1C400] =	vst v63  }
0x78: {  	_ =	swait.ge [sflag:s21], $0x4000  }
0x79: {  	[sflag:s21] =	ssyncset.done $0x0  }
0x7a: {  	[sflag:s21] =	ssyncadd.s32 $0xFFFFC000  }
0x7b: {  	[tilespmem:s20], [sflag:$0x3] =	stream.linear.gather [spmem:s7], $0x4000, $0x38;
	[tilespmem:$0x1C400] =	vst v63  }
0x7c: {  	_ =	swait.ge [sflag:s21], $0x4000  }
0x7d: {  	[sflag:s21] =	ssyncset.done $0x0  }
0x7e: {  	s6 =	rddreg [dreg:$0xd];
	[sflag:s21] =	ssyncadd.s32 $0xFFFFC000  }
0x7f: {  	[hbm4b:s6+s3] =	stream.linear.scatter [tilespmem:s20], [sflag:$0x3], $0x4000, $0x38;
	[tilespmem:$0x1C400] =	vst v63  }
0x80: {  	_ =	swait.ge [sflag:s21], $0x4000  }
0x81: {  	[sflag:s21] =	ssyncset.done $0x0  }
0x82: {  	s6 =	rddreg [dreg:$0x7];
	[sflag:s21] =	ssyncadd.s32 $0xFFFFC000  }
0x83: {  	[tilespmem:s20], [sflag:$0x3] =	stream.linear.gather [spmem:s6], $0x4000, $0x38;
	[tilespmem:$0x1C400] =	vst v63  }
0x84: {  	_ =	swait.ge [sflag:s21], $0x4000  }
0x85: {  	[sflag:s21] =	ssyncset.done $0x0  }
0x86: {  	s6 =	rddreg [dreg:$0xe];
	[sflag:s21] =	ssyncadd.s32 $0xFFFFC000  }
0x87: {  	[hbm4b:s6+s3] =	stream.linear.scatter [tilespmem:s20], [sflag:$0x3], $0x4000, $0x38;
	[tilespmem:$0x1C400] =	vst v63  }
0x88: {  	_ =	swait.ge [sflag:s21], $0x4000  }
0x89: {  	[sflag:s21] =	ssyncset.done $0x0  }
0x8a: {  	s6 =	rddreg [dreg:$0x8];
	[sflag:s21] =	ssyncadd.s32 $0xFFFFC000  }
0x8b: {  	[tilespmem:s20], [sflag:$0x3] =	stream.linear.gather [spmem:s6], $0x3C00, $0x38;
	[tilespmem:$0x1C400] =	vst v63  }
0x8c: {  	_ =	swait.ge [sflag:s21], $0x3C00  }
0x8d: {  	[sflag:s21] =	ssyncset.done $0x0  }
0x8e: {  	s6 =	rddreg [dreg:$0xf];
	[sflag:s21] =	ssyncadd.s32 $0xFFFFC400  }
0x8f: {  	[hbm4b:s6+s3] =	stream.linear.scatter [tilespmem:s20], [sflag:$0x3], $0x3C00, $0x38;
	[tilespmem:$0x1C400] =	vst v63  }
0x90: {  	_ =	swait.ge [sflag:s21], $0x3C00  }
0x91: {  	s17 =	sadd.s32 $0x1, s17;
	s6 =	rddreg [dreg:$0x10]  }
0x92: {  	p1 =	sne.s32 s17, s6  }
.Ltmp1:
0x93: {  	_ = 	snop;
	(pc) =	sbr.rel @!p1 .LBB2_9-.Ltmp1, $3  }
0x94: {  	_ =	sdelay $0x1  }
0x95: {  	[sflag:s21] =	ssyncset.done $0x0  }
0x96: {  	[sflag:s21] =	ssyncadd.s32 $0xFFFFC400  }
.LBB2_1:
0x97: {  	s5 =	simm.s32 $0x0;
	s6 =	simm.s32 $0x200  }
.LBB2_2:
0x98: {  	p1 =	sne.s32 s6, $0xFE00;
	[tilespmem:s5+$0x870] =	vst v0  }
0x99: {  	[tilespmem:s5+$0x800] =	vst v0  }
0x9a: {  	[tilespmem:s5+$0x810] =	vst v0  }
.Ltmp2:
0x9b: {  	[tilespmem:s5+$0x820] =	vst v0;
	(pc) =	sbr.rel @p1 .LBB2_2-.Ltmp2, $4  }
0x9c: {  	[tilespmem:s5+$0x830] =	vst v0  }
0x9d: {  	[tilespmem:s5+$0x840] =	vst v0  }
0x9e: {  	[tilespmem:s5+$0x850] =	vst v0  }
0x9f: {  	[tilespmem:s5+$0x860] =	vst v0;
	s5 =	sshra.s32 s6, $0x2;
	s6 =	sadd.s32 $0x200, s6  }
0xa0: {  	[tilespmem:s5+$0x870] =	vst v0  }
0xa1: {  	[tilespmem:s5+$0x800] =	vst v0  }
0xa2: {  	[tilespmem:s5+$0x810] =	vst v0  }
0xa3: {  	[tilespmem:s5+$0x820] =	vst v0  }
0xa4: {  	[tilespmem:s5+$0x830] =	vst v0  }
0xa5: {  	[tilespmem:s5+$0x840] =	vst v0  }
0xa6: {  	[tilespmem:s5+$0x850] =	vst v0  }
0xa7: {  	[tilespmem:s5+$0x860] =	vst v0  }
0xa8: {  	[spmem:s8] =	stream.linear.scatter [tilespmem:s20], [sflag:$0x3], $0x4000, $0x38;
	[tilespmem:$0x1C400] =	vst v63  }
0xa9: {  	_ =	swait.ge [sflag:s21], $0x4000  }
0xaa: {  	[sflag:s21] =	ssyncset.done $0x0  }
0xab: {  	[sflag:s21] =	ssyncadd.s32 $0xFFFFC000  }
0xac: {  	[spmem:s9] =	stream.linear.scatter [tilespmem:s20], [sflag:$0x3], $0x4000, $0x38;
	[tilespmem:$0x1C400] =	vst v63  }
0xad: {  	_ =	swait.ge [sflag:s21], $0x4000  }
0xae: {  	[sflag:s21] =	ssyncset.done $0x0  }
0xaf: {  	[sflag:s21] =	ssyncadd.s32 $0xFFFFC000  }
0xb0: {  	[spmem:s7] =	stream.linear.scatter [tilespmem:s20], [sflag:$0x3], $0x4000, $0x38;
	[tilespmem:$0x1C400] =	vst v63  }
0xb1: {  	_ =	swait.ge [sflag:s21], $0x4000  }
0xb2: {  	[sflag:s21] =	ssyncset.done $0x0  }
0xb3: {  	s6 =	rddreg [dreg:$0x7];
	[sflag:s21] =	ssyncadd.s32 $0xFFFFC000  }
0xb4: {  	[spmem:s6] =	stream.linear.scatter [tilespmem:s20], [sflag:$0x3], $0x4000, $0x38;
	[tilespmem:$0x1C400] =	vst v63  }
0xb5: {  	_ =	swait.ge [sflag:s21], $0x4000  }
0xb6: {  	[sflag:s21] =	ssyncset.done $0x0  }
0xb7: {  	s6 =	rddreg [dreg:$0x8];
	[sflag:s21] =	ssyncadd.s32 $0xFFFFC000  }
0xb8: {  	[spmem:s6] =	stream.linear.scatter [tilespmem:s20], [sflag:$0x3], $0x3C00, $0x38;
	[tilespmem:$0x1C400] =	vst v63  }
.Ltmp3:
0xb9: {  	_ =	swait.ge [sflag:s21], $0x3C00;
	(pc) =	sbr.rel @p0 .LBB2_7-.Ltmp3, $3  }
0xba: {  	[sflag:s21] =	ssyncset.done $0x0  }
0xbb: {  	[sflag:s21] =	ssyncadd.s32 $0xFFFFC400  }
0xbc: {  	[bflag:$0x0] =	sbarrier.arrive $0xFFFF;
	_ =	sdelay $0x1  }
0xbd: {  	s5 =	sadd.s32 $0x0, s19  }
0xbe: {  	[tilespmem:s3], [sflag:$0x3] =	stream.linear.gather [hbm4b:s5+s3], $0x400, $0x38;
	[tilespmem:$0x1C400] =	vst v63  }
0xbf: {  	_ =	swait.ge [sflag:s21], $0x400  }
0xc0: {  	[sflag:s21] =	ssyncset.done $0x0  }
0xc1: {  	s9 =	sadd.s32 $0x0, s18;
	[sflag:s21] =	ssyncadd.s32 $0xFFFFFC00  }
0xc2: {  	[tilespmem:s22], [sflag:$0x3] =	stream.linear.gather [hbm4b:s9+s3], $0x400, $0x38;
	[tilespmem:$0x1C400] =	vst v63  }
0xc3: {  	_ =	swait.ge [sflag:s21], $0x400  }
0xc4: {  	[sflag:s21] =	ssyncset.done $0x0  }
0xc5: {  	[sflag:s21] =	ssyncadd.s32 $0xFFFFFC00  }
0xc6: {  	[tilespmem:s20], [sflag:$0x1] =	stream.indirect.gather [hbm4b:s4+s23], $0x80, s3, s23, $0xb8;
	[tilespmem:$0x1C400] =	vst v63  }
0xc7: {  	_ = 	snop  }
0xc8: {  	[tilespmem:s24], [sflag:$0x2] =	stream.indirect.gather [hbm4b:s4+s23], $0x80, s23, s23, $0xb8;
	[tilespmem:$0x1C400] =	vst v63  }
0xc9: {  	_ =	swait.ge [sflag:s25], $0x4000  }
0xca: {  	[sflag:s25] =	ssyncset.done $0x0  }
0xcb: {  	[sflag:s25] =	ssyncadd.s32 $0xFFFFC000  }
0xcc: {  	[spmem:s1] =	stream.indirect.scatter.add.f32 [tilespmem:s20], [sflag:$0x3], $0x80, s22, s23, $0xb8;
	[tilespmem:$0x1C400] =	vst v63  }
0xcd: {  	_ =	swait.ge [sflag:s21], $0x4000  }
0xce: {  	[sflag:s21] =	ssyncset.done $0x0  }
0xcf: {  	[sflag:s21] =	ssyncadd.s32 $0xFFFFC000  }
0xd0: {  	[tilespmem:s20], [sflag:$0x1] =	stream.indirect.gather [hbm4b:s4+s23], $0x80, s26, s23, $0xb8;
	[tilespmem:$0x1C400] =	vst v63  }
0xd1: {  	_ =	swait.ge [sflag:s28], $0x4000  }
0xd2: {  	[sflag:s28] =	ssyncset.done $0x0  }
0xd3: {  	[sflag:s28] =	ssyncadd.s32 $0xFFFFC000  }
0xd4: {  	[spmem:s1] =	stream.indirect.scatter.add.f32 [tilespmem:s24], [sflag:$0x3], $0x80, s29, s23, $0xb8;
	[tilespmem:$0x1C400] =	vst v63  }
0xd5: {  	_ =	swait.ge [sflag:s21], $0x4000  }
0xd6: {  	[sflag:s21] =	ssyncset.done $0x0  }
0xd7: {  	[sflag:s21] =	ssyncadd.s32 $0xFFFFC000  }
0xd8: {  	[tilespmem:s24], [sflag:$0x2] =	stream.indirect.gather [hbm4b:s4+s23], $0x80, s30, s23, $0xb8;
	[tilespmem:$0x1C400] =	vst v63  }
0xd9: {  	_ =	swait.ge [sflag:s25], $0x4000  }
0xda: {  	[sflag:s25] =	ssyncset.done $0x0  }
0xdb: {  	[sflag:s25] =	ssyncadd.s32 $0xFFFFC000  }
0xdc: {  	[spmem:s1] =	stream.indirect.scatter.add.f32 [tilespmem:s20], [sflag:$0x3], $0x80, s31, s23, $0xb8;
	[tilespmem:$0x1C400] =	vst v63  }
0xdd: {  	_ =	swait.ge [sflag:s21], $0x4000  }
0xde: {  	[sflag:s21] =	ssyncset.done $0x0  }
0xdf: {  	[sflag:s21] =	ssyncadd.s32 $0xFFFFC000  }
0xe0: {  	[tilespmem:s20], [sflag:$0x1] =	stream.indirect.gather [hbm4b:s4+s23], $0x80, s0, s23, $0xb8;
	[tilespmem:$0x1C400] =	vst v63  }
0xe1: {  	_ =	swait.ge [sflag:s28], $0x4000  }
0xe2: {  	[sflag:s28] =	ssyncset.done $0x0  }
0xe3: {  	[sflag:s28] =	ssyncadd.s32 $0xFFFFC000  }
0xe4: {  	[spmem:s1] =	stream.indirect.scatter.add.f32 [tilespmem:s24], [sflag:$0x3], $0x80, s2, s23, $0xb8;
	[tilespmem:$0x1C400] =	vst v63  }
0xe5: {  	_ =	swait.ge [sflag:s21], $0x4000  }
0xe6: {  	[sflag:s21] =	ssyncset.done $0x0  }
0xe7: {  	[sflag:s21] =	ssyncadd.s32 $0xFFFFC000  }
0xe8: {  	[tilespmem:s24], [sflag:$0x2] =	stream.indirect.gather [hbm4b:s4+s23], $0x80, s10, s23, $0xb8;
	[tilespmem:$0x1C400] =	vst v63  }
0xe9: {  	_ =	swait.ge [sflag:s25], $0x4000  }
0xea: {  	[sflag:s25] =	ssyncset.done $0x0  }
0xeb: {  	[sflag:s25] =	ssyncadd.s32 $0xFFFFC000  }
0xec: {  	[spmem:s1] =	stream.indirect.scatter.add.f32 [tilespmem:s20], [sflag:$0x3], $0x80, s11, s23, $0xb8;
	[tilespmem:$0x1C400] =	vst v63  }
0xed: {  	_ =	swait.ge [sflag:s21], $0x4000  }
0xee: {  	[sflag:s21] =	ssyncset.done $0x0  }
0xef: {  	[sflag:s21] =	ssyncadd.s32 $0xFFFFC000  }
0xf0: {  	[tilespmem:s20], [sflag:$0x1] =	stream.indirect.gather [hbm4b:s4+s23], $0x80, s12, s23, $0xb8;
	[tilespmem:$0x1C400] =	vst v63  }
0xf1: {  	_ =	swait.ge [sflag:s28], $0x4000  }
0xf2: {  	[sflag:s28] =	ssyncset.done $0x0  }
0xf3: {  	[sflag:s28] =	ssyncadd.s32 $0xFFFFC000  }
0xf4: {  	[spmem:s1] =	stream.indirect.scatter.add.f32 [tilespmem:s24], [sflag:$0x3], $0x80, s13, s23, $0xb8;
	[tilespmem:$0x1C400] =	vst v63  }
0xf5: {  	_ =	swait.ge [sflag:s21], $0x4000  }
0xf6: {  	[sflag:s21] =	ssyncset.done $0x0  }
0xf7: {  	[sflag:s21] =	ssyncadd.s32 $0xFFFFC000  }
0xf8: {  	[tilespmem:s24], [sflag:$0x2] =	stream.indirect.gather [hbm4b:s4+s23], $0x80, s14, s23, $0xb8;
	[tilespmem:$0x1C400] =	vst v63  }
0xf9: {  	_ =	swait.ge [sflag:s25], $0x4000  }
0xfa: {  	[sflag:s25] =	ssyncset.done $0x0  }
0xfb: {  	[sflag:s25] =	ssyncadd.s32 $0xFFFFC000  }
0xfc: {  	[spmem:s1] =	stream.indirect.scatter.add.f32 [tilespmem:s20], [sflag:$0x3], $0x80, s15, s23, $0xb8;
	[tilespmem:$0x1C400] =	vst v63  }
0xfd: {  	_ =	swait.ge [sflag:s21], $0x4000  }
0xfe: {  	[sflag:s21] =	ssyncset.done $0x0  }
0xff: {  	[sflag:s21] =	ssyncadd.s32 $0xFFFFC000  }
0x100: {  	_ =	swait.ge [sflag:s28], $0x4000  }
0x101: {  	[sflag:s28] =	ssyncset.done $0x0  }
0x102: {  	[sflag:s28] =	ssyncadd.s32 $0xFFFFC000  }
0x103: {  	[spmem:s1] =	stream.indirect.scatter.add.f32 [tilespmem:s24], [sflag:$0x3], $0x80, s16, s23, $0xb8;
	[tilespmem:$0x1C400] =	vst v63  }
0x104: {  	_ =	swait.ge [sflag:s21], $0x4000  }
0x105: {  	s6 =	simm.s32 $0x100;
	s5 =	simm.s32 $0x80;
	[sflag:s21] =	ssyncset.done $0x0  }
.LBB2_5:
0x106: {  	s8 =	sadd.s32 s5, s19  }
0x107: {  	[sflag:s21] =	ssyncadd.s32 $0xFFFFC000;
	s9 =	smov.u32 s6;
	s7 =	sadd.s32 $0x80, s6  }
0x108: {  	[tilespmem:s3], [sflag:$0x3] =	stream.linear.gather [hbm4b:s8+s3], $0x400, $0x38;
	[tilespmem:$0x1C400] =	vst v63  }
0x109: {  	p1 =	seq.s32 s6, $0x900;
	_ =	swait.ge [sflag:s21], $0x400  }
0x10a: {  	[sflag:s21] =	ssyncset.done $0x0  }
0x10b: {  	s6 =	sadd.s32 s5, s18;
	s5 =	smov.u32 s9;
	[sflag:s21] =	ssyncadd.s32 $0xFFFFFC00  }
0x10c: {  	[tilespmem:s22], [sflag:$0x3] =	stream.linear.gather [hbm4b:s6+s3], $0x400, $0x38;
	[tilespmem:$0x1C400] =	vst v63  }
0x10d: {  	_ =	swait.ge [sflag:s21], $0x400  }
0x10e: {  	[sflag:s21] =	ssyncset.done $0x0  }
0x10f: {  	[sflag:s21] =	ssyncadd.s32 $0xFFFFFC00  }
0x110: {  	[tilespmem:s20], [sflag:$0x1] =	stream.indirect.gather [hbm4b:s4+s23], $0x80, s3, s23, $0xb8;
	[tilespmem:$0x1C400] =	vst v63  }
0x111: {  	_ = 	snop  }
0x112: {  	[tilespmem:s24], [sflag:$0x2] =	stream.indirect.gather [hbm4b:s4+s23], $0x80, s23, s23, $0xb8;
	[tilespmem:$0x1C400] =	vst v63  }
0x113: {  	_ =	swait.ge [sflag:s25], $0x4000  }
0x114: {  	[sflag:s25] =	ssyncset.done $0x0  }
0x115: {  	[sflag:s25] =	ssyncadd.s32 $0xFFFFC000  }
0x116: {  	[spmem:s1] =	stream.indirect.scatter.add.f32 [tilespmem:s20], [sflag:$0x3], $0x80, s22, s23, $0xb8;
	[tilespmem:$0x1C400] =	vst v63  }
0x117: {  	_ =	swait.ge [sflag:s21], $0x4000  }
0x118: {  	[sflag:s21] =	ssyncset.done $0x0  }
0x119: {  	[sflag:s21] =	ssyncadd.s32 $0xFFFFC000  }
0x11a: {  	[tilespmem:s20], [sflag:$0x1] =	stream.indirect.gather [hbm4b:s4+s23], $0x80, s26, s23, $0xb8;
	[tilespmem:$0x1C400] =	vst v63  }
0x11b: {  	_ =	swait.ge [sflag:s28], $0x4000  }
0x11c: {  	[sflag:s28] =	ssyncset.done $0x0  }
0x11d: {  	[sflag:s28] =	ssyncadd.s32 $0xFFFFC000  }
0x11e: {  	[spmem:s1] =	stream.indirect.scatter.add.f32 [tilespmem:s24], [sflag:$0x3], $0x80, s29, s23, $0xb8;
	[tilespmem:$0x1C400] =	vst v63  }
0x11f: {  	_ =	swait.ge [sflag:s21], $0x4000  }
0x120: {  	[sflag:s21] =	ssyncset.done $0x0  }
0x121: {  	[sflag:s21] =	ssyncadd.s32 $0xFFFFC000  }
0x122: {  	[tilespmem:s24], [sflag:$0x2] =	stream.indirect.gather [hbm4b:s4+s23], $0x80, s30, s23, $0xb8;
	[tilespmem:$0x1C400] =	vst v63  }
0x123: {  	_ =	swait.ge [sflag:s25], $0x4000  }
0x124: {  	[sflag:s25] =	ssyncset.done $0x0  }
0x125: {  	[sflag:s25] =	ssyncadd.s32 $0xFFFFC000  }
0x126: {  	[spmem:s1] =	stream.indirect.scatter.add.f32 [tilespmem:s20], [sflag:$0x3], $0x80, s31, s23, $0xb8;
	[tilespmem:$0x1C400] =	vst v63  }
0x127: {  	_ =	swait.ge [sflag:s21], $0x4000  }
0x128: {  	[sflag:s21] =	ssyncset.done $0x0  }
0x129: {  	[sflag:s21] =	ssyncadd.s32 $0xFFFFC000  }
0x12a: {  	[tilespmem:s20], [sflag:$0x1] =	stream.indirect.gather [hbm4b:s4+s23], $0x80, s0, s23, $0xb8;
	[tilespmem:$0x1C400] =	vst v63  }
0x12b: {  	_ =	swait.ge [sflag:s28], $0x4000  }
0x12c: {  	[sflag:s28] =	ssyncset.done $0x0  }
0x12d: {  	[sflag:s28] =	ssyncadd.s32 $0xFFFFC000  }
0x12e: {  	[spmem:s1] =	stream.indirect.scatter.add.f32 [tilespmem:s24], [sflag:$0x3], $0x80, s2, s23, $0xb8;
	[tilespmem:$0x1C400] =	vst v63  }
0x12f: {  	_ =	swait.ge [sflag:s21], $0x4000  }
0x130: {  	[sflag:s21] =	ssyncset.done $0x0  }
0x131: {  	[sflag:s21] =	ssyncadd.s32 $0xFFFFC000  }
0x132: {  	[tilespmem:s24], [sflag:$0x2] =	stream.indirect.gather [hbm4b:s4+s23], $0x80, s10, s23, $0xb8;
	[tilespmem:$0x1C400] =	vst v63  }
0x133: {  	_ =	swait.ge [sflag:s25], $0x4000  }
0x134: {  	[sflag:s25] =	ssyncset.done $0x0  }
0x135: {  	[sflag:s25] =	ssyncadd.s32 $0xFFFFC000  }
0x136: {  	[spmem:s1] =	stream.indirect.scatter.add.f32 [tilespmem:s20], [sflag:$0x3], $0x80, s11, s23, $0xb8;
	[tilespmem:$0x1C400] =	vst v63  }
0x137: {  	_ =	swait.ge [sflag:s21], $0x4000  }
0x138: {  	[sflag:s21] =	ssyncset.done $0x0  }
0x139: {  	[sflag:s21] =	ssyncadd.s32 $0xFFFFC000  }
0x13a: {  	[tilespmem:s20], [sflag:$0x1] =	stream.indirect.gather [hbm4b:s4+s23], $0x80, s12, s23, $0xb8;
	[tilespmem:$0x1C400] =	vst v63  }
0x13b: {  	_ =	swait.ge [sflag:s28], $0x4000  }
0x13c: {  	[sflag:s28] =	ssyncset.done $0x0  }
0x13d: {  	[sflag:s28] =	ssyncadd.s32 $0xFFFFC000  }
0x13e: {  	[spmem:s1] =	stream.indirect.scatter.add.f32 [tilespmem:s24], [sflag:$0x3], $0x80, s13, s23, $0xb8;
	[tilespmem:$0x1C400] =	vst v63  }
0x13f: {  	_ =	swait.ge [sflag:s21], $0x4000  }
0x140: {  	[sflag:s21] =	ssyncset.done $0x0  }
0x141: {  	[sflag:s21] =	ssyncadd.s32 $0xFFFFC000  }
0x142: {  	[tilespmem:s24], [sflag:$0x2] =	stream.indirect.gather [hbm4b:s4+s23], $0x80, s14, s23, $0xb8;
	[tilespmem:$0x1C400] =	vst v63  }
0x143: {  	_ =	swait.ge [sflag:s25], $0x4000  }
0x144: {  	[sflag:s25] =	ssyncset.done $0x0  }
0x145: {  	[sflag:s25] =	ssyncadd.s32 $0xFFFFC000  }
0x146: {  	[spmem:s1] =	stream.indirect.scatter.add.f32 [tilespmem:s20], [sflag:$0x3], $0x80, s15, s23, $0xb8;
	[tilespmem:$0x1C400] =	vst v63  }
0x147: {  	_ =	swait.ge [sflag:s21], $0x4000  }
0x148: {  	[sflag:s21] =	ssyncset.done $0x0  }
0x149: {  	[sflag:s21] =	ssyncadd.s32 $0xFFFFC000  }
0x14a: {  	_ =	swait.ge [sflag:s28], $0x4000  }
.Ltmp4:
0x14b: {  	[sflag:s28] =	ssyncset.done $0x0;
	(pc) =	sbr.rel @!p1 .LBB2_5-.Ltmp4, $4  }
0x14c: {  	[sflag:s28] =	ssyncadd.s32 $0xFFFFC000  }
0x14d: {  	[spmem:s1] =	stream.indirect.scatter.add.f32 [tilespmem:s24], [sflag:$0x3], $0x80, s16, s23, $0xb8;
	[tilespmem:$0x1C400] =	vst v63  }
0x14e: {  	_ =	swait.ge [sflag:s21], $0x4000  }
0x14f: {  	s6 =	smov.u32 s7;
	[sflag:s21] =	ssyncset.done $0x0  }
0x150: {  	s6 =	sadd.s32 s5, s19;
	[sflag:s21] =	ssyncadd.s32 $0xFFFFC000  }
0x151: {  	[tilespmem:s3], [sflag:$0x3] =	stream.linear.gather [hbm4b:s6+s3], $0x400, $0x38;
	[tilespmem:$0x1C400] =	vst v63  }
0x152: {  	_ =	swait.ge [sflag:s21], $0x400  }
0x153: {  	[sflag:s21] =	ssyncset.done $0x0  }
0x154: {  	s9 =	sadd.s32 s5, s18;
	[sflag:s21] =	ssyncadd.s32 $0xFFFFFC00  }
0x155: {  	[tilespmem:s22], [sflag:$0x3] =	stream.linear.gather [hbm4b:s9+s3], $0x400, $0x38;
	[tilespmem:$0x1C400] =	vst v63  }
0x156: {  	_ =	swait.ge [sflag:s21], $0x400  }
0x157: {  	[sflag:s21] =	ssyncset.done $0x0  }
0x158: {  	[sflag:s21] =	ssyncadd.s32 $0xFFFFFC00  }
0x159: {  	[tilespmem:s20], [sflag:$0x1] =	stream.indirect.gather [hbm4b:s4+s23], $0x80, s3, s23, $0xb8;
	[tilespmem:$0x1C400] =	vst v63  }
0x15a: {  	_ = 	snop  }
0x15b: {  	[tilespmem:s24], [sflag:$0x2] =	stream.indirect.gather [hbm4b:s4+s23], $0x80, s23, s23, $0xb8;
	[tilespmem:$0x1C400] =	vst v63  }
0x15c: {  	_ =	swait.ge [sflag:s25], $0x4000  }
0x15d: {  	[sflag:s25] =	ssyncset.done $0x0  }
0x15e: {  	[sflag:s25] =	ssyncadd.s32 $0xFFFFC000  }
0x15f: {  	[spmem:s1] =	stream.indirect.scatter.add.f32 [tilespmem:s20], [sflag:$0x3], $0x80, s22, s23, $0xb8;
	[tilespmem:$0x1C400] =	vst v63  }
0x160: {  	_ =	swait.ge [sflag:s21], $0x4000  }
0x161: {  	[sflag:s21] =	ssyncset.done $0x0  }
0x162: {  	[sflag:s21] =	ssyncadd.s32 $0xFFFFC000  }
0x163: {  	[tilespmem:s20], [sflag:$0x1] =	stream.indirect.gather [hbm4b:s4+s23], $0x80, s26, s23, $0xb8;
	[tilespmem:$0x1C400] =	vst v63  }
0x164: {  	_ =	swait.ge [sflag:s28], $0x4000  }
0x165: {  	[sflag:s28] =	ssyncset.done $0x0  }
0x166: {  	[sflag:s28] =	ssyncadd.s32 $0xFFFFC000  }
0x167: {  	[spmem:s1] =	stream.indirect.scatter.add.f32 [tilespmem:s24], [sflag:$0x3], $0x80, s29, s23, $0xb8;
	[tilespmem:$0x1C400] =	vst v63  }
0x168: {  	_ =	swait.ge [sflag:s21], $0x4000  }
0x169: {  	[sflag:s21] =	ssyncset.done $0x0  }
0x16a: {  	[sflag:s21] =	ssyncadd.s32 $0xFFFFC000  }
0x16b: {  	[tilespmem:s24], [sflag:$0x2] =	stream.indirect.gather [hbm4b:s4+s23], $0x80, s30, s23, $0xb8;
	[tilespmem:$0x1C400] =	vst v63  }
0x16c: {  	_ =	swait.ge [sflag:s25], $0x4000  }
0x16d: {  	[sflag:s25] =	ssyncset.done $0x0  }
0x16e: {  	[sflag:s25] =	ssyncadd.s32 $0xFFFFC000  }
0x16f: {  	[spmem:s1] =	stream.indirect.scatter.add.f32 [tilespmem:s20], [sflag:$0x3], $0x80, s31, s23, $0xb8;
	[tilespmem:$0x1C400] =	vst v63  }
0x170: {  	_ =	swait.ge [sflag:s21], $0x4000  }
0x171: {  	[sflag:s21] =	ssyncset.done $0x0  }
0x172: {  	[sflag:s21] =	ssyncadd.s32 $0xFFFFC000  }
0x173: {  	[tilespmem:s20], [sflag:$0x1] =	stream.indirect.gather [hbm4b:s4+s23], $0x80, s0, s23, $0xb8;
	[tilespmem:$0x1C400] =	vst v63  }
0x174: {  	_ =	swait.ge [sflag:s28], $0x4000  }
0x175: {  	[sflag:s28] =	ssyncset.done $0x0  }
0x176: {  	[sflag:s28] =	ssyncadd.s32 $0xFFFFC000  }
0x177: {  	[spmem:s1] =	stream.indirect.scatter.add.f32 [tilespmem:s24], [sflag:$0x3], $0x80, s2, s23, $0xb8;
	[tilespmem:$0x1C400] =	vst v63  }
0x178: {  	_ =	swait.ge [sflag:s21], $0x4000  }
0x179: {  	[sflag:s21] =	ssyncset.done $0x0  }
0x17a: {  	[sflag:s21] =	ssyncadd.s32 $0xFFFFC000  }
0x17b: {  	[tilespmem:s24], [sflag:$0x2] =	stream.indirect.gather [hbm4b:s4+s23], $0x80, s10, s23, $0xb8;
	[tilespmem:$0x1C400] =	vst v63  }
0x17c: {  	_ =	swait.ge [sflag:s25], $0x4000  }
0x17d: {  	[sflag:s25] =	ssyncset.done $0x0  }
0x17e: {  	[sflag:s25] =	ssyncadd.s32 $0xFFFFC000  }
0x17f: {  	[spmem:s1] =	stream.indirect.scatter.add.f32 [tilespmem:s20], [sflag:$0x3], $0x80, s11, s23, $0xb8;
	[tilespmem:$0x1C400] =	vst v63  }
0x180: {  	_ =	swait.ge [sflag:s21], $0x4000  }
0x181: {  	[sflag:s21] =	ssyncset.done $0x0  }
0x182: {  	[sflag:s21] =	ssyncadd.s32 $0xFFFFC000  }
0x183: {  	[tilespmem:s20], [sflag:$0x1] =	stream.indirect.gather [hbm4b:s4+s23], $0x80, s12, s23, $0xb8;
	[tilespmem:$0x1C400] =	vst v63  }
0x184: {  	_ =	swait.ge [sflag:s28], $0x4000  }
0x185: {  	[sflag:s28] =	ssyncset.done $0x0  }
0x186: {  	[sflag:s28] =	ssyncadd.s32 $0xFFFFC000  }
0x187: {  	[spmem:s1] =	stream.indirect.scatter.add.f32 [tilespmem:s24], [sflag:$0x3], $0x80, s13, s23, $0xb8;
	[tilespmem:$0x1C400] =	vst v63  }
0x188: {  	_ =	swait.ge [sflag:s21], $0x4000  }
0x189: {  	[sflag:s21] =	ssyncset.done $0x0  }
0x18a: {  	[sflag:s21] =	ssyncadd.s32 $0xFFFFC000  }
0x18b: {  	[tilespmem:s24], [sflag:$0x2] =	stream.indirect.gather [hbm4b:s4+s23], $0x80, s14, s23, $0xb8;
	[tilespmem:$0x1C400] =	vst v63  }
0x18c: {  	_ =	swait.ge [sflag:s25], $0x4000  }
0x18d: {  	[sflag:s25] =	ssyncset.done $0x0  }
0x18e: {  	[sflag:s25] =	ssyncadd.s32 $0xFFFFC000  }
0x18f: {  	[spmem:s1] =	stream.indirect.scatter.add.f32 [tilespmem:s20], [sflag:$0x3], $0x80, s15, s23, $0xb8;
	[tilespmem:$0x1C400] =	vst v63  }
0x190: {  	_ =	swait.ge [sflag:s21], $0x4000  }
0x191: {  	[sflag:s21] =	ssyncset.done $0x0  }
0x192: {  	[sflag:s21] =	ssyncadd.s32 $0xFFFFC000  }
0x193: {  	_ =	swait.ge [sflag:s28], $0x4000  }
0x194: {  	[sflag:s28] =	ssyncset.done $0x0  }
0x195: {  	[sflag:s28] =	ssyncadd.s32 $0xFFFFC000  }
0x196: {  	[spmem:s1] =	stream.indirect.scatter.add.f32 [tilespmem:s24], [sflag:$0x3], $0x80, s16, s23, $0xb8;
	[tilespmem:$0x1C400] =	vst v63  }
.Ltmp5:
0x197: {  	_ = 	snop;
	(pc) =	sbr.rel .LBB2_8-.Ltmp5, $4  }
0x198: {  	_ =	swait.ge [sflag:s21], $0x4000  }
0x199: {  	s8 =	rddreg [dreg:$0x4]  }
0x19a: {  	[sflag:s21] =	ssyncset.done $0x0;
	s9 =	rddreg [dreg:$0x5]  }
0x19b: {  	s7 =	rddreg [dreg:$0x6];
	[sflag:s21] =	ssyncadd.s32 $0xFFFFC000  }
.LBB2_9:
0x19c: {  	_ =	sfence.sel $0x180000  }
0x19d: {  	[bflag:$0x0] =	sbarrier.arrive $0xFFFF  }
0x19e: {  	_ =	strace $0x9000004A  }
0x19f: {  	s0 =	stileid.u32;
	[bflag:$0x2] =	sbarrier.arrive $0xFFFF  }
0x1a0: {  	p0 =	sne.s32 s0, $0x0;
	s0 =	rddreg [dreg:$0x3]  }
0x1a1: {  	s0 =	sadd.s32 @!p0 $0x100000, s0  }
0x1a2: {  	[sflag:s0] =	ssyncadd.tile.s32 @!p0 $0x1;
	_ =	shalt  }
.Lfunc_end2:
_tile_overlayer_lowered:
.L_overlay_start_2:
0x1a3: {  	(tag) =	ssettag $0x2  }
0x1a4: {  	s0 =	rddreg [dreg:$0x0];
	s2 =	stileid.u32  }
0x1a5: {  	s1 =	rddreg [dreg:$0x1];
	p0 =	sne.s32 s2, $0x0  }
0x1a6: {  	s3 =	rddreg [dreg:$0x2];
	[bflag:$0x3] =	sbarrier.arrive $0xFFFF;
	s2 =	simm.s32 @!p0 $0x1C03  }
0x1a7: {  	[timem:s3], [sflag:s2] =	dma.local @!p0 [hbm:s0], s1  }
0x1a8: {  	s0 =	simm.s32 @!p0 $0x3  }
0x1a9: {  	_ =	swait.ge @!p0 [sflag:s0], s1  }
0x1aa: {  	s1 =	ssub.s32 @!p0 $0x0, s1;
	[sflag:s0] =	ssyncset.done @!p0 $0x0  }
0x1ab: {  	[sflag:s0] =	ssyncadd.s32 @!p0 s1  }
0x1ac: {  	[bflag:$0x3] =	sbarrier.arrive $0xFFFF  }
0x1ad: {  	_ =	shalt  }

// kernel: kernel.16.cloned.1.call-start
scs
__scs_entry_jumppad:
0x0: {  	(pc) =	sbr.rel $0x88, $3  }
0x1: {  	(tag) =	ssettag $0x0;
	lr =	simm.s32 $0x1  }
0x2: {  	[smem:$0x3F99] =	sst lr;
	_ =	strace $0xD0000000  }
0x3: {  	_ = 	snop  }
0x4: {  	_ = 	snop  }
0x5: {  	_ = 	snop  }
0x6: {  	_ = 	snop  }
0x7: {  	_ = 	snop  }
__scs_overlays_trampoline_lowered:
0x8: {  	[smem:$0x3FA8] =	sst s0  }
0x9: {  	[smem:$0x3FA9] =	sst s1  }
0xa: {  	[smem:$0x3FAA] =	sst s2  }
0xb: {  	[smem:$0x3FAB] =	sst s3  }
0xc: {  	[smem:$0x3FAC] =	sst s4  }
0xd: {  	[smem:$0x3FAD] =	sst s5  }
0xe: {  	[smem:$0x3FAE] =	sst s6  }
0xf: {  	[smem:$0x3FAF] =	sst s7  }
0x10: {  	[smem:$0x3FB0] =	sst s8  }
0x11: {  	[smem:$0x3FB1] =	sst s9;
	s0 =	simm.s32 @!p0 $0x0  }
0x12: {  	s1 =	sld [smem:$0x3F97];
	s0 =	simm.s32 @p0 $0x1  }
0x13: {  	[smem:$0x3FB2] =	sst s0;
	s0 =	simm.s32 @!p1 $0x0  }
0x14: {  	s2 =	sld [smem:$0x3F96];
	s0 =	simm.s32 @p1 $0x1  }
0x15: {  	[smem:$0x3FB3] =	sst s0;
	s0 =	simm.s32 @!p2 $0x0  }
0x16: {  	s3 =	sld [smem:$0x3FDB];
	s0 =	simm.s32 @p2 $0x1  }
0x17: {  	s4 =	simm.s32 $0x1BF5;
	[smem:$0x3FB5] =	sst s0  }
0x18: {  	s0 =	sld [smem:$0x3F98];
	_ =	swait.ge [sflag:s4], $0x0  }
0x19: {  	s7 =	sld [smem:$0x3F99]  }
0x1a: {  	s8 =	sadd.s32 $0xFFFFE003, lr  }
0x1b: {  	s9 =	sadd.s32 $0xFFFFFEF7, lr;
	s5 =	simm.s32 $0xFFFFFFFF;
	p2 =	slt.u32 s8, $0xFFFFF086  }
0x1c: {  	p1 =	slt.u32 s9, $0xF7A;
	s5 =	simm.s32 @!p2 $0x0  }
0x1d: {  	s5 =	simm.s32 @p1 $0x1;
	p0 =	seq.s32 s7, s2  }
0x1e: {  	s7 =	smul.u32 @!p0 $0xF7A, s2;
	p2 =	seq.s32 @!p0 s5, $0x0  }
0x1f: {  	s9 =	smul.u32 $0xF7A, s1;
	s8 =	simm.s32 @!p0 $0x1BF5;
	p2 =	por !p2, p0  }
0x20: {  	[sflag:s8] =	ssyncset.s32 @!p0 $0xFFFFF086;
	s6 =	sadd.s32 @!p0 s3, s7;
	s7 =	simm.s32 @!p0 $0x108  }
0x21: {  	s3 =	sadd.s32 s3, s9;
	s6 =	sadd.s32 @!p0 $0x88, s6;
	s7 =	simm.s32 @p2 $0x1082  }
0x22: {  	[simem:s7], [sflag:s8] =	dma.local @!p0 [hbm:s6], $0xF7A  }
0x23: {  	s9 =	sor.u32 $0xD0000000, s2;
	s6 =	simm.s32 $0x108;
	_ =	swait.ge @!p0 [sflag:s8], $0x0  }
0x24: {  	s3 =	sadd.s32 $0x88, s3;
	s6 =	simm.s32 @!p1 $0x1082;
	[sflag:s4] =	ssyncset.s32 $0xFFFFF086  }
0x25: {  	[simem:s6], [sflag:s4] =	dma.local [hbm:s3], $0xF7A  }
0x26: {  	[smem:$0x3F99] =	sst s1;
	(tag) =	ssettag s2;
	_ =	strace s9  }
0x27: {  	s1 =	sld [smem:$0x3FA9]  }
0x28: {  	s2 =	sld [smem:$0x3FAA]  }
0x29: {  	s4 =	sld [smem:$0x3FAC]  }
0x2a: {  	p0 =	seq.s32 s5, $0x0;
	s5 =	sld [smem:$0x3FAD]  }
0x2b: {  	s6 =	sld [smem:$0x3FAE]  }
0x2c: {  	s7 =	sld [smem:$0x3FAF]  }
0x2d: {  	s3 =	simm.s32 $0x108;
	s8 =	sld [smem:$0x3FB0]  }
0x2e: {  	s3 =	simm.s32 @!p0 $0x1082;
	s9 =	sld [smem:$0x3FB1]  }
0x2f: {  	lr =	sadd.s32 s0, s3;
	s0 =	sld [smem:$0x3FA8]  }
0x30: {  	s3 =	sld [smem:$0x3FAB]  }
0x31: {  	[smem:$0x3FB4] =	sst s10  }
0x32: {  	s10 =	sld [smem:$0x3FB2];
	_ =	sdelay $0x3  }
0x33: {  	p0 =	seq.s32 s10, $0x1;
	s10 =	sld [smem:$0x3FB4];
	_ =	sdelay $0x3  }
0x34: {  	[smem:$0x3FB4] =	sst s10  }
0x35: {  	s10 =	sld [smem:$0x3FB3];
	_ =	sdelay $0x3  }
0x36: {  	p1 =	seq.s32 s10, $0x1;
	s10 =	sld [smem:$0x3FB4];
	_ =	sdelay $0x3  }
0x37: {  	[smem:$0x3FB4] =	sst s10  }
0x38: {  	s10 =	sld [smem:$0x3FB5]  }
0x39: {  	_ = 	snop;
	(pc) =	sbr.ind lr, $3  }
0x3a: {  	_ = 	snop  }
0x3b: {  	_ = 	snop  }
0x3c: {  	p2 =	seq.s32 s10, $0x1;
	s10 =	sld [smem:$0x3FB4]  }
0x3d: {  	_ =	shalt  }
0x3e: {  	_ =	shalt  }
0x3f: {  	_ =	shalt  }
0x40: {  	_ =	shalt  }
0x41: {  	_ =	shalt  }
0x42: {  	_ =	shalt  }
0x43: {  	_ =	shalt  }
0x44: {  	_ =	shalt  }
0x45: {  	_ =	shalt  }
0x46: {  	_ =	shalt  }
0x47: {  	_ =	shalt  }
0x48: {  	_ =	shalt  }
0x49: {  	_ =	shalt  }
0x4a: {  	_ =	shalt  }
0x4b: {  	_ =	shalt  }
0x4c: {  	_ =	shalt  }
0x4d: {  	_ =	shalt  }
0x4e: {  	_ =	shalt  }
0x4f: {  	_ =	shalt  }
0x50: {  	_ =	shalt  }
0x51: {  	_ =	shalt  }
0x52: {  	_ =	shalt  }
0x53: {  	_ =	shalt  }
0x54: {  	_ =	shalt  }
0x55: {  	_ =	shalt  }
0x56: {  	_ =	shalt  }
0x57: {  	_ =	shalt  }
0x58: {  	_ =	shalt  }
0x59: {  	_ =	shalt  }
0x5a: {  	_ =	shalt  }
0x5b: {  	_ =	shalt  }
0x5c: {  	_ =	shalt  }
0x5d: {  	_ =	shalt  }
0x5e: {  	_ =	shalt  }
0x5f: {  	_ =	shalt  }
0x60: {  	_ =	shalt  }
0x61: {  	_ =	shalt  }
0x62: {  	_ =	shalt  }
0x63: {  	_ =	shalt  }
0x64: {  	_ =	shalt  }
0x65: {  	_ =	shalt  }
0x66: {  	_ =	shalt  }
0x67: {  	_ =	shalt  }
0x68: {  	_ =	shalt  }
0x69: {  	_ =	shalt  }
0x6a: {  	_ =	shalt  }
0x6b: {  	_ =	shalt  }
0x6c: {  	_ =	shalt  }
0x6d: {  	_ =	shalt  }
0x6e: {  	_ =	shalt  }
0x6f: {  	_ =	shalt  }
0x70: {  	_ =	shalt  }
0x71: {  	_ =	shalt  }
0x72: {  	_ =	shalt  }
0x73: {  	_ =	shalt  }
0x74: {  	_ =	shalt  }
0x75: {  	_ =	shalt  }
0x76: {  	_ =	shalt  }
0x77: {  	_ =	shalt  }
0x78: {  	_ =	shalt  }
0x79: {  	_ =	shalt  }
0x7a: {  	_ =	shalt  }
0x7b: {  	_ =	shalt  }
0x7c: {  	_ =	shalt  }
0x7d: {  	_ =	shalt  }
0x7e: {  	_ =	shalt  }
0x7f: {  	_ =	shalt  }
0x80: {  	_ =	shalt  }
0x81: {  	_ =	shalt  }
0x82: {  	_ =	shalt  }
0x83: {  	_ =	shalt  }
0x84: {  	_ =	shalt  }
0x85: {  	_ =	shalt  }
0x86: {  	_ =	shalt  }
0x87: {  	_ =	shalt  }
.Lfunc_end0:
.L_simem_size_0:
called_computation.2_lowered:
.L_overlay_start_0:
0x88: {  	s2 =	sld [smem:$0x3FD9]  }
0x89: {  	s3 =	sld [smem:$0x3FFE];
	_ =	sdelay $0x1  }
0x8a: {  	s1 =	srdreg.scid  }
0x8b: {  	s0 =	sand.u32 $0x1, s1  }
0x8c: {  	s17 =	sshll.u32 s0, $0xA;
	s2 =	sadd.s32 s3, s2  }
0x8d: {  	s2 =	sadd.s32 s2, s17  }
0x8e: {  	[smem:$0x3FC0] =	sst s2  }
0x8f: {  	_ = 	snop  }
0x90: {  	s2 =	sld [smem:$0x3FD0];
	(tm) =	ssettm $0x1  }
0x91: {  	s18 =	sld [smem:$0x3FFB];
	_ =	sdelay $0x3  }
0x92: {  	_ =	strace s18  }
0x93: {  	s3 =	sld [smem:$0x3FFC];
	_ =	sdelay $0x3  }
0x94: {  	_ =	strace s3  }
0x95: {  	s3 =	sld [smem:$0x3FFD];
	_ =	sdelay $0x3  }
0x96: {  	_ =	strace s3  }
0x97: {  	_ =	strace $0x8FFFFFFF  }
0x98: {  	s19 =	sld [smem:$0x3FDB];
	_ =	sdelay $0x1  }
0x99: {  	s4 =	simm.s32 $_scs_section_size  }
0x9a: {  	s5 =	simm.s32 $_size__tile_overlayer_lowered;
	s6 =	simm.s32 $_tile_overlayer_lowered  }
0x9b: {  	s22 =	simm.s32 $0x1BFF;
	s21 =	sshll.u32 s6, $0x1;
	s3 =	sadd.s32 s4, s19  }
0x9c: {  	s7 =	simm.s32 $0x0;
	s20 =	sshll.u32 s5, $0x1;
	s5 =	sadd.s32 s21, s3  }
0x9d: {  	[timem:s7], [sflag:s22] =	dma.local [hbm:s5], s20  }
0x9e: {  	_ =	swait.ge [sflag:s22], s20  }
0x9f: {  	s4 =	ssub.s32 $0x0, s20;
	[sflag:s22] =	ssyncset.done $0x0  }
0xa0: {  	[sflag:s22] =	ssyncadd.s32 s4;
	_ =	sdelay $0x1  }
0xa1: {  	s23 =	simm.s32 $0x1B8B  }
0xa2: {  	_ =	swait.ge [sflag:s23], $0x1  }
0xa3: {  	[sflag:s23] =	ssyncset.done $0x0  }
0xa4: {  	s25 =	simm.s32 $0x1B8E;
	s24 =	sld [smem:$0x3FFE];
	[sflag:s23] =	ssyncadd.s32 $0xFFFFFFFF  }
0xa5: {  	s26 =	simm.s32 $execute0_lowered;
	[smem:$0x3FD2] =	sst s25  }
0xa6: {  	s5 =	sshll.u32 s26, $0x1;
	_ =	strace $0x8000004C;
	[dreg:$0x1] =	wrdreg $0xFFFFFFFF  }
0xa7: {  	s28 =	simm.s32 $_size_execute0_lowered;
	s3 =	sadd.s32 s3, s5;
	[dreg:$0x0] =	wrdreg $0x0  }
0xa8: {  	s5 =	sshll.u32 s28, $0x1;
	[dreg:$0x2] =	wrdreg s3  }
0xa9: {  	[dreg:$0x3] =	wrdreg s5  }
0xaa: {  	[dreg:$0x4] =	wrdreg $0xC0  }
0xab: {  	_ =	task [dreg:s7], $0x5FFFF  }
0xac: {  	[dreg:$0x1] =	wrdreg $0xFFFFFFFF  }
0xad: {  	[dreg:$0x0] =	wrdreg $0x60  }
0xae: {  	[dreg:$0x2] =	wrdreg s24  }
0xaf: {  	[dreg:$0x3] =	wrdreg s2  }
0xb0: {  	[dreg:$0x4] =	wrdreg $0x88000  }
0xb1: {  	[dreg:$0x5] =	wrdreg $0x9  }
0xb2: {  	_ =	task.clear_ibuf [dreg:s7], $0x6FFFF;
	_ =	strace $0x9000004C  }
0xb3: {  	s29 =	simm.s32 $0x9;
	_ =	strace $0x8000004E  }
0xb4: {  	_ =	swait.ge [sflag:s29], $0x1  }
0xb5: {  	[sflag:s29] =	ssyncadd.s32 $0xFFFFFFFF  }
0xb6: {  	_ =	strace $0x9000004E  }
0xb7: {  	_ =	sfence  }
0xb8: {  	s30 =	sld [smem:$0x0];
	_ =	sdelay $0x2  }
0xb9: {  	s31 =	sshll.u32 s1, $0xD;
	s1 =	sshrl.u32 s1, $0x2  }
0xba: {  	s3 =	sand.u32 $0x4000, s31;
	s1 =	sadd.s32 s1, s30  }
0xbb: {  	s0 =	sor.u32 s3, s0;
	s1 =	sshll.u32 s1, $0x11  }
0xbc: {  	s0 =	sor.u32 s1, s0  }
0xbd: {  	s0 =	sadd.s32 $0x8F2B, s0  }
0xbe: {  	[sflag:s0] =	ssyncadd.remote.s32 $0x1  }
0xbf: {  	_ =	sfence.sel $0xFFFF  }
0xc0: {  	[dreg:$0x0] =	wrdreg $0xFFFFFFFF;
	(pc) =	sbr.abs _section_cstart, $3  }
0xc1: {  	[dreg:$0x1] =	wrdreg $0xFFFFFFFF  }
0xc2: {  	_ =	task.clear_ibuf [dreg:s7], $0x2FFFF;
	_ =	strace $0x9FFFFFFF  }
0xc3: {  	(tm) =	ssettm $0x7FFFFFFF  }
tec
execute0_lowered:
.L_overlay_start_1:
0x0: {  	(tag) =	ssettag $0x1  }
0x1: {  	s0 =	rddreg [dreg:$0x0]  }
0x2: {  	s2 =	rddreg [dreg:$0x1]  }
0x3: {  	s1 =	rddreg [dreg:$0x2];
	s3 =	simm.s32 $0x0  }
0x4: {  	s4 =	srdreg.scid;
	s17 =	stileid.u32;
	s28 =	simm.s32 $0x2  }
0x5: {  	s29 =	simm.s32 $0x480;
	s30 =	simm.s32 $0x180;
	s31 =	simm.s32 $0x500  }
0x6: {  	[smem:$0x7FF] =	sst s3;
	s5 =	sand.u32 $0x1, s4;
	s6 =	smul.u32 $0x4F000, s17  }
0x7: {  	s4 =	sadd.s32 $0xD200, s0;
	s7 =	sadd.s32 $0x3200, s0;
	s10 =	smul.u32 $0x13C00, s17  }
0x8: {  	s0 =	sadd.s32 $0x34400, s0;
	s15 =	sshll.u32 s17, $0x7;
	_ =	strace $0x8000004D  }
0x9: {  	s8 =	ssub.s32 $0x2, s5;
	s16 =	smul.u32 $0x13C000, s5;
	p0 =	seq.s32 s5, $0x1  }
0xa: {  	s26 =	sor.u32 $0x9800, s15;
	s9 =	sshrl.u32 s8, $0x1;
	s6 =	sshrl.u32 s6, $0x2  }
0xb: {  	s24 =	sadd.s32 $0x4000, s10;
	s12 =	sadd.s32 $0x8000, s10;
	s13 =	sadd.s32 $0xC000, s10  }
0xc: {  	s25 =	sadd.s32 $0x10000, s10;
	s15 =	sadd.s32 s7, s26;
	s5 =	sadd.s32 s2, s26  }
0xd: {  	s11 =	ssub.s32 s8, s9;
	s8 =	sadd.s32 s6, s1;
	s9 =	sadd.s32 s24, s1  }
0xe: {  	s20 =	sadd.s32 s12, s1;
	s14 =	sadd.s32 s13, s1;
	s18 =	sadd.s32 s25, s1  }
0xf: {  	[dreg:$0x9] =	wrdreg s15;
	s10 =	sadd.s32 s10, s16;
	s6 =	sadd.s32 s16, s24  }
0x10: {  	[dreg:$0xa] =	wrdreg s5;
	s21 =	sadd.s32 s16, s12;
	s22 =	sadd.s32 s16, s13  }
0x11: {  	s23 =	sadd.s32 s16, s25;
	s24 =	smul.u32 $0x980, s17;
	s12 =	simm.s32 $0x300  }
0x12: {  	s13 =	simm.s32 $0x680;
	s15 =	simm.s32 $0x700;
	[dreg:$0x7] =	wrdreg s14  }
0x13: {  	s16 =	simm.s32 $0x780;
	s17 =	simm.s32 $0x0;
	[dreg:$0x8] =	wrdreg s18  }
0x14: {  	s18 =	sshrl.u32 s10, $0x3;
	s6 =	sshrl.u32 s6, $0x3;
	s10 =	sshrl.u32 s23, $0x3  }
0x15: {  	s26 =	smax.u32 s11, $0x1;
	s23 =	simm.s32 $0x80;
	[dreg:$0x4] =	wrdreg s8  }
0x16: {  	s11 =	simm.s32 $0x600;
	s14 =	simm.s32 $0x380;
	[dreg:$0x5] =	wrdreg s9  }
0x17: {  	s5 =	sadd.s32 s0, s18;
	s19 =	sadd.s32 s0, s6;
	s6 =	sshrl.u32 s22, $0x3  }
0x18: {  	[dreg:$0x10] =	wrdreg s26;
	s18 =	sadd.s32 s24, s2;
	s22 =	simm.s32 $0x400  }
0x19: {  	s26 =	simm.s32 $0x100;
	s2 =	simm.s32 $0x580;
	[dreg:$0xb] =	wrdreg s5  }
0x1a: {  	[dreg:$0xc] =	wrdreg s19;
	s5 =	sshrl.u32 s21, $0x3;
	s25 =	sadd.s32 s0, s6  }
.Ltmp0:
0x1b: {  	s19 =	sadd.s32 s24, s7;
	s7 =	smov.u32 s20;
	(pc) =	sbr.rel .LBB2_1-.Ltmp0, $4  }
0x1c: {  	s20 =	simm.s32 $0x800;
	s21 =	simm.s32 $0x3;
	[dreg:$0xe] =	wrdreg s25  }
0x1d: {  	s24 =	simm.s32 $0x4800;
	s5 =	sadd.s32 s0, s5;
	[dreg:$0x6] =	wrdreg s7  }
0x1e: {  	s0 =	sadd.s32 s0, s10;
	s25 =	simm.s32 $0x1;
	[dreg:$0xd] =	wrdreg s5  }
0x1f: {  	v0 =	vimm.f32 $0.0e+00;
	s10 =	simm.s32 $0x280;
	[dreg:$0xf] =	wrdreg s0;
	s0 =	simm.s32 $0x200  }
.LBB2_7:
0x20: {  	s5 =	rddreg [dreg:$0x9]  }
0x21: {  	[tilespmem:s3], [sflag:$0x3] =	stream.linear.gather [hbm4b:s5+s3], $0x400, $0x38;
	[tilespmem:$0x1C400] =	vst v63  }
0x22: {  	_ =	swait.ge [sflag:s21], $0x400  }
0x23: {  	[sflag:s21] =	ssyncset.done $0x0  }
0x24: {  	s6 =	rddreg [dreg:$0xa];
	[sflag:s21] =	ssyncadd.s32 $0xFFFFFC00  }
0x25: {  	[tilespmem:s22], [sflag:$0x3] =	stream.linear.gather [hbm4b:s6+s3], $0x400, $0x38;
	[tilespmem:$0x1C400] =	vst v63  }
0x26: {  	_ =	swait.ge [sflag:s21], $0x400  }
0x27: {  	[sflag:s21] =	ssyncset.done $0x0  }
0x28: {  	[sflag:s21] =	ssyncadd.s32 $0xFFFFFC00  }
0x29: {  	[tilespmem:s20], [sflag:$0x1] =	stream.indirect.gather [hbm4b:s4+s23], $0x80, s3, s23, $0xb8;
	[tilespmem:$0x1C400] =	vst v63  }
0x2a: {  	_ = 	snop  }
0x2b: {  	[tilespmem:s24], [sflag:$0x2] =	stream.indirect.gather [hbm4b:s4+s23], $0x80, s23, s23, $0xb8;
	[tilespmem:$0x1C400] =	vst v63  }
0x2c: {  	_ =	swait.ge [sflag:s25], $0x4000  }
0x2d: {  	[sflag:s25] =	ssyncset.done $0x0  }
0x2e: {  	[sflag:s25] =	ssyncadd.s32 $0xFFFFC000  }
0x2f: {  	[spmem:s1] =	stream.indirect.scatter.add.f32 [tilespmem:s20], [sflag:$0x3], $0x80, s22, s23, $0xb8;
	[tilespmem:$0x1C400] =	vst v63  }
0x30: {  	_ =	swait.ge [sflag:s21], $0x4000  }
0x31: {  	[sflag:s21] =	ssyncset.done $0x0  }
0x32: {  	[sflag:s21] =	ssyncadd.s32 $0xFFFFC000  }
0x33: {  	[tilespmem:s20], [sflag:$0x1] =	stream.indirect.gather [hbm4b:s4+s23], $0x80, s26, s23, $0xb8;
	[tilespmem:$0x1C400] =	vst v63  }
0x34: {  	_ =	swait.ge [sflag:s28], $0x4000  }
0x35: {  	[sflag:s28] =	ssyncset.done $0x0  }
0x36: {  	[sflag:s28] =	ssyncadd.s32 $0xFFFFC000  }
0x37: {  	[spmem:s1] =	stream.indirect.scatter.add.f32 [tilespmem:s24], [sflag:$0x3], $0x80, s29, s23, $0xb8;
	[tilespmem:$0x1C400] =	vst v63  }
0x38: {  	_ =	swait.ge [sflag:s21], $0x4000  }
0x39: {  	[sflag:s21] =	ssyncset.done $0x0  }
0x3a: {  	[sflag:s21] =	ssyncadd.s32 $0xFFFFC000  }
0x3b: {  	[tilespmem:s24], [sflag:$0x2] =	stream.indirect.gather [hbm4b:s4+s23], $0x80, s30, s23, $0xb8;
	[tilespmem:$0x1C400] =	vst v63  }
0x3c: {  	_ =	swait.ge [sflag:s25], $0x4000  }
0x3d: {  	[sflag:s25] =	ssyncset.done $0x0  }
0x3e: {  	[sflag:s25] =	ssyncadd.s32 $0xFFFFC000  }
0x3f: {  	[spmem:s1] =	stream.indirect.scatter.add.f32 [tilespmem:s20], [sflag:$0x3], $0x80, s31, s23, $0xb8;
	[tilespmem:$0x1C400] =	vst v63  }
0x40: {  	_ =	swait.ge [sflag:s21], $0x4000  }
0x41: {  	[sflag:s21] =	ssyncset.done $0x0  }
0x42: {  	[sflag:s21] =	ssyncadd.s32 $0xFFFFC000  }
0x43: {  	[tilespmem:s20], [sflag:$0x1] =	stream.indirect.gather [hbm4b:s4+s23], $0x80, s0, s23, $0xb8;
	[tilespmem:$0x1C400] =	vst v63  }
0x44: {  	_ =	swait.ge [sflag:s28], $0x4000  }
0x45: {  	[sflag:s28] =	ssyncset.done $0x0  }
0x46: {  	[sflag:s28] =	ssyncadd.s32 $0xFFFFC000  }
0x47: {  	[spmem:s1] =	stream.indirect.scatter.add.f32 [tilespmem:s24], [sflag:$0x3], $0x80, s2, s23, $0xb8;
	[tilespmem:$0x1C400] =	vst v63  }
0x48: {  	_ =	swait.ge [sflag:s21], $0x4000  }
0x49: {  	[sflag:s21] =	ssyncset.done $0x0  }
0x4a: {  	[sflag:s21] =	ssyncadd.s32 $0xFFFFC000  }
0x4b: {  	[tilespmem:s24], [sflag:$0x2] =	stream.indirect.gather [hbm4b:s4+s23], $0x80, s10, s23, $0xb8;
	[tilespmem:$0x1C400] =	vst v63  }
0x4c: {  	_ =	swait.ge [sflag:s25], $0x4000  }
0x4d: {  	[sflag:s25] =	ssyncset.done $0x0  }
0x4e: {  	[sflag:s25] =	ssyncadd.s32 $0xFFFFC000  }
0x4f: {  	[spmem:s1] =	stream.indirect.scatter.add.f32 [tilespmem:s20], [sflag:$0x3], $0x80, s11, s23, $0xb8;
	[tilespmem:$0x1C400] =	vst v63  }
0x50: {  	_ =	swait.ge [sflag:s21], $0x4000  }
0x51: {  	[sflag:s21] =	ssyncset.done $0x0  }
0x52: {  	[sflag:s21] =	ssyncadd.s32 $0xFFFFC000  }
0x53: {  	[tilespmem:s20], [sflag:$0x1] =	stream.indirect.gather [hbm4b:s4+s23], $0x80, s12, s23, $0xb8;
	[tilespmem:$0x1C400] =	vst v63  }
0x54: {  	_ =	swait.ge [sflag:s28], $0x4000  }
0x55: {  	[sflag:s28] =	ssyncset.done $0x0  }
0x56: {  	[sflag:s28] =	ssyncadd.s32 $0xFFFFC000  }
0x57: {  	[spmem:s1] =	stream.indirect.scatter.add.f32 [tilespmem:s24], [sflag:$0x3], $0x80, s13, s23, $0xb8;
	[tilespmem:$0x1C400] =	vst v63  }
0x58: {  	_ =	swait.ge [sflag:s21], $0x4000  }
0x59: {  	[sflag:s21] =	ssyncset.done $0x0  }
0x5a: {  	[sflag:s21] =	ssyncadd.s32 $0xFFFFC000  }
0x5b: {  	[tilespmem:s24], [sflag:$0x2] =	stream.indirect.gather [hbm4b:s4+s23], $0x80, s14, s23, $0xb8;
	[tilespmem:$0x1C400] =	vst v63  }
0x5c: {  	_ =	swait.ge [sflag:s25], $0x4000  }
0x5d: {  	[sflag:s25] =	ssyncset.done $0x0  }
0x5e: {  	[sflag:s25] =	ssyncadd.s32 $0xFFFFC000  }
0x5f: {  	[spmem:s1] =	stream.indirect.scatter.add.f32 [tilespmem:s20], [sflag:$0x3], $0x80, s15, s23, $0xb8;
	[tilespmem:$0x1C400] =	vst v63  }
0x60: {  	_ =	swait.ge [sflag:s21], $0x4000  }
0x61: {  	[sflag:s21] =	ssyncset.done $0x0  }
0x62: {  	[sflag:s21] =	ssyncadd.s32 $0xFFFFC000  }
0x63: {  	_ =	swait.ge [sflag:s28], $0x4000  }
0x64: {  	[sflag:s28] =	ssyncset.done $0x0  }
0x65: {  	[sflag:s28] =	ssyncadd.s32 $0xFFFFC000  }
0x66: {  	[spmem:s1] =	stream.indirect.scatter.add.f32 [tilespmem:s24], [sflag:$0x3], $0x80, s16, s23, $0xb8;
	[tilespmem:$0x1C400] =	vst v63  }
0x67: {  	_ =	swait.ge [sflag:s21], $0x4000  }
0x68: {  	[sflag:s21] =	ssyncset.done $0x0  }
0x69: {  	[sflag:s21] =	ssyncadd.s32 $0xFFFFC000  }
.LBB2_8:
0x6a: {  	[bflag:$0x0] =	sbarrier.arrive $0xFFFF  }
0x6b: {  	[tilespmem:s20], [sflag:$0x3] =	stream.linear.gather [spmem:s8], $0x4000, $0x38;
	[tilespmem:$0x1C400] =	vst v63  }
0x6c: {  	_ =	swait.ge [sflag:s21], $0x4000  }
0x6d: {  	[sflag:s21] =	ssyncset.done $0x0  }
0x6e: {  	s5 =	rddreg [dreg:$0xb];
	[sflag:s21] =	ssyncadd.s32 $0xFFFFC000  }
0x6f: {  	[hbm4b:s5+s3] =	stream.linear.scatter [tilespmem:s20], [sflag:$0x3], $0x4000, $0x38;
	[tilespmem:$0x1C400] =	vst v63  }
0x70: {  	_ =	swait.ge [sflag:s21], $0x4000  }
0x71: {  	[sflag:s21] =	ssyncset.done $0x0  }
0x72: {  	[sflag:s21] =	ssyncadd.s32 $0xFFFFC000  }
0x73: {  	[tilespmem:s20], [sflag:$0x3] =	stream.linear.gather [spmem:s9], $0x4000, $0x38;
	[tilespmem:$0x1C400] =	vst v63  }
0x74: {  	_ =	swait.ge [sflag:s21], $0x4000  }
0x75: {  	[sflag:s21] =	ssyncset.done $0x0  }
0x76: {  	s6 =	rddreg [dreg:$0xc];
	[sflag:s21] =	ssyncadd.s32 $0xFFFFC000  }
0x77: {  	[hbm4b:s6+s3] =	stream.linear.scatter [tilespmem:s20], [sflag:$0x3], $0x4000, $0x38;
	[tilespmem:$0x1C400] =	vst v63  }
0x78: {  	_ =	swait.ge [sflag:s21], $0x4000  }
0x79: {  	[sflag:s21] =	ssyncset.done $0x0  }
0x7a: {  	[sflag:s21] =	ssyncadd.s32 $0xFFFFC000  }
0x7b: {  	[tilespmem:s20], [sflag:$0x3] =	stream.linear.gather [spmem:s7], $0x4000, $0x38;
	[tilespmem:$0x1C400] =	vst v63  }
0x7c: {  	_ =	swait.ge [sflag:s21], $0x4000  }
0x7d: {  	[sflag:s21] =	ssyncset.done $0x0  }
0x7e: {  	s6 =	rddreg [dreg:$0xd];
	[sflag:s21] =	ssyncadd.s32 $0xFFFFC000  }
0x7f: {  	[hbm4b:s6+s3] =	stream.linear.scatter [tilespmem:s20], [sflag:$0x3], $0x4000, $0x38;
	[tilespmem:$0x1C400] =	vst v63  }
0x80: {  	_ =	swait.ge [sflag:s21], $0x4000  }
0x81: {  	[sflag:s21] =	ssyncset.done $0x0  }
0x82: {  	s6 =	rddreg [dreg:$0x7];
	[sflag:s21] =	ssyncadd.s32 $0xFFFFC000  }
0x83: {  	[tilespmem:s20], [sflag:$0x3] =	stream.linear.gather [spmem:s6], $0x4000, $0x38;
	[tilespmem:$0x1C400] =	vst v63  }
0x84: {  	_ =	swait.ge [sflag:s21], $0x4000  }
0x85: {  	[sflag:s21] =	ssyncset.done $0x0  }
0x86: {  	s6 =	rddreg [dreg:$0xe];
	[sflag:s21] =	ssyncadd.s32 $0xFFFFC000  }
0x87: {  	[hbm4b:s6+s3] =	stream.linear.scatter [tilespmem:s20], [sflag:$0x3], $0x4000, $0x38;
	[tilespmem:$0x1C400] =	vst v63  }
0x88: {  	_ =	swait.ge [sflag:s21], $0x4000  }
0x89: {  	[sflag:s21] =	ssyncset.done $0x0  }
0x8a: {  	s6 =	rddreg [dreg:$0x8];
	[sflag:s21] =	ssyncadd.s32 $0xFFFFC000  }
0x8b: {  	[tilespmem:s20], [sflag:$0x3] =	stream.linear.gather [spmem:s6], $0x3C00, $0x38;
	[tilespmem:$0x1C400] =	vst v63  }
0x8c: {  	_ =	swait.ge [sflag:s21], $0x3C00  }
0x8d: {  	[sflag:s21] =	ssyncset.done $0x0  }
0x8e: {  	s6 =	rddreg [dreg:$0xf];
	[sflag:s21] =	ssyncadd.s32 $0xFFFFC400  }
0x8f: {  	[hbm4b:s6+s3] =	stream.linear.scatter [tilespmem:s20], [sflag:$0x3], $0x3C00, $0x38;
	[tilespmem:$0x1C400] =	vst v63  }
0x90: {  	_ =	swait.ge [sflag:s21], $0x3C00  }
0x91: {  	s17 =	sadd.s32 $0x1, s17;
	s6 =	rddreg [dreg:$0x10]  }
0x92: {  	p1 =	sne.s32 s17, s6  }
.Ltmp1:
0x93: {  	_ = 	snop;
	(pc) =	sbr.rel @!p1 .LBB2_9-.Ltmp1, $3  }
0x94: {  	_ =	sdelay $0x1  }
0x95: {  	[sflag:s21] =	ssyncset.done $0x0  }
0x96: {  	[sflag:s21] =	ssyncadd.s32 $0xFFFFC400  }
.LBB2_1:
0x97: {  	s5 =	simm.s32 $0x0;
	s6 =	simm.s32 $0x200  }
.LBB2_2:
0x98: {  	p1 =	sne.s32 s6, $0xFE00;
	[tilespmem:s5+$0x870] =	vst v0  }
0x99: {  	[tilespmem:s5+$0x800] =	vst v0  }
0x9a: {  	[tilespmem:s5+$0x810] =	vst v0  }
.Ltmp2:
0x9b: {  	[tilespmem:s5+$0x820] =	vst v0;
	(pc) =	sbr.rel @p1 .LBB2_2-.Ltmp2, $4  }
0x9c: {  	[tilespmem:s5+$0x830] =	vst v0  }
0x9d: {  	[tilespmem:s5+$0x840] =	vst v0  }
0x9e: {  	[tilespmem:s5+$0x850] =	vst v0  }
0x9f: {  	[tilespmem:s5+$0x860] =	vst v0;
	s5 =	sshra.s32 s6, $0x2;
	s6 =	sadd.s32 $0x200, s6  }
0xa0: {  	[tilespmem:s5+$0x870] =	vst v0  }
0xa1: {  	[tilespmem:s5+$0x800] =	vst v0  }
0xa2: {  	[tilespmem:s5+$0x810] =	vst v0  }
0xa3: {  	[tilespmem:s5+$0x820] =	vst v0  }
0xa4: {  	[tilespmem:s5+$0x830] =	vst v0  }
0xa5: {  	[tilespmem:s5+$0x840] =	vst v0  }
0xa6: {  	[tilespmem:s5+$0x850] =	vst v0  }
0xa7: {  	[tilespmem:s5+$0x860] =	vst v0  }
0xa8: {  	[spmem:s8] =	stream.linear.scatter [tilespmem:s20], [sflag:$0x3], $0x4000, $0x38;
	[tilespmem:$0x1C400] =	vst v63  }
0xa9: {  	_ =	swait.ge [sflag:s21], $0x4000  }
0xaa: {  	[sflag:s21] =	ssyncset.done $0x0  }
0xab: {  	[sflag:s21] =	ssyncadd.s32 $0xFFFFC000  }
0xac: {  	[spmem:s9] =	stream.linear.scatter [tilespmem:s20], [sflag:$0x3], $0x4000, $0x38;
	[tilespmem:$0x1C400] =	vst v63  }
0xad: {  	_ =	swait.ge [sflag:s21], $0x4000  }
0xae: {  	[sflag:s21] =	ssyncset.done $0x0  }
0xaf: {  	[sflag:s21] =	ssyncadd.s32 $0xFFFFC000  }
0xb0: {  	[spmem:s7] =	stream.linear.scatter [tilespmem:s20], [sflag:$0x3], $0x4000, $0x38;
	[tilespmem:$0x1C400] =	vst v63  }
0xb1: {  	_ =	swait.ge [sflag:s21], $0x4000  }
0xb2: {  	[sflag:s21] =	ssyncset.done $0x0  }
0xb3: {  	s6 =	rddreg [dreg:$0x7];
	[sflag:s21] =	ssyncadd.s32 $0xFFFFC000  }
0xb4: {  	[spmem:s6] =	stream.linear.scatter [tilespmem:s20], [sflag:$0x3], $0x4000, $0x38;
	[tilespmem:$0x1C400] =	vst v63  }
0xb5: {  	_ =	swait.ge [sflag:s21], $0x4000  }
0xb6: {  	[sflag:s21] =	ssyncset.done $0x0  }
0xb7: {  	s6 =	rddreg [dreg:$0x8];
	[sflag:s21] =	ssyncadd.s32 $0xFFFFC000  }
0xb8: {  	[spmem:s6] =	stream.linear.scatter [tilespmem:s20], [sflag:$0x3], $0x3C00, $0x38;
	[tilespmem:$0x1C400] =	vst v63  }
.Ltmp3:
0xb9: {  	_ =	swait.ge [sflag:s21], $0x3C00;
	(pc) =	sbr.rel @p0 .LBB2_7-.Ltmp3, $3  }
0xba: {  	[sflag:s21] =	ssyncset.done $0x0  }
0xbb: {  	[sflag:s21] =	ssyncadd.s32 $0xFFFFC400  }
0xbc: {  	[bflag:$0x0] =	sbarrier.arrive $0xFFFF;
	_ =	sdelay $0x1  }
0xbd: {  	s5 =	sadd.s32 $0x0, s19  }
0xbe: {  	[tilespmem:s3], [sflag:$0x3] =	stream.linear.gather [hbm4b:s5+s3], $0x400, $0x38;
	[tilespmem:$0x1C400] =	vst v63  }
0xbf: {  	_ =	swait.ge [sflag:s21], $0x400  }
0xc0: {  	[sflag:s21] =	ssyncset.done $0x0  }
0xc1: {  	s9 =	sadd.s32 $0x0, s18;
	[sflag:s21] =	ssyncadd.s32 $0xFFFFFC00  }
0xc2: {  	[tilespmem:s22], [sflag:$0x3] =	stream.linear.gather [hbm4b:s9+s3], $0x400, $0x38;
	[tilespmem:$0x1C400] =	vst v63  }
0xc3: {  	_ =	swait.ge [sflag:s21], $0x400  }
0xc4: {  	[sflag:s21] =	ssyncset.done $0x0  }
0xc5: {  	[sflag:s21] =	ssyncadd.s32 $0xFFFFFC00  }
0xc6: {  	[tilespmem:s20], [sflag:$0x1] =	stream.indirect.gather [hbm4b:s4+s23], $0x80, s3, s23, $0xb8;
	[tilespmem:$0x1C400] =	vst v63  }
0xc7: {  	_ = 	snop  }
0xc8: {  	[tilespmem:s24], [sflag:$0x2] =	stream.indirect.gather [hbm4b:s4+s23], $0x80, s23, s23, $0xb8;
	[tilespmem:$0x1C400] =	vst v63  }
0xc9: {  	_ =	swait.ge [sflag:s25], $0x4000  }
0xca: {  	[sflag:s25] =	ssyncset.done $0x0  }
0xcb: {  	[sflag:s25] =	ssyncadd.s32 $0xFFFFC000  }
0xcc: {  	[spmem:s1] =	stream.indirect.scatter.add.f32 [tilespmem:s20], [sflag:$0x3], $0x80, s22, s23, $0xb8;
	[tilespmem:$0x1C400] =	vst v63  }
0xcd: {  	_ =	swait.ge [sflag:s21], $0x4000  }
0xce: {  	[sflag:s21] =	ssyncset.done $0x0  }
0xcf: {  	[sflag:s21] =	ssyncadd.s32 $0xFFFFC000  }
0xd0: {  	[tilespmem:s20], [sflag:$0x1] =	stream.indirect.gather [hbm4b:s4+s23], $0x80, s26, s23, $0xb8;
	[tilespmem:$0x1C400] =	vst v63  }
0xd1: {  	_ =	swait.ge [sflag:s28], $0x4000  }
0xd2: {  	[sflag:s28] =	ssyncset.done $0x0  }
0xd3: {  	[sflag:s28] =	ssyncadd.s32 $0xFFFFC000  }
0xd4: {  	[spmem:s1] =	stream.indirect.scatter.add.f32 [tilespmem:s24], [sflag:$0x3], $0x80, s29, s23, $0xb8;
	[tilespmem:$0x1C400] =	vst v63  }
0xd5: {  	_ =	swait.ge [sflag:s21], $0x4000  }
0xd6: {  	[sflag:s21] =	ssyncset.done $0x0  }
0xd7: {  	[sflag:s21] =	ssyncadd.s32 $0xFFFFC000  }
0xd8: {  	[tilespmem:s24], [sflag:$0x2] =	stream.indirect.gather [hbm4b:s4+s23], $0x80, s30, s23, $0xb8;
	[tilespmem:$0x1C400] =	vst v63  }
0xd9: {  	_ =	swait.ge [sflag:s25], $0x4000  }
0xda: {  	[sflag:s25] =	ssyncset.done $0x0  }
0xdb: {  	[sflag:s25] =	ssyncadd.s32 $0xFFFFC000  }
0xdc: {  	[spmem:s1] =	stream.indirect.scatter.add.f32 [tilespmem:s20], [sflag:$0x3], $0x80, s31, s23, $0xb8;
	[tilespmem:$0x1C400] =	vst v63  }
0xdd: {  	_ =	swait.ge [sflag:s21], $0x4000  }
0xde: {  	[sflag:s21] =	ssyncset.done $0x0  }
0xdf: {  	[sflag:s21] =	ssyncadd.s32 $0xFFFFC000  }
0xe0: {  	[tilespmem:s20], [sflag:$0x1] =	stream.indirect.gather [hbm4b:s4+s23], $0x80, s0, s23, $0xb8;
	[tilespmem:$0x1C400] =	vst v63  }
0xe1: {  	_ =	swait.ge [sflag:s28], $0x4000  }
0xe2: {  	[sflag:s28] =	ssyncset.done $0x0  }
0xe3: {  	[sflag:s28] =	ssyncadd.s32 $0xFFFFC000  }
0xe4: {  	[spmem:s1] =	stream.indirect.scatter.add.f32 [tilespmem:s24], [sflag:$0x3], $0x80, s2, s23, $0xb8;
	[tilespmem:$0x1C400] =	vst v63  }
0xe5: {  	_ =	swait.ge [sflag:s21], $0x4000  }
0xe6: {  	[sflag:s21] =	ssyncset.done $0x0  }
0xe7: {  	[sflag:s21] =	ssyncadd.s32 $0xFFFFC000  }
0xe8: {  	[tilespmem:s24], [sflag:$0x2] =	stream.indirect.gather [hbm4b:s4+s23], $0x80, s10, s23, $0xb8;
	[tilespmem:$0x1C400] =	vst v63  }
0xe9: {  	_ =	swait.ge [sflag:s25], $0x4000  }
0xea: {  	[sflag:s25] =	ssyncset.done $0x0  }
0xeb: {  	[sflag:s25] =	ssyncadd.s32 $0xFFFFC000  }
0xec: {  	[spmem:s1] =	stream.indirect.scatter.add.f32 [tilespmem:s20], [sflag:$0x3], $0x80, s11, s23, $0xb8;
	[tilespmem:$0x1C400] =	vst v63  }
0xed: {  	_ =	swait.ge [sflag:s21], $0x4000  }
0xee: {  	[sflag:s21] =	ssyncset.done $0x0  }
0xef: {  	[sflag:s21] =	ssyncadd.s32 $0xFFFFC000  }
0xf0: {  	[tilespmem:s20], [sflag:$0x1] =	stream.indirect.gather [hbm4b:s4+s23], $0x80, s12, s23, $0xb8;
	[tilespmem:$0x1C400] =	vst v63  }
0xf1: {  	_ =	swait.ge [sflag:s28], $0x4000  }
0xf2: {  	[sflag:s28] =	ssyncset.done $0x0  }
0xf3: {  	[sflag:s28] =	ssyncadd.s32 $0xFFFFC000  }
0xf4: {  	[spmem:s1] =	stream.indirect.scatter.add.f32 [tilespmem:s24], [sflag:$0x3], $0x80, s13, s23, $0xb8;
	[tilespmem:$0x1C400] =	vst v63  }
0xf5: {  	_ =	swait.ge [sflag:s21], $0x4000  }
0xf6: {  	[sflag:s21] =	ssyncset.done $0x0  }
0xf7: {  	[sflag:s21] =	ssyncadd.s32 $0xFFFFC000  }
0xf8: {  	[tilespmem:s24], [sflag:$0x2] =	stream.indirect.gather [hbm4b:s4+s23], $0x80, s14, s23, $0xb8;
	[tilespmem:$0x1C400] =	vst v63  }
0xf9: {  	_ =	swait.ge [sflag:s25], $0x4000  }
0xfa: {  	[sflag:s25] =	ssyncset.done $0x0  }
0xfb: {  	[sflag:s25] =	ssyncadd.s32 $0xFFFFC000  }
0xfc: {  	[spmem:s1] =	stream.indirect.scatter.add.f32 [tilespmem:s20], [sflag:$0x3], $0x80, s15, s23, $0xb8;
	[tilespmem:$0x1C400] =	vst v63  }
0xfd: {  	_ =	swait.ge [sflag:s21], $0x4000  }
0xfe: {  	[sflag:s21] =	ssyncset.done $0x0  }
0xff: {  	[sflag:s21] =	ssyncadd.s32 $0xFFFFC000  }
0x100: {  	_ =	swait.ge [sflag:s28], $0x4000  }
0x101: {  	[sflag:s28] =	ssyncset.done $0x0  }
0x102: {  	[sflag:s28] =	ssyncadd.s32 $0xFFFFC000  }
0x103: {  	[spmem:s1] =	stream.indirect.scatter.add.f32 [tilespmem:s24], [sflag:$0x3], $0x80, s16, s23, $0xb8;
	[tilespmem:$0x1C400] =	vst v63  }
0x104: {  	_ =	swait.ge [sflag:s21], $0x4000  }
0x105: {  	s6 =	simm.s32 $0x100;
	s5 =	simm.s32 $0x80;
	[sflag:s21] =	ssyncset.done $0x0  }
.LBB2_5:
0x106: {  	s8 =	sadd.s32 s5, s19  }
0x107: {  	[sflag:s21] =	ssyncadd.s32 $0xFFFFC000;
	s9 =	smov.u32 s6;
	s7 =	sadd.s32 $0x80, s6  }
0x108: {  	[tilespmem:s3], [sflag:$0x3] =	stream.linear.gather [hbm4b:s8+s3], $0x400, $0x38;
	[tilespmem:$0x1C400] =	vst v63  }
0x109: {  	p1 =	seq.s32 s6, $0x900;
	_ =	swait.ge [sflag:s21], $0x400  }
0x10a: {  	[sflag:s21] =	ssyncset.done $0x0  }
0x10b: {  	s6 =	sadd.s32 s5, s18;
	s5 =	smov.u32 s9;
	[sflag:s21] =	ssyncadd.s32 $0xFFFFFC00  }
0x10c: {  	[tilespmem:s22], [sflag:$0x3] =	stream.linear.gather [hbm4b:s6+s3], $0x400, $0x38;
	[tilespmem:$0x1C400] =	vst v63  }
0x10d: {  	_ =	swait.ge [sflag:s21], $0x400  }
0x10e: {  	[sflag:s21] =	ssyncset.done $0x0  }
0x10f: {  	[sflag:s21] =	ssyncadd.s32 $0xFFFFFC00  }
0x110: {  	[tilespmem:s20], [sflag:$0x1] =	stream.indirect.gather [hbm4b:s4+s23], $0x80, s3, s23, $0xb8;
	[tilespmem:$0x1C400] =	vst v63  }
0x111: {  	_ = 	snop  }
0x112: {  	[tilespmem:s24], [sflag:$0x2] =	stream.indirect.gather [hbm4b:s4+s23], $0x80, s23, s23, $0xb8;
	[tilespmem:$0x1C400] =	vst v63  }
0x113: {  	_ =	swait.ge [sflag:s25], $0x4000  }
0x114: {  	[sflag:s25] =	ssyncset.done $0x0  }
0x115: {  	[sflag:s25] =	ssyncadd.s32 $0xFFFFC000  }
0x116: {  	[spmem:s1] =	stream.indirect.scatter.add.f32 [tilespmem:s20], [sflag:$0x3], $0x80, s22, s23, $0xb8;
	[tilespmem:$0x1C400] =	vst v63  }
0x117: {  	_ =	swait.ge [sflag:s21], $0x4000  }
0x118: {  	[sflag:s21] =	ssyncset.done $0x0  }
0x119: {  	[sflag:s21] =	ssyncadd.s32 $0xFFFFC000  }
0x11a: {  	[tilespmem:s20], [sflag:$0x1] =	stream.indirect.gather [hbm4b:s4+s23], $0x80, s26, s23, $0xb8;
	[tilespmem:$0x1C400] =	vst v63  }
0x11b: {  	_ =	swait.ge [sflag:s28], $0x4000  }
0x11c: {  	[sflag:s28] =	ssyncset.done $0x0  }
0x11d: {  	[sflag:s28] =	ssyncadd.s32 $0xFFFFC000  }
0x11e: {  	[spmem:s1] =	stream.indirect.scatter.add.f32 [tilespmem:s24], [sflag:$0x3], $0x80, s29, s23, $0xb8;
	[tilespmem:$0x1C400] =	vst v63  }
0x11f: {  	_ =	swait.ge [sflag:s21], $0x4000  }
0x120: {  	[sflag:s21] =	ssyncset.done $0x0  }
0x121: {  	[sflag:s21] =	ssyncadd.s32 $0xFFFFC000  }
0x122: {  	[tilespmem:s24], [sflag:$0x2] =	stream.indirect.gather [hbm4b:s4+s23], $0x80, s30, s23, $0xb8;
	[tilespmem:$0x1C400] =	vst v63  }
0x123: {  	_ =	swait.ge [sflag:s25], $0x4000  }
0x124: {  	[sflag:s25] =	ssyncset.done $0x0  }
0x125: {  	[sflag:s25] =	ssyncadd.s32 $0xFFFFC000  }
0x126: {  	[spmem:s1] =	stream.indirect.scatter.add.f32 [tilespmem:s20], [sflag:$0x3], $0x80, s31, s23, $0xb8;
	[tilespmem:$0x1C400] =	vst v63  }
0x127: {  	_ =	swait.ge [sflag:s21], $0x4000  }
0x128: {  	[sflag:s21] =	ssyncset.done $0x0  }
0x129: {  	[sflag:s21] =	ssyncadd.s32 $0xFFFFC000  }
0x12a: {  	[tilespmem:s20], [sflag:$0x1] =	stream.indirect.gather [hbm4b:s4+s23], $0x80, s0, s23, $0xb8;
	[tilespmem:$0x1C400] =	vst v63  }
0x12b: {  	_ =	swait.ge [sflag:s28], $0x4000  }
0x12c: {  	[sflag:s28] =	ssyncset.done $0x0  }
0x12d: {  	[sflag:s28] =	ssyncadd.s32 $0xFFFFC000  }
0x12e: {  	[spmem:s1] =	stream.indirect.scatter.add.f32 [tilespmem:s24], [sflag:$0x3], $0x80, s2, s23, $0xb8;
	[tilespmem:$0x1C400] =	vst v63  }
0x12f: {  	_ =	swait.ge [sflag:s21], $0x4000  }
0x130: {  	[sflag:s21] =	ssyncset.done $0x0  }
0x131: {  	[sflag:s21] =	ssyncadd.s32 $0xFFFFC000  }
0x132: {  	[tilespmem:s24], [sflag:$0x2] =	stream.indirect.gather [hbm4b:s4+s23], $0x80, s10, s23, $0xb8;
	[tilespmem:$0x1C400] =	vst v63  }
0x133: {  	_ =	swait.ge [sflag:s25], $0x4000  }
0x134: {  	[sflag:s25] =	ssyncset.done $0x0  }
0x135: {  	[sflag:s25] =	ssyncadd.s32 $0xFFFFC000  }
0x136: {  	[spmem:s1] =	stream.indirect.scatter.add.f32 [tilespmem:s20], [sflag:$0x3], $0x80, s11, s23, $0xb8;
	[tilespmem:$0x1C400] =	vst v63  }
0x137: {  	_ =	swait.ge [sflag:s21], $0x4000  }
0x138: {  	[sflag:s21] =	ssyncset.done $0x0  }
0x139: {  	[sflag:s21] =	ssyncadd.s32 $0xFFFFC000  }
0x13a: {  	[tilespmem:s20], [sflag:$0x1] =	stream.indirect.gather [hbm4b:s4+s23], $0x80, s12, s23, $0xb8;
	[tilespmem:$0x1C400] =	vst v63  }
0x13b: {  	_ =	swait.ge [sflag:s28], $0x4000  }
0x13c: {  	[sflag:s28] =	ssyncset.done $0x0  }
0x13d: {  	[sflag:s28] =	ssyncadd.s32 $0xFFFFC000  }
0x13e: {  	[spmem:s1] =	stream.indirect.scatter.add.f32 [tilespmem:s24], [sflag:$0x3], $0x80, s13, s23, $0xb8;
	[tilespmem:$0x1C400] =	vst v63  }
0x13f: {  	_ =	swait.ge [sflag:s21], $0x4000  }
0x140: {  	[sflag:s21] =	ssyncset.done $0x0  }
0x141: {  	[sflag:s21] =	ssyncadd.s32 $0xFFFFC000  }
0x142: {  	[tilespmem:s24], [sflag:$0x2] =	stream.indirect.gather [hbm4b:s4+s23], $0x80, s14, s23, $0xb8;
	[tilespmem:$0x1C400] =	vst v63  }
0x143: {  	_ =	swait.ge [sflag:s25], $0x4000  }
0x144: {  	[sflag:s25] =	ssyncset.done $0x0  }
0x145: {  	[sflag:s25] =	ssyncadd.s32 $0xFFFFC000  }
0x146: {  	[spmem:s1] =	stream.indirect.scatter.add.f32 [tilespmem:s20], [sflag:$0x3], $0x80, s15, s23, $0xb8;
	[tilespmem:$0x1C400] =	vst v63  }
0x147: {  	_ =	swait.ge [sflag:s21], $0x4000  }
0x148: {  	[sflag:s21] =	ssyncset.done $0x0  }
0x149: {  	[sflag:s21] =	ssyncadd.s32 $0xFFFFC000  }
0x14a: {  	_ =	swait.ge [sflag:s28], $0x4000  }
.Ltmp4:
0x14b: {  	[sflag:s28] =	ssyncset.done $0x0;
	(pc) =	sbr.rel @!p1 .LBB2_5-.Ltmp4, $4  }
0x14c: {  	[sflag:s28] =	ssyncadd.s32 $0xFFFFC000  }
0x14d: {  	[spmem:s1] =	stream.indirect.scatter.add.f32 [tilespmem:s24], [sflag:$0x3], $0x80, s16, s23, $0xb8;
	[tilespmem:$0x1C400] =	vst v63  }
0x14e: {  	_ =	swait.ge [sflag:s21], $0x4000  }
0x14f: {  	s6 =	smov.u32 s7;
	[sflag:s21] =	ssyncset.done $0x0  }
0x150: {  	s6 =	sadd.s32 s5, s19;
	[sflag:s21] =	ssyncadd.s32 $0xFFFFC000  }
0x151: {  	[tilespmem:s3], [sflag:$0x3] =	stream.linear.gather [hbm4b:s6+s3], $0x400, $0x38;
	[tilespmem:$0x1C400] =	vst v63  }
0x152: {  	_ =	swait.ge [sflag:s21], $0x400  }
0x153: {  	[sflag:s21] =	ssyncset.done $0x0  }
0x154: {  	s9 =	sadd.s32 s5, s18;
	[sflag:s21] =	ssyncadd.s32 $0xFFFFFC00  }
0x155: {  	[tilespmem:s22], [sflag:$0x3] =	stream.linear.gather [hbm4b:s9+s3], $0x400, $0x38;
	[tilespmem:$0x1C400] =	vst v63  }
0x156: {  	_ =	swait.ge [sflag:s21], $0x400  }
0x157: {  	[sflag:s21] =	ssyncset.done $0x0  }
0x158: {  	[sflag:s21] =	ssyncadd.s32 $0xFFFFFC00  }
0x159: {  	[tilespmem:s20], [sflag:$0x1] =	stream.indirect.gather [hbm4b:s4+s23], $0x80, s3, s23, $0xb8;
	[tilespmem:$0x1C400] =	vst v63  }
0x15a: {  	_ = 	snop  }
0x15b: {  	[tilespmem:s24], [sflag:$0x2] =	stream.indirect.gather [hbm4b:s4+s23], $0x80, s23, s23, $0xb8;
	[tilespmem:$0x1C400] =	vst v63  }
0x15c: {  	_ =	swait.ge [sflag:s25], $0x4000  }
0x15d: {  	[sflag:s25] =	ssyncset.done $0x0  }
0x15e: {  	[sflag:s25] =	ssyncadd.s32 $0xFFFFC000  }
0x15f: {  	[spmem:s1] =	stream.indirect.scatter.add.f32 [tilespmem:s20], [sflag:$0x3], $0x80, s22, s23, $0xb8;
	[tilespmem:$0x1C400] =	vst v63  }
0x160: {  	_ =	swait.ge [sflag:s21], $0x4000  }
0x161: {  	[sflag:s21] =	ssyncset.done $0x0  }
0x162: {  	[sflag:s21] =	ssyncadd.s32 $0xFFFFC000  }
0x163: {  	[tilespmem:s20], [sflag:$0x1] =	stream.indirect.gather [hbm4b:s4+s23], $0x80, s26, s23, $0xb8;
	[tilespmem:$0x1C400] =	vst v63  }
0x164: {  	_ =	swait.ge [sflag:s28], $0x4000  }
0x165: {  	[sflag:s28] =	ssyncset.done $0x0  }
0x166: {  	[sflag:s28] =	ssyncadd.s32 $0xFFFFC000  }
0x167: {  	[spmem:s1] =	stream.indirect.scatter.add.f32 [tilespmem:s24], [sflag:$0x3], $0x80, s29, s23, $0xb8;
	[tilespmem:$0x1C400] =	vst v63  }
0x168: {  	_ =	swait.ge [sflag:s21], $0x4000  }
0x169: {  	[sflag:s21] =	ssyncset.done $0x0  }
0x16a: {  	[sflag:s21] =	ssyncadd.s32 $0xFFFFC000  }
0x16b: {  	[tilespmem:s24], [sflag:$0x2] =	stream.indirect.gather [hbm4b:s4+s23], $0x80, s30, s23, $0xb8;
	[tilespmem:$0x1C400] =	vst v63  }
0x16c: {  	_ =	swait.ge [sflag:s25], $0x4000  }
0x16d: {  	[sflag:s25] =	ssyncset.done $0x0  }
0x16e: {  	[sflag:s25] =	ssyncadd.s32 $0xFFFFC000  }
0x16f: {  	[spmem:s1] =	stream.indirect.scatter.add.f32 [tilespmem:s20], [sflag:$0x3], $0x80, s31, s23, $0xb8;
	[tilespmem:$0x1C400] =	vst v63  }
0x170: {  	_ =	swait.ge [sflag:s21], $0x4000  }
0x171: {  	[sflag:s21] =	ssyncset.done $0x0  }
0x172: {  	[sflag:s21] =	ssyncadd.s32 $0xFFFFC000  }
0x173: {  	[tilespmem:s20], [sflag:$0x1] =	stream.indirect.gather [hbm4b:s4+s23], $0x80, s0, s23, $0xb8;
	[tilespmem:$0x1C400] =	vst v63  }
0x174: {  	_ =	swait.ge [sflag:s28], $0x4000  }
0x175: {  	[sflag:s28] =	ssyncset.done $0x0  }
0x176: {  	[sflag:s28] =	ssyncadd.s32 $0xFFFFC000  }
0x177: {  	[spmem:s1] =	stream.indirect.scatter.add.f32 [tilespmem:s24], [sflag:$0x3], $0x80, s2, s23, $0xb8;
	[tilespmem:$0x1C400] =	vst v63  }
0x178: {  	_ =	swait.ge [sflag:s21], $0x4000  }
0x179: {  	[sflag:s21] =	ssyncset.done $0x0  }
0x17a: {  	[sflag:s21] =	ssyncadd.s32 $0xFFFFC000  }
0x17b: {  	[tilespmem:s24], [sflag:$0x2] =	stream.indirect.gather [hbm4b:s4+s23], $0x80, s10, s23, $0xb8;
	[tilespmem:$0x1C400] =	vst v63  }
0x17c: {  	_ =	swait.ge [sflag:s25], $0x4000  }
0x17d: {  	[sflag:s25] =	ssyncset.done $0x0  }
0x17e: {  	[sflag:s25] =	ssyncadd.s32 $0xFFFFC000  }
0x17f: {  	[spmem:s1] =	stream.indirect.scatter.add.f32 [tilespmem:s20], [sflag:$0x3], $0x80, s11, s23, $0xb8;
	[tilespmem:$0x1C400] =	vst v63  }
0x180: {  	_ =	swait.ge [sflag:s21], $0x4000  }
0x181: {  	[sflag:s21] =	ssyncset.done $0x0  }
0x182: {  	[sflag:s21] =	ssyncadd.s32 $0xFFFFC000  }
0x183: {  	[tilespmem:s20], [sflag:$0x1] =	stream.indirect.gather [hbm4b:s4+s23], $0x80, s12, s23, $0xb8;
	[tilespmem:$0x1C400] =	vst v63  }
0x184: {  	_ =	swait.ge [sflag:s28], $0x4000  }
0x185: {  	[sflag:s28] =	ssyncset.done $0x0  }
0x186: {  	[sflag:s28] =	ssyncadd.s32 $0xFFFFC000  }
0x187: {  	[spmem:s1] =	stream.indirect.scatter.add.f32 [tilespmem:s24], [sflag:$0x3], $0x80, s13, s23, $0xb8;
	[tilespmem:$0x1C400] =	vst v63  }
0x188: {  	_ =	swait.ge [sflag:s21], $0x4000  }
0x189: {  	[sflag:s21] =	ssyncset.done $0x0  }
0x18a: {  	[sflag:s21] =	ssyncadd.s32 $0xFFFFC000  }
0x18b: {  	[tilespmem:s24], [sflag:$0x2] =	stream.indirect.gather [hbm4b:s4+s23], $0x80, s14, s23, $0xb8;
	[tilespmem:$0x1C400] =	vst v63  }
0x18c: {  	_ =	swait.ge [sflag:s25], $0x4000  }
0x18d: {  	[sflag:s25] =	ssyncset.done $0x0  }
0x18e: {  	[sflag:s25] =	ssyncadd.s32 $0xFFFFC000  }
0x18f: {  	[spmem:s1] =	stream.indirect.scatter.add.f32 [tilespmem:s20], [sflag:$0x3], $0x80, s15, s23, $0xb8;
	[tilespmem:$0x1C400] =	vst v63  }
0x190: {  	_ =	swait.ge [sflag:s21], $0x4000  }
0x191: {  	[sflag:s21] =	ssyncset.done $0x0  }
0x192: {  	[sflag:s21] =	ssyncadd.s32 $0xFFFFC000  }
0x193: {  	_ =	swait.ge [sflag:s28], $0x4000  }
0x194: {  	[sflag:s28] =	ssyncset.done $0x0  }
0x195: {  	[sflag:s28] =	ssyncadd.s32 $0xFFFFC000  }
0x196: {  	[spmem:s1] =	stream.indirect.scatter.add.f32 [tilespmem:s24], [sflag:$0x3], $0x80, s16, s23, $0xb8;
	[tilespmem:$0x1C400] =	vst v63  }
.Ltmp5:
0x197: {  	_ = 	snop;
	(pc) =	sbr.rel .LBB2_8-.Ltmp5, $4  }
0x198: {  	_ =	swait.ge [sflag:s21], $0x4000  }
0x199: {  	s8 =	rddreg [dreg:$0x4]  }
0x19a: {  	[sflag:s21] =	ssyncset.done $0x0;
	s9 =	rddreg [dreg:$0x5]  }
0x19b: {  	s7 =	rddreg [dreg:$0x6];
	[sflag:s21] =	ssyncadd.s32 $0xFFFFC000  }
.LBB2_9:
0x19c: {  	_ =	sfence.sel $0x180000  }
0x19d: {  	[bflag:$0x0] =	sbarrier.arrive $0xFFFF  }
0x19e: {  	_ =	strace $0x9000004D  }
0x19f: {  	s0 =	stileid.u32;
	[bflag:$0x2] =	sbarrier.arrive $0xFFFF  }
0x1a0: {  	p0 =	sne.s32 s0, $0x0;
	s0 =	rddreg [dreg:$0x3]  }
0x1a1: {  	s0 =	sadd.s32 @!p0 $0x100000, s0  }
0x1a2: {  	[sflag:s0] =	ssyncadd.tile.s32 @!p0 $0x1;
	_ =	shalt  }
.Lfunc_end2:
_tile_overlayer_lowered:
.L_overlay_start_2:
0x1a3: {  	(tag) =	ssettag $0x2  }
0x1a4: {  	s0 =	rddreg [dreg:$0x0];
	s2 =	stileid.u32  }
0x1a5: {  	s1 =	rddreg [dreg:$0x1];
	p0 =	sne.s32 s2, $0x0  }
0x1a6: {  	s3 =	rddreg [dreg:$0x2];
	[bflag:$0x3] =	sbarrier.arrive $0xFFFF;
	s2 =	simm.s32 @!p0 $0x1C03  }
0x1a7: {  	[timem:s3], [sflag:s2] =	dma.local @!p0 [hbm:s0], s1  }
0x1a8: {  	s0 =	simm.s32 @!p0 $0x3  }
0x1a9: {  	_ =	swait.ge @!p0 [sflag:s0], s1  }
0x1aa: {  	s1 =	ssub.s32 @!p0 $0x0, s1;
	[sflag:s0] =	ssyncset.done @!p0 $0x0  }
0x1ab: {  	[sflag:s0] =	ssyncadd.s32 @!p0 s1  }
0x1ac: {  	[bflag:$0x3] =	sbarrier.arrive $0xFFFF  }
0x1ad: {  	_ =	shalt  }

// kernel: kernel.19.cloned.1.call-start
scs
__scs_entry_jumppad:
0x0: {  	(pc) =	sbr.rel $0x88, $3  }
0x1: {  	(tag) =	ssettag $0x0;
	lr =	simm.s32 $0x1  }
0x2: {  	[smem:$0x3F99] =	sst lr;
	_ =	strace $0xD0000000  }
0x3: {  	_ = 	snop  }
0x4: {  	_ = 	snop  }
0x5: {  	_ = 	snop  }
0x6: {  	_ = 	snop  }
0x7: {  	_ = 	snop  }
__scs_overlays_trampoline_lowered:
0x8: {  	[smem:$0x3FA8] =	sst s0  }
0x9: {  	[smem:$0x3FA9] =	sst s1  }
0xa: {  	[smem:$0x3FAA] =	sst s2  }
0xb: {  	[smem:$0x3FAB] =	sst s3  }
0xc: {  	[smem:$0x3FAC] =	sst s4  }
0xd: {  	[smem:$0x3FAD] =	sst s5  }
0xe: {  	[smem:$0x3FAE] =	sst s6  }
0xf: {  	[smem:$0x3FAF] =	sst s7  }
0x10: {  	[smem:$0x3FB0] =	sst s8  }
0x11: {  	[smem:$0x3FB1] =	sst s9;
	s0 =	simm.s32 @!p0 $0x0  }
0x12: {  	s1 =	sld [smem:$0x3F97];
	s0 =	simm.s32 @p0 $0x1  }
0x13: {  	[smem:$0x3FB2] =	sst s0;
	s0 =	simm.s32 @!p1 $0x0  }
0x14: {  	s2 =	sld [smem:$0x3F96];
	s0 =	simm.s32 @p1 $0x1  }
0x15: {  	[smem:$0x3FB3] =	sst s0;
	s0 =	simm.s32 @!p2 $0x0  }
0x16: {  	s3 =	sld [smem:$0x3FDB];
	s0 =	simm.s32 @p2 $0x1  }
0x17: {  	s4 =	simm.s32 $0x1BF5;
	[smem:$0x3FB5] =	sst s0  }
0x18: {  	s0 =	sld [smem:$0x3F98];
	_ =	swait.ge [sflag:s4], $0x0  }
0x19: {  	s7 =	sld [smem:$0x3F99]  }
0x1a: {  	s8 =	sadd.s32 $0xFFFFE003, lr  }
0x1b: {  	s9 =	sadd.s32 $0xFFFFFEF7, lr;
	s5 =	simm.s32 $0xFFFFFFFF;
	p2 =	slt.u32 s8, $0xFFFFF086  }
0x1c: {  	p1 =	slt.u32 s9, $0xF7A;
	s5 =	simm.s32 @!p2 $0x0  }
0x1d: {  	s5 =	simm.s32 @p1 $0x1;
	p0 =	seq.s32 s7, s2  }
0x1e: {  	s7 =	smul.u32 @!p0 $0xF7A, s2;
	p2 =	seq.s32 @!p0 s5, $0x0  }
0x1f: {  	s9 =	smul.u32 $0xF7A, s1;
	s8 =	simm.s32 @!p0 $0x1BF5;
	p2 =	por !p2, p0  }
0x20: {  	[sflag:s8] =	ssyncset.s32 @!p0 $0xFFFFF086;
	s6 =	sadd.s32 @!p0 s3, s7;
	s7 =	simm.s32 @!p0 $0x108  }
0x21: {  	s3 =	sadd.s32 s3, s9;
	s6 =	sadd.s32 @!p0 $0x88, s6;
	s7 =	simm.s32 @p2 $0x1082  }
0x22: {  	[simem:s7], [sflag:s8] =	dma.local @!p0 [hbm:s6], $0xF7A  }
0x23: {  	s9 =	sor.u32 $0xD0000000, s2;
	s6 =	simm.s32 $0x108;
	_ =	swait.ge @!p0 [sflag:s8], $0x0  }
0x24: {  	s3 =	sadd.s32 $0x88, s3;
	s6 =	simm.s32 @!p1 $0x1082;
	[sflag:s4] =	ssyncset.s32 $0xFFFFF086  }
0x25: {  	[simem:s6], [sflag:s4] =	dma.local [hbm:s3], $0xF7A  }
0x26: {  	[smem:$0x3F99] =	sst s1;
	(tag) =	ssettag s2;
	_ =	strace s9  }
0x27: {  	s1 =	sld [smem:$0x3FA9]  }
0x28: {  	s2 =	sld [smem:$0x3FAA]  }
0x29: {  	s4 =	sld [smem:$0x3FAC]  }
0x2a: {  	p0 =	seq.s32 s5, $0x0;
	s5 =	sld [smem:$0x3FAD]  }
0x2b: {  	s6 =	sld [smem:$0x3FAE]  }
0x2c: {  	s7 =	sld [smem:$0x3FAF]  }
0x2d: {  	s3 =	simm.s32 $0x108;
	s8 =	sld [smem:$0x3FB0]  }
0x2e: {  	s3 =	simm.s32 @!p0 $0x1082;
	s9 =	sld [smem:$0x3FB1]  }
0x2f: {  	lr =	sadd.s32 s0, s3;
	s0 =	sld [smem:$0x3FA8]  }
0x30: {  	s3 =	sld [smem:$0x3FAB]  }
0x31: {  	[smem:$0x3FB4] =	sst s10  }
0x32: {  	s10 =	sld [smem:$0x3FB2];
	_ =	sdelay $0x3  }
0x33: {  	p0 =	seq.s32 s10, $0x1;
	s10 =	sld [smem:$0x3FB4];
	_ =	sdelay $0x3  }
0x34: {  	[smem:$0x3FB4] =	sst s10  }
0x35: {  	s10 =	sld [smem:$0x3FB3];
	_ =	sdelay $0x3  }
0x36: {  	p1 =	seq.s32 s10, $0x1;
	s10 =	sld [smem:$0x3FB4];
	_ =	sdelay $0x3  }
0x37: {  	[smem:$0x3FB4] =	sst s10  }
0x38: {  	s10 =	sld [smem:$0x3FB5]  }
0x39: {  	_ = 	snop;
	(pc) =	sbr.ind lr, $3  }
0x3a: {  	_ = 	snop  }
0x3b: {  	_ = 	snop  }
0x3c: {  	p2 =	seq.s32 s10, $0x1;
	s10 =	sld [smem:$0x3FB4]  }
0x3d: {  	_ =	shalt  }
0x3e: {  	_ =	shalt  }
0x3f: {  	_ =	shalt  }
0x40: {  	_ =	shalt  }
0x41: {  	_ =	shalt  }
0x42: {  	_ =	shalt  }
0x43: {  	_ =	shalt  }
0x44: {  	_ =	shalt  }
0x45: {  	_ =	shalt  }
0x46: {  	_ =	shalt  }
0x47: {  	_ =	shalt  }
0x48: {  	_ =	shalt  }
0x49: {  	_ =	shalt  }
0x4a: {  	_ =	shalt  }
0x4b: {  	_ =	shalt  }
0x4c: {  	_ =	shalt  }
0x4d: {  	_ =	shalt  }
0x4e: {  	_ =	shalt  }
0x4f: {  	_ =	shalt  }
0x50: {  	_ =	shalt  }
0x51: {  	_ =	shalt  }
0x52: {  	_ =	shalt  }
0x53: {  	_ =	shalt  }
0x54: {  	_ =	shalt  }
0x55: {  	_ =	shalt  }
0x56: {  	_ =	shalt  }
0x57: {  	_ =	shalt  }
0x58: {  	_ =	shalt  }
0x59: {  	_ =	shalt  }
0x5a: {  	_ =	shalt  }
0x5b: {  	_ =	shalt  }
0x5c: {  	_ =	shalt  }
0x5d: {  	_ =	shalt  }
0x5e: {  	_ =	shalt  }
0x5f: {  	_ =	shalt  }
0x60: {  	_ =	shalt  }
0x61: {  	_ =	shalt  }
0x62: {  	_ =	shalt  }
0x63: {  	_ =	shalt  }
0x64: {  	_ =	shalt  }
0x65: {  	_ =	shalt  }
0x66: {  	_ =	shalt  }
0x67: {  	_ =	shalt  }
0x68: {  	_ =	shalt  }
0x69: {  	_ =	shalt  }
0x6a: {  	_ =	shalt  }
0x6b: {  	_ =	shalt  }
0x6c: {  	_ =	shalt  }
0x6d: {  	_ =	shalt  }
0x6e: {  	_ =	shalt  }
0x6f: {  	_ =	shalt  }
0x70: {  	_ =	shalt  }
0x71: {  	_ =	shalt  }
0x72: {  	_ =	shalt  }
0x73: {  	_ =	shalt  }
0x74: {  	_ =	shalt  }
0x75: {  	_ =	shalt  }
0x76: {  	_ =	shalt  }
0x77: {  	_ =	shalt  }
0x78: {  	_ =	shalt  }
0x79: {  	_ =	shalt  }
0x7a: {  	_ =	shalt  }
0x7b: {  	_ =	shalt  }
0x7c: {  	_ =	shalt  }
0x7d: {  	_ =	shalt  }
0x7e: {  	_ =	shalt  }
0x7f: {  	_ =	shalt  }
0x80: {  	_ =	shalt  }
0x81: {  	_ =	shalt  }
0x82: {  	_ =	shalt  }
0x83: {  	_ =	shalt  }
0x84: {  	_ =	shalt  }
0x85: {  	_ =	shalt  }
0x86: {  	_ =	shalt  }
0x87: {  	_ =	shalt  }
.Lfunc_end0:
.L_simem_size_0:
called_computation.3_lowered:
.L_overlay_start_0:
0x88: {  	s2 =	sld [smem:$0x3FD9]  }
0x89: {  	s3 =	sld [smem:$0x3FFE];
	_ =	sdelay $0x1  }
0x8a: {  	s1 =	srdreg.scid  }
0x8b: {  	s0 =	sand.u32 $0x1, s1  }
0x8c: {  	s17 =	sshll.u32 s0, $0xA;
	s2 =	sadd.s32 s3, s2  }
0x8d: {  	s2 =	sadd.s32 s2, s17  }
0x8e: {  	[smem:$0x3FC0] =	sst s2  }
0x8f: {  	_ = 	snop  }
0x90: {  	s2 =	sld [smem:$0x3FD0];
	(tm) =	ssettm $0x1  }
0x91: {  	s18 =	sld [smem:$0x3FFB];
	_ =	sdelay $0x3  }
0x92: {  	_ =	strace s18  }
0x93: {  	s3 =	sld [smem:$0x3FFC];
	_ =	sdelay $0x3  }
0x94: {  	_ =	strace s3  }
0x95: {  	s3 =	sld [smem:$0x3FFD];
	_ =	sdelay $0x3  }
0x96: {  	_ =	strace s3  }
0x97: {  	_ =	strace $0x8FFFFFFF  }
0x98: {  	s19 =	sld [smem:$0x3FDB];
	_ =	sdelay $0x1  }
0x99: {  	s4 =	simm.s32 $_scs_section_size  }
0x9a: {  	s5 =	simm.s32 $_size__tile_overlayer_lowered;
	s6 =	simm.s32 $_tile_overlayer_lowered  }
0x9b: {  	s22 =	simm.s32 $0x1BFF;
	s21 =	sshll.u32 s6, $0x1;
	s3 =	sadd.s32 s4, s19  }
0x9c: {  	s7 =	simm.s32 $0x0;
	s20 =	sshll.u32 s5, $0x1;
	s5 =	sadd.s32 s21, s3  }
0x9d: {  	[timem:s7], [sflag:s22] =	dma.local [hbm:s5], s20  }
0x9e: {  	_ =	swait.ge [sflag:s22], s20  }
0x9f: {  	s4 =	ssub.s32 $0x0, s20;
	[sflag:s22] =	ssyncset.done $0x0  }
0xa0: {  	[sflag:s22] =	ssyncadd.s32 s4;
	_ =	sdelay $0x1  }
0xa1: {  	s23 =	simm.s32 $0x1B8B  }
0xa2: {  	_ =	swait.ge [sflag:s23], $0x1  }
0xa3: {  	[sflag:s23] =	ssyncset.done $0x0  }
0xa4: {  	s25 =	simm.s32 $0x1B8E;
	s24 =	sld [smem:$0x3FFE];
	[sflag:s23] =	ssyncadd.s32 $0xFFFFFFFF  }
0xa5: {  	s26 =	simm.s32 $execute0_lowered;
	[smem:$0x3FD2] =	sst s25  }
0xa6: {  	s5 =	sshll.u32 s26, $0x1;
	_ =	strace $0x8000004F;
	[dreg:$0x1] =	wrdreg $0xFFFFFFFF  }
0xa7: {  	s28 =	simm.s32 $_size_execute0_lowered;
	s3 =	sadd.s32 s3, s5;
	[dreg:$0x0] =	wrdreg $0x0  }
0xa8: {  	s5 =	sshll.u32 s28, $0x1;
	[dreg:$0x2] =	wrdreg s3  }
0xa9: {  	[dreg:$0x3] =	wrdreg s5  }
0xaa: {  	[dreg:$0x4] =	wrdreg $0xC0  }
0xab: {  	_ =	task [dreg:s7], $0x5FFFF  }
0xac: {  	[dreg:$0x1] =	wrdreg $0xFFFFFFFF  }
0xad: {  	[dreg:$0x0] =	wrdreg $0x60  }
0xae: {  	[dreg:$0x2] =	wrdreg s24  }
0xaf: {  	[dreg:$0x3] =	wrdreg s2  }
0xb0: {  	[dreg:$0x4] =	wrdreg $0x88000  }
0xb1: {  	[dreg:$0x5] =	wrdreg $0x9  }
0xb2: {  	_ =	task.clear_ibuf [dreg:s7], $0x6FFFF;
	_ =	strace $0x9000004F  }
0xb3: {  	s29 =	simm.s32 $0x9;
	_ =	strace $0x80000051  }
0xb4: {  	_ =	swait.ge [sflag:s29], $0x1  }
0xb5: {  	[sflag:s29] =	ssyncadd.s32 $0xFFFFFFFF  }
0xb6: {  	_ =	strace $0x90000051  }
0xb7: {  	_ =	sfence  }
0xb8: {  	s30 =	sld [smem:$0x0];
	_ =	sdelay $0x2  }
0xb9: {  	s31 =	sshll.u32 s1, $0xD;
	s1 =	sshrl.u32 s1, $0x2  }
0xba: {  	s3 =	sand.u32 $0x4000, s31;
	s1 =	sadd.s32 s1, s30  }
0xbb: {  	s0 =	sor.u32 s3, s0;
	s1 =	sshll.u32 s1, $0x11  }
0xbc: {  	s0 =	sor.u32 s1, s0  }
0xbd: {  	s0 =	sadd.s32 $0x8F2B, s0  }
0xbe: {  	[sflag:s0] =	ssyncadd.remote.s32 $0x1  }
0xbf: {  	_ =	sfence.sel $0xFFFF  }
0xc0: {  	[dreg:$0x0] =	wrdreg $0xFFFFFFFF;
	(pc) =	sbr.abs _section_cstart, $3  }
0xc1: {  	[dreg:$0x1] =	wrdreg $0xFFFFFFFF  }
0xc2: {  	_ =	task.clear_ibuf [dreg:s7], $0x2FFFF;
	_ =	strace $0x9FFFFFFF  }
0xc3: {  	(tm) =	ssettm $0x7FFFFFFF  }
tec
execute0_lowered:
.L_overlay_start_1:
0x0: {  	(tag) =	ssettag $0x1  }
0x1: {  	s0 =	rddreg [dreg:$0x0]  }
0x2: {  	s2 =	rddreg [dreg:$0x1]  }
0x3: {  	s1 =	rddreg [dreg:$0x2];
	s3 =	simm.s32 $0x0  }
0x4: {  	s4 =	srdreg.scid;
	s17 =	stileid.u32;
	s28 =	simm.s32 $0x2  }
0x5: {  	s29 =	simm.s32 $0x480;
	s30 =	simm.s32 $0x180;
	s31 =	simm.s32 $0x500  }
0x6: {  	[smem:$0x7FF] =	sst s3;
	s5 =	sand.u32 $0x1, s4;
	s6 =	smul.u32 $0x4F000, s17  }
0x7: {  	s4 =	sadd.s32 $0xD200, s0;
	s7 =	sadd.s32 $0x3200, s0;
	s10 =	smul.u32 $0x13C00, s17  }
0x8: {  	s0 =	sadd.s32 $0x34400, s0;
	s15 =	sshll.u32 s17, $0x7;
	_ =	strace $0x80000050  }
0x9: {  	s8 =	ssub.s32 $0x2, s5;
	s16 =	smul.u32 $0x13C000, s5;
	p0 =	seq.s32 s5, $0x1  }
0xa: {  	s26 =	sor.u32 $0x9800, s15;
	s9 =	sshrl.u32 s8, $0x1;
	s6 =	sshrl.u32 s6, $0x2  }
0xb: {  	s24 =	sadd.s32 $0x4000, s10;
	s12 =	sadd.s32 $0x8000, s10;
	s13 =	sadd.s32 $0xC000, s10  }
0xc: {  	s25 =	sadd.s32 $0x10000, s10;
	s15 =	sadd.s32 s7, s26;
	s5 =	sadd.s32 s2, s26  }
0xd: {  	s11 =	ssub.s32 s8, s9;
	s8 =	sadd.s32 s6, s1;
	s9 =	sadd.s32 s24, s1  }
0xe: {  	s20 =	sadd.s32 s12, s1;
	s14 =	sadd.s32 s13, s1;
	s18 =	sadd.s32 s25, s1  }
0xf: {  	[dreg:$0x9] =	wrdreg s15;
	s10 =	sadd.s32 s10, s16;
	s6 =	sadd.s32 s16, s24  }
0x10: {  	[dreg:$0xa] =	wrdreg s5;
	s21 =	sadd.s32 s16, s12;
	s22 =	sadd.s32 s16, s13  }
0x11: {  	s23 =	sadd.s32 s16, s25;
	s24 =	smul.u32 $0x980, s17;
	s12 =	simm.s32 $0x300  }
0x12: {  	s13 =	simm.s32 $0x680;
	s15 =	simm.s32 $0x700;
	[dreg:$0x7] =	wrdreg s14  }
0x13: {  	s16 =	simm.s32 $0x780;
	s17 =	simm.s32 $0x0;
	[dreg:$0x8] =	wrdreg s18  }
0x14: {  	s18 =	sshrl.u32 s10, $0x3;
	s6 =	sshrl.u32 s6, $0x3;
	s10 =	sshrl.u32 s23, $0x3  }
0x15: {  	s26 =	smax.u32 s11, $0x1;
	s23 =	simm.s32 $0x80;
	[dreg:$0x4] =	wrdreg s8  }
0x16: {  	s11 =	simm.s32 $0x600;
	s14 =	simm.s32 $0x380;
	[dreg:$0x5] =	wrdreg s9  }
0x17: {  	s5 =	sadd.s32 s0, s18;
	s19 =	sadd.s32 s0, s6;
	s6 =	sshrl.u32 s22, $0x3  }
0x18: {  	[dreg:$0x10] =	wrdreg s26;
	s18 =	sadd.s32 s24, s2;
	s22 =	simm.s32 $0x400  }
0x19: {  	s26 =	simm.s32 $0x100;
	s2 =	simm.s32 $0x580;
	[dreg:$0xb] =	wrdreg s5  }
0x1a: {  	[dreg:$0xc] =	wrdreg s19;
	s5 =	sshrl.u32 s21, $0x3;
	s25 =	sadd.s32 s0, s6  }
.Ltmp0:
0x1b: {  	s19 =	sadd.s32 s24, s7;
	s7 =	smov.u32 s20;
	(pc) =	sbr.rel .LBB2_1-.Ltmp0, $4  }
0x1c: {  	s20 =	simm.s32 $0x800;
	s21 =	simm.s32 $0x3;
	[dreg:$0xe] =	wrdreg s25  }
0x1d: {  	s24 =	simm.s32 $0x4800;
	s5 =	sadd.s32 s0, s5;
	[dreg:$0x6] =	wrdreg s7  }
0x1e: {  	s0 =	sadd.s32 s0, s10;
	s25 =	simm.s32 $0x1;
	[dreg:$0xd] =	wrdreg s5  }
0x1f: {  	v0 =	vimm.f32 $0.0e+00;
	s10 =	simm.s32 $0x280;
	[dreg:$0xf] =	wrdreg s0;
	s0 =	simm.s32 $0x200  }
.LBB2_7:
0x20: {  	s5 =	rddreg [dreg:$0x9]  }
0x21: {  	[tilespmem:s3], [sflag:$0x3] =	stream.linear.gather [hbm4b:s5+s3], $0x400, $0x38;
	[tilespmem:$0x1C400] =	vst v63  }
0x22: {  	_ =	swait.ge [sflag:s21], $0x400  }
0x23: {  	[sflag:s21] =	ssyncset.done $0x0  }
0x24: {  	s6 =	rddreg [dreg:$0xa];
	[sflag:s21] =	ssyncadd.s32 $0xFFFFFC00  }
0x25: {  	[tilespmem:s22], [sflag:$0x3] =	stream.linear.gather [hbm4b:s6+s3], $0x400, $0x38;
	[tilespmem:$0x1C400] =	vst v63  }
0x26: {  	_ =	swait.ge [sflag:s21], $0x400  }
0x27: {  	[sflag:s21] =	ssyncset.done $0x0  }
0x28: {  	[sflag:s21] =	ssyncadd.s32 $0xFFFFFC00  }
0x29: {  	[tilespmem:s20], [sflag:$0x1] =	stream.indirect.gather [hbm4b:s4+s23], $0x80, s3, s23, $0xb8;
	[tilespmem:$0x1C400] =	vst v63  }
0x2a: {  	_ = 	snop  }
0x2b: {  	[tilespmem:s24], [sflag:$0x2] =	stream.indirect.gather [hbm4b:s4+s23], $0x80, s23, s23, $0xb8;
	[tilespmem:$0x1C400] =	vst v63  }
0x2c: {  	_ =	swait.ge [sflag:s25], $0x4000  }
0x2d: {  	[sflag:s25] =	ssyncset.done $0x0  }
0x2e: {  	[sflag:s25] =	ssyncadd.s32 $0xFFFFC000  }
0x2f: {  	[spmem:s1] =	stream.indirect.scatter.add.f32 [tilespmem:s20], [sflag:$0x3], $0x80, s22, s23, $0xb8;
	[tilespmem:$0x1C400] =	vst v63  }
0x30: {  	_ =	swait.ge [sflag:s21], $0x4000  }
0x31: {  	[sflag:s21] =	ssyncset.done $0x0  }
0x32: {  	[sflag:s21] =	ssyncadd.s32 $0xFFFFC000  }
0x33: {  	[tilespmem:s20], [sflag:$0x1] =	stream.indirect.gather [hbm4b:s4+s23], $0x80, s26, s23, $0xb8;
	[tilespmem:$0x1C400] =	vst v63  }
0x34: {  	_ =	swait.ge [sflag:s28], $0x4000  }
0x35: {  	[sflag:s28] =	ssyncset.done $0x0  }
0x36: {  	[sflag:s28] =	ssyncadd.s32 $0xFFFFC000  }
0x37: {  	[spmem:s1] =	stream.indirect.scatter.add.f32 [tilespmem:s24], [sflag:$0x3], $0x80, s29, s23, $0xb8;
	[tilespmem:$0x1C400] =	vst v63  }
0x38: {  	_ =	swait.ge [sflag:s21], $0x4000  }
0x39: {  	[sflag:s21] =	ssyncset.done $0x0  }
0x3a: {  	[sflag:s21] =	ssyncadd.s32 $0xFFFFC000  }
0x3b: {  	[tilespmem:s24], [sflag:$0x2] =	stream.indirect.gather [hbm4b:s4+s23], $0x80, s30, s23, $0xb8;
	[tilespmem:$0x1C400] =	vst v63  }
0x3c: {  	_ =	swait.ge [sflag:s25], $0x4000  }
0x3d: {  	[sflag:s25] =	ssyncset.done $0x0  }
0x3e: {  	[sflag:s25] =	ssyncadd.s32 $0xFFFFC000  }
0x3f: {  	[spmem:s1] =	stream.indirect.scatter.add.f32 [tilespmem:s20], [sflag:$0x3], $0x80, s31, s23, $0xb8;
	[tilespmem:$0x1C400] =	vst v63  }
0x40: {  	_ =	swait.ge [sflag:s21], $0x4000  }
0x41: {  	[sflag:s21] =	ssyncset.done $0x0  }
0x42: {  	[sflag:s21] =	ssyncadd.s32 $0xFFFFC000  }
0x43: {  	[tilespmem:s20], [sflag:$0x1] =	stream.indirect.gather [hbm4b:s4+s23], $0x80, s0, s23, $0xb8;
	[tilespmem:$0x1C400] =	vst v63  }
0x44: {  	_ =	swait.ge [sflag:s28], $0x4000  }
0x45: {  	[sflag:s28] =	ssyncset.done $0x0  }
0x46: {  	[sflag:s28] =	ssyncadd.s32 $0xFFFFC000  }
0x47: {  	[spmem:s1] =	stream.indirect.scatter.add.f32 [tilespmem:s24], [sflag:$0x3], $0x80, s2, s23, $0xb8;
	[tilespmem:$0x1C400] =	vst v63  }
0x48: {  	_ =	swait.ge [sflag:s21], $0x4000  }
0x49: {  	[sflag:s21] =	ssyncset.done $0x0  }
0x4a: {  	[sflag:s21] =	ssyncadd.s32 $0xFFFFC000  }
0x4b: {  	[tilespmem:s24], [sflag:$0x2] =	stream.indirect.gather [hbm4b:s4+s23], $0x80, s10, s23, $0xb8;
	[tilespmem:$0x1C400] =	vst v63  }
0x4c: {  	_ =	swait.ge [sflag:s25], $0x4000  }
0x4d: {  	[sflag:s25] =	ssyncset.done $0x0  }
0x4e: {  	[sflag:s25] =	ssyncadd.s32 $0xFFFFC000  }
0x4f: {  	[spmem:s1] =	stream.indirect.scatter.add.f32 [tilespmem:s20], [sflag:$0x3], $0x80, s11, s23, $0xb8;
	[tilespmem:$0x1C400] =	vst v63  }
0x50: {  	_ =	swait.ge [sflag:s21], $0x4000  }
0x51: {  	[sflag:s21] =	ssyncset.done $0x0  }
0x52: {  	[sflag:s21] =	ssyncadd.s32 $0xFFFFC000  }
0x53: {  	[tilespmem:s20], [sflag:$0x1] =	stream.indirect.gather [hbm4b:s4+s23], $0x80, s12, s23, $0xb8;
	[tilespmem:$0x1C400] =	vst v63  }
0x54: {  	_ =	swait.ge [sflag:s28], $0x4000  }
0x55: {  	[sflag:s28] =	ssyncset.done $0x0  }
0x56: {  	[sflag:s28] =	ssyncadd.s32 $0xFFFFC000  }
0x57: {  	[spmem:s1] =	stream.indirect.scatter.add.f32 [tilespmem:s24], [sflag:$0x3], $0x80, s13, s23, $0xb8;
	[tilespmem:$0x1C400] =	vst v63  }
0x58: {  	_ =	swait.ge [sflag:s21], $0x4000  }
0x59: {  	[sflag:s21] =	ssyncset.done $0x0  }
0x5a: {  	[sflag:s21] =	ssyncadd.s32 $0xFFFFC000  }
0x5b: {  	[tilespmem:s24], [sflag:$0x2] =	stream.indirect.gather [hbm4b:s4+s23], $0x80, s14, s23, $0xb8;
	[tilespmem:$0x1C400] =	vst v63  }
0x5c: {  	_ =	swait.ge [sflag:s25], $0x4000  }
0x5d: {  	[sflag:s25] =	ssyncset.done $0x0  }
0x5e: {  	[sflag:s25] =	ssyncadd.s32 $0xFFFFC000  }
0x5f: {  	[spmem:s1] =	stream.indirect.scatter.add.f32 [tilespmem:s20], [sflag:$0x3], $0x80, s15, s23, $0xb8;
	[tilespmem:$0x1C400] =	vst v63  }
0x60: {  	_ =	swait.ge [sflag:s21], $0x4000  }
0x61: {  	[sflag:s21] =	ssyncset.done $0x0  }
0x62: {  	[sflag:s21] =	ssyncadd.s32 $0xFFFFC000  }
0x63: {  	_ =	swait.ge [sflag:s28], $0x4000  }
0x64: {  	[sflag:s28] =	ssyncset.done $0x0  }
0x65: {  	[sflag:s28] =	ssyncadd.s32 $0xFFFFC000  }
0x66: {  	[spmem:s1] =	stream.indirect.scatter.add.f32 [tilespmem:s24], [sflag:$0x3], $0x80, s16, s23, $0xb8;
	[tilespmem:$0x1C400] =	vst v63  }
0x67: {  	_ =	swait.ge [sflag:s21], $0x4000  }
0x68: {  	[sflag:s21] =	ssyncset.done $0x0  }
0x69: {  	[sflag:s21] =	ssyncadd.s32 $0xFFFFC000  }
.LBB2_8:
0x6a: {  	[bflag:$0x0] =	sbarrier.arrive $0xFFFF  }
0x6b: {  	[tilespmem:s20], [sflag:$0x3] =	stream.linear.gather [spmem:s8], $0x4000, $0x38;
	[tilespmem:$0x1C400] =	vst v63  }
0x6c: {  	_ =	swait.ge [sflag:s21], $0x4000  }
0x6d: {  	[sflag:s21] =	ssyncset.done $0x0  }
0x6e: {  	s5 =	rddreg [dreg:$0xb];
	[sflag:s21] =	ssyncadd.s32 $0xFFFFC000  }
0x6f: {  	[hbm4b:s5+s3] =	stream.linear.scatter [tilespmem:s20], [sflag:$0x3], $0x4000, $0x38;
	[tilespmem:$0x1C400] =	vst v63  }
0x70: {  	_ =	swait.ge [sflag:s21], $0x4000  }
0x71: {  	[sflag:s21] =	ssyncset.done $0x0  }
0x72: {  	[sflag:s21] =	ssyncadd.s32 $0xFFFFC000  }
0x73: {  	[tilespmem:s20], [sflag:$0x3] =	stream.linear.gather [spmem:s9], $0x4000, $0x38;
	[tilespmem:$0x1C400] =	vst v63  }
0x74: {  	_ =	swait.ge [sflag:s21], $0x4000  }
0x75: {  	[sflag:s21] =	ssyncset.done $0x0  }
0x76: {  	s6 =	rddreg [dreg:$0xc];
	[sflag:s21] =	ssyncadd.s32 $0xFFFFC000  }
0x77: {  	[hbm4b:s6+s3] =	stream.linear.scatter [tilespmem:s20], [sflag:$0x3], $0x4000, $0x38;
	[tilespmem:$0x1C400] =	vst v63  }
0x78: {  	_ =	swait.ge [sflag:s21], $0x4000  }
0x79: {  	[sflag:s21] =	ssyncset.done $0x0  }
0x7a: {  	[sflag:s21] =	ssyncadd.s32 $0xFFFFC000  }
0x7b: {  	[tilespmem:s20], [sflag:$0x3] =	stream.linear.gather [spmem:s7], $0x4000, $0x38;
	[tilespmem:$0x1C400] =	vst v63  }
0x7c: {  	_ =	swait.ge [sflag:s21], $0x4000  }
0x7d: {  	[sflag:s21] =	ssyncset.done $0x0  }
0x7e: {  	s6 =	rddreg [dreg:$0xd];
	[sflag:s21] =	ssyncadd.s32 $0xFFFFC000  }
0x7f: {  	[hbm4b:s6+s3] =	stream.linear.scatter [tilespmem:s20], [sflag:$0x3], $0x4000, $0x38;
	[tilespmem:$0x1C400] =	vst v63  }
0x80: {  	_ =	swait.ge [sflag:s21], $0x4000  }
0x81: {  	[sflag:s21] =	ssyncset.done $0x0  }
0x82: {  	s6 =	rddreg [dreg:$0x7];
	[sflag:s21] =	ssyncadd.s32 $0xFFFFC000  }
0x83: {  	[tilespmem:s20], [sflag:$0x3] =	stream.linear.gather [spmem:s6], $0x4000, $0x38;
	[tilespmem:$0x1C400] =	vst v63  }
0x84: {  	_ =	swait.ge [sflag:s21], $0x4000  }
0x85: {  	[sflag:s21] =	ssyncset.done $0x0  }
0x86: {  	s6 =	rddreg [dreg:$0xe];
	[sflag:s21] =	ssyncadd.s32 $0xFFFFC000  }
0x87: {  	[hbm4b:s6+s3] =	stream.linear.scatter [tilespmem:s20], [sflag:$0x3], $0x4000, $0x38;
	[tilespmem:$0x1C400] =	vst v63  }
0x88: {  	_ =	swait.ge [sflag:s21], $0x4000  }
0x89: {  	[sflag:s21] =	ssyncset.done $0x0  }
0x8a: {  	s6 =	rddreg [dreg:$0x8];
	[sflag:s21] =	ssyncadd.s32 $0xFFFFC000  }
0x8b: {  	[tilespmem:s20], [sflag:$0x3] =	stream.linear.gather [spmem:s6], $0x3C00, $0x38;
	[tilespmem:$0x1C400] =	vst v63  }
0x8c: {  	_ =	swait.ge [sflag:s21], $0x3C00  }
0x8d: {  	[sflag:s21] =	ssyncset.done $0x0  }
0x8e: {  	s6 =	rddreg [dreg:$0xf];
	[sflag:s21] =	ssyncadd.s32 $0xFFFFC400  }
0x8f: {  	[hbm4b:s6+s3] =	stream.linear.scatter [tilespmem:s20], [sflag:$0x3], $0x3C00, $0x38;
	[tilespmem:$0x1C400] =	vst v63  }
0x90: {  	_ =	swait.ge [sflag:s21], $0x3C00  }
0x91: {  	s17 =	sadd.s32 $0x1, s17;
	s6 =	rddreg [dreg:$0x10]  }
0x92: {  	p1 =	sne.s32 s17, s6  }
.Ltmp1:
0x93: {  	_ = 	snop;
	(pc) =	sbr.rel @!p1 .LBB2_9-.Ltmp1, $3  }
0x94: {  	_ =	sdelay $0x1  }
0x95: {  	[sflag:s21] =	ssyncset.done $0x0  }
0x96: {  	[sflag:s21] =	ssyncadd.s32 $0xFFFFC400  }
.LBB2_1:
0x97: {  	s5 =	simm.s32 $0x0;
	s6 =	simm.s32 $0x200  }
.LBB2_2:
0x98: {  	p1 =	sne.s32 s6, $0xFE00;
	[tilespmem:s5+$0x870] =	vst v0  }
0x99: {  	[tilespmem:s5+$0x800] =	vst v0  }
0x9a: {  	[tilespmem:s5+$0x810] =	vst v0  }
.Ltmp2:
0x9b: {  	[tilespmem:s5+$0x820] =	vst v0;
	(pc) =	sbr.rel @p1 .LBB2_2-.Ltmp2, $4  }
0x9c: {  	[tilespmem:s5+$0x830] =	vst v0  }
0x9d: {  	[tilespmem:s5+$0x840] =	vst v0  }
0x9e: {  	[tilespmem:s5+$0x850] =	vst v0  }
0x9f: {  	[tilespmem:s5+$0x860] =	vst v0;
	s5 =	sshra.s32 s6, $0x2;
	s6 =	sadd.s32 $0x200, s6  }
0xa0: {  	[tilespmem:s5+$0x870] =	vst v0  }
0xa1: {  	[tilespmem:s5+$0x800] =	vst v0  }
0xa2: {  	[tilespmem:s5+$0x810] =	vst v0  }
0xa3: {  	[tilespmem:s5+$0x820] =	vst v0  }
0xa4: {  	[tilespmem:s5+$0x830] =	vst v0  }
0xa5: {  	[tilespmem:s5+$0x840] =	vst v0  }
0xa6: {  	[tilespmem:s5+$0x850] =	vst v0  }
0xa7: {  	[tilespmem:s5+$0x860] =	vst v0  }
0xa8: {  	[spmem:s8] =	stream.linear.scatter [tilespmem:s20], [sflag:$0x3], $0x4000, $0x38;
	[tilespmem:$0x1C400] =	vst v63  }
0xa9: {  	_ =	swait.ge [sflag:s21], $0x4000  }
0xaa: {  	[sflag:s21] =	ssyncset.done $0x0  }
0xab: {  	[sflag:s21] =	ssyncadd.s32 $0xFFFFC000  }
0xac: {  	[spmem:s9] =	stream.linear.scatter [tilespmem:s20], [sflag:$0x3], $0x4000, $0x38;
	[tilespmem:$0x1C400] =	vst v63  }
0xad: {  	_ =	swait.ge [sflag:s21], $0x4000  }
0xae: {  	[sflag:s21] =	ssyncset.done $0x0  }
0xaf: {  	[sflag:s21] =	ssyncadd.s32 $0xFFFFC000  }
0xb0: {  	[spmem:s7] =	stream.linear.scatter [tilespmem:s20], [sflag:$0x3], $0x4000, $0x38;
	[tilespmem:$0x1C400] =	vst v63  }
0xb1: {  	_ =	swait.ge [sflag:s21], $0x4000  }
0xb2: {  	[sflag:s21] =	ssyncset.done $0x0  }
0xb3: {  	s6 =	rddreg [dreg:$0x7];
	[sflag:s21] =	ssyncadd.s32 $0xFFFFC000  }
0xb4: {  	[spmem:s6] =	stream.linear.scatter [tilespmem:s20], [sflag:$0x3], $0x4000, $0x38;
	[tilespmem:$0x1C400] =	vst v63  }
0xb5: {  	_ =	swait.ge [sflag:s21], $0x4000  }
0xb6: {  	[sflag:s21] =	ssyncset.done $0x0  }
0xb7: {  	s6 =	rddreg [dreg:$0x8];
	[sflag:s21] =	ssyncadd.s32 $0xFFFFC000  }
0xb8: {  	[spmem:s6] =	stream.linear.scatter [tilespmem:s20], [sflag:$0x3], $0x3C00, $0x38;
	[tilespmem:$0x1C400] =	vst v63  }
.Ltmp3:
0xb9: {  	_ =	swait.ge [sflag:s21], $0x3C00;
	(pc) =	sbr.rel @p0 .LBB2_7-.Ltmp3, $3  }
0xba: {  	[sflag:s21] =	ssyncset.done $0x0  }
0xbb: {  	[sflag:s21] =	ssyncadd.s32 $0xFFFFC400  }
0xbc: {  	[bflag:$0x0] =	sbarrier.arrive $0xFFFF;
	_ =	sdelay $0x1  }
0xbd: {  	s5 =	sadd.s32 $0x0, s19  }
0xbe: {  	[tilespmem:s3], [sflag:$0x3] =	stream.linear.gather [hbm4b:s5+s3], $0x400, $0x38;
	[tilespmem:$0x1C400] =	vst v63  }
0xbf: {  	_ =	swait.ge [sflag:s21], $0x400  }
0xc0: {  	[sflag:s21] =	ssyncset.done $0x0  }
0xc1: {  	s9 =	sadd.s32 $0x0, s18;
	[sflag:s21] =	ssyncadd.s32 $0xFFFFFC00  }
0xc2: {  	[tilespmem:s22], [sflag:$0x3] =	stream.linear.gather [hbm4b:s9+s3], $0x400, $0x38;
	[tilespmem:$0x1C400] =	vst v63  }
0xc3: {  	_ =	swait.ge [sflag:s21], $0x400  }
0xc4: {  	[sflag:s21] =	ssyncset.done $0x0  }
0xc5: {  	[sflag:s21] =	ssyncadd.s32 $0xFFFFFC00  }
0xc6: {  	[tilespmem:s20], [sflag:$0x1] =	stream.indirect.gather [hbm4b:s4+s23], $0x80, s3, s23, $0xb8;
	[tilespmem:$0x1C400] =	vst v63  }
0xc7: {  	_ = 	snop  }
0xc8: {  	[tilespmem:s24], [sflag:$0x2] =	stream.indirect.gather [hbm4b:s4+s23], $0x80, s23, s23, $0xb8;
	[tilespmem:$0x1C400] =	vst v63  }
0xc9: {  	_ =	swait.ge [sflag:s25], $0x4000  }
0xca: {  	[sflag:s25] =	ssyncset.done $0x0  }
0xcb: {  	[sflag:s25] =	ssyncadd.s32 $0xFFFFC000  }
0xcc: {  	[spmem:s1] =	stream.indirect.scatter.add.f32 [tilespmem:s20], [sflag:$0x3], $0x80, s22, s23, $0xb8;
	[tilespmem:$0x1C400] =	vst v63  }
0xcd: {  	_ =	swait.ge [sflag:s21], $0x4000  }
0xce: {  	[sflag:s21] =	ssyncset.done $0x0  }
0xcf: {  	[sflag:s21] =	ssyncadd.s32 $0xFFFFC000  }
0xd0: {  	[tilespmem:s20], [sflag:$0x1] =	stream.indirect.gather [hbm4b:s4+s23], $0x80, s26, s23, $0xb8;
	[tilespmem:$0x1C400] =	vst v63  }
0xd1: {  	_ =	swait.ge [sflag:s28], $0x4000  }
0xd2: {  	[sflag:s28] =	ssyncset.done $0x0  }
0xd3: {  	[sflag:s28] =	ssyncadd.s32 $0xFFFFC000  }
0xd4: {  	[spmem:s1] =	stream.indirect.scatter.add.f32 [tilespmem:s24], [sflag:$0x3], $0x80, s29, s23, $0xb8;
	[tilespmem:$0x1C400] =	vst v63  }
0xd5: {  	_ =	swait.ge [sflag:s21], $0x4000  }
0xd6: {  	[sflag:s21] =	ssyncset.done $0x0  }
0xd7: {  	[sflag:s21] =	ssyncadd.s32 $0xFFFFC000  }
0xd8: {  	[tilespmem:s24], [sflag:$0x2] =	stream.indirect.gather [hbm4b:s4+s23], $0x80, s30, s23, $0xb8;
	[tilespmem:$0x1C400] =	vst v63  }
0xd9: {  	_ =	swait.ge [sflag:s25], $0x4000  }
0xda: {  	[sflag:s25] =	ssyncset.done $0x0  }
0xdb: {  	[sflag:s25] =	ssyncadd.s32 $0xFFFFC000  }
0xdc: {  	[spmem:s1] =	stream.indirect.scatter.add.f32 [tilespmem:s20], [sflag:$0x3], $0x80, s31, s23, $0xb8;
	[tilespmem:$0x1C400] =	vst v63  }
0xdd: {  	_ =	swait.ge [sflag:s21], $0x4000  }
0xde: {  	[sflag:s21] =	ssyncset.done $0x0  }
0xdf: {  	[sflag:s21] =	ssyncadd.s32 $0xFFFFC000  }
0xe0: {  	[tilespmem:s20], [sflag:$0x1] =	stream.indirect.gather [hbm4b:s4+s23], $0x80, s0, s23, $0xb8;
	[tilespmem:$0x1C400] =	vst v63  }
0xe1: {  	_ =	swait.ge [sflag:s28], $0x4000  }
0xe2: {  	[sflag:s28] =	ssyncset.done $0x0  }
0xe3: {  	[sflag:s28] =	ssyncadd.s32 $0xFFFFC000  }
0xe4: {  	[spmem:s1] =	stream.indirect.scatter.add.f32 [tilespmem:s24], [sflag:$0x3], $0x80, s2, s23, $0xb8;
	[tilespmem:$0x1C400] =	vst v63  }
0xe5: {  	_ =	swait.ge [sflag:s21], $0x4000  }
0xe6: {  	[sflag:s21] =	ssyncset.done $0x0  }
0xe7: {  	[sflag:s21] =	ssyncadd.s32 $0xFFFFC000  }
0xe8: {  	[tilespmem:s24], [sflag:$0x2] =	stream.indirect.gather [hbm4b:s4+s23], $0x80, s10, s23, $0xb8;
	[tilespmem:$0x1C400] =	vst v63  }
0xe9: {  	_ =	swait.ge [sflag:s25], $0x4000  }
0xea: {  	[sflag:s25] =	ssyncset.done $0x0  }
0xeb: {  	[sflag:s25] =	ssyncadd.s32 $0xFFFFC000  }
0xec: {  	[spmem:s1] =	stream.indirect.scatter.add.f32 [tilespmem:s20], [sflag:$0x3], $0x80, s11, s23, $0xb8;
	[tilespmem:$0x1C400] =	vst v63  }
0xed: {  	_ =	swait.ge [sflag:s21], $0x4000  }
0xee: {  	[sflag:s21] =	ssyncset.done $0x0  }
0xef: {  	[sflag:s21] =	ssyncadd.s32 $0xFFFFC000  }
0xf0: {  	[tilespmem:s20], [sflag:$0x1] =	stream.indirect.gather [hbm4b:s4+s23], $0x80, s12, s23, $0xb8;
	[tilespmem:$0x1C400] =	vst v63  }
0xf1: {  	_ =	swait.ge [sflag:s28], $0x4000  }
0xf2: {  	[sflag:s28] =	ssyncset.done $0x0  }
0xf3: {  	[sflag:s28] =	ssyncadd.s32 $0xFFFFC000  }
0xf4: {  	[spmem:s1] =	stream.indirect.scatter.add.f32 [tilespmem:s24], [sflag:$0x3], $0x80, s13, s23, $0xb8;
	[tilespmem:$0x1C400] =	vst v63  }
0xf5: {  	_ =	swait.ge [sflag:s21], $0x4000  }
0xf6: {  	[sflag:s21] =	ssyncset.done $0x0  }
0xf7: {  	[sflag:s21] =	ssyncadd.s32 $0xFFFFC000  }
0xf8: {  	[tilespmem:s24], [sflag:$0x2] =	stream.indirect.gather [hbm4b:s4+s23], $0x80, s14, s23, $0xb8;
	[tilespmem:$0x1C400] =	vst v63  }
0xf9: {  	_ =	swait.ge [sflag:s25], $0x4000  }
0xfa: {  	[sflag:s25] =	ssyncset.done $0x0  }
0xfb: {  	[sflag:s25] =	ssyncadd.s32 $0xFFFFC000  }
0xfc: {  	[spmem:s1] =	stream.indirect.scatter.add.f32 [tilespmem:s20], [sflag:$0x3], $0x80, s15, s23, $0xb8;
	[tilespmem:$0x1C400] =	vst v63  }
0xfd: {  	_ =	swait.ge [sflag:s21], $0x4000  }
0xfe: {  	[sflag:s21] =	ssyncset.done $0x0  }
0xff: {  	[sflag:s21] =	ssyncadd.s32 $0xFFFFC000  }
0x100: {  	_ =	swait.ge [sflag:s28], $0x4000  }
0x101: {  	[sflag:s28] =	ssyncset.done $0x0  }
0x102: {  	[sflag:s28] =	ssyncadd.s32 $0xFFFFC000  }
0x103: {  	[spmem:s1] =	stream.indirect.scatter.add.f32 [tilespmem:s24], [sflag:$0x3], $0x80, s16, s23, $0xb8;
	[tilespmem:$0x1C400] =	vst v63  }
0x104: {  	_ =	swait.ge [sflag:s21], $0x4000  }
0x105: {  	s6 =	simm.s32 $0x100;
	s5 =	simm.s32 $0x80;
	[sflag:s21] =	ssyncset.done $0x0  }
.LBB2_5:
0x106: {  	s8 =	sadd.s32 s5, s19  }
0x107: {  	[sflag:s21] =	ssyncadd.s32 $0xFFFFC000;
	s9 =	smov.u32 s6;
	s7 =	sadd.s32 $0x80, s6  }
0x108: {  	[tilespmem:s3], [sflag:$0x3] =	stream.linear.gather [hbm4b:s8+s3], $0x400, $0x38;
	[tilespmem:$0x1C400] =	vst v63  }
0x109: {  	p1 =	seq.s32 s6, $0x900;
	_ =	swait.ge [sflag:s21], $0x400  }
0x10a: {  	[sflag:s21] =	ssyncset.done $0x0  }
0x10b: {  	s6 =	sadd.s32 s5, s18;
	s5 =	smov.u32 s9;
	[sflag:s21] =	ssyncadd.s32 $0xFFFFFC00  }
0x10c: {  	[tilespmem:s22], [sflag:$0x3] =	stream.linear.gather [hbm4b:s6+s3], $0x400, $0x38;
	[tilespmem:$0x1C400] =	vst v63  }
0x10d: {  	_ =	swait.ge [sflag:s21], $0x400  }
0x10e: {  	[sflag:s21] =	ssyncset.done $0x0  }
0x10f: {  	[sflag:s21] =	ssyncadd.s32 $0xFFFFFC00  }
0x110: {  	[tilespmem:s20], [sflag:$0x1] =	stream.indirect.gather [hbm4b:s4+s23], $0x80, s3, s23, $0xb8;
	[tilespmem:$0x1C400] =	vst v63  }
0x111: {  	_ = 	snop  }
0x112: {  	[tilespmem:s24], [sflag:$0x2] =	stream.indirect.gather [hbm4b:s4+s23], $0x80, s23, s23, $0xb8;
	[tilespmem:$0x1C400] =	vst v63  }
0x113: {  	_ =	swait.ge [sflag:s25], $0x4000  }
0x114: {  	[sflag:s25] =	ssyncset.done $0x0  }
0x115: {  	[sflag:s25] =	ssyncadd.s32 $0xFFFFC000  }
0x116: {  	[spmem:s1] =	stream.indirect.scatter.add.f32 [tilespmem:s20], [sflag:$0x3], $0x80, s22, s23, $0xb8;
	[tilespmem:$0x1C400] =	vst v63  }
0x117: {  	_ =	swait.ge [sflag:s21], $0x4000  }
0x118: {  	[sflag:s21] =	ssyncset.done $0x0  }
0x119: {  	[sflag:s21] =	ssyncadd.s32 $0xFFFFC000  }
0x11a: {  	[tilespmem:s20], [sflag:$0x1] =	stream.indirect.gather [hbm4b:s4+s23], $0x80, s26, s23, $0xb8;
	[tilespmem:$0x1C400] =	vst v63  }
0x11b: {  	_ =	swait.ge [sflag:s28], $0x4000  }
0x11c: {  	[sflag:s28] =	ssyncset.done $0x0  }
0x11d: {  	[sflag:s28] =	ssyncadd.s32 $0xFFFFC000  }
0x11e: {  	[spmem:s1] =	stream.indirect.scatter.add.f32 [tilespmem:s24], [sflag:$0x3], $0x80, s29, s23, $0xb8;
	[tilespmem:$0x1C400] =	vst v63  }
0x11f: {  	_ =	swait.ge [sflag:s21], $0x4000  }
0x120: {  	[sflag:s21] =	ssyncset.done $0x0  }
0x121: {  	[sflag:s21] =	ssyncadd.s32 $0xFFFFC000  }
0x122: {  	[tilespmem:s24], [sflag:$0x2] =	stream.indirect.gather [hbm4b:s4+s23], $0x80, s30, s23, $0xb8;
	[tilespmem:$0x1C400] =	vst v63  }
0x123: {  	_ =	swait.ge [sflag:s25], $0x4000  }
0x124: {  	[sflag:s25] =	ssyncset.done $0x0  }
0x125: {  	[sflag:s25] =	ssyncadd.s32 $0xFFFFC000  }
0x126: {  	[spmem:s1] =	stream.indirect.scatter.add.f32 [tilespmem:s20], [sflag:$0x3], $0x80, s31, s23, $0xb8;
	[tilespmem:$0x1C400] =	vst v63  }
0x127: {  	_ =	swait.ge [sflag:s21], $0x4000  }
0x128: {  	[sflag:s21] =	ssyncset.done $0x0  }
0x129: {  	[sflag:s21] =	ssyncadd.s32 $0xFFFFC000  }
0x12a: {  	[tilespmem:s20], [sflag:$0x1] =	stream.indirect.gather [hbm4b:s4+s23], $0x80, s0, s23, $0xb8;
	[tilespmem:$0x1C400] =	vst v63  }
0x12b: {  	_ =	swait.ge [sflag:s28], $0x4000  }
0x12c: {  	[sflag:s28] =	ssyncset.done $0x0  }
0x12d: {  	[sflag:s28] =	ssyncadd.s32 $0xFFFFC000  }
0x12e: {  	[spmem:s1] =	stream.indirect.scatter.add.f32 [tilespmem:s24], [sflag:$0x3], $0x80, s2, s23, $0xb8;
	[tilespmem:$0x1C400] =	vst v63  }
0x12f: {  	_ =	swait.ge [sflag:s21], $0x4000  }
0x130: {  	[sflag:s21] =	ssyncset.done $0x0  }
0x131: {  	[sflag:s21] =	ssyncadd.s32 $0xFFFFC000  }
0x132: {  	[tilespmem:s24], [sflag:$0x2] =	stream.indirect.gather [hbm4b:s4+s23], $0x80, s10, s23, $0xb8;
	[tilespmem:$0x1C400] =	vst v63  }
0x133: {  	_ =	swait.ge [sflag:s25], $0x4000  }
0x134: {  	[sflag:s25] =	ssyncset.done $0x0  }
0x135: {  	[sflag:s25] =	ssyncadd.s32 $0xFFFFC000  }
0x136: {  	[spmem:s1] =	stream.indirect.scatter.add.f32 [tilespmem:s20], [sflag:$0x3], $0x80, s11, s23, $0xb8;
	[tilespmem:$0x1C400] =	vst v63  }
0x137: {  	_ =	swait.ge [sflag:s21], $0x4000  }
0x138: {  	[sflag:s21] =	ssyncset.done $0x0  }
0x139: {  	[sflag:s21] =	ssyncadd.s32 $0xFFFFC000  }
0x13a: {  	[tilespmem:s20], [sflag:$0x1] =	stream.indirect.gather [hbm4b:s4+s23], $0x80, s12, s23, $0xb8;
	[tilespmem:$0x1C400] =	vst v63  }
0x13b: {  	_ =	swait.ge [sflag:s28], $0x4000  }
0x13c: {  	[sflag:s28] =	ssyncset.done $0x0  }
0x13d: {  	[sflag:s28] =	ssyncadd.s32 $0xFFFFC000  }
0x13e: {  	[spmem:s1] =	stream.indirect.scatter.add.f32 [tilespmem:s24], [sflag:$0x3], $0x80, s13, s23, $0xb8;
	[tilespmem:$0x1C400] =	vst v63  }
0x13f: {  	_ =	swait.ge [sflag:s21], $0x4000  }
0x140: {  	[sflag:s21] =	ssyncset.done $0x0  }
0x141: {  	[sflag:s21] =	ssyncadd.s32 $0xFFFFC000  }
0x142: {  	[tilespmem:s24], [sflag:$0x2] =	stream.indirect.gather [hbm4b:s4+s23], $0x80, s14, s23, $0xb8;
	[tilespmem:$0x1C400] =	vst v63  }
0x143: {  	_ =	swait.ge [sflag:s25], $0x4000  }
0x144: {  	[sflag:s25] =	ssyncset.done $0x0  }
0x145: {  	[sflag:s25] =	ssyncadd.s32 $0xFFFFC000  }
0x146: {  	[spmem:s1] =	stream.indirect.scatter.add.f32 [tilespmem:s20], [sflag:$0x3], $0x80, s15, s23, $0xb8;
	[tilespmem:$0x1C400] =	vst v63  }
0x147: {  	_ =	swait.ge [sflag:s21], $0x4000  }
0x148: {  	[sflag:s21] =	ssyncset.done $0x0  }
0x149: {  	[sflag:s21] =	ssyncadd.s32 $0xFFFFC000  }
0x14a: {  	_ =	swait.ge [sflag:s28], $0x4000  }
.Ltmp4:
0x14b: {  	[sflag:s28] =	ssyncset.done $0x0;
	(pc) =	sbr.rel @!p1 .LBB2_5-.Ltmp4, $4  }
0x14c: {  	[sflag:s28] =	ssyncadd.s32 $0xFFFFC000  }
0x14d: {  	[spmem:s1] =	stream.indirect.scatter.add.f32 [tilespmem:s24], [sflag:$0x3], $0x80, s16, s23, $0xb8;
	[tilespmem:$0x1C400] =	vst v63  }
0x14e: {  	_ =	swait.ge [sflag:s21], $0x4000  }
0x14f: {  	s6 =	smov.u32 s7;
	[sflag:s21] =	ssyncset.done $0x0  }
0x150: {  	s6 =	sadd.s32 s5, s19;
	[sflag:s21] =	ssyncadd.s32 $0xFFFFC000  }
0x151: {  	[tilespmem:s3], [sflag:$0x3] =	stream.linear.gather [hbm4b:s6+s3], $0x400, $0x38;
	[tilespmem:$0x1C400] =	vst v63  }
0x152: {  	_ =	swait.ge [sflag:s21], $0x400  }
0x153: {  	[sflag:s21] =	ssyncset.done $0x0  }
0x154: {  	s9 =	sadd.s32 s5, s18;
	[sflag:s21] =	ssyncadd.s32 $0xFFFFFC00  }
0x155: {  	[tilespmem:s22], [sflag:$0x3] =	stream.linear.gather [hbm4b:s9+s3], $0x400, $0x38;
	[tilespmem:$0x1C400] =	vst v63  }
0x156: {  	_ =	swait.ge [sflag:s21], $0x400  }
0x157: {  	[sflag:s21] =	ssyncset.done $0x0  }
0x158: {  	[sflag:s21] =	ssyncadd.s32 $0xFFFFFC00  }
0x159: {  	[tilespmem:s20], [sflag:$0x1] =	stream.indirect.gather [hbm4b:s4+s23], $0x80, s3, s23, $0xb8;
	[tilespmem:$0x1C400] =	vst v63  }
0x15a: {  	_ = 	snop  }
0x15b: {  	[tilespmem:s24], [sflag:$0x2] =	stream.indirect.gather [hbm4b:s4+s23], $0x80, s23, s23, $0xb8;
	[tilespmem:$0x1C400] =	vst v63  }
0x15c: {  	_ =	swait.ge [sflag:s25], $0x4000  }
0x15d: {  	[sflag:s25] =	ssyncset.done $0x0  }
0x15e: {  	[sflag:s25] =	ssyncadd.s32 $0xFFFFC000  }
0x15f: {  	[spmem:s1] =	stream.indirect.scatter.add.f32 [tilespmem:s20], [sflag:$0x3], $0x80, s22, s23, $0xb8;
	[tilespmem:$0x1C400] =	vst v63  }
0x160: {  	_ =	swait.ge [sflag:s21], $0x4000  }
0x161: {  	[sflag:s21] =	ssyncset.done $0x0  }
0x162: {  	[sflag:s21] =	ssyncadd.s32 $0xFFFFC000  }
0x163: {  	[tilespmem:s20], [sflag:$0x1] =	stream.indirect.gather [hbm4b:s4+s23], $0x80, s26, s23, $0xb8;
	[tilespmem:$0x1C400] =	vst v63  }
0x164: {  	_ =	swait.ge [sflag:s28], $0x4000  }
0x165: {  	[sflag:s28] =	ssyncset.done $0x0  }
0x166: {  	[sflag:s28] =	ssyncadd.s32 $0xFFFFC000  }
0x167: {  	[spmem:s1] =	stream.indirect.scatter.add.f32 [tilespmem:s24], [sflag:$0x3], $0x80, s29, s23, $0xb8;
	[tilespmem:$0x1C400] =	vst v63  }
0x168: {  	_ =	swait.ge [sflag:s21], $0x4000  }
0x169: {  	[sflag:s21] =	ssyncset.done $0x0  }
0x16a: {  	[sflag:s21] =	ssyncadd.s32 $0xFFFFC000  }
0x16b: {  	[tilespmem:s24], [sflag:$0x2] =	stream.indirect.gather [hbm4b:s4+s23], $0x80, s30, s23, $0xb8;
	[tilespmem:$0x1C400] =	vst v63  }
0x16c: {  	_ =	swait.ge [sflag:s25], $0x4000  }
0x16d: {  	[sflag:s25] =	ssyncset.done $0x0  }
0x16e: {  	[sflag:s25] =	ssyncadd.s32 $0xFFFFC000  }
0x16f: {  	[spmem:s1] =	stream.indirect.scatter.add.f32 [tilespmem:s20], [sflag:$0x3], $0x80, s31, s23, $0xb8;
	[tilespmem:$0x1C400] =	vst v63  }
0x170: {  	_ =	swait.ge [sflag:s21], $0x4000  }
0x171: {  	[sflag:s21] =	ssyncset.done $0x0  }
0x172: {  	[sflag:s21] =	ssyncadd.s32 $0xFFFFC000  }
0x173: {  	[tilespmem:s20], [sflag:$0x1] =	stream.indirect.gather [hbm4b:s4+s23], $0x80, s0, s23, $0xb8;
	[tilespmem:$0x1C400] =	vst v63  }
0x174: {  	_ =	swait.ge [sflag:s28], $0x4000  }
0x175: {  	[sflag:s28] =	ssyncset.done $0x0  }
0x176: {  	[sflag:s28] =	ssyncadd.s32 $0xFFFFC000  }
0x177: {  	[spmem:s1] =	stream.indirect.scatter.add.f32 [tilespmem:s24], [sflag:$0x3], $0x80, s2, s23, $0xb8;
	[tilespmem:$0x1C400] =	vst v63  }
0x178: {  	_ =	swait.ge [sflag:s21], $0x4000  }
0x179: {  	[sflag:s21] =	ssyncset.done $0x0  }
0x17a: {  	[sflag:s21] =	ssyncadd.s32 $0xFFFFC000  }
0x17b: {  	[tilespmem:s24], [sflag:$0x2] =	stream.indirect.gather [hbm4b:s4+s23], $0x80, s10, s23, $0xb8;
	[tilespmem:$0x1C400] =	vst v63  }
0x17c: {  	_ =	swait.ge [sflag:s25], $0x4000  }
0x17d: {  	[sflag:s25] =	ssyncset.done $0x0  }
0x17e: {  	[sflag:s25] =	ssyncadd.s32 $0xFFFFC000  }
0x17f: {  	[spmem:s1] =	stream.indirect.scatter.add.f32 [tilespmem:s20], [sflag:$0x3], $0x80, s11, s23, $0xb8;
	[tilespmem:$0x1C400] =	vst v63  }
0x180: {  	_ =	swait.ge [sflag:s21], $0x4000  }
0x181: {  	[sflag:s21] =	ssyncset.done $0x0  }
0x182: {  	[sflag:s21] =	ssyncadd.s32 $0xFFFFC000  }
0x183: {  	[tilespmem:s20], [sflag:$0x1] =	stream.indirect.gather [hbm4b:s4+s23], $0x80, s12, s23, $0xb8;
	[tilespmem:$0x1C400] =	vst v63  }
0x184: {  	_ =	swait.ge [sflag:s28], $0x4000  }
0x185: {  	[sflag:s28] =	ssyncset.done $0x0  }
0x186: {  	[sflag:s28] =	ssyncadd.s32 $0xFFFFC000  }
0x187: {  	[spmem:s1] =	stream.indirect.scatter.add.f32 [tilespmem:s24], [sflag:$0x3], $0x80, s13, s23, $0xb8;
	[tilespmem:$0x1C400] =	vst v63  }
0x188: {  	_ =	swait.ge [sflag:s21], $0x4000  }
0x189: {  	[sflag:s21] =	ssyncset.done $0x0  }
0x18a: {  	[sflag:s21] =	ssyncadd.s32 $0xFFFFC000  }
0x18b: {  	[tilespmem:s24], [sflag:$0x2] =	stream.indirect.gather [hbm4b:s4+s23], $0x80, s14, s23, $0xb8;
	[tilespmem:$0x1C400] =	vst v63  }
0x18c: {  	_ =	swait.ge [sflag:s25], $0x4000  }
0x18d: {  	[sflag:s25] =	ssyncset.done $0x0  }
0x18e: {  	[sflag:s25] =	ssyncadd.s32 $0xFFFFC000  }
0x18f: {  	[spmem:s1] =	stream.indirect.scatter.add.f32 [tilespmem:s20], [sflag:$0x3], $0x80, s15, s23, $0xb8;
	[tilespmem:$0x1C400] =	vst v63  }
0x190: {  	_ =	swait.ge [sflag:s21], $0x4000  }
0x191: {  	[sflag:s21] =	ssyncset.done $0x0  }
0x192: {  	[sflag:s21] =	ssyncadd.s32 $0xFFFFC000  }
0x193: {  	_ =	swait.ge [sflag:s28], $0x4000  }
0x194: {  	[sflag:s28] =	ssyncset.done $0x0  }
0x195: {  	[sflag:s28] =	ssyncadd.s32 $0xFFFFC000  }
0x196: {  	[spmem:s1] =	stream.indirect.scatter.add.f32 [tilespmem:s24], [sflag:$0x3], $0x80, s16, s23, $0xb8;
	[tilespmem:$0x1C400] =	vst v63  }
.Ltmp5:
0x197: {  	_ = 	snop;
	(pc) =	sbr.rel .LBB2_8-.Ltmp5, $4  }
0x198: {  	_ =	swait.ge [sflag:s21], $0x4000  }
0x199: {  	s8 =	rddreg [dreg:$0x4]  }
0x19a: {  	[sflag:s21] =	ssyncset.done $0x0;
	s9 =	rddreg [dreg:$0x5]  }
0x19b: {  	s7 =	rddreg [dreg:$0x6];
	[sflag:s21] =	ssyncadd.s32 $0xFFFFC000  }
.LBB2_9:
0x19c: {  	_ =	sfence.sel $0x180000  }
0x19d: {  	[bflag:$0x0] =	sbarrier.arrive $0xFFFF  }
0x19e: {  	_ =	strace $0x90000050  }
0x19f: {  	s0 =	stileid.u32;
	[bflag:$0x2] =	sbarrier.arrive $0xFFFF  }
0x1a0: {  	p0 =	sne.s32 s0, $0x0;
	s0 =	rddreg [dreg:$0x3]  }
0x1a1: {  	s0 =	sadd.s32 @!p0 $0x100000, s0  }
0x1a2: {  	[sflag:s0] =	ssyncadd.tile.s32 @!p0 $0x1;
	_ =	shalt  }
.Lfunc_end2:
_tile_overlayer_lowered:
.L_overlay_start_2:
0x1a3: {  	(tag) =	ssettag $0x2  }
0x1a4: {  	s0 =	rddreg [dreg:$0x0];
	s2 =	stileid.u32  }
0x1a5: {  	s1 =	rddreg [dreg:$0x1];
	p0 =	sne.s32 s2, $0x0  }
0x1a6: {  	s3 =	rddreg [dreg:$0x2];
	[bflag:$0x3] =	sbarrier.arrive $0xFFFF;
	s2 =	simm.s32 @!p0 $0x1C03  }
0x1a7: {  	[timem:s3], [sflag:s2] =	dma.local @!p0 [hbm:s0], s1  }
0x1a8: {  	s0 =	simm.s32 @!p0 $0x3  }
0x1a9: {  	_ =	swait.ge @!p0 [sflag:s0], s1  }
0x1aa: {  	s1 =	ssub.s32 @!p0 $0x0, s1;
	[sflag:s0] =	ssyncset.done @!p0 $0x0  }
0x1ab: {  	[sflag:s0] =	ssyncadd.s32 @!p0 s1  }
0x1ac: {  	[bflag:$0x3] =	sbarrier.arrive $0xFFFF  }
0x1ad: {  	_ =	shalt  }

</sc_bundles>
